<compile_context>
chip_gen: v7x
topology: tpu7x:2x2x1
jax: 0.10.2.dev20260603
libtpu: 0.0.44.dev20260713+nightly
codegen_flags: <defaults>
</compile_context>

<pallas_src>
import functools

import jax
import jax.numpy as jnp
from jax import lax
from jax.experimental import pallas as pl
from jax.experimental.pallas import tpu as pltpu
from jax.experimental.pallas import tpu_sc as plsc

N = 10000
E = 320000
D = 128
H = 128
C = 16

NC = 2
NS = 16
NW = NC * NS
NPAD = 10240
ROWS_PT = NPAD // NS
EPW = E // NW
CH = 80
NCH = EPW // CH
HH = H // 2
EPT = E // NS
NCH2 = EPT // CH
CHD = 128
NCHD = -(-EPW // CHD)
EPWP = NCHD * CHD
PADIDX = NPAD - 8

_MESH = plsc.VectorSubcoreMesh(
    core_axis_name="c", subcore_axis_name="s", num_cores=NC, num_subcores=NS)
_SC_PARAMS = pltpu.CompilerParams(use_tc_tiling_on_sc=False)


def _wid():
    return lax.axis_index("s") * NC + lax.axis_index("c")



@functools.partial(
    pl.kernel,
    out_type=jax.ShapeDtypeStruct((NC, 2, NPAD), jnp.float32),
    mesh=_MESH,
    compiler_params=_SC_PARAMS,
    scratch_types=[
        pltpu.VMEM((NCHD, CHD), jnp.int32),
        pltpu.VMEM((NCHD, CHD), jnp.int32),
        pltpu.VMEM((CHD,), jnp.float32),
        pltpu.VMEM((ROWS_PT,), jnp.float32),
        pltpu.VMEM_SHARED((NPAD,), jnp.float32),
        pltpu.VMEM_SHARED((NPAD,), jnp.float32),
        pltpu.SemaphoreType.DMA,
        pltpu.SemaphoreType.DMA,
    ],
)
def _sc_degree(src_hbm, dst_hbm, out_hbm, sidx, didx, ones_v, zbuf,
               odeg_sh, ideg_sh, sem0, sem1):
    c = lax.axis_index("c")
    s = lax.axis_index("s")
    w = _wid()
    base = s * ROWS_PT
    one = jnp.full((16,), 1.0, jnp.float32)
    zero = jnp.zeros((16,), jnp.float32)

    def fill(t, _):
        ones_v[pl.ds(t * 16, 16)] = one
        return 0
    lax.fori_loop(0, CHD // 16, fill, 0)

    def zfill(t, _):
        zbuf[pl.ds(t * 16, 16)] = zero
        return 0
    lax.fori_loop(0, ROWS_PT // 16, zfill, 0)

    pltpu.sync_copy(src_hbm.at[w], sidx)
    pltpu.sync_copy(dst_hbm.at[w], didx)
    pltpu.sync_copy(zbuf, odeg_sh.at[pl.ds(base, ROWS_PT)])
    pltpu.sync_copy(zbuf, ideg_sh.at[pl.ds(base, ROWS_PT)])
    plsc.subcore_barrier()

    DEPTH = 16

    def fire(j, _):
        @pl.when(j >= DEPTH)
        def _():
            pltpu.make_async_copy(ones_v, odeg_sh.at[sidx.at[j - DEPTH]],
                                  sem0).wait()
            pltpu.make_async_copy(ones_v, ideg_sh.at[didx.at[j - DEPTH]],
                                  sem1).wait()
        pltpu.async_copy(ones_v, odeg_sh.at[sidx.at[j]], sem0, add=True)
        pltpu.async_copy(ones_v, ideg_sh.at[didx.at[j]], sem1, add=True)
        return 0
    lax.fori_loop(0, NCHD, fire, 0)

    def drain(j, _):
        pltpu.make_async_copy(ones_v, odeg_sh.at[sidx.at[j]], sem0).wait()
        pltpu.make_async_copy(ones_v, ideg_sh.at[didx.at[j]], sem1).wait()
        return 0
    lax.fori_loop(NCHD - DEPTH, NCHD, drain, 0)
    plsc.subcore_barrier()
    pltpu.sync_copy(odeg_sh.at[pl.ds(base, ROWS_PT)],
                    out_hbm.at[c, 0, pl.ds(base, ROWS_PT)])
    pltpu.sync_copy(ideg_sh.at[pl.ds(base, ROWS_PT)],
                    out_hbm.at[c, 1, pl.ds(base, ROWS_PT)])



_NB = 5
_LAG = 2

assert NCH2 % _NB == 0

@functools.partial(
    pl.kernel,
    out_type=jax.ShapeDtypeStruct((NC, NPAD, HH), jnp.bfloat16),
    mesh=_MESH,
    compiler_params=_SC_PARAMS,
    scratch_types=(
        [pltpu.VMEM((NCH2, CH), jnp.int32),
         pltpu.VMEM((NCH2, CH), jnp.int32),
         pltpu.VMEM((CH, HH), jnp.bfloat16)]
        + [pltpu.VMEM((CH, HH), jnp.bfloat16)] * _NB
        + [pltpu.VMEM_SHARED((NPAD, HH), jnp.bfloat16)]
        + [pltpu.SemaphoreType.DMA] * (2 * _NB)
    ),
)
def _sc_segsum(hs_hbm, src_hbm, dst_hbm, out_hbm, sidx, didx, zbuf, *rest):
    rows = rest[:_NB]
    acc_sh = rest[_NB]
    gsems = rest[_NB + 1:2 * _NB + 1]
    ssems = rest[2 * _NB + 1:]
    c = lax.axis_index("c")
    s = lax.axis_index("s")
    base = s * ROWS_PT
    zero = jnp.zeros((32,), jnp.bfloat16)
    hs_half = hs_hbm.at[c]

    def zstore(t, _):
        zbuf[t // (HH // 32), pl.ds((t % (HH // 32)) * 32, 32)] = zero
        return 0
    lax.fori_loop(0, CH * (HH // 32), zstore, 0)

    pltpu.sync_copy(src_hbm.at[s], sidx)
    pltpu.sync_copy(dst_hbm.at[s], didx)

    def gath(j, k):
        return pltpu.make_async_copy(hs_half.at[sidx.at[j]], rows[k],
                                     gsems[k])

    def scat(j, k):
        return pltpu.make_async_copy(rows[k], acc_sh.at[didx.at[j]],
                                     ssems[k])

    for k in range(_NB):
        gath(k, k).start()

    def zcopy(k, _):
        pltpu.sync_copy(zbuf, acc_sh.at[pl.ds(base + k * CH, CH)])
        return 0
    lax.fori_loop(0, ROWS_PT // CH, zcopy, 0)
    plsc.subcore_barrier()

    def body(jj, _):
        j0 = jj * _NB
        for k in range(_NB):
            j = j0 + k
            gath(j, k).wait()
            pltpu.async_copy(rows[k], acc_sh.at[didx.at[j]], ssems[k],
                             add=True)
            jl = j - _LAG
            kl = (k + _NB - _LAG) % _NB

            @pl.when(jl >= 0)
            def _(jl=jl, kl=kl):
                scat(jl, kl).wait()

                @pl.when(jl + _NB < NCH2)
                def _(jl=jl, kl=kl):
                    gath(jl + _NB, kl).start()
        return 0
    lax.fori_loop(0, NCH2 // _NB, body, 0)

    for i in range(_LAG):
        j = NCH2 - _LAG + i
        scat(j, j % _NB).wait()
    plsc.subcore_barrier()

    pltpu.sync_copy(acc_sh.at[pl.ds(base, ROWS_PT)],
                    out_hbm.at[c, pl.ds(base, ROWS_PT)])



@functools.partial(
    pl.kernel,
    out_type=jax.ShapeDtypeStruct((E, C), jnp.float32),
    mesh=_MESH,
    compiler_params=_SC_PARAMS,
    scratch_types=(
        [pltpu.VMEM((NCH, CH), jnp.int32),
         pltpu.VMEM((NCH, CH), jnp.int32)]
        + [pltpu.VMEM((CH, C), jnp.float32)] * (3 * _NB)
        + [pltpu.SemaphoreType.DMA] * (3 * _NB)
    ),
)
def _sc_pred(p1_hbm, p2_hbm, src_hbm, dst_hbm, out_hbm, *rest):
    sidx, didx = rest[0], rest[1]
    r1 = rest[2:2 + _NB]
    r2 = rest[2 + _NB:2 + 2 * _NB]
    ob = rest[2 + 2 * _NB:2 + 3 * _NB]
    sems = rest[2 + 3 * _NB:]
    g1s = sems[:_NB]
    g2s = sems[_NB:2 * _NB]
    sts = sems[2 * _NB:]
    w = _wid()
    ebase = w * EPW

    pltpu.sync_copy(src_hbm.at[w], sidx)
    pltpu.sync_copy(dst_hbm.at[w], didx)

    def gath1(j, k):
        return pltpu.make_async_copy(p1_hbm.at[sidx.at[j]], r1[k], g1s[k])

    def gath2(j, k):
        return pltpu.make_async_copy(p2_hbm.at[didx.at[j]], r2[k], g2s[k])

    def st(j, k):
        return pltpu.make_async_copy(ob[k], out_hbm.at[pl.ds(ebase + j * CH,
                                                             CH)], sts[k])

    for k in range(_NB):
        gath1(k, k).start()
        gath2(k, k).start()

    def body(jj, _):
        j0 = jj * _NB
        for k in range(_NB):
            j = j0 + k
            gath1(j, k).wait()
            gath2(j, k).wait()

            def srow(i, _, k=k):
                z = r1[k][i, :] + r2[k][i, :]
                ob[k][i, :] = 1.0 / (1.0 + jnp.exp(-z))
                return 0
            lax.fori_loop(0, CH, srow, 0)
            st(j, k).start()
            jl = j - _LAG
            kl = (k + _NB - _LAG) % _NB

            @pl.when(jl >= 0)
            def _(jl=jl, kl=kl):
                st(jl, kl).wait()

                @pl.when(jl + _NB < NCH)
                def _(jl=jl, kl=kl):
                    gath1(jl + _NB, kl).start()
                    gath2(jl + _NB, kl).start()
        return 0
    lax.fori_loop(0, NCH // _NB, body, 0)

    for i in range(_LAG):
        j = NCH - _LAG + i
        st(j, j % _NB).wait()



def _tc_prep(degT, x, W1):
    def body(d_ref, x_ref, w_ref, ns_ref, nd_ref, hs_ref):
        d = d_ref[...]
        out_deg = d[:, 0:1] + d[:, 2:3]
        in_deg = d[:, 1:2] + d[:, 3:4]
        ns = lax.rsqrt(jnp.maximum(out_deg, 1.0))
        nd = lax.rsqrt(jnp.maximum(in_deg, 1.0))
        ns_ref[...] = ns
        nd_ref[...] = nd
        r = jnp.dot(x_ref[...] * ns, w_ref[...],
                    preferred_element_type=jnp.float32)
        hs_ref[0, :, :] = r[:, :HH].astype(jnp.bfloat16)
        hs_ref[1, :, :] = r[:, HH:].astype(jnp.bfloat16)
    return pl.pallas_call(
        body,
        out_shape=(jax.ShapeDtypeStruct((NPAD, 1), jnp.float32),
                   jax.ShapeDtypeStruct((NPAD, 1), jnp.float32),
                   jax.ShapeDtypeStruct((NC, NPAD, HH), jnp.bfloat16)),
    )(degT, x, W1)


def _tc_layer(agg, nd, ns, b, Wn):
    def body(a_ref, nd_ref, ns_ref, b_ref, w_ref, out_ref):
        a = a_ref[...].astype(jnp.float32)
        h = jnp.maximum(jnp.concatenate([a[0], a[1]], axis=1) * nd_ref[...]
                        + b_ref[...], 0.0)
        r = jnp.dot(h * ns_ref[...], w_ref[...],
                    preferred_element_type=jnp.float32)
        out_ref[0, :, :] = r[:, :HH].astype(jnp.bfloat16)
        out_ref[1, :, :] = r[:, HH:].astype(jnp.bfloat16)
    return pl.pallas_call(
        body,
        out_shape=jax.ShapeDtypeStruct((NC, NPAD, HH), jnp.bfloat16),
    )(agg, nd, ns, b, Wn)


def _tc_final(agg, nd, b, WcA, WcB, bc):
    def body(a_ref, nd_ref, b_ref, wa_ref, wb_ref, bc_ref, p1_ref, p2_ref):
        a = a_ref[...].astype(jnp.float32)
        h = jnp.maximum(jnp.concatenate([a[0], a[1]], axis=1) * nd_ref[...]
                        + b_ref[...], 0.0)
        p1_ref[...] = jnp.dot(h, wa_ref[...],
                              preferred_element_type=jnp.float32) + bc_ref[...]
        p2_ref[...] = jnp.dot(h, wb_ref[...],
                              preferred_element_type=jnp.float32)
    return pl.pallas_call(
        body,
        out_shape=(jax.ShapeDtypeStruct((NPAD, C), jnp.float32),
                   jax.ShapeDtypeStruct((NPAD, C), jnp.float32)),
    )(agg, nd, b, WcA, WcB, bc)



def kernel(x, edge_index, W1, b1, W2, b2, W3, b3, W4, b4, Wc, bc):
    src3 = edge_index[0].reshape(NW, NCH, CH)
    dst3 = edge_index[1].reshape(NW, NCH, CH)
    padi = jnp.full((NW, EPWP - EPW), PADIDX, jnp.int32)
    srcp = jnp.concatenate([edge_index[0].reshape(NW, EPW), padi],
                           1).reshape(NW, NCHD, CHD)
    dstp = jnp.concatenate([edge_index[1].reshape(NW, EPW), padi],
                           1).reshape(NW, NCHD, CHD)
    src16 = edge_index[0].reshape(NS, NCH2, CH)
    dst16 = edge_index[1].reshape(NS, NCH2, CH)
    x_pad = jnp.pad(x, ((0, NPAD - N), (0, 0)))

    deg = _sc_degree(srcp, dstp)
    degT = deg.reshape(4, NPAD).T
    ns, nd, hs = _tc_prep(degT, x_pad, W1)

    agg = _sc_segsum(hs, src16, dst16)
    hs = _tc_layer(agg, nd, ns, b1.reshape(1, H), W2)
    agg = _sc_segsum(hs, src16, dst16)
    hs = _tc_layer(agg, nd, ns, b2.reshape(1, H), W3)
    agg = _sc_segsum(hs, src16, dst16)
    hs = _tc_layer(agg, nd, ns, b3.reshape(1, H), W4)
    agg = _sc_segsum(hs, src16, dst16)

    p1, p2 = _tc_final(agg, nd, b4.reshape(1, H),
                       Wc[:H], Wc[H:], bc.reshape(1, C))
    return _sc_pred(p1, p2, src3, dst3)

# --- scband reference (transcript-rebuilt; emitter-appended) ---
"""Pipeline reference for scband-gcnplus-12841952215817 (READ-ONLY COPY).

The authoritative reference and input builder live on the scoring server;
editing this copy changes nothing except your own understanding.
"""

import jax, jax.numpy as jnp
import numpy as np

N = 10000
E = 320000
D = 128
H = 128
C = 16


def setup_inputs(seed: int = 0) -> dict:
    key = jax.random.key(seed)
    ks = jax.random.split(key, 12)
    x = jax.random.normal(ks[0], (N, D), dtype=jnp.float32)
    edge_index = jax.random.randint(ks[1], (2, E), 0, N, dtype=jnp.int32)
    W1 = jax.random.normal(ks[2], (D, H), dtype=jnp.float32) * 0.05
    b1 = jnp.zeros((H,), dtype=jnp.float32)
    W2 = jax.random.normal(ks[3], (H, H), dtype=jnp.float32) * 0.05
    b2 = jnp.zeros((H,), dtype=jnp.float32)
    W3 = jax.random.normal(ks[4], (H, H), dtype=jnp.float32) * 0.05
    b3 = jnp.zeros((H,), dtype=jnp.float32)
    W4 = jax.random.normal(ks[5], (H, H), dtype=jnp.float32) * 0.05
    b4 = jnp.zeros((H,), dtype=jnp.float32)
    Wc = jax.random.normal(ks[6], (2 * H, C), dtype=jnp.float32) * 0.05
    bc = jnp.zeros((C,), dtype=jnp.float32)
    return {"x": x, "edge_index": edge_index, "W1": W1, "b1": b1, "W2": W2,
            "b2": b2, "W3": W3, "b3": b3, "W4": W4, "b4": b4, "Wc": Wc, "bc": bc}


def _gcn_conv(h, W, b, src, dst, norm_src, norm_dst):
    # DGL GraphConv with norm='both': D_src^{-1/2} A D_dst^{-1/2} X W + b
    h = h * norm_src[:, None]
    h = h @ W
    agg = jax.ops.segment_sum(h[src], dst, num_segments=N)
    agg = agg * norm_dst[:, None]
    return agg + b


def reference(x, edge_index, W1, b1, W2, b2, W3, b3, W4, b4, Wc, bc):
    src = edge_index[0]
    dst = edge_index[1]
    ones = jnp.ones((E,), dtype=jnp.float32)
    out_deg = jax.ops.segment_sum(ones, src, num_segments=N)
    in_deg = jax.ops.segment_sum(ones, dst, num_segments=N)
    norm_src = jnp.clip(out_deg, 1.0, None) ** -0.5
    norm_dst = jnp.clip(in_deg, 1.0, None) ** -0.5
    h = jax.nn.relu(_gcn_conv(x, W1, b1, src, dst, norm_src, norm_dst))
    h = jax.nn.relu(_gcn_conv(h, W2, b2, src, dst, norm_src, norm_dst))
    h = jax.nn.relu(_gcn_conv(h, W3, b3, src, dst, norm_src, norm_dst))
    h = jax.nn.relu(_gcn_conv(h, W4, b4, src, dst, norm_src, norm_dst))
    # MLPPredictor over edges: score = sigmoid(W([h_src ; h_dst]))
    h_u = h[src]
    h_v = h[dst]
    score = jnp.concatenate([h_u, h_v], axis=1) @ Wc + bc
    return jax.nn.sigmoid(score)

if __name__ == "__main__":
    import jax
    _d = setup_inputs()
    print(jax.jit(kernel)(*tuple(_d.values())))

</pallas_src>

<mosaic_0001>
#map = affine_map<(d0, d1) -> (0, 0, 0)>
module attributes {stable_mosaic.version = 14 : i64} {
  func.func @_sc_segsum(%arg0: i32, %arg1: i32, %arg2: memref<2x10240x64xbf16, #tpu.memory_space<hbm>>, %arg3: memref<16x250x80xi32, #tpu.memory_space<hbm>>, %arg4: memref<16x250x80xi32, #tpu.memory_space<hbm>>, %arg5: memref<2x10240x64xbf16, #tpu.memory_space<hbm>>, %arg6: memref<250x80xi32, #tpu.memory_space<vmem>>, %arg7: memref<250x80xi32, #tpu.memory_space<vmem>>, %arg8: memref<80x64xbf16, #tpu.memory_space<vmem>>, %arg9: memref<80x64xbf16, #tpu.memory_space<vmem>>, %arg10: memref<80x64xbf16, #tpu.memory_space<vmem>>, %arg11: memref<80x64xbf16, #tpu.memory_space<vmem>>, %arg12: memref<80x64xbf16, #tpu.memory_space<vmem>>, %arg13: memref<80x64xbf16, #tpu.memory_space<vmem>>, %arg14: memref<10240x64xbf16, #tpu.memory_space<vmem_shared>>, %arg15: memref<!tpu.dma_semaphore, #tpu.memory_space<semaphore_mem>>, %arg16: memref<!tpu.dma_semaphore, #tpu.memory_space<semaphore_mem>>, %arg17: memref<!tpu.dma_semaphore, #tpu.memory_space<semaphore_mem>>, %arg18: memref<!tpu.dma_semaphore, #tpu.memory_space<semaphore_mem>>, %arg19: memref<!tpu.dma_semaphore, #tpu.memory_space<semaphore_mem>>, %arg20: memref<!tpu.dma_semaphore, #tpu.memory_space<semaphore_mem>>, %arg21: memref<!tpu.dma_semaphore, #tpu.memory_space<semaphore_mem>>, %arg22: memref<!tpu.dma_semaphore, #tpu.memory_space<semaphore_mem>>, %arg23: memref<!tpu.dma_semaphore, #tpu.memory_space<semaphore_mem>>, %arg24: memref<!tpu.dma_semaphore, #tpu.memory_space<semaphore_mem>>) attributes {dimension_semantics = [#tpu.dimension_semantics<core_parallel>, #tpu.dimension_semantics<subcore_parallel>], iteration_bounds = array<i64: 2, 16>, scalar_prefetch = 0 : i64, scratch_operands = 19 : i64, tpu.core_type = #tpu.core_type<sc_vector_subcore>, window_params = [{transform_indices = #map}, {transform_indices = #map}, {transform_indices = #map}, {transform_indices = #map}]} {
    %mul3A = arith.constant 640 : i32
    %mul3A_0 = arith.muli %arg1, %mul3A : i32
    %broadcast_in_dim3A = arith.constant 0.000000e+00 : bf16
    %broadcast_in_dim3A_1 = vector.broadcast %broadcast_in_dim3A : bf16 to vector<32xbf16>
    %scan3A = arith.constant 0 : i32
    %scan3A_2 = arith.constant 0 : i32
    %scan3A_3 = arith.constant 160 : i32
    %scan3A_4 = arith.addi %scan3A_2, %scan3A_3 : i32
    %scan3A_5 = arith.constant 1 : i32
    %scan3A_6 = scf.for %scan3A_90 = %scan3A_2 to %scan3A_4 step %scan3A_5 iter_args(%scan3A_91 = %scan3A) -> (i32)  : i32 {
      %jit3A = arith.constant 2 : i32
      %div3A = arith.divsi %scan3A_90, %jit3A : i32
      %sign3A = arith.constant 0 : i32
      %sign3A_92 = arith.cmpi sgt, %scan3A_90, %sign3A : i32
      %sign3A_93 = arith.extui %sign3A_92 : i1 to i32
      %sign3A_94 = arith.constant 0 : i32
      %sign3A_95 = arith.cmpi slt, %scan3A_90, %sign3A_94 : i32
      %sign3A_96 = arith.extui %sign3A_95 : i1 to i32
      %sign3A_97 = arith.subi %sign3A_93, %sign3A_96 : i32
      %sign3A_98 = arith.constant 0 : i32
      %sign3A_99 = arith.cmpi sgt, %jit3A, %sign3A_98 : i32
      %sign3A_100 = arith.extui %sign3A_99 : i1 to i32
      %sign3A_101 = arith.constant 0 : i32
      %sign3A_102 = arith.cmpi slt, %jit3A, %sign3A_101 : i32
      %sign3A_103 = arith.extui %sign3A_102 : i1 to i32
      %sign3A_104 = arith.subi %sign3A_100, %sign3A_103 : i32
      %ne3A = arith.cmpi ne, %sign3A_97, %sign3A_104 : i32
      %rem3A = arith.remsi %scan3A_90, %jit3A : i32
      %ne3A_105 = arith.constant 0 : i32
      %ne3A_106 = arith.cmpi ne, %rem3A, %ne3A_105 : i32
      %and3A = arith.andi %ne3A, %ne3A_106 : i1
      %sub3A = arith.constant 1 : i32
      %sub3A_107 = arith.subi %div3A, %sub3A : i32
      %select_n3A = arith.select %and3A, %sub3A_107, %div3A : i32
      %jit3A_108 = arith.constant 2 : i32
      %eq3A = arith.constant 0 : i32
      %eq3A_109 = arith.cmpi eq, %jit3A_108, %eq3A : i32
      %jit3A_110 = arith.constant 1 : i32
      %select_n3A_111 = arith.select %eq3A_109, %jit3A_110, %jit3A_108 : i32
      %rem3A_112 = arith.remsi %scan3A_90, %select_n3A_111 : i32
      %ne3A_113 = arith.constant 0 : i32
      %ne3A_114 = arith.cmpi ne, %rem3A_112, %ne3A_113 : i32
      %lt3A = arith.constant 0 : i32
      %lt3A_115 = arith.cmpi slt, %rem3A_112, %lt3A : i32
      %lt3A_116 = arith.constant 0 : i32
      %lt3A_117 = arith.cmpi slt, %select_n3A_111, %lt3A_116 : i32
      %ne3A_118 = arith.xori %lt3A_115, %lt3A_117 : i1
      %and3A_119 = arith.andi %ne3A_118, %ne3A_114 : i1
      %add3A = arith.addi %rem3A_112, %select_n3A_111 : i32
      %select_n3A_120 = arith.select %and3A_119, %add3A, %rem3A_112 : i32
      %mul3A_121 = arith.constant 32 : i32
      %mul3A_122 = arith.muli %select_n3A_120, %mul3A_121 : i32
      %swap3A = arith.index_cast %select_n3A : i32 to index
      %swap3A_123 = arith.index_cast %mul3A_122 : i32 to index
      %swap3A_124 = tpu.vector_load %arg8[%swap3A, %swap3A_123] {strides = array<i32>} : memref<80x64xbf16, #tpu.memory_space<vmem>>, vector<1x32xbf16>,
      %swap3A_125 = vector.shape_cast %swap3A_124 : vector<1x32xbf16> to vector<32xbf16>
      %swap3A_126 = vector.shape_cast %broadcast_in_dim3A_1 : vector<32xbf16> to vector<1x32xbf16>
      tpu.vector_store %arg8[%swap3A, %swap3A_123], %swap3A_126 {strides = array<i32>} : memref<80x64xbf16, #tpu.memory_space<vmem>>, vector<1x32xbf16>,
      %scan3A_127 = arith.constant 0 : i32
      scf.yield %scan3A_127 : i32
    }
    %scan3A_7 = arith.constant 160 : i32
    "tpu.region"() ({
      %run_scoped3A = tpu.sem_alloc : memref<!tpu.dma_semaphore, #tpu.memory_space<semaphore_mem>>
      %dma_start3A_90 = arith.constant 0 : i32
      %dma_start3A_91 = arith.constant 0 : i32
      %dma_start3A_92 = tpu.memref_slice %arg3[%arg1, %dma_start3A_90, %dma_start3A_91] : memref<16x250x80xi32, #tpu.memory_space<hbm>> -> memref<1x250x80xi32, #tpu.memory_space<hbm>>
      %dma_start3A_93 = tpu.memref_squeeze %dma_start3A_92 : memref<1x250x80xi32, #tpu.memory_space<hbm>> -> memref<250x80xi32, #tpu.memory_space<hbm>>
      %dma_start3A_94 = arith.constant 0 : i32
      %dma_start3A_95 = arith.constant 0 : i32
      %dma_start3A_96 = tpu.memref_slice %arg3[%arg1, %dma_start3A_94, %dma_start3A_95] : memref<16x250x80xi32, #tpu.memory_space<hbm>> -> memref<1x250x80xi32, #tpu.memory_space<hbm>>
      %dma_start3A_97 = tpu.memref_squeeze %dma_start3A_96 : memref<1x250x80xi32, #tpu.memory_space<hbm>> -> memref<250x80xi32, #tpu.memory_space<hbm>>
      tpu.enqueue_dma source(%dma_start3A_97 : memref<250x80xi32, #tpu.memory_space<hbm>>) target(%arg6 : memref<250x80xi32, #tpu.memory_space<vmem>>) target_semaphore(%run_scoped3A : memref<!tpu.dma_semaphore, #tpu.memory_space<semaphore_mem>>)
      %dma_wait3A_98 = arith.constant 0 : i32
      %dma_wait3A_99 = arith.constant 0 : i32
      %dma_wait3A_100 = tpu.memref_slice %arg3[%arg1, %dma_wait3A_98, %dma_wait3A_99] : memref<16x250x80xi32, #tpu.memory_space<hbm>> -> memref<1x250x80xi32, #tpu.memory_space<hbm>>
      %dma_wait3A_101 = tpu.memref_squeeze %dma_wait3A_100 : memref<1x250x80xi32, #tpu.memory_space<hbm>> -> memref<250x80xi32, #tpu.memory_space<hbm>>
      %dma_wait3A_102 = arith.constant 0 : i32
      %dma_wait3A_103 = arith.constant 0 : i32
      %dma_wait3A_104 = tpu.memref_slice %arg3[%arg1, %dma_wait3A_102, %dma_wait3A_103] : memref<16x250x80xi32, #tpu.memory_space<hbm>> -> memref<1x250x80xi32, #tpu.memory_space<hbm>>
      %dma_wait3A_105 = tpu.memref_squeeze %dma_wait3A_104 : memref<1x250x80xi32, #tpu.memory_space<hbm>> -> memref<250x80xi32, #tpu.memory_space<hbm>>
      tpu.wait_dma2 semaphore(%run_scoped3A : memref<!tpu.dma_semaphore, #tpu.memory_space<semaphore_mem>>) src(%dma_wait3A_105 : memref<250x80xi32, #tpu.memory_space<hbm>>) dst(%arg6 : memref<250x80xi32, #tpu.memory_space<vmem>>)
      tpu.yield
    }) : () -> ()
    "tpu.region"() ({
      %run_scoped3A = tpu.sem_alloc : memref<!tpu.dma_semaphore, #tpu.memory_space<semaphore_mem>>
      %dma_start3A_90 = arith.constant 0 : i32
      %dma_start3A_91 = arith.constant 0 : i32
      %dma_start3A_92 = tpu.memref_slice %arg4[%arg1, %dma_start3A_90, %dma_start3A_91] : memref<16x250x80xi32, #tpu.memory_space<hbm>> -> memref<1x250x80xi32, #tpu.memory_space<hbm>>
      %dma_start3A_93 = tpu.memref_squeeze %dma_start3A_92 : memref<1x250x80xi32, #tpu.memory_space<hbm>> -> memref<250x80xi32, #tpu.memory_space<hbm>>
      %dma_start3A_94 = arith.constant 0 : i32
      %dma_start3A_95 = arith.constant 0 : i32
      %dma_start3A_96 = tpu.memref_slice %arg4[%arg1, %dma_start3A_94, %dma_start3A_95] : memref<16x250x80xi32, #tpu.memory_space<hbm>> -> memref<1x250x80xi32, #tpu.memory_space<hbm>>
      %dma_start3A_97 = tpu.memref_squeeze %dma_start3A_96 : memref<1x250x80xi32, #tpu.memory_space<hbm>> -> memref<250x80xi32, #tpu.memory_space<hbm>>
      tpu.enqueue_dma source(%dma_start3A_97 : memref<250x80xi32, #tpu.memory_space<hbm>>) target(%arg7 : memref<250x80xi32, #tpu.memory_space<vmem>>) target_semaphore(%run_scoped3A : memref<!tpu.dma_semaphore, #tpu.memory_space<semaphore_mem>>)
      %dma_wait3A_98 = arith.constant 0 : i32
      %dma_wait3A_99 = arith.constant 0 : i32
      %dma_wait3A_100 = tpu.memref_slice %arg4[%arg1, %dma_wait3A_98, %dma_wait3A_99] : memref<16x250x80xi32, #tpu.memory_space<hbm>> -> memref<1x250x80xi32, #tpu.memory_space<hbm>>
      %dma_wait3A_101 = tpu.memref_squeeze %dma_wait3A_100 : memref<1x250x80xi32, #tpu.memory_space<hbm>> -> memref<250x80xi32, #tpu.memory_space<hbm>>
      %dma_wait3A_102 = arith.constant 0 : i32
      %dma_wait3A_103 = arith.constant 0 : i32
      %dma_wait3A_104 = tpu.memref_slice %arg4[%arg1, %dma_wait3A_102, %dma_wait3A_103] : memref<16x250x80xi32, #tpu.memory_space<hbm>> -> memref<1x250x80xi32, #tpu.memory_space<hbm>>
      %dma_wait3A_105 = tpu.memref_squeeze %dma_wait3A_104 : memref<1x250x80xi32, #tpu.memory_space<hbm>> -> memref<250x80xi32, #tpu.memory_space<hbm>>
      tpu.wait_dma2 semaphore(%run_scoped3A : memref<!tpu.dma_semaphore, #tpu.memory_space<semaphore_mem>>) src(%dma_wait3A_105 : memref<250x80xi32, #tpu.memory_space<hbm>>) dst(%arg7 : memref<250x80xi32, #tpu.memory_space<vmem>>)
      tpu.yield
    }) : () -> ()
    %dma_start3A = arith.constant 0 : i32
    %dma_start3A_8 = arith.constant 0 : i32
    %dma_start3A_9 = tpu.memref_slice %arg6[%dma_start3A, %dma_start3A_8] : memref<250x80xi32, #tpu.memory_space<vmem>> -> memref<1x80xi32, #tpu.memory_space<vmem>>
    %dma_start3A_10 = tpu.memref_squeeze %dma_start3A_9 : memref<1x80xi32, #tpu.memory_space<vmem>> -> memref<80xi32, #tpu.memory_space<vmem>>
    %dma_start3A_11 = arith.constant 0 : i32
    %dma_start3A_12 = arith.constant 0 : i32
    %dma_start3A_13 = tpu.memref_slice %arg2[%arg0, %dma_start3A_11, %dma_start3A_12] : memref<2x10240x64xbf16, #tpu.memory_space<hbm>> -> memref<1x10240x64xbf16, #tpu.memory_space<hbm>>
    %dma_start3A_14 = tpu.memref_squeeze %dma_start3A_13 : memref<1x10240x64xbf16, #tpu.memory_space<hbm>> -> memref<10240x64xbf16, #tpu.memory_space<hbm>>
    %dma_start3A_15 = arith.constant 0 : i32
    %dma_start3A_16 = arith.constant 0 : i32
    %dma_start3A_17 = tpu.memref_slice %dma_start3A_14[%dma_start3A_15, %dma_start3A_16] : memref<10240x64xbf16, #tpu.memory_space<hbm>> -> memref<10240x64xbf16, #tpu.memory_space<hbm>>
    tpu.enqueue_indirect_dma source(%dma_start3A_17 : memref<10240x64xbf16, #tpu.memory_space<hbm>>) target(%arg9 : memref<80x64xbf16, #tpu.memory_space<vmem>>) offsets(%dma_start3A_10 : memref<80xi32, #tpu.memory_space<vmem>>) semaphore(%arg15 : memref<!tpu.dma_semaphore, #tpu.memory_space<semaphore_mem>>)
    %dma_start3A_18 = arith.constant 1 : i32
    %dma_start3A_19 = arith.constant 0 : i32
    %dma_start3A_20 = tpu.memref_slice %arg6[%dma_start3A_18, %dma_start3A_19] : memref<250x80xi32, #tpu.memory_space<vmem>> -> memref<1x80xi32, #tpu.memory_space<vmem>>
    %dma_start3A_21 = tpu.memref_squeeze %dma_start3A_20 : memref<1x80xi32, #tpu.memory_space<vmem>> -> memref<80xi32, #tpu.memory_space<vmem>>
    %dma_start3A_22 = arith.constant 0 : i32
    %dma_start3A_23 = arith.constant 0 : i32
    %dma_start3A_24 = tpu.memref_slice %arg2[%arg0, %dma_start3A_22, %dma_start3A_23] : memref<2x10240x64xbf16, #tpu.memory_space<hbm>> -> memref<1x10240x64xbf16, #tpu.memory_space<hbm>>
    %dma_start3A_25 = tpu.memref_squeeze %dma_start3A_24 : memref<1x10240x64xbf16, #tpu.memory_space<hbm>> -> memref<10240x64xbf16, #tpu.memory_space<hbm>>
    %dma_start3A_26 = arith.constant 0 : i32
    %dma_start3A_27 = arith.constant 0 : i32
    %dma_start3A_28 = tpu.memref_slice %dma_start3A_25[%dma_start3A_26, %dma_start3A_27] : memref<10240x64xbf16, #tpu.memory_space<hbm>> -> memref<10240x64xbf16, #tpu.memory_space<hbm>>
    tpu.enqueue_indirect_dma source(%dma_start3A_28 : memref<10240x64xbf16, #tpu.memory_space<hbm>>) target(%arg10 : memref<80x64xbf16, #tpu.memory_space<vmem>>) offsets(%dma_start3A_21 : memref<80xi32, #tpu.memory_space<vmem>>) semaphore(%arg16 : memref<!tpu.dma_semaphore, #tpu.memory_space<semaphore_mem>>)
    %dma_start3A_29 = arith.constant 2 : i32
    %dma_start3A_30 = arith.constant 0 : i32
    %dma_start3A_31 = tpu.memref_slice %arg6[%dma_start3A_29, %dma_start3A_30] : memref<250x80xi32, #tpu.memory_space<vmem>> -> memref<1x80xi32, #tpu.memory_space<vmem>>
    %dma_start3A_32 = tpu.memref_squeeze %dma_start3A_31 : memref<1x80xi32, #tpu.memory_space<vmem>> -> memref<80xi32, #tpu.memory_space<vmem>>
    %dma_start3A_33 = arith.constant 0 : i32
    %dma_start3A_34 = arith.constant 0 : i32
    %dma_start3A_35 = tpu.memref_slice %arg2[%arg0, %dma_start3A_33, %dma_start3A_34] : memref<2x10240x64xbf16, #tpu.memory_space<hbm>> -> memref<1x10240x64xbf16, #tpu.memory_space<hbm>>
    %dma_start3A_36 = tpu.memref_squeeze %dma_start3A_35 : memref<1x10240x64xbf16, #tpu.memory_space<hbm>> -> memref<10240x64xbf16, #tpu.memory_space<hbm>>
    %dma_start3A_37 = arith.constant 0 : i32
    %dma_start3A_38 = arith.constant 0 : i32
    %dma_start3A_39 = tpu.memref_slice %dma_start3A_36[%dma_start3A_37, %dma_start3A_38] : memref<10240x64xbf16, #tpu.memory_space<hbm>> -> memref<10240x64xbf16, #tpu.memory_space<hbm>>
    tpu.enqueue_indirect_dma source(%dma_start3A_39 : memref<10240x64xbf16, #tpu.memory_space<hbm>>) target(%arg11 : memref<80x64xbf16, #tpu.memory_space<vmem>>) offsets(%dma_start3A_32 : memref<80xi32, #tpu.memory_space<vmem>>) semaphore(%arg17 : memref<!tpu.dma_semaphore, #tpu.memory_space<semaphore_mem>>)
    %dma_start3A_40 = arith.constant 3 : i32
    %dma_start3A_41 = arith.constant 0 : i32
    %dma_start3A_42 = tpu.memref_slice %arg6[%dma_start3A_40, %dma_start3A_41] : memref<250x80xi32, #tpu.memory_space<vmem>> -> memref<1x80xi32, #tpu.memory_space<vmem>>
    %dma_start3A_43 = tpu.memref_squeeze %dma_start3A_42 : memref<1x80xi32, #tpu.memory_space<vmem>> -> memref<80xi32, #tpu.memory_space<vmem>>
    %dma_start3A_44 = arith.constant 0 : i32
    %dma_start3A_45 = arith.constant 0 : i32
    %dma_start3A_46 = tpu.memref_slice %arg2[%arg0, %dma_start3A_44, %dma_start3A_45] : memref<2x10240x64xbf16, #tpu.memory_space<hbm>> -> memref<1x10240x64xbf16, #tpu.memory_space<hbm>>
    %dma_start3A_47 = tpu.memref_squeeze %dma_start3A_46 : memref<1x10240x64xbf16, #tpu.memory_space<hbm>> -> memref<10240x64xbf16, #tpu.memory_space<hbm>>
    %dma_start3A_48 = arith.constant 0 : i32
    %dma_start3A_49 = arith.constant 0 : i32
    %dma_start3A_50 = tpu.memref_slice %dma_start3A_47[%dma_start3A_48, %dma_start3A_49] : memref<10240x64xbf16, #tpu.memory_space<hbm>> -> memref<10240x64xbf16, #tpu.memory_space<hbm>>
    tpu.enqueue_indirect_dma source(%dma_start3A_50 : memref<10240x64xbf16, #tpu.memory_space<hbm>>) target(%arg12 : memref<80x64xbf16, #tpu.memory_space<vmem>>) offsets(%dma_start3A_43 : memref<80xi32, #tpu.memory_space<vmem>>) semaphore(%arg18 : memref<!tpu.dma_semaphore, #tpu.memory_space<semaphore_mem>>)
    %dma_start3A_51 = arith.constant 4 : i32
    %dma_start3A_52 = arith.constant 0 : i32
    %dma_start3A_53 = tpu.memref_slice %arg6[%dma_start3A_51, %dma_start3A_52] : memref<250x80xi32, #tpu.memory_space<vmem>> -> memref<1x80xi32, #tpu.memory_space<vmem>>
    %dma_start3A_54 = tpu.memref_squeeze %dma_start3A_53 : memref<1x80xi32, #tpu.memory_space<vmem>> -> memref<80xi32, #tpu.memory_space<vmem>>
    %dma_start3A_55 = arith.constant 0 : i32
    %dma_start3A_56 = arith.constant 0 : i32
    %dma_start3A_57 = tpu.memref_slice %arg2[%arg0, %dma_start3A_55, %dma_start3A_56] : memref<2x10240x64xbf16, #tpu.memory_space<hbm>> -> memref<1x10240x64xbf16, #tpu.memory_space<hbm>>
    %dma_start3A_58 = tpu.memref_squeeze %dma_start3A_57 : memref<1x10240x64xbf16, #tpu.memory_space<hbm>> -> memref<10240x64xbf16, #tpu.memory_space<hbm>>
    %dma_start3A_59 = arith.constant 0 : i32
    %dma_start3A_60 = arith.constant 0 : i32
    %dma_start3A_61 = tpu.memref_slice %dma_start3A_58[%dma_start3A_59, %dma_start3A_60] : memref<10240x64xbf16, #tpu.memory_space<hbm>> -> memref<10240x64xbf16, #tpu.memory_space<hbm>>
    tpu.enqueue_indirect_dma source(%dma_start3A_61 : memref<10240x64xbf16, #tpu.memory_space<hbm>>) target(%arg13 : memref<80x64xbf16, #tpu.memory_space<vmem>>) offsets(%dma_start3A_54 : memref<80xi32, #tpu.memory_space<vmem>>) semaphore(%arg19 : memref<!tpu.dma_semaphore, #tpu.memory_space<semaphore_mem>>)
    %scan3A_62 = arith.constant 0 : i32
    %scan3A_63 = arith.constant 0 : i32
    %scan3A_64 = arith.constant 8 : i32
    %scan3A_65 = arith.addi %scan3A_63, %scan3A_64 : i32
    %scan3A_66 = arith.constant 1 : i32
    %scan3A_67 = scf.for %scan3A_90 = %scan3A_63 to %scan3A_65 step %scan3A_66 iter_args(%scan3A_91 = %scan3A_62) -> (i32)  : i32 {
      %mul3A_92 = arith.constant 80 : i32
      %mul3A_93 = arith.muli %scan3A_90, %mul3A_92 : i32
      %add3A = arith.addi %mul3A_0, %mul3A_93 : i32
      "tpu.region"() ({
        %run_scoped3A = tpu.sem_alloc : memref<!tpu.dma_semaphore, #tpu.memory_space<semaphore_mem>>
        %dma_start3A_95 = arith.constant 0 : i32
        %dma_start3A_96 = tpu.memref_slice %arg14[%add3A, %dma_start3A_95] : memref<10240x64xbf16, #tpu.memory_space<vmem_shared>> -> memref<80x64xbf16, #tpu.memory_space<vmem_shared>>
        %dma_start3A_97 = arith.constant 0 : i32
        %dma_start3A_98 = tpu.memref_slice %arg14[%add3A, %dma_start3A_97] : memref<10240x64xbf16, #tpu.memory_space<vmem_shared>> -> memref<80x64xbf16, #tpu.memory_space<vmem_shared>>
        tpu.enqueue_dma source(%arg8 : memref<80x64xbf16, #tpu.memory_space<vmem>>) target(%dma_start3A_98 : memref<80x64xbf16, #tpu.memory_space<vmem_shared>>) target_semaphore(%run_scoped3A : memref<!tpu.dma_semaphore, #tpu.memory_space<semaphore_mem>>)
        %dma_wait3A_99 = arith.constant 0 : i32
        %dma_wait3A_100 = tpu.memref_slice %arg14[%add3A, %dma_wait3A_99] : memref<10240x64xbf16, #tpu.memory_space<vmem_shared>> -> memref<80x64xbf16, #tpu.memory_space<vmem_shared>>
        %dma_wait3A_101 = arith.constant 0 : i32
        %dma_wait3A_102 = tpu.memref_slice %arg14[%add3A, %dma_wait3A_101] : memref<10240x64xbf16, #tpu.memory_space<vmem_shared>> -> memref<80x64xbf16, #tpu.memory_space<vmem_shared>>
        tpu.wait_dma2 semaphore(%run_scoped3A : memref<!tpu.dma_semaphore, #tpu.memory_space<semaphore_mem>>) src(%arg8 : memref<80x64xbf16, #tpu.memory_space<vmem>>) dst(%dma_wait3A_102 : memref<80x64xbf16, #tpu.memory_space<vmem_shared>>)
        tpu.yield
      }) : () -> ()
      %scan3A_94 = arith.constant 0 : i32
      scf.yield %scan3A_94 : i32
    }
    %scan3A_68 = arith.constant 8 : i32
    %barrier3A = arith.constant 0 : index
    tpu.barrier barrier_id(%barrier3A)
    %scan3A_69 = arith.constant 0 : i32
    %scan3A_70 = arith.constant 0 : i32
    %scan3A_71 = arith.constant 50 : i32
    %scan3A_72 = arith.addi %scan3A_70, %scan3A_71 : i32
    %scan3A_73 = arith.constant 1 : i32
    %scan3A_74 = scf.for %scan3A_90 = %scan3A_70 to %scan3A_72 step %scan3A_73 iter_args(%scan3A_91 = %scan3A_69) -> (i32)  : i32 {
      %mul3A_92 = arith.constant 5 : i32
      %mul3A_93 = arith.muli %scan3A_90, %mul3A_92 : i32
      %add3A = arith.constant 0 : i32
      %add3A_94 = arith.addi %mul3A_93, %add3A : i32
      %dma_wait3A_95 = arith.constant 0 : i32
      %dma_wait3A_96 = tpu.memref_slice %arg6[%add3A_94, %dma_wait3A_95] : memref<250x80xi32, #tpu.memory_space<vmem>> -> memref<1x80xi32, #tpu.memory_space<vmem>>
      %dma_wait3A_97 = tpu.memref_squeeze %dma_wait3A_96 : memref<1x80xi32, #tpu.memory_space<vmem>> -> memref<80xi32, #tpu.memory_space<vmem>>
      %dma_wait3A_98 = arith.constant 0 : i32
      %dma_wait3A_99 = arith.constant 0 : i32
      %dma_wait3A_100 = tpu.memref_slice %arg2[%arg0, %dma_wait3A_98, %dma_wait3A_99] : memref<2x10240x64xbf16, #tpu.memory_space<hbm>> -> memref<1x10240x64xbf16, #tpu.memory_space<hbm>>
      %dma_wait3A_101 = tpu.memref_squeeze %dma_wait3A_100 : memref<1x10240x64xbf16, #tpu.memory_space<hbm>> -> memref<10240x64xbf16, #tpu.memory_space<hbm>>
      %dma_wait3A_102 = arith.constant 0 : i32
      %dma_wait3A_103 = arith.constant 0 : i32
      %dma_wait3A_104 = tpu.memref_slice %dma_wait3A_101[%dma_wait3A_102, %dma_wait3A_103] : memref<10240x64xbf16, #tpu.memory_space<hbm>> -> memref<10240x64xbf16, #tpu.memory_space<hbm>>
      tpu.wait_indirect_dma semaphore(%arg15 : memref<!tpu.dma_semaphore, #tpu.memory_space<semaphore_mem>>) src(%dma_wait3A_104 : memref<10240x64xbf16, #tpu.memory_space<hbm>>) dst(%arg9 : memref<80x64xbf16, #tpu.memory_space<vmem>>)
      %dma_start3A_105 = arith.constant 0 : i32
      %dma_start3A_106 = tpu.memref_slice %arg7[%add3A_94, %dma_start3A_105] : memref<250x80xi32, #tpu.memory_space<vmem>> -> memref<1x80xi32, #tpu.memory_space<vmem>>
      %dma_start3A_107 = tpu.memref_squeeze %dma_start3A_106 : memref<1x80xi32, #tpu.memory_space<vmem>> -> memref<80xi32, #tpu.memory_space<vmem>>
      %dma_start3A_108 = arith.constant 0 : i32
      %dma_start3A_109 = arith.constant 0 : i32
      %dma_start3A_110 = tpu.memref_slice %arg14[%dma_start3A_108, %dma_start3A_109] : memref<10240x64xbf16, #tpu.memory_space<vmem_shared>> -> memref<10240x64xbf16, #tpu.memory_space<vmem_shared>>
      tpu.enqueue_indirect_dma source(%arg9 : memref<80x64xbf16, #tpu.memory_space<vmem>>) target(%dma_start3A_110 : memref<10240x64xbf16, #tpu.memory_space<vmem_shared>>) offsets(%dma_start3A_107 : memref<80xi32, #tpu.memory_space<vmem>>) semaphore(%arg20 : memref<!tpu.dma_semaphore, #tpu.memory_space<semaphore_mem>>) {add = true}
      %sub3A = arith.constant 2 : i32
      %sub3A_111 = arith.subi %add3A_94, %sub3A : i32
      %ge3A = arith.constant 0 : i32
      %ge3A_112 = arith.cmpi sge, %sub3A_111, %ge3A : i32
      %convert_element_type3A = arith.extui %ge3A_112 : i1 to i32
      %cond3A = arith.constant 0 : i32
      %cond3A_113 = arith.cmpi ne, %convert_element_type3A, %cond3A : i32
      scf.if %cond3A_113 {
        %dma_wait3A_215 = arith.constant 0 : i32
        %dma_wait3A_216 = tpu.memref_slice %arg7[%sub3A_111, %dma_wait3A_215] : memref<250x80xi32, #tpu.memory_space<vmem>> -> memref<1x80xi32, #tpu.memory_space<vmem>>
        %dma_wait3A_217 = tpu.memref_squeeze %dma_wait3A_216 : memref<1x80xi32, #tpu.memory_space<vmem>> -> memref<80xi32, #tpu.memory_space<vmem>>
        %dma_wait3A_218 = arith.constant 0 : i32
        %dma_wait3A_219 = arith.constant 0 : i32
        %dma_wait3A_220 = tpu.memref_slice %arg14[%dma_wait3A_218, %dma_wait3A_219] : memref<10240x64xbf16, #tpu.memory_space<vmem_shared>> -> memref<10240x64xbf16, #tpu.memory_space<vmem_shared>>
        tpu.wait_indirect_dma semaphore(%arg23 : memref<!tpu.dma_semaphore, #tpu.memory_space<semaphore_mem>>) src(%arg12 : memref<80x64xbf16, #tpu.memory_space<vmem>>) dst(%dma_wait3A_220 : memref<10240x64xbf16, #tpu.memory_space<vmem_shared>>)
        %add3A_221 = arith.constant 5 : i32
        %add3A_222 = arith.addi %sub3A_111, %add3A_221 : i32
        %lt3A = arith.constant 250 : i32
        %lt3A_223 = arith.cmpi slt, %add3A_222, %lt3A : i32
        %convert_element_type3A_224 = arith.extui %lt3A_223 : i1 to i32
        %cond3A_225 = arith.constant 0 : i32
        %cond3A_226 = arith.cmpi ne, %convert_element_type3A_224, %cond3A_225 : i32
        scf.if %cond3A_226 {
          %add3A_227 = arith.constant 5 : i32
          %add3A_228 = arith.addi %sub3A_111, %add3A_227 : i32
          %dma_start3A_229 = arith.constant 0 : i32
          %dma_start3A_230 = tpu.memref_slice %arg6[%add3A_228, %dma_start3A_229] : memref<250x80xi32, #tpu.memory_space<vmem>> -> memref<1x80xi32, #tpu.memory_space<vmem>>
          %dma_start3A_231 = tpu.memref_squeeze %dma_start3A_230 : memref<1x80xi32, #tpu.memory_space<vmem>> -> memref<80xi32, #tpu.memory_space<vmem>>
          %dma_start3A_232 = arith.constant 0 : i32
          %dma_start3A_233 = arith.constant 0 : i32
          %dma_start3A_234 = tpu.memref_slice %arg2[%arg0, %dma_start3A_232, %dma_start3A_233] : memref<2x10240x64xbf16, #tpu.memory_space<hbm>> -> memref<1x10240x64xbf16, #tpu.memory_space<hbm>>
          %dma_start3A_235 = tpu.memref_squeeze %dma_start3A_234 : memref<1x10240x64xbf16, #tpu.memory_space<hbm>> -> memref<10240x64xbf16, #tpu.memory_space<hbm>>
          %dma_start3A_236 = arith.constant 0 : i32
          %dma_start3A_237 = arith.constant 0 : i32
          %dma_start3A_238 = tpu.memref_slice %dma_start3A_235[%dma_start3A_236, %dma_start3A_237] : memref<10240x64xbf16, #tpu.memory_space<hbm>> -> memref<10240x64xbf16, #tpu.memory_space<hbm>>
          tpu.enqueue_indirect_dma source(%dma_start3A_238 : memref<10240x64xbf16, #tpu.memory_space<hbm>>) target(%arg12 : memref<80x64xbf16, #tpu.memory_space<vmem>>) offsets(%dma_start3A_231 : memref<80xi32, #tpu.memory_space<vmem>>) semaphore(%arg18 : memref<!tpu.dma_semaphore, #tpu.memory_space<semaphore_mem>>)
        } else {
        }
      } else {
      }
      %add3A_114 = arith.constant 1 : i32
      %add3A_115 = arith.addi %mul3A_93, %add3A_114 : i32
      %dma_wait3A_116 = arith.constant 0 : i32
      %dma_wait3A_117 = tpu.memref_slice %arg6[%add3A_115, %dma_wait3A_116] : memref<250x80xi32, #tpu.memory_space<vmem>> -> memref<1x80xi32, #tpu.memory_space<vmem>>
      %dma_wait3A_118 = tpu.memref_squeeze %dma_wait3A_117 : memref<1x80xi32, #tpu.memory_space<vmem>> -> memref<80xi32, #tpu.memory_space<vmem>>
      %dma_wait3A_119 = arith.constant 0 : i32
      %dma_wait3A_120 = arith.constant 0 : i32
      %dma_wait3A_121 = tpu.memref_slice %arg2[%arg0, %dma_wait3A_119, %dma_wait3A_120] : memref<2x10240x64xbf16, #tpu.memory_space<hbm>> -> memref<1x10240x64xbf16, #tpu.memory_space<hbm>>
      %dma_wait3A_122 = tpu.memref_squeeze %dma_wait3A_121 : memref<1x10240x64xbf16, #tpu.memory_space<hbm>> -> memref<10240x64xbf16, #tpu.memory_space<hbm>>
      %dma_wait3A_123 = arith.constant 0 : i32
      %dma_wait3A_124 = arith.constant 0 : i32
      %dma_wait3A_125 = tpu.memref_slice %dma_wait3A_122[%dma_wait3A_123, %dma_wait3A_124] : memref<10240x64xbf16, #tpu.memory_space<hbm>> -> memref<10240x64xbf16, #tpu.memory_space<hbm>>
      tpu.wait_indirect_dma semaphore(%arg16 : memref<!tpu.dma_semaphore, #tpu.memory_space<semaphore_mem>>) src(%dma_wait3A_125 : memref<10240x64xbf16, #tpu.memory_space<hbm>>) dst(%arg10 : memref<80x64xbf16, #tpu.memory_space<vmem>>)
      %dma_start3A_126 = arith.constant 0 : i32
      %dma_start3A_127 = tpu.memref_slice %arg7[%add3A_115, %dma_start3A_126] : memref<250x80xi32, #tpu.memory_space<vmem>> -> memref<1x80xi32, #tpu.memory_space<vmem>>
      %dma_start3A_128 = tpu.memref_squeeze %dma_start3A_127 : memref<1x80xi32, #tpu.memory_space<vmem>> -> memref<80xi32, #tpu.memory_space<vmem>>
      %dma_start3A_129 = arith.constant 0 : i32
      %dma_start3A_130 = arith.constant 0 : i32
      %dma_start3A_131 = tpu.memref_slice %arg14[%dma_start3A_129, %dma_start3A_130] : memref<10240x64xbf16, #tpu.memory_space<vmem_shared>> -> memref<10240x64xbf16, #tpu.memory_space<vmem_shared>>
      tpu.enqueue_indirect_dma source(%arg10 : memref<80x64xbf16, #tpu.memory_space<vmem>>) target(%dma_start3A_131 : memref<10240x64xbf16, #tpu.memory_space<vmem_shared>>) offsets(%dma_start3A_128 : memref<80xi32, #tpu.memory_space<vmem>>) semaphore(%arg21 : memref<!tpu.dma_semaphore, #tpu.memory_space<semaphore_mem>>) {add = true}
      %sub3A_132 = arith.constant 2 : i32
      %sub3A_133 = arith.subi %add3A_115, %sub3A_132 : i32
      %ge3A_134 = arith.constant 0 : i32
      %ge3A_135 = arith.cmpi sge, %sub3A_133, %ge3A_134 : i32
      %convert_element_type3A_136 = arith.extui %ge3A_135 : i1 to i32
      %cond3A_137 = arith.constant 0 : i32
      %cond3A_138 = arith.cmpi ne, %convert_element_type3A_136, %cond3A_137 : i32
      scf.if %cond3A_138 {
        %dma_wait3A_215 = arith.constant 0 : i32
        %dma_wait3A_216 = tpu.memref_slice %arg7[%sub3A_133, %dma_wait3A_215] : memref<250x80xi32, #tpu.memory_space<vmem>> -> memref<1x80xi32, #tpu.memory_space<vmem>>
        %dma_wait3A_217 = tpu.memref_squeeze %dma_wait3A_216 : memref<1x80xi32, #tpu.memory_space<vmem>> -> memref<80xi32, #tpu.memory_space<vmem>>
        %dma_wait3A_218 = arith.constant 0 : i32
        %dma_wait3A_219 = arith.constant 0 : i32
        %dma_wait3A_220 = tpu.memref_slice %arg14[%dma_wait3A_218, %dma_wait3A_219] : memref<10240x64xbf16, #tpu.memory_space<vmem_shared>> -> memref<10240x64xbf16, #tpu.memory_space<vmem_shared>>
        tpu.wait_indirect_dma semaphore(%arg24 : memref<!tpu.dma_semaphore, #tpu.memory_space<semaphore_mem>>) src(%arg13 : memref<80x64xbf16, #tpu.memory_space<vmem>>) dst(%dma_wait3A_220 : memref<10240x64xbf16, #tpu.memory_space<vmem_shared>>)
        %add3A_221 = arith.constant 5 : i32
        %add3A_222 = arith.addi %sub3A_133, %add3A_221 : i32
        %lt3A = arith.constant 250 : i32
        %lt3A_223 = arith.cmpi slt, %add3A_222, %lt3A : i32
        %convert_element_type3A_224 = arith.extui %lt3A_223 : i1 to i32
        %cond3A_225 = arith.constant 0 : i32
        %cond3A_226 = arith.cmpi ne, %convert_element_type3A_224, %cond3A_225 : i32
        scf.if %cond3A_226 {
          %add3A_227 = arith.constant 5 : i32
          %add3A_228 = arith.addi %sub3A_133, %add3A_227 : i32
          %dma_start3A_229 = arith.constant 0 : i32
          %dma_start3A_230 = tpu.memref_slice %arg6[%add3A_228, %dma_start3A_229] : memref<250x80xi32, #tpu.memory_space<vmem>> -> memref<1x80xi32, #tpu.memory_space<vmem>>
          %dma_start3A_231 = tpu.memref_squeeze %dma_start3A_230 : memref<1x80xi32, #tpu.memory_space<vmem>> -> memref<80xi32, #tpu.memory_space<vmem>>
          %dma_start3A_232 = arith.constant 0 : i32
          %dma_start3A_233 = arith.constant 0 : i32
          %dma_start3A_234 = tpu.memref_slice %arg2[%arg0, %dma_start3A_232, %dma_start3A_233] : memref<2x10240x64xbf16, #tpu.memory_space<hbm>> -> memref<1x10240x64xbf16, #tpu.memory_space<hbm>>
          %dma_start3A_235 = tpu.memref_squeeze %dma_start3A_234 : memref<1x10240x64xbf16, #tpu.memory_space<hbm>> -> memref<10240x64xbf16, #tpu.memory_space<hbm>>
          %dma_start3A_236 = arith.constant 0 : i32
          %dma_start3A_237 = arith.constant 0 : i32
          %dma_start3A_238 = tpu.memref_slice %dma_start3A_235[%dma_start3A_236, %dma_start3A_237] : memref<10240x64xbf16, #tpu.memory_space<hbm>> -> memref<10240x64xbf16, #tpu.memory_space<hbm>>
          tpu.enqueue_indirect_dma source(%dma_start3A_238 : memref<10240x64xbf16, #tpu.memory_space<hbm>>) target(%arg13 : memref<80x64xbf16, #tpu.memory_space<vmem>>) offsets(%dma_start3A_231 : memref<80xi32, #tpu.memory_space<vmem>>) semaphore(%arg19 : memref<!tpu.dma_semaphore, #tpu.memory_space<semaphore_mem>>)
        } else {
        }
      } else {
      }
      %add3A_139 = arith.constant 2 : i32
      %add3A_140 = arith.addi %mul3A_93, %add3A_139 : i32
      %dma_wait3A_141 = arith.constant 0 : i32
      %dma_wait3A_142 = tpu.memref_slice %arg6[%add3A_140, %dma_wait3A_141] : memref<250x80xi32, #tpu.memory_space<vmem>> -> memref<1x80xi32, #tpu.memory_space<vmem>>
      %dma_wait3A_143 = tpu.memref_squeeze %dma_wait3A_142 : memref<1x80xi32, #tpu.memory_space<vmem>> -> memref<80xi32, #tpu.memory_space<vmem>>
      %dma_wait3A_144 = arith.constant 0 : i32
      %dma_wait3A_145 = arith.constant 0 : i32
      %dma_wait3A_146 = tpu.memref_slice %arg2[%arg0, %dma_wait3A_144, %dma_wait3A_145] : memref<2x10240x64xbf16, #tpu.memory_space<hbm>> -> memref<1x10240x64xbf16, #tpu.memory_space<hbm>>
      %dma_wait3A_147 = tpu.memref_squeeze %dma_wait3A_146 : memref<1x10240x64xbf16, #tpu.memory_space<hbm>> -> memref<10240x64xbf16, #tpu.memory_space<hbm>>
      %dma_wait3A_148 = arith.constant 0 : i32
      %dma_wait3A_149 = arith.constant 0 : i32
      %dma_wait3A_150 = tpu.memref_slice %dma_wait3A_147[%dma_wait3A_148, %dma_wait3A_149] : memref<10240x64xbf16, #tpu.memory_space<hbm>> -> memref<10240x64xbf16, #tpu.memory_space<hbm>>
      tpu.wait_indirect_dma semaphore(%arg17 : memref<!tpu.dma_semaphore, #tpu.memory_space<semaphore_mem>>) src(%dma_wait3A_150 : memref<10240x64xbf16, #tpu.memory_space<hbm>>) dst(%arg11 : memref<80x64xbf16, #tpu.memory_space<vmem>>)
      %dma_start3A_151 = arith.constant 0 : i32
      %dma_start3A_152 = tpu.memref_slice %arg7[%add3A_140, %dma_start3A_151] : memref<250x80xi32, #tpu.memory_space<vmem>> -> memref<1x80xi32, #tpu.memory_space<vmem>>
      %dma_start3A_153 = tpu.memref_squeeze %dma_start3A_152 : memref<1x80xi32, #tpu.memory_space<vmem>> -> memref<80xi32, #tpu.memory_space<vmem>>
      %dma_start3A_154 = arith.constant 0 : i32
      %dma_start3A_155 = arith.constant 0 : i32
      %dma_start3A_156 = tpu.memref_slice %arg14[%dma_start3A_154, %dma_start3A_155] : memref<10240x64xbf16, #tpu.memory_space<vmem_shared>> -> memref<10240x64xbf16, #tpu.memory_space<vmem_shared>>
      tpu.enqueue_indirect_dma source(%arg11 : memref<80x64xbf16, #tpu.memory_space<vmem>>) target(%dma_start3A_156 : memref<10240x64xbf16, #tpu.memory_space<vmem_shared>>) offsets(%dma_start3A_153 : memref<80xi32, #tpu.memory_space<vmem>>) semaphore(%arg22 : memref<!tpu.dma_semaphore, #tpu.memory_space<semaphore_mem>>) {add = true}
      %sub3A_157 = arith.constant 2 : i32
      %sub3A_158 = arith.subi %add3A_140, %sub3A_157 : i32
      %ge3A_159 = arith.constant 0 : i32
      %ge3A_160 = arith.cmpi sge, %sub3A_158, %ge3A_159 : i32
      %convert_element_type3A_161 = arith.extui %ge3A_160 : i1 to i32
      %cond3A_162 = arith.constant 0 : i32
      %cond3A_163 = arith.cmpi ne, %convert_element_type3A_161, %cond3A_162 : i32
      scf.if %cond3A_163 {
        %dma_wait3A_215 = arith.constant 0 : i32
        %dma_wait3A_216 = tpu.memref_slice %arg7[%sub3A_158, %dma_wait3A_215] : memref<250x80xi32, #tpu.memory_space<vmem>> -> memref<1x80xi32, #tpu.memory_space<vmem>>
        %dma_wait3A_217 = tpu.memref_squeeze %dma_wait3A_216 : memref<1x80xi32, #tpu.memory_space<vmem>> -> memref<80xi32, #tpu.memory_space<vmem>>
        %dma_wait3A_218 = arith.constant 0 : i32
        %dma_wait3A_219 = arith.constant 0 : i32
        %dma_wait3A_220 = tpu.memref_slice %arg14[%dma_wait3A_218, %dma_wait3A_219] : memref<10240x64xbf16, #tpu.memory_space<vmem_shared>> -> memref<10240x64xbf16, #tpu.memory_space<vmem_shared>>
        tpu.wait_indirect_dma semaphore(%arg20 : memref<!tpu.dma_semaphore, #tpu.memory_space<semaphore_mem>>) src(%arg9 : memref<80x64xbf16, #tpu.memory_space<vmem>>) dst(%dma_wait3A_220 : memref<10240x64xbf16, #tpu.memory_space<vmem_shared>>)
        %add3A_221 = arith.constant 5 : i32
        %add3A_222 = arith.addi %sub3A_158, %add3A_221 : i32
        %lt3A = arith.constant 250 : i32
        %lt3A_223 = arith.cmpi slt, %add3A_222, %lt3A : i32
        %convert_element_type3A_224 = arith.extui %lt3A_223 : i1 to i32
        %cond3A_225 = arith.constant 0 : i32
        %cond3A_226 = arith.cmpi ne, %convert_element_type3A_224, %cond3A_225 : i32
        scf.if %cond3A_226 {
          %add3A_227 = arith.constant 5 : i32
          %add3A_228 = arith.addi %sub3A_158, %add3A_227 : i32
          %dma_start3A_229 = arith.constant 0 : i32
          %dma_start3A_230 = tpu.memref_slice %arg6[%add3A_228, %dma_start3A_229] : memref<250x80xi32, #tpu.memory_space<vmem>> -> memref<1x80xi32, #tpu.memory_space<vmem>>
          %dma_start3A_231 = tpu.memref_squeeze %dma_start3A_230 : memref<1x80xi32, #tpu.memory_space<vmem>> -> memref<80xi32, #tpu.memory_space<vmem>>
          %dma_start3A_232 = arith.constant 0 : i32
          %dma_start3A_233 = arith.constant 0 : i32
          %dma_start3A_234 = tpu.memref_slice %arg2[%arg0, %dma_start3A_232, %dma_start3A_233] : memref<2x10240x64xbf16, #tpu.memory_space<hbm>> -> memref<1x10240x64xbf16, #tpu.memory_space<hbm>>
          %dma_start3A_235 = tpu.memref_squeeze %dma_start3A_234 : memref<1x10240x64xbf16, #tpu.memory_space<hbm>> -> memref<10240x64xbf16, #tpu.memory_space<hbm>>
          %dma_start3A_236 = arith.constant 0 : i32
          %dma_start3A_237 = arith.constant 0 : i32
          %dma_start3A_238 = tpu.memref_slice %dma_start3A_235[%dma_start3A_236, %dma_start3A_237] : memref<10240x64xbf16, #tpu.memory_space<hbm>> -> memref<10240x64xbf16, #tpu.memory_space<hbm>>
          tpu.enqueue_indirect_dma source(%dma_start3A_238 : memref<10240x64xbf16, #tpu.memory_space<hbm>>) target(%arg9 : memref<80x64xbf16, #tpu.memory_space<vmem>>) offsets(%dma_start3A_231 : memref<80xi32, #tpu.memory_space<vmem>>) semaphore(%arg15 : memref<!tpu.dma_semaphore, #tpu.memory_space<semaphore_mem>>)
        } else {
        }
      } else {
      }
      %add3A_164 = arith.constant 3 : i32
      %add3A_165 = arith.addi %mul3A_93, %add3A_164 : i32
      %dma_wait3A_166 = arith.constant 0 : i32
      %dma_wait3A_167 = tpu.memref_slice %arg6[%add3A_165, %dma_wait3A_166] : memref<250x80xi32, #tpu.memory_space<vmem>> -> memref<1x80xi32, #tpu.memory_space<vmem>>
      %dma_wait3A_168 = tpu.memref_squeeze %dma_wait3A_167 : memref<1x80xi32, #tpu.memory_space<vmem>> -> memref<80xi32, #tpu.memory_space<vmem>>
      %dma_wait3A_169 = arith.constant 0 : i32
      %dma_wait3A_170 = arith.constant 0 : i32
      %dma_wait3A_171 = tpu.memref_slice %arg2[%arg0, %dma_wait3A_169, %dma_wait3A_170] : memref<2x10240x64xbf16, #tpu.memory_space<hbm>> -> memref<1x10240x64xbf16, #tpu.memory_space<hbm>>
      %dma_wait3A_172 = tpu.memref_squeeze %dma_wait3A_171 : memref<1x10240x64xbf16, #tpu.memory_space<hbm>> -> memref<10240x64xbf16, #tpu.memory_space<hbm>>
      %dma_wait3A_173 = arith.constant 0 : i32
      %dma_wait3A_174 = arith.constant 0 : i32
      %dma_wait3A_175 = tpu.memref_slice %dma_wait3A_172[%dma_wait3A_173, %dma_wait3A_174] : memref<10240x64xbf16, #tpu.memory_space<hbm>> -> memref<10240x64xbf16, #tpu.memory_space<hbm>>
      tpu.wait_indirect_dma semaphore(%arg18 : memref<!tpu.dma_semaphore, #tpu.memory_space<semaphore_mem>>) src(%dma_wait3A_175 : memref<10240x64xbf16, #tpu.memory_space<hbm>>) dst(%arg12 : memref<80x64xbf16, #tpu.memory_space<vmem>>)
      %dma_start3A_176 = arith.constant 0 : i32
      %dma_start3A_177 = tpu.memref_slice %arg7[%add3A_165, %dma_start3A_176] : memref<250x80xi32, #tpu.memory_space<vmem>> -> memref<1x80xi32, #tpu.memory_space<vmem>>
      %dma_start3A_178 = tpu.memref_squeeze %dma_start3A_177 : memref<1x80xi32, #tpu.memory_space<vmem>> -> memref<80xi32, #tpu.memory_space<vmem>>
      %dma_start3A_179 = arith.constant 0 : i32
      %dma_start3A_180 = arith.constant 0 : i32
      %dma_start3A_181 = tpu.memref_slice %arg14[%dma_start3A_179, %dma_start3A_180] : memref<10240x64xbf16, #tpu.memory_space<vmem_shared>> -> memref<10240x64xbf16, #tpu.memory_space<vmem_shared>>
      tpu.enqueue_indirect_dma source(%arg12 : memref<80x64xbf16, #tpu.memory_space<vmem>>) target(%dma_start3A_181 : memref<10240x64xbf16, #tpu.memory_space<vmem_shared>>) offsets(%dma_start3A_178 : memref<80xi32, #tpu.memory_space<vmem>>) semaphore(%arg23 : memref<!tpu.dma_semaphore, #tpu.memory_space<semaphore_mem>>) {add = true}
      %sub3A_182 = arith.constant 2 : i32
      %sub3A_183 = arith.subi %add3A_165, %sub3A_182 : i32
      %ge3A_184 = arith.constant 0 : i32
      %ge3A_185 = arith.cmpi sge, %sub3A_183, %ge3A_184 : i32
      %convert_element_type3A_186 = arith.extui %ge3A_185 : i1 to i32
      %cond3A_187 = arith.constant 0 : i32
      %cond3A_188 = arith.cmpi ne, %convert_element_type3A_186, %cond3A_187 : i32
      scf.if %cond3A_188 {
        %dma_wait3A_215 = arith.constant 0 : i32
        %dma_wait3A_216 = tpu.memref_slice %arg7[%sub3A_183, %dma_wait3A_215] : memref<250x80xi32, #tpu.memory_space<vmem>> -> memref<1x80xi32, #tpu.memory_space<vmem>>
        %dma_wait3A_217 = tpu.memref_squeeze %dma_wait3A_216 : memref<1x80xi32, #tpu.memory_space<vmem>> -> memref<80xi32, #tpu.memory_space<vmem>>
        %dma_wait3A_218 = arith.constant 0 : i32
        %dma_wait3A_219 = arith.constant 0 : i32
        %dma_wait3A_220 = tpu.memref_slice %arg14[%dma_wait3A_218, %dma_wait3A_219] : memref<10240x64xbf16, #tpu.memory_space<vmem_shared>> -> memref<10240x64xbf16, #tpu.memory_space<vmem_shared>>
        tpu.wait_indirect_dma semaphore(%arg21 : memref<!tpu.dma_semaphore, #tpu.memory_space<semaphore_mem>>) src(%arg10 : memref<80x64xbf16, #tpu.memory_space<vmem>>) dst(%dma_wait3A_220 : memref<10240x64xbf16, #tpu.memory_space<vmem_shared>>)
        %add3A_221 = arith.constant 5 : i32
        %add3A_222 = arith.addi %sub3A_183, %add3A_221 : i32
        %lt3A = arith.constant 250 : i32
        %lt3A_223 = arith.cmpi slt, %add3A_222, %lt3A : i32
        %convert_element_type3A_224 = arith.extui %lt3A_223 : i1 to i32
        %cond3A_225 = arith.constant 0 : i32
        %cond3A_226 = arith.cmpi ne, %convert_element_type3A_224, %cond3A_225 : i32
        scf.if %cond3A_226 {
          %add3A_227 = arith.constant 5 : i32
          %add3A_228 = arith.addi %sub3A_183, %add3A_227 : i32
          %dma_start3A_229 = arith.constant 0 : i32
          %dma_start3A_230 = tpu.memref_slice %arg6[%add3A_228, %dma_start3A_229] : memref<250x80xi32, #tpu.memory_space<vmem>> -> memref<1x80xi32, #tpu.memory_space<vmem>>
          %dma_start3A_231 = tpu.memref_squeeze %dma_start3A_230 : memref<1x80xi32, #tpu.memory_space<vmem>> -> memref<80xi32, #tpu.memory_space<vmem>>
          %dma_start3A_232 = arith.constant 0 : i32
          %dma_start3A_233 = arith.constant 0 : i32
          %dma_start3A_234 = tpu.memref_slice %arg2[%arg0, %dma_start3A_232, %dma_start3A_233] : memref<2x10240x64xbf16, #tpu.memory_space<hbm>> -> memref<1x10240x64xbf16, #tpu.memory_space<hbm>>
          %dma_start3A_235 = tpu.memref_squeeze %dma_start3A_234 : memref<1x10240x64xbf16, #tpu.memory_space<hbm>> -> memref<10240x64xbf16, #tpu.memory_space<hbm>>
          %dma_start3A_236 = arith.constant 0 : i32
          %dma_start3A_237 = arith.constant 0 : i32
          %dma_start3A_238 = tpu.memref_slice %dma_start3A_235[%dma_start3A_236, %dma_start3A_237] : memref<10240x64xbf16, #tpu.memory_space<hbm>> -> memref<10240x64xbf16, #tpu.memory_space<hbm>>
          tpu.enqueue_indirect_dma source(%dma_start3A_238 : memref<10240x64xbf16, #tpu.memory_space<hbm>>) target(%arg10 : memref<80x64xbf16, #tpu.memory_space<vmem>>) offsets(%dma_start3A_231 : memref<80xi32, #tpu.memory_space<vmem>>) semaphore(%arg16 : memref<!tpu.dma_semaphore, #tpu.memory_space<semaphore_mem>>)
        } else {
        }
      } else {
      }
      %add3A_189 = arith.constant 4 : i32
      %add3A_190 = arith.addi %mul3A_93, %add3A_189 : i32
      %dma_wait3A_191 = arith.constant 0 : i32
      %dma_wait3A_192 = tpu.memref_slice %arg6[%add3A_190, %dma_wait3A_191] : memref<250x80xi32, #tpu.memory_space<vmem>> -> memref<1x80xi32, #tpu.memory_space<vmem>>
      %dma_wait3A_193 = tpu.memref_squeeze %dma_wait3A_192 : memref<1x80xi32, #tpu.memory_space<vmem>> -> memref<80xi32, #tpu.memory_space<vmem>>
      %dma_wait3A_194 = arith.constant 0 : i32
      %dma_wait3A_195 = arith.constant 0 : i32
      %dma_wait3A_196 = tpu.memref_slice %arg2[%arg0, %dma_wait3A_194, %dma_wait3A_195] : memref<2x10240x64xbf16, #tpu.memory_space<hbm>> -> memref<1x10240x64xbf16, #tpu.memory_space<hbm>>
      %dma_wait3A_197 = tpu.memref_squeeze %dma_wait3A_196 : memref<1x10240x64xbf16, #tpu.memory_space<hbm>> -> memref<10240x64xbf16, #tpu.memory_space<hbm>>
      %dma_wait3A_198 = arith.constant 0 : i32
      %dma_wait3A_199 = arith.constant 0 : i32
      %dma_wait3A_200 = tpu.memref_slice %dma_wait3A_197[%dma_wait3A_198, %dma_wait3A_199] : memref<10240x64xbf16, #tpu.memory_space<hbm>> -> memref<10240x64xbf16, #tpu.memory_space<hbm>>
      tpu.wait_indirect_dma semaphore(%arg19 : memref<!tpu.dma_semaphore, #tpu.memory_space<semaphore_mem>>) src(%dma_wait3A_200 : memref<10240x64xbf16, #tpu.memory_space<hbm>>) dst(%arg13 : memref<80x64xbf16, #tpu.memory_space<vmem>>)
      %dma_start3A_201 = arith.constant 0 : i32
      %dma_start3A_202 = tpu.memref_slice %arg7[%add3A_190, %dma_start3A_201] : memref<250x80xi32, #tpu.memory_space<vmem>> -> memref<1x80xi32, #tpu.memory_space<vmem>>
      %dma_start3A_203 = tpu.memref_squeeze %dma_start3A_202 : memref<1x80xi32, #tpu.memory_space<vmem>> -> memref<80xi32, #tpu.memory_space<vmem>>
      %dma_start3A_204 = arith.constant 0 : i32
      %dma_start3A_205 = arith.constant 0 : i32
      %dma_start3A_206 = tpu.memref_slice %arg14[%dma_start3A_204, %dma_start3A_205] : memref<10240x64xbf16, #tpu.memory_space<vmem_shared>> -> memref<10240x64xbf16, #tpu.memory_space<vmem_shared>>
      tpu.enqueue_indirect_dma source(%arg13 : memref<80x64xbf16, #tpu.memory_space<vmem>>) target(%dma_start3A_206 : memref<10240x64xbf16, #tpu.memory_space<vmem_shared>>) offsets(%dma_start3A_203 : memref<80xi32, #tpu.memory_space<vmem>>) semaphore(%arg24 : memref<!tpu.dma_semaphore, #tpu.memory_space<semaphore_mem>>) {add = true}
      %sub3A_207 = arith.constant 2 : i32
      %sub3A_208 = arith.subi %add3A_190, %sub3A_207 : i32
      %ge3A_209 = arith.constant 0 : i32
      %ge3A_210 = arith.cmpi sge, %sub3A_208, %ge3A_209 : i32
      %convert_element_type3A_211 = arith.extui %ge3A_210 : i1 to i32
      %cond3A_212 = arith.constant 0 : i32
      %cond3A_213 = arith.cmpi ne, %convert_element_type3A_211, %cond3A_212 : i32
      scf.if %cond3A_213 {
        %dma_wait3A_215 = arith.constant 0 : i32
        %dma_wait3A_216 = tpu.memref_slice %arg7[%sub3A_208, %dma_wait3A_215] : memref<250x80xi32, #tpu.memory_space<vmem>> -> memref<1x80xi32, #tpu.memory_space<vmem>>
        %dma_wait3A_217 = tpu.memref_squeeze %dma_wait3A_216 : memref<1x80xi32, #tpu.memory_space<vmem>> -> memref<80xi32, #tpu.memory_space<vmem>>
        %dma_wait3A_218 = arith.constant 0 : i32
        %dma_wait3A_219 = arith.constant 0 : i32
        %dma_wait3A_220 = tpu.memref_slice %arg14[%dma_wait3A_218, %dma_wait3A_219] : memref<10240x64xbf16, #tpu.memory_space<vmem_shared>> -> memref<10240x64xbf16, #tpu.memory_space<vmem_shared>>
        tpu.wait_indirect_dma semaphore(%arg22 : memref<!tpu.dma_semaphore, #tpu.memory_space<semaphore_mem>>) src(%arg11 : memref<80x64xbf16, #tpu.memory_space<vmem>>) dst(%dma_wait3A_220 : memref<10240x64xbf16, #tpu.memory_space<vmem_shared>>)
        %add3A_221 = arith.constant 5 : i32
        %add3A_222 = arith.addi %sub3A_208, %add3A_221 : i32
        %lt3A = arith.constant 250 : i32
        %lt3A_223 = arith.cmpi slt, %add3A_222, %lt3A : i32
        %convert_element_type3A_224 = arith.extui %lt3A_223 : i1 to i32
        %cond3A_225 = arith.constant 0 : i32
        %cond3A_226 = arith.cmpi ne, %convert_element_type3A_224, %cond3A_225 : i32
        scf.if %cond3A_226 {
          %add3A_227 = arith.constant 5 : i32
          %add3A_228 = arith.addi %sub3A_208, %add3A_227 : i32
          %dma_start3A_229 = arith.constant 0 : i32
          %dma_start3A_230 = tpu.memref_slice %arg6[%add3A_228, %dma_start3A_229] : memref<250x80xi32, #tpu.memory_space<vmem>> -> memref<1x80xi32, #tpu.memory_space<vmem>>
          %dma_start3A_231 = tpu.memref_squeeze %dma_start3A_230 : memref<1x80xi32, #tpu.memory_space<vmem>> -> memref<80xi32, #tpu.memory_space<vmem>>
          %dma_start3A_232 = arith.constant 0 : i32
          %dma_start3A_233 = arith.constant 0 : i32
          %dma_start3A_234 = tpu.memref_slice %arg2[%arg0, %dma_start3A_232, %dma_start3A_233] : memref<2x10240x64xbf16, #tpu.memory_space<hbm>> -> memref<1x10240x64xbf16, #tpu.memory_space<hbm>>
          %dma_start3A_235 = tpu.memref_squeeze %dma_start3A_234 : memref<1x10240x64xbf16, #tpu.memory_space<hbm>> -> memref<10240x64xbf16, #tpu.memory_space<hbm>>
          %dma_start3A_236 = arith.constant 0 : i32
          %dma_start3A_237 = arith.constant 0 : i32
          %dma_start3A_238 = tpu.memref_slice %dma_start3A_235[%dma_start3A_236, %dma_start3A_237] : memref<10240x64xbf16, #tpu.memory_space<hbm>> -> memref<10240x64xbf16, #tpu.memory_space<hbm>>
          tpu.enqueue_indirect_dma source(%dma_start3A_238 : memref<10240x64xbf16, #tpu.memory_space<hbm>>) target(%arg11 : memref<80x64xbf16, #tpu.memory_space<vmem>>) offsets(%dma_start3A_231 : memref<80xi32, #tpu.memory_space<vmem>>) semaphore(%arg17 : memref<!tpu.dma_semaphore, #tpu.memory_space<semaphore_mem>>)
        } else {
        }
      } else {
      }
      %scan3A_214 = arith.constant 0 : i32
      scf.yield %scan3A_214 : i32
    }
    %scan3A_75 = arith.constant 50 : i32
    %dma_wait3A = arith.constant 248 : i32
    %dma_wait3A_76 = arith.constant 0 : i32
    %dma_wait3A_77 = tpu.memref_slice %arg7[%dma_wait3A, %dma_wait3A_76] : memref<250x80xi32, #tpu.memory_space<vmem>> -> memref<1x80xi32, #tpu.memory_space<vmem>>
    %dma_wait3A_78 = tpu.memref_squeeze %dma_wait3A_77 : memref<1x80xi32, #tpu.memory_space<vmem>> -> memref<80xi32, #tpu.memory_space<vmem>>
    %dma_wait3A_79 = arith.constant 0 : i32
    %dma_wait3A_80 = arith.constant 0 : i32
    %dma_wait3A_81 = tpu.memref_slice %arg14[%dma_wait3A_79, %dma_wait3A_80] : memref<10240x64xbf16, #tpu.memory_space<vmem_shared>> -> memref<10240x64xbf16, #tpu.memory_space<vmem_shared>>
    tpu.wait_indirect_dma semaphore(%arg23 : memref<!tpu.dma_semaphore, #tpu.memory_space<semaphore_mem>>) src(%arg12 : memref<80x64xbf16, #tpu.memory_space<vmem>>) dst(%dma_wait3A_81 : memref<10240x64xbf16, #tpu.memory_space<vmem_shared>>)
    %dma_wait3A_82 = arith.constant 249 : i32
    %dma_wait3A_83 = arith.constant 0 : i32
    %dma_wait3A_84 = tpu.memref_slice %arg7[%dma_wait3A_82, %dma_wait3A_83] : memref<250x80xi32, #tpu.memory_space<vmem>> -> memref<1x80xi32, #tpu.memory_space<vmem>>
    %dma_wait3A_85 = tpu.memref_squeeze %dma_wait3A_84 : memref<1x80xi32, #tpu.memory_space<vmem>> -> memref<80xi32, #tpu.memory_space<vmem>>
    %dma_wait3A_86 = arith.constant 0 : i32
    %dma_wait3A_87 = arith.constant 0 : i32
    %dma_wait3A_88 = tpu.memref_slice %arg14[%dma_wait3A_86, %dma_wait3A_87] : memref<10240x64xbf16, #tpu.memory_space<vmem_shared>> -> memref<10240x64xbf16, #tpu.memory_space<vmem_shared>>
    tpu.wait_indirect_dma semaphore(%arg24 : memref<!tpu.dma_semaphore, #tpu.memory_space<semaphore_mem>>) src(%arg13 : memref<80x64xbf16, #tpu.memory_space<vmem>>) dst(%dma_wait3A_88 : memref<10240x64xbf16, #tpu.memory_space<vmem_shared>>)
    %barrier3A_89 = arith.constant 0 : index
    tpu.barrier barrier_id(%barrier3A_89)
    "tpu.region"() ({
      %run_scoped3A = tpu.sem_alloc : memref<!tpu.dma_semaphore, #tpu.memory_space<semaphore_mem>>
      %dma_start3A_90 = arith.constant 0 : i32
      %dma_start3A_91 = tpu.memref_slice %arg5[%arg0, %mul3A_0, %dma_start3A_90] : memref<2x10240x64xbf16, #tpu.memory_space<hbm>> -> memref<1x640x64xbf16, #tpu.memory_space<hbm>>
      %dma_start3A_92 = tpu.memref_squeeze %dma_start3A_91 : memref<1x640x64xbf16, #tpu.memory_space<hbm>> -> memref<640x64xbf16, #tpu.memory_space<hbm>>
      %dma_start3A_93 = arith.constant 0 : i32
      %dma_start3A_94 = tpu.memref_slice %arg14[%mul3A_0, %dma_start3A_93] : memref<10240x64xbf16, #tpu.memory_space<vmem_shared>> -> memref<640x64xbf16, #tpu.memory_space<vmem_shared>>
      tpu.enqueue_dma source(%dma_start3A_94 : memref<640x64xbf16, #tpu.memory_space<vmem_shared>>) target(%dma_start3A_92 : memref<640x64xbf16, #tpu.memory_space<hbm>>) target_semaphore(%run_scoped3A : memref<!tpu.dma_semaphore, #tpu.memory_space<semaphore_mem>>)
      %dma_wait3A_95 = arith.constant 0 : i32
      %dma_wait3A_96 = tpu.memref_slice %arg5[%arg0, %mul3A_0, %dma_wait3A_95] : memref<2x10240x64xbf16, #tpu.memory_space<hbm>> -> memref<1x640x64xbf16, #tpu.memory_space<hbm>>
      %dma_wait3A_97 = tpu.memref_squeeze %dma_wait3A_96 : memref<1x640x64xbf16, #tpu.memory_space<hbm>> -> memref<640x64xbf16, #tpu.memory_space<hbm>>
      %dma_wait3A_98 = arith.constant 0 : i32
      %dma_wait3A_99 = tpu.memref_slice %arg14[%mul3A_0, %dma_wait3A_98] : memref<10240x64xbf16, #tpu.memory_space<vmem_shared>> -> memref<640x64xbf16, #tpu.memory_space<vmem_shared>>
      tpu.wait_dma2 semaphore(%run_scoped3A : memref<!tpu.dma_semaphore, #tpu.memory_space<semaphore_mem>>) src(%dma_wait3A_99 : memref<640x64xbf16, #tpu.memory_space<vmem_shared>>) dst(%dma_wait3A_97 : memref<640x64xbf16, #tpu.memory_space<hbm>>)
      tpu.yield
    }) : () -> ()
    return
  }
}

#map = affine_map<(d0, d1) -> (0, 0, 0)>
module attributes {stable_mosaic.version = 14 : i64} {
  func.func @_sc_segsum(%arg0: i32, %arg1: i32, %arg2: memref<2x10240x64xbf16, #tpu.memory_space<hbm>>, %arg3: memref<16x250x80xi32, #tpu.memory_space<hbm>>, %arg4: memref<16x250x80xi32, #tpu.memory_space<hbm>>, %arg5: memref<2x10240x64xbf16, #tpu.memory_space<hbm>>, %arg6: memref<250x80xi32, #tpu.memory_space<vmem>>, %arg7: memref<250x80xi32, #tpu.memory_space<vmem>>, %arg8: memref<80x64xbf16, #tpu.memory_space<vmem>>, %arg9: memref<80x64xbf16, #tpu.memory_space<vmem>>, %arg10: memref<80x64xbf16, #tpu.memory_space<vmem>>, %arg11: memref<80x64xbf16, #tpu.memory_space<vmem>>, %arg12: memref<80x64xbf16, #tpu.memory_space<vmem>>, %arg13: memref<80x64xbf16, #tpu.memory_space<vmem>>, %arg14: memref<10240x64xbf16, #tpu.memory_space<vmem_shared>>, %arg15: memref<!tpu.dma_semaphore, #tpu.memory_space<semaphore_mem>>, %arg16: memref<!tpu.dma_semaphore, #tpu.memory_space<semaphore_mem>>, %arg17: memref<!tpu.dma_semaphore, #tpu.memory_space<semaphore_mem>>, %arg18: memref<!tpu.dma_semaphore, #tpu.memory_space<semaphore_mem>>, %arg19: memref<!tpu.dma_semaphore, #tpu.memory_space<semaphore_mem>>, %arg20: memref<!tpu.dma_semaphore, #tpu.memory_space<semaphore_mem>>, %arg21: memref<!tpu.dma_semaphore, #tpu.memory_space<semaphore_mem>>, %arg22: memref<!tpu.dma_semaphore, #tpu.memory_space<semaphore_mem>>, %arg23: memref<!tpu.dma_semaphore, #tpu.memory_space<semaphore_mem>>, %arg24: memref<!tpu.dma_semaphore, #tpu.memory_space<semaphore_mem>>) attributes {dimension_semantics = [#tpu.dimension_semantics<core_parallel>, #tpu.dimension_semantics<subcore_parallel>], iteration_bounds = array<i64: 2, 16>, scalar_prefetch = 0 : i64, scratch_operands = 19 : i64, tpu.core_type = #tpu.core_type<sc_vector_subcore>, window_params = [{transform_indices = #map}, {transform_indices = #map}, {transform_indices = #map}, {transform_indices = #map}]} {
    %mul3A = arith.constant 640 : i32
    %mul3A_0 = arith.muli %arg1, %mul3A : i32
    %broadcast_in_dim3A = arith.constant 0.000000e+00 : bf16
    %broadcast_in_dim3A_1 = vector.broadcast %broadcast_in_dim3A : bf16 to vector<32xbf16>
    %scan3A = arith.constant 0 : i32
    %scan3A_2 = arith.constant 0 : i32
    %scan3A_3 = arith.constant 160 : i32
    %scan3A_4 = arith.addi %scan3A_2, %scan3A_3 : i32
    %scan3A_5 = arith.constant 1 : i32
    %scan3A_6 = scf.for %scan3A_90 = %scan3A_2 to %scan3A_4 step %scan3A_5 iter_args(%scan3A_91 = %scan3A) -> (i32)  : i32 {
      %jit3A = arith.constant 2 : i32
      %div3A = arith.divsi %scan3A_90, %jit3A : i32
      %sign3A = arith.constant 0 : i32
      %sign3A_92 = arith.cmpi sgt, %scan3A_90, %sign3A : i32
      %sign3A_93 = arith.extui %sign3A_92 : i1 to i32
      %sign3A_94 = arith.constant 0 : i32
      %sign3A_95 = arith.cmpi slt, %scan3A_90, %sign3A_94 : i32
      %sign3A_96 = arith.extui %sign3A_95 : i1 to i32
      %sign3A_97 = arith.subi %sign3A_93, %sign3A_96 : i32
      %sign3A_98 = arith.constant 0 : i32
      %sign3A_99 = arith.cmpi sgt, %jit3A, %sign3A_98 : i32
      %sign3A_100 = arith.extui %sign3A_99 : i1 to i32
      %sign3A_101 = arith.constant 0 : i32
      %sign3A_102 = arith.cmpi slt, %jit3A, %sign3A_101 : i32
      %sign3A_103 = arith.extui %sign3A_102 : i1 to i32
      %sign3A_104 = arith.subi %sign3A_100, %sign3A_103 : i32
      %ne3A = arith.cmpi ne, %sign3A_97, %sign3A_104 : i32
      %rem3A = arith.remsi %scan3A_90, %jit3A : i32
      %ne3A_105 = arith.constant 0 : i32
      %ne3A_106 = arith.cmpi ne, %rem3A, %ne3A_105 : i32
      %and3A = arith.andi %ne3A, %ne3A_106 : i1
      %sub3A = arith.constant 1 : i32
      %sub3A_107 = arith.subi %div3A, %sub3A : i32
      %select_n3A = arith.select %and3A, %sub3A_107, %div3A : i32
      %jit3A_108 = arith.constant 2 : i32
      %eq3A = arith.constant 0 : i32
      %eq3A_109 = arith.cmpi eq, %jit3A_108, %eq3A : i32
      %jit3A_110 = arith.constant 1 : i32
      %select_n3A_111 = arith.select %eq3A_109, %jit3A_110, %jit3A_108 : i32
      %rem3A_112 = arith.remsi %scan3A_90, %select_n3A_111 : i32
      %ne3A_113 = arith.constant 0 : i32
      %ne3A_114 = arith.cmpi ne, %rem3A_112, %ne3A_113 : i32
      %lt3A = arith.constant 0 : i32
      %lt3A_115 = arith.cmpi slt, %rem3A_112, %lt3A : i32
      %lt3A_116 = arith.constant 0 : i32
      %lt3A_117 = arith.cmpi slt, %select_n3A_111, %lt3A_116 : i32
      %ne3A_118 = arith.xori %lt3A_115, %lt3A_117 : i1
      %and3A_119 = arith.andi %ne3A_118, %ne3A_114 : i1
      %add3A = arith.addi %rem3A_112, %select_n3A_111 : i32
      %select_n3A_120 = arith.select %and3A_119, %add3A, %rem3A_112 : i32
      %mul3A_121 = arith.constant 32 : i32
      %mul3A_122 = arith.muli %select_n3A_120, %mul3A_121 : i32
      %swap3A = arith.index_cast %select_n3A : i32 to index
      %swap3A_123 = arith.index_cast %mul3A_122 : i32 to index
      %swap3A_124 = tpu.vector_load %arg8[%swap3A, %swap3A_123] {strides = array<i32>} : memref<80x64xbf16, #tpu.memory_space<vmem>>, vector<1x32xbf16>,
      %swap3A_125 = vector.shape_cast %swap3A_124 : vector<1x32xbf16> to vector<32xbf16>
      %swap3A_126 = vector.shape_cast %broadcast_in_dim3A_1 : vector<32xbf16> to vector<1x32xbf16>
      tpu.vector_store %arg8[%swap3A, %swap3A_123], %swap3A_126 {strides = array<i32>} : memref<80x64xbf16, #tpu.memory_space<vmem>>, vector<1x32xbf16>,
      %scan3A_127 = arith.constant 0 : i32
      scf.yield %scan3A_127 : i32
    }
    %scan3A_7 = arith.constant 160 : i32
    "tpu.region"() ({
      %run_scoped3A = tpu.sem_alloc : memref<!tpu.dma_semaphore, #tpu.memory_space<semaphore_mem>>
      %dma_start3A_90 = arith.constant 0 : i32
      %dma_start3A_91 = arith.constant 0 : i32
      %dma_start3A_92 = tpu.memref_slice %arg3[%arg1, %dma_start3A_90, %dma_start3A_91] : memref<16x250x80xi32, #tpu.memory_space<hbm>> -> memref<1x250x80xi32, #tpu.memory_space<hbm>>
      %dma_start3A_93 = tpu.memref_squeeze %dma_start3A_92 : memref<1x250x80xi32, #tpu.memory_space<hbm>> -> memref<250x80xi32, #tpu.memory_space<hbm>>
      %dma_start3A_94 = arith.constant 0 : i32
      %dma_start3A_95 = arith.constant 0 : i32
      %dma_start3A_96 = tpu.memref_slice %arg3[%arg1, %dma_start3A_94, %dma_start3A_95] : memref<16x250x80xi32, #tpu.memory_space<hbm>> -> memref<1x250x80xi32, #tpu.memory_space<hbm>>
      %dma_start3A_97 = tpu.memref_squeeze %dma_start3A_96 : memref<1x250x80xi32, #tpu.memory_space<hbm>> -> memref<250x80xi32, #tpu.memory_space<hbm>>
      tpu.enqueue_dma source(%dma_start3A_97 : memref<250x80xi32, #tpu.memory_space<hbm>>) target(%arg6 : memref<250x80xi32, #tpu.memory_space<vmem>>) target_semaphore(%run_scoped3A : memref<!tpu.dma_semaphore, #tpu.memory_space<semaphore_mem>>)
      %dma_wait3A_98 = arith.constant 0 : i32
      %dma_wait3A_99 = arith.constant 0 : i32
      %dma_wait3A_100 = tpu.memref_slice %arg3[%arg1, %dma_wait3A_98, %dma_wait3A_99] : memref<16x250x80xi32, #tpu.memory_space<hbm>> -> memref<1x250x80xi32, #tpu.memory_space<hbm>>
      %dma_wait3A_101 = tpu.memref_squeeze %dma_wait3A_100 : memref<1x250x80xi32, #tpu.memory_space<hbm>> -> memref<250x80xi32, #tpu.memory_space<hbm>>
      %dma_wait3A_102 = arith.constant 0 : i32
      %dma_wait3A_103 = arith.constant 0 : i32
      %dma_wait3A_104 = tpu.memref_slice %arg3[%arg1, %dma_wait3A_102, %dma_wait3A_103] : memref<16x250x80xi32, #tpu.memory_space<hbm>> -> memref<1x250x80xi32, #tpu.memory_space<hbm>>
      %dma_wait3A_105 = tpu.memref_squeeze %dma_wait3A_104 : memref<1x250x80xi32, #tpu.memory_space<hbm>> -> memref<250x80xi32, #tpu.memory_space<hbm>>
      tpu.wait_dma2 semaphore(%run_scoped3A : memref<!tpu.dma_semaphore, #tpu.memory_space<semaphore_mem>>) src(%dma_wait3A_105 : memref<250x80xi32, #tpu.memory_space<hbm>>) dst(%arg6 : memref<250x80xi32, #tpu.memory_space<vmem>>)
      tpu.yield
    }) : () -> ()
    "tpu.region"() ({
      %run_scoped3A = tpu.sem_alloc : memref<!tpu.dma_semaphore, #tpu.memory_space<semaphore_mem>>
      %dma_start3A_90 = arith.constant 0 : i32
      %dma_start3A_91 = arith.constant 0 : i32
      %dma_start3A_92 = tpu.memref_slice %arg4[%arg1, %dma_start3A_90, %dma_start3A_91] : memref<16x250x80xi32, #tpu.memory_space<hbm>> -> memref<1x250x80xi32, #tpu.memory_space<hbm>>
      %dma_start3A_93 = tpu.memref_squeeze %dma_start3A_92 : memref<1x250x80xi32, #tpu.memory_space<hbm>> -> memref<250x80xi32, #tpu.memory_space<hbm>>
      %dma_start3A_94 = arith.constant 0 : i32
      %dma_start3A_95 = arith.constant 0 : i32
      %dma_start3A_96 = tpu.memref_slice %arg4[%arg1, %dma_start3A_94, %dma_start3A_95] : memref<16x250x80xi32, #tpu.memory_space<hbm>> -> memref<1x250x80xi32, #tpu.memory_space<hbm>>
      %dma_start3A_97 = tpu.memref_squeeze %dma_start3A_96 : memref<1x250x80xi32, #tpu.memory_space<hbm>> -> memref<250x80xi32, #tpu.memory_space<hbm>>
      tpu.enqueue_dma source(%dma_start3A_97 : memref<250x80xi32, #tpu.memory_space<hbm>>) target(%arg7 : memref<250x80xi32, #tpu.memory_space<vmem>>) target_semaphore(%run_scoped3A : memref<!tpu.dma_semaphore, #tpu.memory_space<semaphore_mem>>)
      %dma_wait3A_98 = arith.constant 0 : i32
      %dma_wait3A_99 = arith.constant 0 : i32
      %dma_wait3A_100 = tpu.memref_slice %arg4[%arg1, %dma_wait3A_98, %dma_wait3A_99] : memref<16x250x80xi32, #tpu.memory_space<hbm>> -> memref<1x250x80xi32, #tpu.memory_space<hbm>>
      %dma_wait3A_101 = tpu.memref_squeeze %dma_wait3A_100 : memref<1x250x80xi32, #tpu.memory_space<hbm>> -> memref<250x80xi32, #tpu.memory_space<hbm>>
      %dma_wait3A_102 = arith.constant 0 : i32
      %dma_wait3A_103 = arith.constant 0 : i32
      %dma_wait3A_104 = tpu.memref_slice %arg4[%arg1, %dma_wait3A_102, %dma_wait3A_103] : memref<16x250x80xi32, #tpu.memory_space<hbm>> -> memref<1x250x80xi32, #tpu.memory_space<hbm>>
      %dma_wait3A_105 = tpu.memref_squeeze %dma_wait3A_104 : memref<1x250x80xi32, #tpu.memory_space<hbm>> -> memref<250x80xi32, #tpu.memory_space<hbm>>
      tpu.wait_dma2 semaphore(%run_scoped3A : memref<!tpu.dma_semaphore, #tpu.memory_space<semaphore_mem>>) src(%dma_wait3A_105 : memref<250x80xi32, #tpu.memory_space<hbm>>) dst(%arg7 : memref<250x80xi32, #tpu.memory_space<vmem>>)
      tpu.yield
    }) : () -> ()
    %dma_start3A = arith.constant 0 : i32
    %dma_start3A_8 = arith.constant 0 : i32
    %dma_start3A_9 = tpu.memref_slice %arg6[%dma_start3A, %dma_start3A_8] : memref<250x80xi32, #tpu.memory_space<vmem>> -> memref<1x80xi32, #tpu.memory_space<vmem>>
    %dma_start3A_10 = tpu.memref_squeeze %dma_start3A_9 : memref<1x80xi32, #tpu.memory_space<vmem>> -> memref<80xi32, #tpu.memory_space<vmem>>
    %dma_start3A_11 = arith.constant 0 : i32
    %dma_start3A_12 = arith.constant 0 : i32
    %dma_start3A_13 = tpu.memref_slice %arg2[%arg0, %dma_start3A_11, %dma_start3A_12] : memref<2x10240x64xbf16, #tpu.memory_space<hbm>> -> memref<1x10240x64xbf16, #tpu.memory_space<hbm>>
    %dma_start3A_14 = tpu.memref_squeeze %dma_start3A_13 : memref<1x10240x64xbf16, #tpu.memory_space<hbm>> -> memref<10240x64xbf16, #tpu.memory_space<hbm>>
    %dma_start3A_15 = arith.constant 0 : i32
    %dma_start3A_16 = arith.constant 0 : i32
    %dma_start3A_17 = tpu.memref_slice %dma_start3A_14[%dma_start3A_15, %dma_start3A_16] : memref<10240x64xbf16, #tpu.memory_space<hbm>> -> memref<10240x64xbf16, #tpu.memory_space<hbm>>
    tpu.enqueue_indirect_dma source(%dma_start3A_17 : memref<10240x64xbf16, #tpu.memory_space<hbm>>) target(%arg9 : memref<80x64xbf16, #tpu.memory_space<vmem>>) offsets(%dma_start3A_10 : memref<80xi32, #tpu.memory_space<vmem>>) semaphore(%arg15 : memref<!tpu.dma_semaphore, #tpu.memory_space<semaphore_mem>>)
    %dma_start3A_18 = arith.constant 1 : i32
    %dma_start3A_19 = arith.constant 0 : i32
    %dma_start3A_20 = tpu.memref_slice %arg6[%dma_start3A_18, %dma_start3A_19] : memref<250x80xi32, #tpu.memory_space<vmem>> -> memref<1x80xi32, #tpu.memory_space<vmem>>
    %dma_start3A_21 = tpu.memref_squeeze %dma_start3A_20 : memref<1x80xi32, #tpu.memory_space<vmem>> -> memref<80xi32, #tpu.memory_space<vmem>>
    %dma_start3A_22 = arith.constant 0 : i32
    %dma_start3A_23 = arith.constant 0 : i32
    %dma_start3A_24 = tpu.memref_slice %arg2[%arg0, %dma_start3A_22, %dma_start3A_23] : memref<2x10240x64xbf16, #tpu.memory_space<hbm>> -> memref<1x10240x64xbf16, #tpu.memory_space<hbm>>
    %dma_start3A_25 = tpu.memref_squeeze %dma_start3A_24 : memref<1x10240x64xbf16, #tpu.memory_space<hbm>> -> memref<10240x64xbf16, #tpu.memory_space<hbm>>
    %dma_start3A_26 = arith.constant 0 : i32
    %dma_start3A_27 = arith.constant 0 : i32
    %dma_start3A_28 = tpu.memref_slice %dma_start3A_25[%dma_start3A_26, %dma_start3A_27] : memref<10240x64xbf16, #tpu.memory_space<hbm>> -> memref<10240x64xbf16, #tpu.memory_space<hbm>>
    tpu.enqueue_indirect_dma source(%dma_start3A_28 : memref<10240x64xbf16, #tpu.memory_space<hbm>>) target(%arg10 : memref<80x64xbf16, #tpu.memory_space<vmem>>) offsets(%dma_start3A_21 : memref<80xi32, #tpu.memory_space<vmem>>) semaphore(%arg16 : memref<!tpu.dma_semaphore, #tpu.memory_space<semaphore_mem>>)
    %dma_start3A_29 = arith.constant 2 : i32
    %dma_start3A_30 = arith.constant 0 : i32
    %dma_start3A_31 = tpu.memref_slice %arg6[%dma_start3A_29, %dma_start3A_30] : memref<250x80xi32, #tpu.memory_space<vmem>> -> memref<1x80xi32, #tpu.memory_space<vmem>>
    %dma_start3A_32 = tpu.memref_squeeze %dma_start3A_31 : memref<1x80xi32, #tpu.memory_space<vmem>> -> memref<80xi32, #tpu.memory_space<vmem>>
    %dma_start3A_33 = arith.constant 0 : i32
    %dma_start3A_34 = arith.constant 0 : i32
    %dma_start3A_35 = tpu.memref_slice %arg2[%arg0, %dma_start3A_33, %dma_start3A_34] : memref<2x10240x64xbf16, #tpu.memory_space<hbm>> -> memref<1x10240x64xbf16, #tpu.memory_space<hbm>>
    %dma_start3A_36 = tpu.memref_squeeze %dma_start3A_35 : memref<1x10240x64xbf16, #tpu.memory_space<hbm>> -> memref<10240x64xbf16, #tpu.memory_space<hbm>>
    %dma_start3A_37 = arith.constant 0 : i32
    %dma_start3A_38 = arith.constant 0 : i32
    %dma_start3A_39 = tpu.memref_slice %dma_start3A_36[%dma_start3A_37, %dma_start3A_38] : memref<10240x64xbf16, #tpu.memory_space<hbm>> -> memref<10240x64xbf16, #tpu.memory_space<hbm>>
    tpu.enqueue_indirect_dma source(%dma_start3A_39 : memref<10240x64xbf16, #tpu.memory_space<hbm>>) target(%arg11 : memref<80x64xbf16, #tpu.memory_space<vmem>>) offsets(%dma_start3A_32 : memref<80xi32, #tpu.memory_space<vmem>>) semaphore(%arg17 : memref<!tpu.dma_semaphore, #tpu.memory_space<semaphore_mem>>)
    %dma_start3A_40 = arith.constant 3 : i32
    %dma_start3A_41 = arith.constant 0 : i32
    %dma_start3A_42 = tpu.memref_slice %arg6[%dma_start3A_40, %dma_start3A_41] : memref<250x80xi32, #tpu.memory_space<vmem>> -> memref<1x80xi32, #tpu.memory_space<vmem>>
    %dma_start3A_43 = tpu.memref_squeeze %dma_start3A_42 : memref<1x80xi32, #tpu.memory_space<vmem>> -> memref<80xi32, #tpu.memory_space<vmem>>
    %dma_start3A_44 = arith.constant 0 : i32
    %dma_start3A_45 = arith.constant 0 : i32
    %dma_start3A_46 = tpu.memref_slice %arg2[%arg0, %dma_start3A_44, %dma_start3A_45] : memref<2x10240x64xbf16, #tpu.memory_space<hbm>> -> memref<1x10240x64xbf16, #tpu.memory_space<hbm>>
    %dma_start3A_47 = tpu.memref_squeeze %dma_start3A_46 : memref<1x10240x64xbf16, #tpu.memory_space<hbm>> -> memref<10240x64xbf16, #tpu.memory_space<hbm>>
    %dma_start3A_48 = arith.constant 0 : i32
    %dma_start3A_49 = arith.constant 0 : i32
    %dma_start3A_50 = tpu.memref_slice %dma_start3A_47[%dma_start3A_48, %dma_start3A_49] : memref<10240x64xbf16, #tpu.memory_space<hbm>> -> memref<10240x64xbf16, #tpu.memory_space<hbm>>
    tpu.enqueue_indirect_dma source(%dma_start3A_50 : memref<10240x64xbf16, #tpu.memory_space<hbm>>) target(%arg12 : memref<80x64xbf16, #tpu.memory_space<vmem>>) offsets(%dma_start3A_43 : memref<80xi32, #tpu.memory_space<vmem>>) semaphore(%arg18 : memref<!tpu.dma_semaphore, #tpu.memory_space<semaphore_mem>>)
    %dma_start3A_51 = arith.constant 4 : i32
    %dma_start3A_52 = arith.constant 0 : i32
    %dma_start3A_53 = tpu.memref_slice %arg6[%dma_start3A_51, %dma_start3A_52] : memref<250x80xi32, #tpu.memory_space<vmem>> -> memref<1x80xi32, #tpu.memory_space<vmem>>
    %dma_start3A_54 = tpu.memref_squeeze %dma_start3A_53 : memref<1x80xi32, #tpu.memory_space<vmem>> -> memref<80xi32, #tpu.memory_space<vmem>>
    %dma_start3A_55 = arith.constant 0 : i32
    %dma_start3A_56 = arith.constant 0 : i32
    %dma_start3A_57 = tpu.memref_slice %arg2[%arg0, %dma_start3A_55, %dma_start3A_56] : memref<2x10240x64xbf16, #tpu.memory_space<hbm>> -> memref<1x10240x64xbf16, #tpu.memory_space<hbm>>
    %dma_start3A_58 = tpu.memref_squeeze %dma_start3A_57 : memref<1x10240x64xbf16, #tpu.memory_space<hbm>> -> memref<10240x64xbf16, #tpu.memory_space<hbm>>
    %dma_start3A_59 = arith.constant 0 : i32
    %dma_start3A_60 = arith.constant 0 : i32
    %dma_start3A_61 = tpu.memref_slice %dma_start3A_58[%dma_start3A_59, %dma_start3A_60] : memref<10240x64xbf16, #tpu.memory_space<hbm>> -> memref<10240x64xbf16, #tpu.memory_space<hbm>>
    tpu.enqueue_indirect_dma source(%dma_start3A_61 : memref<10240x64xbf16, #tpu.memory_space<hbm>>) target(%arg13 : memref<80x64xbf16, #tpu.memory_space<vmem>>) offsets(%dma_start3A_54 : memref<80xi32, #tpu.memory_space<vmem>>) semaphore(%arg19 : memref<!tpu.dma_semaphore, #tpu.memory_space<semaphore_mem>>)
    %scan3A_62 = arith.constant 0 : i32
    %scan3A_63 = arith.constant 0 : i32
    %scan3A_64 = arith.constant 8 : i32
    %scan3A_65 = arith.addi %scan3A_63, %scan3A_64 : i32
    %scan3A_66 = arith.constant 1 : i32
    %scan3A_67 = scf.for %scan3A_90 = %scan3A_63 to %scan3A_65 step %scan3A_66 iter_args(%scan3A_91 = %scan3A_62) -> (i32)  : i32 {
      %mul3A_92 = arith.constant 80 : i32
      %mul3A_93 = arith.muli %scan3A_90, %mul3A_92 : i32
      %add3A = arith.addi %mul3A_0, %mul3A_93 : i32
      "tpu.region"() ({
        %run_scoped3A = tpu.sem_alloc : memref<!tpu.dma_semaphore, #tpu.memory_space<semaphore_mem>>
        %dma_start3A_95 = arith.constant 0 : i32
        %dma_start3A_96 = tpu.memref_slice %arg14[%add3A, %dma_start3A_95] : memref<10240x64xbf16, #tpu.memory_space<vmem_shared>> -> memref<80x64xbf16, #tpu.memory_space<vmem_shared>>
        %dma_start3A_97 = arith.constant 0 : i32
        %dma_start3A_98 = tpu.memref_slice %arg14[%add3A, %dma_start3A_97] : memref<10240x64xbf16, #tpu.memory_space<vmem_shared>> -> memref<80x64xbf16, #tpu.memory_space<vmem_shared>>
        tpu.enqueue_dma source(%arg8 : memref<80x64xbf16, #tpu.memory_space<vmem>>) target(%dma_start3A_98 : memref<80x64xbf16, #tpu.memory_space<vmem_shared>>) target_semaphore(%run_scoped3A : memref<!tpu.dma_semaphore, #tpu.memory_space<semaphore_mem>>)
        %dma_wait3A_99 = arith.constant 0 : i32
        %dma_wait3A_100 = tpu.memref_slice %arg14[%add3A, %dma_wait3A_99] : memref<10240x64xbf16, #tpu.memory_space<vmem_shared>> -> memref<80x64xbf16, #tpu.memory_space<vmem_shared>>
        %dma_wait3A_101 = arith.constant 0 : i32
        %dma_wait3A_102 = tpu.memref_slice %arg14[%add3A, %dma_wait3A_101] : memref<10240x64xbf16, #tpu.memory_space<vmem_shared>> -> memref<80x64xbf16, #tpu.memory_space<vmem_shared>>
        tpu.wait_dma2 semaphore(%run_scoped3A : memref<!tpu.dma_semaphore, #tpu.memory_space<semaphore_mem>>) src(%arg8 : memref<80x64xbf16, #tpu.memory_space<vmem>>) dst(%dma_wait3A_102 : memref<80x64xbf16, #tpu.memory_space<vmem_shared>>)
        tpu.yield
      }) : () -> ()
      %scan3A_94 = arith.constant 0 : i32
      scf.yield %scan3A_94 : i32
    }
    %scan3A_68 = arith.constant 8 : i32
    %barrier3A = arith.constant 0 : index
    tpu.barrier barrier_id(%barrier3A)
    %scan3A_69 = arith.constant 0 : i32
    %scan3A_70 = arith.constant 0 : i32
    %scan3A_71 = arith.constant 50 : i32
    %scan3A_72 = arith.addi %scan3A_70, %scan3A_71 : i32
    %scan3A_73 = arith.constant 1 : i32
    %scan3A_74 = scf.for %scan3A_90 = %scan3A_70 to %scan3A_72 step %scan3A_73 iter_args(%scan3A_91 = %scan3A_69) -> (i32)  : i32 {
      %mul3A_92 = arith.constant 5 : i32
      %mul3A_93 = arith.muli %scan3A_90, %mul3A_92 : i32
      %add3A = arith.constant 0 : i32
      %add3A_94 = arith.addi %mul3A_93, %add3A : i32
      %dma_wait3A_95 = arith.constant 0 : i32
      %dma_wait3A_96 = tpu.memref_slice %arg6[%add3A_94, %dma_wait3A_95] : memref<250x80xi32, #tpu.memory_space<vmem>> -> memref<1x80xi32, #tpu.memory_space<vmem>>
      %dma_wait3A_97 = tpu.memref_squeeze %dma_wait3A_96 : memref<1x80xi32, #tpu.memory_space<vmem>> -> memref<80xi32, #tpu.memory_space<vmem>>
      %dma_wait3A_98 = arith.constant 0 : i32
      %dma_wait3A_99 = arith.constant 0 : i32
      %dma_wait3A_100 = tpu.memref_slice %arg2[%arg0, %dma_wait3A_98, %dma_wait3A_99] : memref<2x10240x64xbf16, #tpu.memory_space<hbm>> -> memref<1x10240x64xbf16, #tpu.memory_space<hbm>>
      %dma_wait3A_101 = tpu.memref_squeeze %dma_wait3A_100 : memref<1x10240x64xbf16, #tpu.memory_space<hbm>> -> memref<10240x64xbf16, #tpu.memory_space<hbm>>
      %dma_wait3A_102 = arith.constant 0 : i32
      %dma_wait3A_103 = arith.constant 0 : i32
      %dma_wait3A_104 = tpu.memref_slice %dma_wait3A_101[%dma_wait3A_102, %dma_wait3A_103] : memref<10240x64xbf16, #tpu.memory_space<hbm>> -> memref<10240x64xbf16, #tpu.memory_space<hbm>>
      tpu.wait_indirect_dma semaphore(%arg15 : memref<!tpu.dma_semaphore, #tpu.memory_space<semaphore_mem>>) src(%dma_wait3A_104 : memref<10240x64xbf16, #tpu.memory_space<hbm>>) dst(%arg9 : memref<80x64xbf16, #tpu.memory_space<vmem>>)
      %dma_start3A_105 = arith.constant 0 : i32
      %dma_start3A_106 = tpu.memref_slice %arg7[%add3A_94, %dma_start3A_105] : memref<250x80xi32, #tpu.memory_space<vmem>> -> memref<1x80xi32, #tpu.memory_space<vmem>>
      %dma_start3A_107 = tpu.memref_squeeze %dma_start3A_106 : memref<1x80xi32, #tpu.memory_space<vmem>> -> memref<80xi32, #tpu.memory_space<vmem>>
      %dma_start3A_108 = arith.constant 0 : i32
      %dma_start3A_109 = arith.constant 0 : i32
      %dma_start3A_110 = tpu.memref_slice %arg14[%dma_start3A_108, %dma_start3A_109] : memref<10240x64xbf16, #tpu.memory_space<vmem_shared>> -> memref<10240x64xbf16, #tpu.memory_space<vmem_shared>>
      tpu.enqueue_indirect_dma source(%arg9 : memref<80x64xbf16, #tpu.memory_space<vmem>>) target(%dma_start3A_110 : memref<10240x64xbf16, #tpu.memory_space<vmem_shared>>) offsets(%dma_start3A_107 : memref<80xi32, #tpu.memory_space<vmem>>) semaphore(%arg20 : memref<!tpu.dma_semaphore, #tpu.memory_space<semaphore_mem>>) {add = true}
      %sub3A = arith.constant 2 : i32
      %sub3A_111 = arith.subi %add3A_94, %sub3A : i32
      %ge3A = arith.constant 0 : i32
      %ge3A_112 = arith.cmpi sge, %sub3A_111, %ge3A : i32
      %convert_element_type3A = arith.extui %ge3A_112 : i1 to i32
      %cond3A = arith.constant 0 : i32
      %cond3A_113 = arith.cmpi ne, %convert_element_type3A, %cond3A : i32
      scf.if %cond3A_113 {
        %dma_wait3A_215 = arith.constant 0 : i32
        %dma_wait3A_216 = tpu.memref_slice %arg7[%sub3A_111, %dma_wait3A_215] : memref<250x80xi32, #tpu.memory_space<vmem>> -> memref<1x80xi32, #tpu.memory_space<vmem>>
        %dma_wait3A_217 = tpu.memref_squeeze %dma_wait3A_216 : memref<1x80xi32, #tpu.memory_space<vmem>> -> memref<80xi32, #tpu.memory_space<vmem>>
        %dma_wait3A_218 = arith.constant 0 : i32
        %dma_wait3A_219 = arith.constant 0 : i32
        %dma_wait3A_220 = tpu.memref_slice %arg14[%dma_wait3A_218, %dma_wait3A_219] : memref<10240x64xbf16, #tpu.memory_space<vmem_shared>> -> memref<10240x64xbf16, #tpu.memory_space<vmem_shared>>
        tpu.wait_indirect_dma semaphore(%arg23 : memref<!tpu.dma_semaphore, #tpu.memory_space<semaphore_mem>>) src(%arg12 : memref<80x64xbf16, #tpu.memory_space<vmem>>) dst(%dma_wait3A_220 : memref<10240x64xbf16, #tpu.memory_space<vmem_shared>>)
        %add3A_221 = arith.constant 5 : i32
        %add3A_222 = arith.addi %sub3A_111, %add3A_221 : i32
        %lt3A = arith.constant 250 : i32
        %lt3A_223 = arith.cmpi slt, %add3A_222, %lt3A : i32
        %convert_element_type3A_224 = arith.extui %lt3A_223 : i1 to i32
        %cond3A_225 = arith.constant 0 : i32
        %cond3A_226 = arith.cmpi ne, %convert_element_type3A_224, %cond3A_225 : i32
        scf.if %cond3A_226 {
          %add3A_227 = arith.constant 5 : i32
          %add3A_228 = arith.addi %sub3A_111, %add3A_227 : i32
          %dma_start3A_229 = arith.constant 0 : i32
          %dma_start3A_230 = tpu.memref_slice %arg6[%add3A_228, %dma_start3A_229] : memref<250x80xi32, #tpu.memory_space<vmem>> -> memref<1x80xi32, #tpu.memory_space<vmem>>
          %dma_start3A_231 = tpu.memref_squeeze %dma_start3A_230 : memref<1x80xi32, #tpu.memory_space<vmem>> -> memref<80xi32, #tpu.memory_space<vmem>>
          %dma_start3A_232 = arith.constant 0 : i32
          %dma_start3A_233 = arith.constant 0 : i32
          %dma_start3A_234 = tpu.memref_slice %arg2[%arg0, %dma_start3A_232, %dma_start3A_233] : memref<2x10240x64xbf16, #tpu.memory_space<hbm>> -> memref<1x10240x64xbf16, #tpu.memory_space<hbm>>
          %dma_start3A_235 = tpu.memref_squeeze %dma_start3A_234 : memref<1x10240x64xbf16, #tpu.memory_space<hbm>> -> memref<10240x64xbf16, #tpu.memory_space<hbm>>
          %dma_start3A_236 = arith.constant 0 : i32
          %dma_start3A_237 = arith.constant 0 : i32
          %dma_start3A_238 = tpu.memref_slice %dma_start3A_235[%dma_start3A_236, %dma_start3A_237] : memref<10240x64xbf16, #tpu.memory_space<hbm>> -> memref<10240x64xbf16, #tpu.memory_space<hbm>>
          tpu.enqueue_indirect_dma source(%dma_start3A_238 : memref<10240x64xbf16, #tpu.memory_space<hbm>>) target(%arg12 : memref<80x64xbf16, #tpu.memory_space<vmem>>) offsets(%dma_start3A_231 : memref<80xi32, #tpu.memory_space<vmem>>) semaphore(%arg18 : memref<!tpu.dma_semaphore, #tpu.memory_space<semaphore_mem>>)
        } else {
        }
      } else {
      }
      %add3A_114 = arith.constant 1 : i32
      %add3A_115 = arith.addi %mul3A_93, %add3A_114 : i32
      %dma_wait3A_116 = arith.constant 0 : i32
      %dma_wait3A_117 = tpu.memref_slice %arg6[%add3A_115, %dma_wait3A_116] : memref<250x80xi32, #tpu.memory_space<vmem>> -> memref<1x80xi32, #tpu.memory_space<vmem>>
      %dma_wait3A_118 = tpu.memref_squeeze %dma_wait3A_117 : memref<1x80xi32, #tpu.memory_space<vmem>> -> memref<80xi32, #tpu.memory_space<vmem>>
      %dma_wait3A_119 = arith.constant 0 : i32
      %dma_wait3A_120 = arith.constant 0 : i32
      %dma_wait3A_121 = tpu.memref_slice %arg2[%arg0, %dma_wait3A_119, %dma_wait3A_120] : memref<2x10240x64xbf16, #tpu.memory_space<hbm>> -> memref<1x10240x64xbf16, #tpu.memory_space<hbm>>
      %dma_wait3A_122 = tpu.memref_squeeze %dma_wait3A_121 : memref<1x10240x64xbf16, #tpu.memory_space<hbm>> -> memref<10240x64xbf16, #tpu.memory_space<hbm>>
      %dma_wait3A_123 = arith.constant 0 : i32
      %dma_wait3A_124 = arith.constant 0 : i32
      %dma_wait3A_125 = tpu.memref_slice %dma_wait3A_122[%dma_wait3A_123, %dma_wait3A_124] : memref<10240x64xbf16, #tpu.memory_space<hbm>> -> memref<10240x64xbf16, #tpu.memory_space<hbm>>
      tpu.wait_indirect_dma semaphore(%arg16 : memref<!tpu.dma_semaphore, #tpu.memory_space<semaphore_mem>>) src(%dma_wait3A_125 : memref<10240x64xbf16, #tpu.memory_space<hbm>>) dst(%arg10 : memref<80x64xbf16, #tpu.memory_space<vmem>>)
      %dma_start3A_126 = arith.constant 0 : i32
      %dma_start3A_127 = tpu.memref_slice %arg7[%add3A_115, %dma_start3A_126] : memref<250x80xi32, #tpu.memory_space<vmem>> -> memref<1x80xi32, #tpu.memory_space<vmem>>
      %dma_start3A_128 = tpu.memref_squeeze %dma_start3A_127 : memref<1x80xi32, #tpu.memory_space<vmem>> -> memref<80xi32, #tpu.memory_space<vmem>>
      %dma_start3A_129 = arith.constant 0 : i32
      %dma_start3A_130 = arith.constant 0 : i32
      %dma_start3A_131 = tpu.memref_slice %arg14[%dma_start3A_129, %dma_start3A_130] : memref<10240x64xbf16, #tpu.memory_space<vmem_shared>> -> memref<10240x64xbf16, #tpu.memory_space<vmem_shared>>
      tpu.enqueue_indirect_dma source(%arg10 : memref<80x64xbf16, #tpu.memory_space<vmem>>) target(%dma_start3A_131 : memref<10240x64xbf16, #tpu.memory_space<vmem_shared>>) offsets(%dma_start3A_128 : memref<80xi32, #tpu.memory_space<vmem>>) semaphore(%arg21 : memref<!tpu.dma_semaphore, #tpu.memory_space<semaphore_mem>>) {add = true}
      %sub3A_132 = arith.constant 2 : i32
      %sub3A_133 = arith.subi %add3A_115, %sub3A_132 : i32
      %ge3A_134 = arith.constant 0 : i32
      %ge3A_135 = arith.cmpi sge, %sub3A_133, %ge3A_134 : i32
      %convert_element_type3A_136 = arith.extui %ge3A_135 : i1 to i32
      %cond3A_137 = arith.constant 0 : i32
      %cond3A_138 = arith.cmpi ne, %convert_element_type3A_136, %cond3A_137 : i32
      scf.if %cond3A_138 {
        %dma_wait3A_215 = arith.constant 0 : i32
        %dma_wait3A_216 = tpu.memref_slice %arg7[%sub3A_133, %dma_wait3A_215] : memref<250x80xi32, #tpu.memory_space<vmem>> -> memref<1x80xi32, #tpu.memory_space<vmem>>
        %dma_wait3A_217 = tpu.memref_squeeze %dma_wait3A_216 : memref<1x80xi32, #tpu.memory_space<vmem>> -> memref<80xi32, #tpu.memory_space<vmem>>
        %dma_wait3A_218 = arith.constant 0 : i32
        %dma_wait3A_219 = arith.constant 0 : i32
        %dma_wait3A_220 = tpu.memref_slice %arg14[%dma_wait3A_218, %dma_wait3A_219] : memref<10240x64xbf16, #tpu.memory_space<vmem_shared>> -> memref<10240x64xbf16, #tpu.memory_space<vmem_shared>>
        tpu.wait_indirect_dma semaphore(%arg24 : memref<!tpu.dma_semaphore, #tpu.memory_space<semaphore_mem>>) src(%arg13 : memref<80x64xbf16, #tpu.memory_space<vmem>>) dst(%dma_wait3A_220 : memref<10240x64xbf16, #tpu.memory_space<vmem_shared>>)
        %add3A_221 = arith.constant 5 : i32
        %add3A_222 = arith.addi %sub3A_133, %add3A_221 : i32
        %lt3A = arith.constant 250 : i32
        %lt3A_223 = arith.cmpi slt, %add3A_222, %lt3A : i32
        %convert_element_type3A_224 = arith.extui %lt3A_223 : i1 to i32
        %cond3A_225 = arith.constant 0 : i32
        %cond3A_226 = arith.cmpi ne, %convert_element_type3A_224, %cond3A_225 : i32
        scf.if %cond3A_226 {
          %add3A_227 = arith.constant 5 : i32
          %add3A_228 = arith.addi %sub3A_133, %add3A_227 : i32
          %dma_start3A_229 = arith.constant 0 : i32
          %dma_start3A_230 = tpu.memref_slice %arg6[%add3A_228, %dma_start3A_229] : memref<250x80xi32, #tpu.memory_space<vmem>> -> memref<1x80xi32, #tpu.memory_space<vmem>>
          %dma_start3A_231 = tpu.memref_squeeze %dma_start3A_230 : memref<1x80xi32, #tpu.memory_space<vmem>> -> memref<80xi32, #tpu.memory_space<vmem>>
          %dma_start3A_232 = arith.constant 0 : i32
          %dma_start3A_233 = arith.constant 0 : i32
          %dma_start3A_234 = tpu.memref_slice %arg2[%arg0, %dma_start3A_232, %dma_start3A_233] : memref<2x10240x64xbf16, #tpu.memory_space<hbm>> -> memref<1x10240x64xbf16, #tpu.memory_space<hbm>>
          %dma_start3A_235 = tpu.memref_squeeze %dma_start3A_234 : memref<1x10240x64xbf16, #tpu.memory_space<hbm>> -> memref<10240x64xbf16, #tpu.memory_space<hbm>>
          %dma_start3A_236 = arith.constant 0 : i32
          %dma_start3A_237 = arith.constant 0 : i32
          %dma_start3A_238 = tpu.memref_slice %dma_start3A_235[%dma_start3A_236, %dma_start3A_237] : memref<10240x64xbf16, #tpu.memory_space<hbm>> -> memref<10240x64xbf16, #tpu.memory_space<hbm>>
          tpu.enqueue_indirect_dma source(%dma_start3A_238 : memref<10240x64xbf16, #tpu.memory_space<hbm>>) target(%arg13 : memref<80x64xbf16, #tpu.memory_space<vmem>>) offsets(%dma_start3A_231 : memref<80xi32, #tpu.memory_space<vmem>>) semaphore(%arg19 : memref<!tpu.dma_semaphore, #tpu.memory_space<semaphore_mem>>)
        } else {
        }
      } else {
      }
      %add3A_139 = arith.constant 2 : i32
      %add3A_140 = arith.addi %mul3A_93, %add3A_139 : i32
      %dma_wait3A_141 = arith.constant 0 : i32
      %dma_wait3A_142 = tpu.memref_slice %arg6[%add3A_140, %dma_wait3A_141] : memref<250x80xi32, #tpu.memory_space<vmem>> -> memref<1x80xi32, #tpu.memory_space<vmem>>
      %dma_wait3A_143 = tpu.memref_squeeze %dma_wait3A_142 : memref<1x80xi32, #tpu.memory_space<vmem>> -> memref<80xi32, #tpu.memory_space<vmem>>
      %dma_wait3A_144 = arith.constant 0 : i32
      %dma_wait3A_145 = arith.constant 0 : i32
      %dma_wait3A_146 = tpu.memref_slice %arg2[%arg0, %dma_wait3A_144, %dma_wait3A_145] : memref<2x10240x64xbf16, #tpu.memory_space<hbm>> -> memref<1x10240x64xbf16, #tpu.memory_space<hbm>>
      %dma_wait3A_147 = tpu.memref_squeeze %dma_wait3A_146 : memref<1x10240x64xbf16, #tpu.memory_space<hbm>> -> memref<10240x64xbf16, #tpu.memory_space<hbm>>
      %dma_wait3A_148 = arith.constant 0 : i32
      %dma_wait3A_149 = arith.constant 0 : i32
      %dma_wait3A_150 = tpu.memref_slice %dma_wait3A_147[%dma_wait3A_148, %dma_wait3A_149] : memref<10240x64xbf16, #tpu.memory_space<hbm>> -> memref<10240x64xbf16, #tpu.memory_space<hbm>>
      tpu.wait_indirect_dma semaphore(%arg17 : memref<!tpu.dma_semaphore, #tpu.memory_space<semaphore_mem>>) src(%dma_wait3A_150 : memref<10240x64xbf16, #tpu.memory_space<hbm>>) dst(%arg11 : memref<80x64xbf16, #tpu.memory_space<vmem>>)
      %dma_start3A_151 = arith.constant 0 : i32
      %dma_start3A_152 = tpu.memref_slice %arg7[%add3A_140, %dma_start3A_151] : memref<250x80xi32, #tpu.memory_space<vmem>> -> memref<1x80xi32, #tpu.memory_space<vmem>>
      %dma_start3A_153 = tpu.memref_squeeze %dma_start3A_152 : memref<1x80xi32, #tpu.memory_space<vmem>> -> memref<80xi32, #tpu.memory_space<vmem>>
      %dma_start3A_154 = arith.constant 0 : i32
      %dma_start3A_155 = arith.constant 0 : i32
      %dma_start3A_156 = tpu.memref_slice %arg14[%dma_start3A_154, %dma_start3A_155] : memref<10240x64xbf16, #tpu.memory_space<vmem_shared>> -> memref<10240x64xbf16, #tpu.memory_space<vmem_shared>>
      tpu.enqueue_indirect_dma source(%arg11 : memref<80x64xbf16, #tpu.memory_space<vmem>>) target(%dma_start3A_156 : memref<10240x64xbf16, #tpu.memory_space<vmem_shared>>) offsets(%dma_start3A_153 : memref<80xi32, #tpu.memory_space<vmem>>) semaphore(%arg22 : memref<!tpu.dma_semaphore, #tpu.memory_space<semaphore_mem>>) {add = true}
      %sub3A_157 = arith.constant 2 : i32
      %sub3A_158 = arith.subi %add3A_140, %sub3A_157 : i32
      %ge3A_159 = arith.constant 0 : i32
      %ge3A_160 = arith.cmpi sge, %sub3A_158, %ge3A_159 : i32
      %convert_element_type3A_161 = arith.extui %ge3A_160 : i1 to i32
      %cond3A_162 = arith.constant 0 : i32
      %cond3A_163 = arith.cmpi ne, %convert_element_type3A_161, %cond3A_162 : i32
      scf.if %cond3A_163 {
        %dma_wait3A_215 = arith.constant 0 : i32
        %dma_wait3A_216 = tpu.memref_slice %arg7[%sub3A_158, %dma_wait3A_215] : memref<250x80xi32, #tpu.memory_space<vmem>> -> memref<1x80xi32, #tpu.memory_space<vmem>>
        %dma_wait3A_217 = tpu.memref_squeeze %dma_wait3A_216 : memref<1x80xi32, #tpu.memory_space<vmem>> -> memref<80xi32, #tpu.memory_space<vmem>>
        %dma_wait3A_218 = arith.constant 0 : i32
        %dma_wait3A_219 = arith.constant 0 : i32
        %dma_wait3A_220 = tpu.memref_slice %arg14[%dma_wait3A_218, %dma_wait3A_219] : memref<10240x64xbf16, #tpu.memory_space<vmem_shared>> -> memref<10240x64xbf16, #tpu.memory_space<vmem_shared>>
        tpu.wait_indirect_dma semaphore(%arg20 : memref<!tpu.dma_semaphore, #tpu.memory_space<semaphore_mem>>) src(%arg9 : memref<80x64xbf16, #tpu.memory_space<vmem>>) dst(%dma_wait3A_220 : memref<10240x64xbf16, #tpu.memory_space<vmem_shared>>)
        %add3A_221 = arith.constant 5 : i32
        %add3A_222 = arith.addi %sub3A_158, %add3A_221 : i32
        %lt3A = arith.constant 250 : i32
        %lt3A_223 = arith.cmpi slt, %add3A_222, %lt3A : i32
        %convert_element_type3A_224 = arith.extui %lt3A_223 : i1 to i32
        %cond3A_225 = arith.constant 0 : i32
        %cond3A_226 = arith.cmpi ne, %convert_element_type3A_224, %cond3A_225 : i32
        scf.if %cond3A_226 {
          %add3A_227 = arith.constant 5 : i32
          %add3A_228 = arith.addi %sub3A_158, %add3A_227 : i32
          %dma_start3A_229 = arith.constant 0 : i32
          %dma_start3A_230 = tpu.memref_slice %arg6[%add3A_228, %dma_start3A_229] : memref<250x80xi32, #tpu.memory_space<vmem>> -> memref<1x80xi32, #tpu.memory_space<vmem>>
          %dma_start3A_231 = tpu.memref_squeeze %dma_start3A_230 : memref<1x80xi32, #tpu.memory_space<vmem>> -> memref<80xi32, #tpu.memory_space<vmem>>
          %dma_start3A_232 = arith.constant 0 : i32
          %dma_start3A_233 = arith.constant 0 : i32
          %dma_start3A_234 = tpu.memref_slice %arg2[%arg0, %dma_start3A_232, %dma_start3A_233] : memref<2x10240x64xbf16, #tpu.memory_space<hbm>> -> memref<1x10240x64xbf16, #tpu.memory_space<hbm>>
          %dma_start3A_235 = tpu.memref_squeeze %dma_start3A_234 : memref<1x10240x64xbf16, #tpu.memory_space<hbm>> -> memref<10240x64xbf16, #tpu.memory_space<hbm>>
          %dma_start3A_236 = arith.constant 0 : i32
          %dma_start3A_237 = arith.constant 0 : i32
          %dma_start3A_238 = tpu.memref_slice %dma_start3A_235[%dma_start3A_236, %dma_start3A_237] : memref<10240x64xbf16, #tpu.memory_space<hbm>> -> memref<10240x64xbf16, #tpu.memory_space<hbm>>
          tpu.enqueue_indirect_dma source(%dma_start3A_238 : memref<10240x64xbf16, #tpu.memory_space<hbm>>) target(%arg9 : memref<80x64xbf16, #tpu.memory_space<vmem>>) offsets(%dma_start3A_231 : memref<80xi32, #tpu.memory_space<vmem>>) semaphore(%arg15 : memref<!tpu.dma_semaphore, #tpu.memory_space<semaphore_mem>>)
        } else {
        }
      } else {
      }
      %add3A_164 = arith.constant 3 : i32
      %add3A_165 = arith.addi %mul3A_93, %add3A_164 : i32
      %dma_wait3A_166 = arith.constant 0 : i32
      %dma_wait3A_167 = tpu.memref_slice %arg6[%add3A_165, %dma_wait3A_166] : memref<250x80xi32, #tpu.memory_space<vmem>> -> memref<1x80xi32, #tpu.memory_space<vmem>>
      %dma_wait3A_168 = tpu.memref_squeeze %dma_wait3A_167 : memref<1x80xi32, #tpu.memory_space<vmem>> -> memref<80xi32, #tpu.memory_space<vmem>>
      %dma_wait3A_169 = arith.constant 0 : i32
      %dma_wait3A_170 = arith.constant 0 : i32
      %dma_wait3A_171 = tpu.memref_slice %arg2[%arg0, %dma_wait3A_169, %dma_wait3A_170] : memref<2x10240x64xbf16, #tpu.memory_space<hbm>> -> memref<1x10240x64xbf16, #tpu.memory_space<hbm>>
      %dma_wait3A_172 = tpu.memref_squeeze %dma_wait3A_171 : memref<1x10240x64xbf16, #tpu.memory_space<hbm>> -> memref<10240x64xbf16, #tpu.memory_space<hbm>>
      %dma_wait3A_173 = arith.constant 0 : i32
      %dma_wait3A_174 = arith.constant 0 : i32
      %dma_wait3A_175 = tpu.memref_slice %dma_wait3A_172[%dma_wait3A_173, %dma_wait3A_174] : memref<10240x64xbf16, #tpu.memory_space<hbm>> -> memref<10240x64xbf16, #tpu.memory_space<hbm>>
      tpu.wait_indirect_dma semaphore(%arg18 : memref<!tpu.dma_semaphore, #tpu.memory_space<semaphore_mem>>) src(%dma_wait3A_175 : memref<10240x64xbf16, #tpu.memory_space<hbm>>) dst(%arg12 : memref<80x64xbf16, #tpu.memory_space<vmem>>)
      %dma_start3A_176 = arith.constant 0 : i32
      %dma_start3A_177 = tpu.memref_slice %arg7[%add3A_165, %dma_start3A_176] : memref<250x80xi32, #tpu.memory_space<vmem>> -> memref<1x80xi32, #tpu.memory_space<vmem>>
      %dma_start3A_178 = tpu.memref_squeeze %dma_start3A_177 : memref<1x80xi32, #tpu.memory_space<vmem>> -> memref<80xi32, #tpu.memory_space<vmem>>
      %dma_start3A_179 = arith.constant 0 : i32
      %dma_start3A_180 = arith.constant 0 : i32
      %dma_start3A_181 = tpu.memref_slice %arg14[%dma_start3A_179, %dma_start3A_180] : memref<10240x64xbf16, #tpu.memory_space<vmem_shared>> -> memref<10240x64xbf16, #tpu.memory_space<vmem_shared>>
      tpu.enqueue_indirect_dma source(%arg12 : memref<80x64xbf16, #tpu.memory_space<vmem>>) target(%dma_start3A_181 : memref<10240x64xbf16, #tpu.memory_space<vmem_shared>>) offsets(%dma_start3A_178 : memref<80xi32, #tpu.memory_space<vmem>>) semaphore(%arg23 : memref<!tpu.dma_semaphore, #tpu.memory_space<semaphore_mem>>) {add = true}
      %sub3A_182 = arith.constant 2 : i32
      %sub3A_183 = arith.subi %add3A_165, %sub3A_182 : i32
      %ge3A_184 = arith.constant 0 : i32
      %ge3A_185 = arith.cmpi sge, %sub3A_183, %ge3A_184 : i32
      %convert_element_type3A_186 = arith.extui %ge3A_185 : i1 to i32
      %cond3A_187 = arith.constant 0 : i32
      %cond3A_188 = arith.cmpi ne, %convert_element_type3A_186, %cond3A_187 : i32
      scf.if %cond3A_188 {
        %dma_wait3A_215 = arith.constant 0 : i32
        %dma_wait3A_216 = tpu.memref_slice %arg7[%sub3A_183, %dma_wait3A_215] : memref<250x80xi32, #tpu.memory_space<vmem>> -> memref<1x80xi32, #tpu.memory_space<vmem>>
        %dma_wait3A_217 = tpu.memref_squeeze %dma_wait3A_216 : memref<1x80xi32, #tpu.memory_space<vmem>> -> memref<80xi32, #tpu.memory_space<vmem>>
        %dma_wait3A_218 = arith.constant 0 : i32
        %dma_wait3A_219 = arith.constant 0 : i32
        %dma_wait3A_220 = tpu.memref_slice %arg14[%dma_wait3A_218, %dma_wait3A_219] : memref<10240x64xbf16, #tpu.memory_space<vmem_shared>> -> memref<10240x64xbf16, #tpu.memory_space<vmem_shared>>
        tpu.wait_indirect_dma semaphore(%arg21 : memref<!tpu.dma_semaphore, #tpu.memory_space<semaphore_mem>>) src(%arg10 : memref<80x64xbf16, #tpu.memory_space<vmem>>) dst(%dma_wait3A_220 : memref<10240x64xbf16, #tpu.memory_space<vmem_shared>>)
        %add3A_221 = arith.constant 5 : i32
        %add3A_222 = arith.addi %sub3A_183, %add3A_221 : i32
        %lt3A = arith.constant 250 : i32
        %lt3A_223 = arith.cmpi slt, %add3A_222, %lt3A : i32
        %convert_element_type3A_224 = arith.extui %lt3A_223 : i1 to i32
        %cond3A_225 = arith.constant 0 : i32
        %cond3A_226 = arith.cmpi ne, %convert_element_type3A_224, %cond3A_225 : i32
        scf.if %cond3A_226 {
          %add3A_227 = arith.constant 5 : i32
          %add3A_228 = arith.addi %sub3A_183, %add3A_227 : i32
          %dma_start3A_229 = arith.constant 0 : i32
          %dma_start3A_230 = tpu.memref_slice %arg6[%add3A_228, %dma_start3A_229] : memref<250x80xi32, #tpu.memory_space<vmem>> -> memref<1x80xi32, #tpu.memory_space<vmem>>
          %dma_start3A_231 = tpu.memref_squeeze %dma_start3A_230 : memref<1x80xi32, #tpu.memory_space<vmem>> -> memref<80xi32, #tpu.memory_space<vmem>>
          %dma_start3A_232 = arith.constant 0 : i32
          %dma_start3A_233 = arith.constant 0 : i32
          %dma_start3A_234 = tpu.memref_slice %arg2[%arg0, %dma_start3A_232, %dma_start3A_233] : memref<2x10240x64xbf16, #tpu.memory_space<hbm>> -> memref<1x10240x64xbf16, #tpu.memory_space<hbm>>
          %dma_start3A_235 = tpu.memref_squeeze %dma_start3A_234 : memref<1x10240x64xbf16, #tpu.memory_space<hbm>> -> memref<10240x64xbf16, #tpu.memory_space<hbm>>
          %dma_start3A_236 = arith.constant 0 : i32
          %dma_start3A_237 = arith.constant 0 : i32
          %dma_start3A_238 = tpu.memref_slice %dma_start3A_235[%dma_start3A_236, %dma_start3A_237] : memref<10240x64xbf16, #tpu.memory_space<hbm>> -> memref<10240x64xbf16, #tpu.memory_space<hbm>>
          tpu.enqueue_indirect_dma source(%dma_start3A_238 : memref<10240x64xbf16, #tpu.memory_space<hbm>>) target(%arg10 : memref<80x64xbf16, #tpu.memory_space<vmem>>) offsets(%dma_start3A_231 : memref<80xi32, #tpu.memory_space<vmem>>) semaphore(%arg16 : memref<!tpu.dma_semaphore, #tpu.memory_space<semaphore_mem>>)
        } else {
        }
      } else {
      }
      %add3A_189 = arith.constant 4 : i32
      %add3A_190 = arith.addi %mul3A_93, %add3A_189 : i32
      %dma_wait3A_191 = arith.constant 0 : i32
      %dma_wait3A_192 = tpu.memref_slice %arg6[%add3A_190, %dma_wait3A_191] : memref<250x80xi32, #tpu.memory_space<vmem>> -> memref<1x80xi32, #tpu.memory_space<vmem>>
      %dma_wait3A_193 = tpu.memref_squeeze %dma_wait3A_192 : memref<1x80xi32, #tpu.memory_space<vmem>> -> memref<80xi32, #tpu.memory_space<vmem>>
      %dma_wait3A_194 = arith.constant 0 : i32
      %dma_wait3A_195 = arith.constant 0 : i32
      %dma_wait3A_196 = tpu.memref_slice %arg2[%arg0, %dma_wait3A_194, %dma_wait3A_195] : memref<2x10240x64xbf16, #tpu.memory_space<hbm>> -> memref<1x10240x64xbf16, #tpu.memory_space<hbm>>
      %dma_wait3A_197 = tpu.memref_squeeze %dma_wait3A_196 : memref<1x10240x64xbf16, #tpu.memory_space<hbm>> -> memref<10240x64xbf16, #tpu.memory_space<hbm>>
      %dma_wait3A_198 = arith.constant 0 : i32
      %dma_wait3A_199 = arith.constant 0 : i32
      %dma_wait3A_200 = tpu.memref_slice %dma_wait3A_197[%dma_wait3A_198, %dma_wait3A_199] : memref<10240x64xbf16, #tpu.memory_space<hbm>> -> memref<10240x64xbf16, #tpu.memory_space<hbm>>
      tpu.wait_indirect_dma semaphore(%arg19 : memref<!tpu.dma_semaphore, #tpu.memory_space<semaphore_mem>>) src(%dma_wait3A_200 : memref<10240x64xbf16, #tpu.memory_space<hbm>>) dst(%arg13 : memref<80x64xbf16, #tpu.memory_space<vmem>>)
      %dma_start3A_201 = arith.constant 0 : i32
      %dma_start3A_202 = tpu.memref_slice %arg7[%add3A_190, %dma_start3A_201] : memref<250x80xi32, #tpu.memory_space<vmem>> -> memref<1x80xi32, #tpu.memory_space<vmem>>
      %dma_start3A_203 = tpu.memref_squeeze %dma_start3A_202 : memref<1x80xi32, #tpu.memory_space<vmem>> -> memref<80xi32, #tpu.memory_space<vmem>>
      %dma_start3A_204 = arith.constant 0 : i32
      %dma_start3A_205 = arith.constant 0 : i32
      %dma_start3A_206 = tpu.memref_slice %arg14[%dma_start3A_204, %dma_start3A_205] : memref<10240x64xbf16, #tpu.memory_space<vmem_shared>> -> memref<10240x64xbf16, #tpu.memory_space<vmem_shared>>
      tpu.enqueue_indirect_dma source(%arg13 : memref<80x64xbf16, #tpu.memory_space<vmem>>) target(%dma_start3A_206 : memref<10240x64xbf16, #tpu.memory_space<vmem_shared>>) offsets(%dma_start3A_203 : memref<80xi32, #tpu.memory_space<vmem>>) semaphore(%arg24 : memref<!tpu.dma_semaphore, #tpu.memory_space<semaphore_mem>>) {add = true}
      %sub3A_207 = arith.constant 2 : i32
      %sub3A_208 = arith.subi %add3A_190, %sub3A_207 : i32
      %ge3A_209 = arith.constant 0 : i32
      %ge3A_210 = arith.cmpi sge, %sub3A_208, %ge3A_209 : i32
      %convert_element_type3A_211 = arith.extui %ge3A_210 : i1 to i32
      %cond3A_212 = arith.constant 0 : i32
      %cond3A_213 = arith.cmpi ne, %convert_element_type3A_211, %cond3A_212 : i32
      scf.if %cond3A_213 {
        %dma_wait3A_215 = arith.constant 0 : i32
        %dma_wait3A_216 = tpu.memref_slice %arg7[%sub3A_208, %dma_wait3A_215] : memref<250x80xi32, #tpu.memory_space<vmem>> -> memref<1x80xi32, #tpu.memory_space<vmem>>
        %dma_wait3A_217 = tpu.memref_squeeze %dma_wait3A_216 : memref<1x80xi32, #tpu.memory_space<vmem>> -> memref<80xi32, #tpu.memory_space<vmem>>
        %dma_wait3A_218 = arith.constant 0 : i32
        %dma_wait3A_219 = arith.constant 0 : i32
        %dma_wait3A_220 = tpu.memref_slice %arg14[%dma_wait3A_218, %dma_wait3A_219] : memref<10240x64xbf16, #tpu.memory_space<vmem_shared>> -> memref<10240x64xbf16, #tpu.memory_space<vmem_shared>>
        tpu.wait_indirect_dma semaphore(%arg22 : memref<!tpu.dma_semaphore, #tpu.memory_space<semaphore_mem>>) src(%arg11 : memref<80x64xbf16, #tpu.memory_space<vmem>>) dst(%dma_wait3A_220 : memref<10240x64xbf16, #tpu.memory_space<vmem_shared>>)
        %add3A_221 = arith.constant 5 : i32
        %add3A_222 = arith.addi %sub3A_208, %add3A_221 : i32
        %lt3A = arith.constant 250 : i32
        %lt3A_223 = arith.cmpi slt, %add3A_222, %lt3A : i32
        %convert_element_type3A_224 = arith.extui %lt3A_223 : i1 to i32
        %cond3A_225 = arith.constant 0 : i32
        %cond3A_226 = arith.cmpi ne, %convert_element_type3A_224, %cond3A_225 : i32
        scf.if %cond3A_226 {
          %add3A_227 = arith.constant 5 : i32
          %add3A_228 = arith.addi %sub3A_208, %add3A_227 : i32
          %dma_start3A_229 = arith.constant 0 : i32
          %dma_start3A_230 = tpu.memref_slice %arg6[%add3A_228, %dma_start3A_229] : memref<250x80xi32, #tpu.memory_space<vmem>> -> memref<1x80xi32, #tpu.memory_space<vmem>>
          %dma_start3A_231 = tpu.memref_squeeze %dma_start3A_230 : memref<1x80xi32, #tpu.memory_space<vmem>> -> memref<80xi32, #tpu.memory_space<vmem>>
          %dma_start3A_232 = arith.constant 0 : i32
          %dma_start3A_233 = arith.constant 0 : i32
          %dma_start3A_234 = tpu.memref_slice %arg2[%arg0, %dma_start3A_232, %dma_start3A_233] : memref<2x10240x64xbf16, #tpu.memory_space<hbm>> -> memref<1x10240x64xbf16, #tpu.memory_space<hbm>>
          %dma_start3A_235 = tpu.memref_squeeze %dma_start3A_234 : memref<1x10240x64xbf16, #tpu.memory_space<hbm>> -> memref<10240x64xbf16, #tpu.memory_space<hbm>>
          %dma_start3A_236 = arith.constant 0 : i32
          %dma_start3A_237 = arith.constant 0 : i32
          %dma_start3A_238 = tpu.memref_slice %dma_start3A_235[%dma_start3A_236, %dma_start3A_237] : memref<10240x64xbf16, #tpu.memory_space<hbm>> -> memref<10240x64xbf16, #tpu.memory_space<hbm>>
          tpu.enqueue_indirect_dma source(%dma_start3A_238 : memref<10240x64xbf16, #tpu.memory_space<hbm>>) target(%arg11 : memref<80x64xbf16, #tpu.memory_space<vmem>>) offsets(%dma_start3A_231 : memref<80xi32, #tpu.memory_space<vmem>>) semaphore(%arg17 : memref<!tpu.dma_semaphore, #tpu.memory_space<semaphore_mem>>)
        } else {
        }
      } else {
      }
      %scan3A_214 = arith.constant 0 : i32
      scf.yield %scan3A_214 : i32
    }
    %scan3A_75 = arith.constant 50 : i32
    %dma_wait3A = arith.constant 248 : i32
    %dma_wait3A_76 = arith.constant 0 : i32
    %dma_wait3A_77 = tpu.memref_slice %arg7[%dma_wait3A, %dma_wait3A_76] : memref<250x80xi32, #tpu.memory_space<vmem>> -> memref<1x80xi32, #tpu.memory_space<vmem>>
    %dma_wait3A_78 = tpu.memref_squeeze %dma_wait3A_77 : memref<1x80xi32, #tpu.memory_space<vmem>> -> memref<80xi32, #tpu.memory_space<vmem>>
    %dma_wait3A_79 = arith.constant 0 : i32
    %dma_wait3A_80 = arith.constant 0 : i32
    %dma_wait3A_81 = tpu.memref_slice %arg14[%dma_wait3A_79, %dma_wait3A_80] : memref<10240x64xbf16, #tpu.memory_space<vmem_shared>> -> memref<10240x64xbf16, #tpu.memory_space<vmem_shared>>
    tpu.wait_indirect_dma semaphore(%arg23 : memref<!tpu.dma_semaphore, #tpu.memory_space<semaphore_mem>>) src(%arg12 : memref<80x64xbf16, #tpu.memory_space<vmem>>) dst(%dma_wait3A_81 : memref<10240x64xbf16, #tpu.memory_space<vmem_shared>>)
    %dma_wait3A_82 = arith.constant 249 : i32
    %dma_wait3A_83 = arith.constant 0 : i32
    %dma_wait3A_84 = tpu.memref_slice %arg7[%dma_wait3A_82, %dma_wait3A_83] : memref<250x80xi32, #tpu.memory_space<vmem>> -> memref<1x80xi32, #tpu.memory_space<vmem>>
    %dma_wait3A_85 = tpu.memref_squeeze %dma_wait3A_84 : memref<1x80xi32, #tpu.memory_space<vmem>> -> memref<80xi32, #tpu.memory_space<vmem>>
    %dma_wait3A_86 = arith.constant 0 : i32
    %dma_wait3A_87 = arith.constant 0 : i32
    %dma_wait3A_88 = tpu.memref_slice %arg14[%dma_wait3A_86, %dma_wait3A_87] : memref<10240x64xbf16, #tpu.memory_space<vmem_shared>> -> memref<10240x64xbf16, #tpu.memory_space<vmem_shared>>
    tpu.wait_indirect_dma semaphore(%arg24 : memref<!tpu.dma_semaphore, #tpu.memory_space<semaphore_mem>>) src(%arg13 : memref<80x64xbf16, #tpu.memory_space<vmem>>) dst(%dma_wait3A_88 : memref<10240x64xbf16, #tpu.memory_space<vmem_shared>>)
    %barrier3A_89 = arith.constant 0 : index
    tpu.barrier barrier_id(%barrier3A_89)
    "tpu.region"() ({
      %run_scoped3A = tpu.sem_alloc : memref<!tpu.dma_semaphore, #tpu.memory_space<semaphore_mem>>
      %dma_start3A_90 = arith.constant 0 : i32
      %dma_start3A_91 = tpu.memref_slice %arg5[%arg0, %mul3A_0, %dma_start3A_90] : memref<2x10240x64xbf16, #tpu.memory_space<hbm>> -> memref<1x640x64xbf16, #tpu.memory_space<hbm>>
      %dma_start3A_92 = tpu.memref_squeeze %dma_start3A_91 : memref<1x640x64xbf16, #tpu.memory_space<hbm>> -> memref<640x64xbf16, #tpu.memory_space<hbm>>
      %dma_start3A_93 = arith.constant 0 : i32
      %dma_start3A_94 = tpu.memref_slice %arg14[%mul3A_0, %dma_start3A_93] : memref<10240x64xbf16, #tpu.memory_space<vmem_shared>> -> memref<640x64xbf16, #tpu.memory_space<vmem_shared>>
      tpu.enqueue_dma source(%dma_start3A_94 : memref<640x64xbf16, #tpu.memory_space<vmem_shared>>) target(%dma_start3A_92 : memref<640x64xbf16, #tpu.memory_space<hbm>>) target_semaphore(%run_scoped3A : memref<!tpu.dma_semaphore, #tpu.memory_space<semaphore_mem>>)
      %dma_wait3A_95 = arith.constant 0 : i32
      %dma_wait3A_96 = tpu.memref_slice %arg5[%arg0, %mul3A_0, %dma_wait3A_95] : memref<2x10240x64xbf16, #tpu.memory_space<hbm>> -> memref<1x640x64xbf16, #tpu.memory_space<hbm>>
      %dma_wait3A_97 = tpu.memref_squeeze %dma_wait3A_96 : memref<1x640x64xbf16, #tpu.memory_space<hbm>> -> memref<640x64xbf16, #tpu.memory_space<hbm>>
      %dma_wait3A_98 = arith.constant 0 : i32
      %dma_wait3A_99 = tpu.memref_slice %arg14[%mul3A_0, %dma_wait3A_98] : memref<10240x64xbf16, #tpu.memory_space<vmem_shared>> -> memref<640x64xbf16, #tpu.memory_space<vmem_shared>>
      tpu.wait_dma2 semaphore(%run_scoped3A : memref<!tpu.dma_semaphore, #tpu.memory_space<semaphore_mem>>) src(%dma_wait3A_99 : memref<640x64xbf16, #tpu.memory_space<vmem_shared>>) dst(%dma_wait3A_97 : memref<640x64xbf16, #tpu.memory_space<hbm>>)
      tpu.yield
    }) : () -> ()
    return
  }
}

#map = affine_map<(d0, d1) -> (0, 0, 0)>
module attributes {stable_mosaic.version = 14 : i64} {
  func.func @_sc_segsum(%arg0: i32, %arg1: i32, %arg2: memref<2x10240x64xbf16, #tpu.memory_space<hbm>>, %arg3: memref<16x250x80xi32, #tpu.memory_space<hbm>>, %arg4: memref<16x250x80xi32, #tpu.memory_space<hbm>>, %arg5: memref<2x10240x64xbf16, #tpu.memory_space<hbm>>, %arg6: memref<250x80xi32, #tpu.memory_space<vmem>>, %arg7: memref<250x80xi32, #tpu.memory_space<vmem>>, %arg8: memref<80x64xbf16, #tpu.memory_space<vmem>>, %arg9: memref<80x64xbf16, #tpu.memory_space<vmem>>, %arg10: memref<80x64xbf16, #tpu.memory_space<vmem>>, %arg11: memref<80x64xbf16, #tpu.memory_space<vmem>>, %arg12: memref<80x64xbf16, #tpu.memory_space<vmem>>, %arg13: memref<80x64xbf16, #tpu.memory_space<vmem>>, %arg14: memref<10240x64xbf16, #tpu.memory_space<vmem_shared>>, %arg15: memref<!tpu.dma_semaphore, #tpu.memory_space<semaphore_mem>>, %arg16: memref<!tpu.dma_semaphore, #tpu.memory_space<semaphore_mem>>, %arg17: memref<!tpu.dma_semaphore, #tpu.memory_space<semaphore_mem>>, %arg18: memref<!tpu.dma_semaphore, #tpu.memory_space<semaphore_mem>>, %arg19: memref<!tpu.dma_semaphore, #tpu.memory_space<semaphore_mem>>, %arg20: memref<!tpu.dma_semaphore, #tpu.memory_space<semaphore_mem>>, %arg21: memref<!tpu.dma_semaphore, #tpu.memory_space<semaphore_mem>>, %arg22: memref<!tpu.dma_semaphore, #tpu.memory_space<semaphore_mem>>, %arg23: memref<!tpu.dma_semaphore, #tpu.memory_space<semaphore_mem>>, %arg24: memref<!tpu.dma_semaphore, #tpu.memory_space<semaphore_mem>>) attributes {dimension_semantics = [#tpu.dimension_semantics<core_parallel>, #tpu.dimension_semantics<subcore_parallel>], iteration_bounds = array<i64: 2, 16>, scalar_prefetch = 0 : i64, scratch_operands = 19 : i64, tpu.core_type = #tpu.core_type<sc_vector_subcore>, window_params = [{transform_indices = #map}, {transform_indices = #map}, {transform_indices = #map}, {transform_indices = #map}]} {
    %mul3A = arith.constant 640 : i32
    %mul3A_0 = arith.muli %arg1, %mul3A : i32
    %broadcast_in_dim3A = arith.constant 0.000000e+00 : bf16
    %broadcast_in_dim3A_1 = vector.broadcast %broadcast_in_dim3A : bf16 to vector<32xbf16>
    %scan3A = arith.constant 0 : i32
    %scan3A_2 = arith.constant 0 : i32
    %scan3A_3 = arith.constant 160 : i32
    %scan3A_4 = arith.addi %scan3A_2, %scan3A_3 : i32
    %scan3A_5 = arith.constant 1 : i32
    %scan3A_6 = scf.for %scan3A_90 = %scan3A_2 to %scan3A_4 step %scan3A_5 iter_args(%scan3A_91 = %scan3A) -> (i32)  : i32 {
      %jit3A = arith.constant 2 : i32
      %div3A = arith.divsi %scan3A_90, %jit3A : i32
      %sign3A = arith.constant 0 : i32
      %sign3A_92 = arith.cmpi sgt, %scan3A_90, %sign3A : i32
      %sign3A_93 = arith.extui %sign3A_92 : i1 to i32
      %sign3A_94 = arith.constant 0 : i32
      %sign3A_95 = arith.cmpi slt, %scan3A_90, %sign3A_94 : i32
      %sign3A_96 = arith.extui %sign3A_95 : i1 to i32
      %sign3A_97 = arith.subi %sign3A_93, %sign3A_96 : i32
      %sign3A_98 = arith.constant 0 : i32
      %sign3A_99 = arith.cmpi sgt, %jit3A, %sign3A_98 : i32
      %sign3A_100 = arith.extui %sign3A_99 : i1 to i32
      %sign3A_101 = arith.constant 0 : i32
      %sign3A_102 = arith.cmpi slt, %jit3A, %sign3A_101 : i32
      %sign3A_103 = arith.extui %sign3A_102 : i1 to i32
      %sign3A_104 = arith.subi %sign3A_100, %sign3A_103 : i32
      %ne3A = arith.cmpi ne, %sign3A_97, %sign3A_104 : i32
      %rem3A = arith.remsi %scan3A_90, %jit3A : i32
      %ne3A_105 = arith.constant 0 : i32
      %ne3A_106 = arith.cmpi ne, %rem3A, %ne3A_105 : i32
      %and3A = arith.andi %ne3A, %ne3A_106 : i1
      %sub3A = arith.constant 1 : i32
      %sub3A_107 = arith.subi %div3A, %sub3A : i32
      %select_n3A = arith.select %and3A, %sub3A_107, %div3A : i32
      %jit3A_108 = arith.constant 2 : i32
      %eq3A = arith.constant 0 : i32
      %eq3A_109 = arith.cmpi eq, %jit3A_108, %eq3A : i32
      %jit3A_110 = arith.constant 1 : i32
      %select_n3A_111 = arith.select %eq3A_109, %jit3A_110, %jit3A_108 : i32
      %rem3A_112 = arith.remsi %scan3A_90, %select_n3A_111 : i32
      %ne3A_113 = arith.constant 0 : i32
      %ne3A_114 = arith.cmpi ne, %rem3A_112, %ne3A_113 : i32
      %lt3A = arith.constant 0 : i32
      %lt3A_115 = arith.cmpi slt, %rem3A_112, %lt3A : i32
      %lt3A_116 = arith.constant 0 : i32
      %lt3A_117 = arith.cmpi slt, %select_n3A_111, %lt3A_116 : i32
      %ne3A_118 = arith.xori %lt3A_115, %lt3A_117 : i1
      %and3A_119 = arith.andi %ne3A_118, %ne3A_114 : i1
      %add3A = arith.addi %rem3A_112, %select_n3A_111 : i32
      %select_n3A_120 = arith.select %and3A_119, %add3A, %rem3A_112 : i32
      %mul3A_121 = arith.constant 32 : i32
      %mul3A_122 = arith.muli %select_n3A_120, %mul3A_121 : i32
      %swap3A = arith.index_cast %select_n3A : i32 to index
      %swap3A_123 = arith.index_cast %mul3A_122 : i32 to index
      %swap3A_124 = tpu.vector_load %arg8[%swap3A, %swap3A_123] {strides = array<i32>} : memref<80x64xbf16, #tpu.memory_space<vmem>>, vector<1x32xbf16>,
      %swap3A_125 = vector.shape_cast %swap3A_124 : vector<1x32xbf16> to vector<32xbf16>
      %swap3A_126 = vector.shape_cast %broadcast_in_dim3A_1 : vector<32xbf16> to vector<1x32xbf16>
      tpu.vector_store %arg8[%swap3A, %swap3A_123], %swap3A_126 {strides = array<i32>} : memref<80x64xbf16, #tpu.memory_space<vmem>>, vector<1x32xbf16>,
      %scan3A_127 = arith.constant 0 : i32
      scf.yield %scan3A_127 : i32
    }
    %scan3A_7 = arith.constant 160 : i32
    "tpu.region"() ({
      %run_scoped3A = tpu.sem_alloc : memref<!tpu.dma_semaphore, #tpu.memory_space<semaphore_mem>>
      %dma_start3A_90 = arith.constant 0 : i32
      %dma_start3A_91 = arith.constant 0 : i32
      %dma_start3A_92 = tpu.memref_slice %arg3[%arg1, %dma_start3A_90, %dma_start3A_91] : memref<16x250x80xi32, #tpu.memory_space<hbm>> -> memref<1x250x80xi32, #tpu.memory_space<hbm>>
      %dma_start3A_93 = tpu.memref_squeeze %dma_start3A_92 : memref<1x250x80xi32, #tpu.memory_space<hbm>> -> memref<250x80xi32, #tpu.memory_space<hbm>>
      %dma_start3A_94 = arith.constant 0 : i32
      %dma_start3A_95 = arith.constant 0 : i32
      %dma_start3A_96 = tpu.memref_slice %arg3[%arg1, %dma_start3A_94, %dma_start3A_95] : memref<16x250x80xi32, #tpu.memory_space<hbm>> -> memref<1x250x80xi32, #tpu.memory_space<hbm>>
      %dma_start3A_97 = tpu.memref_squeeze %dma_start3A_96 : memref<1x250x80xi32, #tpu.memory_space<hbm>> -> memref<250x80xi32, #tpu.memory_space<hbm>>
      tpu.enqueue_dma source(%dma_start3A_97 : memref<250x80xi32, #tpu.memory_space<hbm>>) target(%arg6 : memref<250x80xi32, #tpu.memory_space<vmem>>) target_semaphore(%run_scoped3A : memref<!tpu.dma_semaphore, #tpu.memory_space<semaphore_mem>>)
      %dma_wait3A_98 = arith.constant 0 : i32
      %dma_wait3A_99 = arith.constant 0 : i32
      %dma_wait3A_100 = tpu.memref_slice %arg3[%arg1, %dma_wait3A_98, %dma_wait3A_99] : memref<16x250x80xi32, #tpu.memory_space<hbm>> -> memref<1x250x80xi32, #tpu.memory_space<hbm>>
      %dma_wait3A_101 = tpu.memref_squeeze %dma_wait3A_100 : memref<1x250x80xi32, #tpu.memory_space<hbm>> -> memref<250x80xi32, #tpu.memory_space<hbm>>
      %dma_wait3A_102 = arith.constant 0 : i32
      %dma_wait3A_103 = arith.constant 0 : i32
      %dma_wait3A_104 = tpu.memref_slice %arg3[%arg1, %dma_wait3A_102, %dma_wait3A_103] : memref<16x250x80xi32, #tpu.memory_space<hbm>> -> memref<1x250x80xi32, #tpu.memory_space<hbm>>
      %dma_wait3A_105 = tpu.memref_squeeze %dma_wait3A_104 : memref<1x250x80xi32, #tpu.memory_space<hbm>> -> memref<250x80xi32, #tpu.memory_space<hbm>>
      tpu.wait_dma2 semaphore(%run_scoped3A : memref<!tpu.dma_semaphore, #tpu.memory_space<semaphore_mem>>) src(%dma_wait3A_105 : memref<250x80xi32, #tpu.memory_space<hbm>>) dst(%arg6 : memref<250x80xi32, #tpu.memory_space<vmem>>)
      tpu.yield
    }) : () -> ()
    "tpu.region"() ({
      %run_scoped3A = tpu.sem_alloc : memref<!tpu.dma_semaphore, #tpu.memory_space<semaphore_mem>>
      %dma_start3A_90 = arith.constant 0 : i32
      %dma_start3A_91 = arith.constant 0 : i32
      %dma_start3A_92 = tpu.memref_slice %arg4[%arg1, %dma_start3A_90, %dma_start3A_91] : memref<16x250x80xi32, #tpu.memory_space<hbm>> -> memref<1x250x80xi32, #tpu.memory_space<hbm>>
      %dma_start3A_93 = tpu.memref_squeeze %dma_start3A_92 : memref<1x250x80xi32, #tpu.memory_space<hbm>> -> memref<250x80xi32, #tpu.memory_space<hbm>>
      %dma_start3A_94 = arith.constant 0 : i32
      %dma_start3A_95 = arith.constant 0 : i32
      %dma_start3A_96 = tpu.memref_slice %arg4[%arg1, %dma_start3A_94, %dma_start3A_95] : memref<16x250x80xi32, #tpu.memory_space<hbm>> -> memref<1x250x80xi32, #tpu.memory_space<hbm>>
      %dma_start3A_97 = tpu.memref_squeeze %dma_start3A_96 : memref<1x250x80xi32, #tpu.memory_space<hbm>> -> memref<250x80xi32, #tpu.memory_space<hbm>>
      tpu.enqueue_dma source(%dma_start3A_97 : memref<250x80xi32, #tpu.memory_space<hbm>>) target(%arg7 : memref<250x80xi32, #tpu.memory_space<vmem>>) target_semaphore(%run_scoped3A : memref<!tpu.dma_semaphore, #tpu.memory_space<semaphore_mem>>)
      %dma_wait3A_98 = arith.constant 0 : i32
      %dma_wait3A_99 = arith.constant 0 : i32
      %dma_wait3A_100 = tpu.memref_slice %arg4[%arg1, %dma_wait3A_98, %dma_wait3A_99] : memref<16x250x80xi32, #tpu.memory_space<hbm>> -> memref<1x250x80xi32, #tpu.memory_space<hbm>>
      %dma_wait3A_101 = tpu.memref_squeeze %dma_wait3A_100 : memref<1x250x80xi32, #tpu.memory_space<hbm>> -> memref<250x80xi32, #tpu.memory_space<hbm>>
      %dma_wait3A_102 = arith.constant 0 : i32
      %dma_wait3A_103 = arith.constant 0 : i32
      %dma_wait3A_104 = tpu.memref_slice %arg4[%arg1, %dma_wait3A_102, %dma_wait3A_103] : memref<16x250x80xi32, #tpu.memory_space<hbm>> -> memref<1x250x80xi32, #tpu.memory_space<hbm>>
      %dma_wait3A_105 = tpu.memref_squeeze %dma_wait3A_104 : memref<1x250x80xi32, #tpu.memory_space<hbm>> -> memref<250x80xi32, #tpu.memory_space<hbm>>
      tpu.wait_dma2 semaphore(%run_scoped3A : memref<!tpu.dma_semaphore, #tpu.memory_space<semaphore_mem>>) src(%dma_wait3A_105 : memref<250x80xi32, #tpu.memory_space<hbm>>) dst(%arg7 : memref<250x80xi32, #tpu.memory_space<vmem>>)
      tpu.yield
    }) : () -> ()
    %dma_start3A = arith.constant 0 : i32
    %dma_start3A_8 = arith.constant 0 : i32
    %dma_start3A_9 = tpu.memref_slice %arg6[%dma_start3A, %dma_start3A_8] : memref<250x80xi32, #tpu.memory_space<vmem>> -> memref<1x80xi32, #tpu.memory_space<vmem>>
    %dma_start3A_10 = tpu.memref_squeeze %dma_start3A_9 : memref<1x80xi32, #tpu.memory_space<vmem>> -> memref<80xi32, #tpu.memory_space<vmem>>
    %dma_start3A_11 = arith.constant 0 : i32
    %dma_start3A_12 = arith.constant 0 : i32
    %dma_start3A_13 = tpu.memref_slice %arg2[%arg0, %dma_start3A_11, %dma_start3A_12] : memref<2x10240x64xbf16, #tpu.memory_space<hbm>> -> memref<1x10240x64xbf16, #tpu.memory_space<hbm>>
    %dma_start3A_14 = tpu.memref_squeeze %dma_start3A_13 : memref<1x10240x64xbf16, #tpu.memory_space<hbm>> -> memref<10240x64xbf16, #tpu.memory_space<hbm>>
    %dma_start3A_15 = arith.constant 0 : i32
    %dma_start3A_16 = arith.constant 0 : i32
    %dma_start3A_17 = tpu.memref_slice %dma_start3A_14[%dma_start3A_15, %dma_start3A_16] : memref<10240x64xbf16, #tpu.memory_space<hbm>> -> memref<10240x64xbf16, #tpu.memory_space<hbm>>
    tpu.enqueue_indirect_dma source(%dma_start3A_17 : memref<10240x64xbf16, #tpu.memory_space<hbm>>) target(%arg9 : memref<80x64xbf16, #tpu.memory_space<vmem>>) offsets(%dma_start3A_10 : memref<80xi32, #tpu.memory_space<vmem>>) semaphore(%arg15 : memref<!tpu.dma_semaphore, #tpu.memory_space<semaphore_mem>>)
    %dma_start3A_18 = arith.constant 1 : i32
    %dma_start3A_19 = arith.constant 0 : i32
    %dma_start3A_20 = tpu.memref_slice %arg6[%dma_start3A_18, %dma_start3A_19] : memref<250x80xi32, #tpu.memory_space<vmem>> -> memref<1x80xi32, #tpu.memory_space<vmem>>
    %dma_start3A_21 = tpu.memref_squeeze %dma_start3A_20 : memref<1x80xi32, #tpu.memory_space<vmem>> -> memref<80xi32, #tpu.memory_space<vmem>>
    %dma_start3A_22 = arith.constant 0 : i32
    %dma_start3A_23 = arith.constant 0 : i32
    %dma_start3A_24 = tpu.memref_slice %arg2[%arg0, %dma_start3A_22, %dma_start3A_23] : memref<2x10240x64xbf16, #tpu.memory_space<hbm>> -> memref<1x10240x64xbf16, #tpu.memory_space<hbm>>
    %dma_start3A_25 = tpu.memref_squeeze %dma_start3A_24 : memref<1x10240x64xbf16, #tpu.memory_space<hbm>> -> memref<10240x64xbf16, #tpu.memory_space<hbm>>
    %dma_start3A_26 = arith.constant 0 : i32
    %dma_start3A_27 = arith.constant 0 : i32
    %dma_start3A_28 = tpu.memref_slice %dma_start3A_25[%dma_start3A_26, %dma_start3A_27] : memref<10240x64xbf16, #tpu.memory_space<hbm>> -> memref<10240x64xbf16, #tpu.memory_space<hbm>>
    tpu.enqueue_indirect_dma source(%dma_start3A_28 : memref<10240x64xbf16, #tpu.memory_space<hbm>>) target(%arg10 : memref<80x64xbf16, #tpu.memory_space<vmem>>) offsets(%dma_start3A_21 : memref<80xi32, #tpu.memory_space<vmem>>) semaphore(%arg16 : memref<!tpu.dma_semaphore, #tpu.memory_space<semaphore_mem>>)
    %dma_start3A_29 = arith.constant 2 : i32
    %dma_start3A_30 = arith.constant 0 : i32
    %dma_start3A_31 = tpu.memref_slice %arg6[%dma_start3A_29, %dma_start3A_30] : memref<250x80xi32, #tpu.memory_space<vmem>> -> memref<1x80xi32, #tpu.memory_space<vmem>>
    %dma_start3A_32 = tpu.memref_squeeze %dma_start3A_31 : memref<1x80xi32, #tpu.memory_space<vmem>> -> memref<80xi32, #tpu.memory_space<vmem>>
    %dma_start3A_33 = arith.constant 0 : i32
    %dma_start3A_34 = arith.constant 0 : i32
    %dma_start3A_35 = tpu.memref_slice %arg2[%arg0, %dma_start3A_33, %dma_start3A_34] : memref<2x10240x64xbf16, #tpu.memory_space<hbm>> -> memref<1x10240x64xbf16, #tpu.memory_space<hbm>>
    %dma_start3A_36 = tpu.memref_squeeze %dma_start3A_35 : memref<1x10240x64xbf16, #tpu.memory_space<hbm>> -> memref<10240x64xbf16, #tpu.memory_space<hbm>>
    %dma_start3A_37 = arith.constant 0 : i32
    %dma_start3A_38 = arith.constant 0 : i32
    %dma_start3A_39 = tpu.memref_slice %dma_start3A_36[%dma_start3A_37, %dma_start3A_38] : memref<10240x64xbf16, #tpu.memory_space<hbm>> -> memref<10240x64xbf16, #tpu.memory_space<hbm>>
    tpu.enqueue_indirect_dma source(%dma_start3A_39 : memref<10240x64xbf16, #tpu.memory_space<hbm>>) target(%arg11 : memref<80x64xbf16, #tpu.memory_space<vmem>>) offsets(%dma_start3A_32 : memref<80xi32, #tpu.memory_space<vmem>>) semaphore(%arg17 : memref<!tpu.dma_semaphore, #tpu.memory_space<semaphore_mem>>)
    %dma_start3A_40 = arith.constant 3 : i32
    %dma_start3A_41 = arith.constant 0 : i32
    %dma_start3A_42 = tpu.memref_slice %arg6[%dma_start3A_40, %dma_start3A_41] : memref<250x80xi32, #tpu.memory_space<vmem>> -> memref<1x80xi32, #tpu.memory_space<vmem>>
    %dma_start3A_43 = tpu.memref_squeeze %dma_start3A_42 : memref<1x80xi32, #tpu.memory_space<vmem>> -> memref<80xi32, #tpu.memory_space<vmem>>
    %dma_start3A_44 = arith.constant 0 : i32
    %dma_start3A_45 = arith.constant 0 : i32
    %dma_start3A_46 = tpu.memref_slice %arg2[%arg0, %dma_start3A_44, %dma_start3A_45] : memref<2x10240x64xbf16, #tpu.memory_space<hbm>> -> memref<1x10240x64xbf16, #tpu.memory_space<hbm>>
    %dma_start3A_47 = tpu.memref_squeeze %dma_start3A_46 : memref<1x10240x64xbf16, #tpu.memory_space<hbm>> -> memref<10240x64xbf16, #tpu.memory_space<hbm>>
    %dma_start3A_48 = arith.constant 0 : i32
    %dma_start3A_49 = arith.constant 0 : i32
    %dma_start3A_50 = tpu.memref_slice %dma_start3A_47[%dma_start3A_48, %dma_start3A_49] : memref<10240x64xbf16, #tpu.memory_space<hbm>> -> memref<10240x64xbf16, #tpu.memory_space<hbm>>
    tpu.enqueue_indirect_dma source(%dma_start3A_50 : memref<10240x64xbf16, #tpu.memory_space<hbm>>) target(%arg12 : memref<80x64xbf16, #tpu.memory_space<vmem>>) offsets(%dma_start3A_43 : memref<80xi32, #tpu.memory_space<vmem>>) semaphore(%arg18 : memref<!tpu.dma_semaphore, #tpu.memory_space<semaphore_mem>>)
    %dma_start3A_51 = arith.constant 4 : i32
    %dma_start3A_52 = arith.constant 0 : i32
    %dma_start3A_53 = tpu.memref_slice %arg6[%dma_start3A_51, %dma_start3A_52] : memref<250x80xi32, #tpu.memory_space<vmem>> -> memref<1x80xi32, #tpu.memory_space<vmem>>
    %dma_start3A_54 = tpu.memref_squeeze %dma_start3A_53 : memref<1x80xi32, #tpu.memory_space<vmem>> -> memref<80xi32, #tpu.memory_space<vmem>>
    %dma_start3A_55 = arith.constant 0 : i32
    %dma_start3A_56 = arith.constant 0 : i32
    %dma_start3A_57 = tpu.memref_slice %arg2[%arg0, %dma_start3A_55, %dma_start3A_56] : memref<2x10240x64xbf16, #tpu.memory_space<hbm>> -> memref<1x10240x64xbf16, #tpu.memory_space<hbm>>
    %dma_start3A_58 = tpu.memref_squeeze %dma_start3A_57 : memref<1x10240x64xbf16, #tpu.memory_space<hbm>> -> memref<10240x64xbf16, #tpu.memory_space<hbm>>
    %dma_start3A_59 = arith.constant 0 : i32
    %dma_start3A_60 = arith.constant 0 : i32
    %dma_start3A_61 = tpu.memref_slice %dma_start3A_58[%dma_start3A_59, %dma_start3A_60] : memref<10240x64xbf16, #tpu.memory_space<hbm>> -> memref<10240x64xbf16, #tpu.memory_space<hbm>>
    tpu.enqueue_indirect_dma source(%dma_start3A_61 : memref<10240x64xbf16, #tpu.memory_space<hbm>>) target(%arg13 : memref<80x64xbf16, #tpu.memory_space<vmem>>) offsets(%dma_start3A_54 : memref<80xi32, #tpu.memory_space<vmem>>) semaphore(%arg19 : memref<!tpu.dma_semaphore, #tpu.memory_space<semaphore_mem>>)
    %scan3A_62 = arith.constant 0 : i32
    %scan3A_63 = arith.constant 0 : i32
    %scan3A_64 = arith.constant 8 : i32
    %scan3A_65 = arith.addi %scan3A_63, %scan3A_64 : i32
    %scan3A_66 = arith.constant 1 : i32
    %scan3A_67 = scf.for %scan3A_90 = %scan3A_63 to %scan3A_65 step %scan3A_66 iter_args(%scan3A_91 = %scan3A_62) -> (i32)  : i32 {
      %mul3A_92 = arith.constant 80 : i32
      %mul3A_93 = arith.muli %scan3A_90, %mul3A_92 : i32
      %add3A = arith.addi %mul3A_0, %mul3A_93 : i32
      "tpu.region"() ({
        %run_scoped3A = tpu.sem_alloc : memref<!tpu.dma_semaphore, #tpu.memory_space<semaphore_mem>>
        %dma_start3A_95 = arith.constant 0 : i32
        %dma_start3A_96 = tpu.memref_slice %arg14[%add3A, %dma_start3A_95] : memref<10240x64xbf16, #tpu.memory_space<vmem_shared>> -> memref<80x64xbf16, #tpu.memory_space<vmem_shared>>
        %dma_start3A_97 = arith.constant 0 : i32
        %dma_start3A_98 = tpu.memref_slice %arg14[%add3A, %dma_start3A_97] : memref<10240x64xbf16, #tpu.memory_space<vmem_shared>> -> memref<80x64xbf16, #tpu.memory_space<vmem_shared>>
        tpu.enqueue_dma source(%arg8 : memref<80x64xbf16, #tpu.memory_space<vmem>>) target(%dma_start3A_98 : memref<80x64xbf16, #tpu.memory_space<vmem_shared>>) target_semaphore(%run_scoped3A : memref<!tpu.dma_semaphore, #tpu.memory_space<semaphore_mem>>)
        %dma_wait3A_99 = arith.constant 0 : i32
        %dma_wait3A_100 = tpu.memref_slice %arg14[%add3A, %dma_wait3A_99] : memref<10240x64xbf16, #tpu.memory_space<vmem_shared>> -> memref<80x64xbf16, #tpu.memory_space<vmem_shared>>
        %dma_wait3A_101 = arith.constant 0 : i32
        %dma_wait3A_102 = tpu.memref_slice %arg14[%add3A, %dma_wait3A_101] : memref<10240x64xbf16, #tpu.memory_space<vmem_shared>> -> memref<80x64xbf16, #tpu.memory_space<vmem_shared>>
        tpu.wait_dma2 semaphore(%run_scoped3A : memref<!tpu.dma_semaphore, #tpu.memory_space<semaphore_mem>>) src(%arg8 : memref<80x64xbf16, #tpu.memory_space<vmem>>) dst(%dma_wait3A_102 : memref<80x64xbf16, #tpu.memory_space<vmem_shared>>)
        tpu.yield
      }) : () -> ()
      %scan3A_94 = arith.constant 0 : i32
      scf.yield %scan3A_94 : i32
    }
    %scan3A_68 = arith.constant 8 : i32
    %barrier3A = arith.constant 0 : index
    tpu.barrier barrier_id(%barrier3A)
    %scan3A_69 = arith.constant 0 : i32
    %scan3A_70 = arith.constant 0 : i32
    %scan3A_71 = arith.constant 50 : i32
    %scan3A_72 = arith.addi %scan3A_70, %scan3A_71 : i32
    %scan3A_73 = arith.constant 1 : i32
    %scan3A_74 = scf.for %scan3A_90 = %scan3A_70 to %scan3A_72 step %scan3A_73 iter_args(%scan3A_91 = %scan3A_69) -> (i32)  : i32 {
      %mul3A_92 = arith.constant 5 : i32
      %mul3A_93 = arith.muli %scan3A_90, %mul3A_92 : i32
      %add3A = arith.constant 0 : i32
      %add3A_94 = arith.addi %mul3A_93, %add3A : i32
      %dma_wait3A_95 = arith.constant 0 : i32
      %dma_wait3A_96 = tpu.memref_slice %arg6[%add3A_94, %dma_wait3A_95] : memref<250x80xi32, #tpu.memory_space<vmem>> -> memref<1x80xi32, #tpu.memory_space<vmem>>
      %dma_wait3A_97 = tpu.memref_squeeze %dma_wait3A_96 : memref<1x80xi32, #tpu.memory_space<vmem>> -> memref<80xi32, #tpu.memory_space<vmem>>
      %dma_wait3A_98 = arith.constant 0 : i32
      %dma_wait3A_99 = arith.constant 0 : i32
      %dma_wait3A_100 = tpu.memref_slice %arg2[%arg0, %dma_wait3A_98, %dma_wait3A_99] : memref<2x10240x64xbf16, #tpu.memory_space<hbm>> -> memref<1x10240x64xbf16, #tpu.memory_space<hbm>>
      %dma_wait3A_101 = tpu.memref_squeeze %dma_wait3A_100 : memref<1x10240x64xbf16, #tpu.memory_space<hbm>> -> memref<10240x64xbf16, #tpu.memory_space<hbm>>
      %dma_wait3A_102 = arith.constant 0 : i32
      %dma_wait3A_103 = arith.constant 0 : i32
      %dma_wait3A_104 = tpu.memref_slice %dma_wait3A_101[%dma_wait3A_102, %dma_wait3A_103] : memref<10240x64xbf16, #tpu.memory_space<hbm>> -> memref<10240x64xbf16, #tpu.memory_space<hbm>>
      tpu.wait_indirect_dma semaphore(%arg15 : memref<!tpu.dma_semaphore, #tpu.memory_space<semaphore_mem>>) src(%dma_wait3A_104 : memref<10240x64xbf16, #tpu.memory_space<hbm>>) dst(%arg9 : memref<80x64xbf16, #tpu.memory_space<vmem>>)
      %dma_start3A_105 = arith.constant 0 : i32
      %dma_start3A_106 = tpu.memref_slice %arg7[%add3A_94, %dma_start3A_105] : memref<250x80xi32, #tpu.memory_space<vmem>> -> memref<1x80xi32, #tpu.memory_space<vmem>>
      %dma_start3A_107 = tpu.memref_squeeze %dma_start3A_106 : memref<1x80xi32, #tpu.memory_space<vmem>> -> memref<80xi32, #tpu.memory_space<vmem>>
      %dma_start3A_108 = arith.constant 0 : i32
      %dma_start3A_109 = arith.constant 0 : i32
      %dma_start3A_110 = tpu.memref_slice %arg14[%dma_start3A_108, %dma_start3A_109] : memref<10240x64xbf16, #tpu.memory_space<vmem_shared>> -> memref<10240x64xbf16, #tpu.memory_space<vmem_shared>>
      tpu.enqueue_indirect_dma source(%arg9 : memref<80x64xbf16, #tpu.memory_space<vmem>>) target(%dma_start3A_110 : memref<10240x64xbf16, #tpu.memory_space<vmem_shared>>) offsets(%dma_start3A_107 : memref<80xi32, #tpu.memory_space<vmem>>) semaphore(%arg20 : memref<!tpu.dma_semaphore, #tpu.memory_space<semaphore_mem>>) {add = true}
      %sub3A = arith.constant 2 : i32
      %sub3A_111 = arith.subi %add3A_94, %sub3A : i32
      %ge3A = arith.constant 0 : i32
      %ge3A_112 = arith.cmpi sge, %sub3A_111, %ge3A : i32
      %convert_element_type3A = arith.extui %ge3A_112 : i1 to i32
      %cond3A = arith.constant 0 : i32
      %cond3A_113 = arith.cmpi ne, %convert_element_type3A, %cond3A : i32
      scf.if %cond3A_113 {
        %dma_wait3A_215 = arith.constant 0 : i32
        %dma_wait3A_216 = tpu.memref_slice %arg7[%sub3A_111, %dma_wait3A_215] : memref<250x80xi32, #tpu.memory_space<vmem>> -> memref<1x80xi32, #tpu.memory_space<vmem>>
        %dma_wait3A_217 = tpu.memref_squeeze %dma_wait3A_216 : memref<1x80xi32, #tpu.memory_space<vmem>> -> memref<80xi32, #tpu.memory_space<vmem>>
        %dma_wait3A_218 = arith.constant 0 : i32
        %dma_wait3A_219 = arith.constant 0 : i32
        %dma_wait3A_220 = tpu.memref_slice %arg14[%dma_wait3A_218, %dma_wait3A_219] : memref<10240x64xbf16, #tpu.memory_space<vmem_shared>> -> memref<10240x64xbf16, #tpu.memory_space<vmem_shared>>
        tpu.wait_indirect_dma semaphore(%arg23 : memref<!tpu.dma_semaphore, #tpu.memory_space<semaphore_mem>>) src(%arg12 : memref<80x64xbf16, #tpu.memory_space<vmem>>) dst(%dma_wait3A_220 : memref<10240x64xbf16, #tpu.memory_space<vmem_shared>>)
        %add3A_221 = arith.constant 5 : i32
        %add3A_222 = arith.addi %sub3A_111, %add3A_221 : i32
        %lt3A = arith.constant 250 : i32
        %lt3A_223 = arith.cmpi slt, %add3A_222, %lt3A : i32
        %convert_element_type3A_224 = arith.extui %lt3A_223 : i1 to i32
        %cond3A_225 = arith.constant 0 : i32
        %cond3A_226 = arith.cmpi ne, %convert_element_type3A_224, %cond3A_225 : i32
        scf.if %cond3A_226 {
          %add3A_227 = arith.constant 5 : i32
          %add3A_228 = arith.addi %sub3A_111, %add3A_227 : i32
          %dma_start3A_229 = arith.constant 0 : i32
          %dma_start3A_230 = tpu.memref_slice %arg6[%add3A_228, %dma_start3A_229] : memref<250x80xi32, #tpu.memory_space<vmem>> -> memref<1x80xi32, #tpu.memory_space<vmem>>
          %dma_start3A_231 = tpu.memref_squeeze %dma_start3A_230 : memref<1x80xi32, #tpu.memory_space<vmem>> -> memref<80xi32, #tpu.memory_space<vmem>>
          %dma_start3A_232 = arith.constant 0 : i32
          %dma_start3A_233 = arith.constant 0 : i32
          %dma_start3A_234 = tpu.memref_slice %arg2[%arg0, %dma_start3A_232, %dma_start3A_233] : memref<2x10240x64xbf16, #tpu.memory_space<hbm>> -> memref<1x10240x64xbf16, #tpu.memory_space<hbm>>
          %dma_start3A_235 = tpu.memref_squeeze %dma_start3A_234 : memref<1x10240x64xbf16, #tpu.memory_space<hbm>> -> memref<10240x64xbf16, #tpu.memory_space<hbm>>
          %dma_start3A_236 = arith.constant 0 : i32
          %dma_start3A_237 = arith.constant 0 : i32
          %dma_start3A_238 = tpu.memref_slice %dma_start3A_235[%dma_start3A_236, %dma_start3A_237] : memref<10240x64xbf16, #tpu.memory_space<hbm>> -> memref<10240x64xbf16, #tpu.memory_space<hbm>>
          tpu.enqueue_indirect_dma source(%dma_start3A_238 : memref<10240x64xbf16, #tpu.memory_space<hbm>>) target(%arg12 : memref<80x64xbf16, #tpu.memory_space<vmem>>) offsets(%dma_start3A_231 : memref<80xi32, #tpu.memory_space<vmem>>) semaphore(%arg18 : memref<!tpu.dma_semaphore, #tpu.memory_space<semaphore_mem>>)
        } else {
        }
      } else {
      }
      %add3A_114 = arith.constant 1 : i32
      %add3A_115 = arith.addi %mul3A_93, %add3A_114 : i32
      %dma_wait3A_116 = arith.constant 0 : i32
      %dma_wait3A_117 = tpu.memref_slice %arg6[%add3A_115, %dma_wait3A_116] : memref<250x80xi32, #tpu.memory_space<vmem>> -> memref<1x80xi32, #tpu.memory_space<vmem>>
      %dma_wait3A_118 = tpu.memref_squeeze %dma_wait3A_117 : memref<1x80xi32, #tpu.memory_space<vmem>> -> memref<80xi32, #tpu.memory_space<vmem>>
      %dma_wait3A_119 = arith.constant 0 : i32
      %dma_wait3A_120 = arith.constant 0 : i32
      %dma_wait3A_121 = tpu.memref_slice %arg2[%arg0, %dma_wait3A_119, %dma_wait3A_120] : memref<2x10240x64xbf16, #tpu.memory_space<hbm>> -> memref<1x10240x64xbf16, #tpu.memory_space<hbm>>
      %dma_wait3A_122 = tpu.memref_squeeze %dma_wait3A_121 : memref<1x10240x64xbf16, #tpu.memory_space<hbm>> -> memref<10240x64xbf16, #tpu.memory_space<hbm>>
      %dma_wait3A_123 = arith.constant 0 : i32
      %dma_wait3A_124 = arith.constant 0 : i32
      %dma_wait3A_125 = tpu.memref_slice %dma_wait3A_122[%dma_wait3A_123, %dma_wait3A_124] : memref<10240x64xbf16, #tpu.memory_space<hbm>> -> memref<10240x64xbf16, #tpu.memory_space<hbm>>
      tpu.wait_indirect_dma semaphore(%arg16 : memref<!tpu.dma_semaphore, #tpu.memory_space<semaphore_mem>>) src(%dma_wait3A_125 : memref<10240x64xbf16, #tpu.memory_space<hbm>>) dst(%arg10 : memref<80x64xbf16, #tpu.memory_space<vmem>>)
      %dma_start3A_126 = arith.constant 0 : i32
      %dma_start3A_127 = tpu.memref_slice %arg7[%add3A_115, %dma_start3A_126] : memref<250x80xi32, #tpu.memory_space<vmem>> -> memref<1x80xi32, #tpu.memory_space<vmem>>
      %dma_start3A_128 = tpu.memref_squeeze %dma_start3A_127 : memref<1x80xi32, #tpu.memory_space<vmem>> -> memref<80xi32, #tpu.memory_space<vmem>>
      %dma_start3A_129 = arith.constant 0 : i32
      %dma_start3A_130 = arith.constant 0 : i32
      %dma_start3A_131 = tpu.memref_slice %arg14[%dma_start3A_129, %dma_start3A_130] : memref<10240x64xbf16, #tpu.memory_space<vmem_shared>> -> memref<10240x64xbf16, #tpu.memory_space<vmem_shared>>
      tpu.enqueue_indirect_dma source(%arg10 : memref<80x64xbf16, #tpu.memory_space<vmem>>) target(%dma_start3A_131 : memref<10240x64xbf16, #tpu.memory_space<vmem_shared>>) offsets(%dma_start3A_128 : memref<80xi32, #tpu.memory_space<vmem>>) semaphore(%arg21 : memref<!tpu.dma_semaphore, #tpu.memory_space<semaphore_mem>>) {add = true}
      %sub3A_132 = arith.constant 2 : i32
      %sub3A_133 = arith.subi %add3A_115, %sub3A_132 : i32
      %ge3A_134 = arith.constant 0 : i32
      %ge3A_135 = arith.cmpi sge, %sub3A_133, %ge3A_134 : i32
      %convert_element_type3A_136 = arith.extui %ge3A_135 : i1 to i32
      %cond3A_137 = arith.constant 0 : i32
      %cond3A_138 = arith.cmpi ne, %convert_element_type3A_136, %cond3A_137 : i32
      scf.if %cond3A_138 {
        %dma_wait3A_215 = arith.constant 0 : i32
        %dma_wait3A_216 = tpu.memref_slice %arg7[%sub3A_133, %dma_wait3A_215] : memref<250x80xi32, #tpu.memory_space<vmem>> -> memref<1x80xi32, #tpu.memory_space<vmem>>
        %dma_wait3A_217 = tpu.memref_squeeze %dma_wait3A_216 : memref<1x80xi32, #tpu.memory_space<vmem>> -> memref<80xi32, #tpu.memory_space<vmem>>
        %dma_wait3A_218 = arith.constant 0 : i32
        %dma_wait3A_219 = arith.constant 0 : i32
        %dma_wait3A_220 = tpu.memref_slice %arg14[%dma_wait3A_218, %dma_wait3A_219] : memref<10240x64xbf16, #tpu.memory_space<vmem_shared>> -> memref<10240x64xbf16, #tpu.memory_space<vmem_shared>>
        tpu.wait_indirect_dma semaphore(%arg24 : memref<!tpu.dma_semaphore, #tpu.memory_space<semaphore_mem>>) src(%arg13 : memref<80x64xbf16, #tpu.memory_space<vmem>>) dst(%dma_wait3A_220 : memref<10240x64xbf16, #tpu.memory_space<vmem_shared>>)
        %add3A_221 = arith.constant 5 : i32
        %add3A_222 = arith.addi %sub3A_133, %add3A_221 : i32
        %lt3A = arith.constant 250 : i32
        %lt3A_223 = arith.cmpi slt, %add3A_222, %lt3A : i32
        %convert_element_type3A_224 = arith.extui %lt3A_223 : i1 to i32
        %cond3A_225 = arith.constant 0 : i32
        %cond3A_226 = arith.cmpi ne, %convert_element_type3A_224, %cond3A_225 : i32
        scf.if %cond3A_226 {
          %add3A_227 = arith.constant 5 : i32
          %add3A_228 = arith.addi %sub3A_133, %add3A_227 : i32
          %dma_start3A_229 = arith.constant 0 : i32
          %dma_start3A_230 = tpu.memref_slice %arg6[%add3A_228, %dma_start3A_229] : memref<250x80xi32, #tpu.memory_space<vmem>> -> memref<1x80xi32, #tpu.memory_space<vmem>>
          %dma_start3A_231 = tpu.memref_squeeze %dma_start3A_230 : memref<1x80xi32, #tpu.memory_space<vmem>> -> memref<80xi32, #tpu.memory_space<vmem>>
          %dma_start3A_232 = arith.constant 0 : i32
          %dma_start3A_233 = arith.constant 0 : i32
          %dma_start3A_234 = tpu.memref_slice %arg2[%arg0, %dma_start3A_232, %dma_start3A_233] : memref<2x10240x64xbf16, #tpu.memory_space<hbm>> -> memref<1x10240x64xbf16, #tpu.memory_space<hbm>>
          %dma_start3A_235 = tpu.memref_squeeze %dma_start3A_234 : memref<1x10240x64xbf16, #tpu.memory_space<hbm>> -> memref<10240x64xbf16, #tpu.memory_space<hbm>>
          %dma_start3A_236 = arith.constant 0 : i32
          %dma_start3A_237 = arith.constant 0 : i32
          %dma_start3A_238 = tpu.memref_slice %dma_start3A_235[%dma_start3A_236, %dma_start3A_237] : memref<10240x64xbf16, #tpu.memory_space<hbm>> -> memref<10240x64xbf16, #tpu.memory_space<hbm>>
          tpu.enqueue_indirect_dma source(%dma_start3A_238 : memref<10240x64xbf16, #tpu.memory_space<hbm>>) target(%arg13 : memref<80x64xbf16, #tpu.memory_space<vmem>>) offsets(%dma_start3A_231 : memref<80xi32, #tpu.memory_space<vmem>>) semaphore(%arg19 : memref<!tpu.dma_semaphore, #tpu.memory_space<semaphore_mem>>)
        } else {
        }
      } else {
      }
      %add3A_139 = arith.constant 2 : i32
      %add3A_140 = arith.addi %mul3A_93, %add3A_139 : i32
      %dma_wait3A_141 = arith.constant 0 : i32
      %dma_wait3A_142 = tpu.memref_slice %arg6[%add3A_140, %dma_wait3A_141] : memref<250x80xi32, #tpu.memory_space<vmem>> -> memref<1x80xi32, #tpu.memory_space<vmem>>
      %dma_wait3A_143 = tpu.memref_squeeze %dma_wait3A_142 : memref<1x80xi32, #tpu.memory_space<vmem>> -> memref<80xi32, #tpu.memory_space<vmem>>
      %dma_wait3A_144 = arith.constant 0 : i32
      %dma_wait3A_145 = arith.constant 0 : i32
      %dma_wait3A_146 = tpu.memref_slice %arg2[%arg0, %dma_wait3A_144, %dma_wait3A_145] : memref<2x10240x64xbf16, #tpu.memory_space<hbm>> -> memref<1x10240x64xbf16, #tpu.memory_space<hbm>>
      %dma_wait3A_147 = tpu.memref_squeeze %dma_wait3A_146 : memref<1x10240x64xbf16, #tpu.memory_space<hbm>> -> memref<10240x64xbf16, #tpu.memory_space<hbm>>
      %dma_wait3A_148 = arith.constant 0 : i32
      %dma_wait3A_149 = arith.constant 0 : i32
      %dma_wait3A_150 = tpu.memref_slice %dma_wait3A_147[%dma_wait3A_148, %dma_wait3A_149] : memref<10240x64xbf16, #tpu.memory_space<hbm>> -> memref<10240x64xbf16, #tpu.memory_space<hbm>>
      tpu.wait_indirect_dma semaphore(%arg17 : memref<!tpu.dma_semaphore, #tpu.memory_space<semaphore_mem>>) src(%dma_wait3A_150 : memref<10240x64xbf16, #tpu.memory_space<hbm>>) dst(%arg11 : memref<80x64xbf16, #tpu.memory_space<vmem>>)
      %dma_start3A_151 = arith.constant 0 : i32
      %dma_start3A_152 = tpu.memref_slice %arg7[%add3A_140, %dma_start3A_151] : memref<250x80xi32, #tpu.memory_space<vmem>> -> memref<1x80xi32, #tpu.memory_space<vmem>>
      %dma_start3A_153 = tpu.memref_squeeze %dma_start3A_152 : memref<1x80xi32, #tpu.memory_space<vmem>> -> memref<80xi32, #tpu.memory_space<vmem>>
      %dma_start3A_154 = arith.constant 0 : i32
      %dma_start3A_155 = arith.constant 0 : i32
      %dma_start3A_156 = tpu.memref_slice %arg14[%dma_start3A_154, %dma_start3A_155] : memref<10240x64xbf16, #tpu.memory_space<vmem_shared>> -> memref<10240x64xbf16, #tpu.memory_space<vmem_shared>>
      tpu.enqueue_indirect_dma source(%arg11 : memref<80x64xbf16, #tpu.memory_space<vmem>>) target(%dma_start3A_156 : memref<10240x64xbf16, #tpu.memory_space<vmem_shared>>) offsets(%dma_start3A_153 : memref<80xi32, #tpu.memory_space<vmem>>) semaphore(%arg22 : memref<!tpu.dma_semaphore, #tpu.memory_space<semaphore_mem>>) {add = true}
      %sub3A_157 = arith.constant 2 : i32
      %sub3A_158 = arith.subi %add3A_140, %sub3A_157 : i32
      %ge3A_159 = arith.constant 0 : i32
      %ge3A_160 = arith.cmpi sge, %sub3A_158, %ge3A_159 : i32
      %convert_element_type3A_161 = arith.extui %ge3A_160 : i1 to i32
      %cond3A_162 = arith.constant 0 : i32
      %cond3A_163 = arith.cmpi ne, %convert_element_type3A_161, %cond3A_162 : i32
      scf.if %cond3A_163 {
        %dma_wait3A_215 = arith.constant 0 : i32
        %dma_wait3A_216 = tpu.memref_slice %arg7[%sub3A_158, %dma_wait3A_215] : memref<250x80xi32, #tpu.memory_space<vmem>> -> memref<1x80xi32, #tpu.memory_space<vmem>>
        %dma_wait3A_217 = tpu.memref_squeeze %dma_wait3A_216 : memref<1x80xi32, #tpu.memory_space<vmem>> -> memref<80xi32, #tpu.memory_space<vmem>>
        %dma_wait3A_218 = arith.constant 0 : i32
        %dma_wait3A_219 = arith.constant 0 : i32
        %dma_wait3A_220 = tpu.memref_slice %arg14[%dma_wait3A_218, %dma_wait3A_219] : memref<10240x64xbf16, #tpu.memory_space<vmem_shared>> -> memref<10240x64xbf16, #tpu.memory_space<vmem_shared>>
        tpu.wait_indirect_dma semaphore(%arg20 : memref<!tpu.dma_semaphore, #tpu.memory_space<semaphore_mem>>) src(%arg9 : memref<80x64xbf16, #tpu.memory_space<vmem>>) dst(%dma_wait3A_220 : memref<10240x64xbf16, #tpu.memory_space<vmem_shared>>)
        %add3A_221 = arith.constant 5 : i32
        %add3A_222 = arith.addi %sub3A_158, %add3A_221 : i32
        %lt3A = arith.constant 250 : i32
        %lt3A_223 = arith.cmpi slt, %add3A_222, %lt3A : i32
        %convert_element_type3A_224 = arith.extui %lt3A_223 : i1 to i32
        %cond3A_225 = arith.constant 0 : i32
        %cond3A_226 = arith.cmpi ne, %convert_element_type3A_224, %cond3A_225 : i32
        scf.if %cond3A_226 {
          %add3A_227 = arith.constant 5 : i32
          %add3A_228 = arith.addi %sub3A_158, %add3A_227 : i32
          %dma_start3A_229 = arith.constant 0 : i32
          %dma_start3A_230 = tpu.memref_slice %arg6[%add3A_228, %dma_start3A_229] : memref<250x80xi32, #tpu.memory_space<vmem>> -> memref<1x80xi32, #tpu.memory_space<vmem>>
          %dma_start3A_231 = tpu.memref_squeeze %dma_start3A_230 : memref<1x80xi32, #tpu.memory_space<vmem>> -> memref<80xi32, #tpu.memory_space<vmem>>
          %dma_start3A_232 = arith.constant 0 : i32
          %dma_start3A_233 = arith.constant 0 : i32
          %dma_start3A_234 = tpu.memref_slice %arg2[%arg0, %dma_start3A_232, %dma_start3A_233] : memref<2x10240x64xbf16, #tpu.memory_space<hbm>> -> memref<1x10240x64xbf16, #tpu.memory_space<hbm>>
          %dma_start3A_235 = tpu.memref_squeeze %dma_start3A_234 : memref<1x10240x64xbf16, #tpu.memory_space<hbm>> -> memref<10240x64xbf16, #tpu.memory_space<hbm>>
          %dma_start3A_236 = arith.constant 0 : i32
          %dma_start3A_237 = arith.constant 0 : i32
          %dma_start3A_238 = tpu.memref_slice %dma_start3A_235[%dma_start3A_236, %dma_start3A_237] : memref<10240x64xbf16, #tpu.memory_space<hbm>> -> memref<10240x64xbf16, #tpu.memory_space<hbm>>
          tpu.enqueue_indirect_dma source(%dma_start3A_238 : memref<10240x64xbf16, #tpu.memory_space<hbm>>) target(%arg9 : memref<80x64xbf16, #tpu.memory_space<vmem>>) offsets(%dma_start3A_231 : memref<80xi32, #tpu.memory_space<vmem>>) semaphore(%arg15 : memref<!tpu.dma_semaphore, #tpu.memory_space<semaphore_mem>>)
        } else {
        }
      } else {
      }
      %add3A_164 = arith.constant 3 : i32
      %add3A_165 = arith.addi %mul3A_93, %add3A_164 : i32
      %dma_wait3A_166 = arith.constant 0 : i32
      %dma_wait3A_167 = tpu.memref_slice %arg6[%add3A_165, %dma_wait3A_166] : memref<250x80xi32, #tpu.memory_space<vmem>> -> memref<1x80xi32, #tpu.memory_space<vmem>>
      %dma_wait3A_168 = tpu.memref_squeeze %dma_wait3A_167 : memref<1x80xi32, #tpu.memory_space<vmem>> -> memref<80xi32, #tpu.memory_space<vmem>>
      %dma_wait3A_169 = arith.constant 0 : i32
      %dma_wait3A_170 = arith.constant 0 : i32
      %dma_wait3A_171 = tpu.memref_slice %arg2[%arg0, %dma_wait3A_169, %dma_wait3A_170] : memref<2x10240x64xbf16, #tpu.memory_space<hbm>> -> memref<1x10240x64xbf16, #tpu.memory_space<hbm>>
      %dma_wait3A_172 = tpu.memref_squeeze %dma_wait3A_171 : memref<1x10240x64xbf16, #tpu.memory_space<hbm>> -> memref<10240x64xbf16, #tpu.memory_space<hbm>>
      %dma_wait3A_173 = arith.constant 0 : i32
      %dma_wait3A_174 = arith.constant 0 : i32
      %dma_wait3A_175 = tpu.memref_slice %dma_wait3A_172[%dma_wait3A_173, %dma_wait3A_174] : memref<10240x64xbf16, #tpu.memory_space<hbm>> -> memref<10240x64xbf16, #tpu.memory_space<hbm>>
      tpu.wait_indirect_dma semaphore(%arg18 : memref<!tpu.dma_semaphore, #tpu.memory_space<semaphore_mem>>) src(%dma_wait3A_175 : memref<10240x64xbf16, #tpu.memory_space<hbm>>) dst(%arg12 : memref<80x64xbf16, #tpu.memory_space<vmem>>)
      %dma_start3A_176 = arith.constant 0 : i32
      %dma_start3A_177 = tpu.memref_slice %arg7[%add3A_165, %dma_start3A_176] : memref<250x80xi32, #tpu.memory_space<vmem>> -> memref<1x80xi32, #tpu.memory_space<vmem>>
      %dma_start3A_178 = tpu.memref_squeeze %dma_start3A_177 : memref<1x80xi32, #tpu.memory_space<vmem>> -> memref<80xi32, #tpu.memory_space<vmem>>
      %dma_start3A_179 = arith.constant 0 : i32
      %dma_start3A_180 = arith.constant 0 : i32
      %dma_start3A_181 = tpu.memref_slice %arg14[%dma_start3A_179, %dma_start3A_180] : memref<10240x64xbf16, #tpu.memory_space<vmem_shared>> -> memref<10240x64xbf16, #tpu.memory_space<vmem_shared>>
      tpu.enqueue_indirect_dma source(%arg12 : memref<80x64xbf16, #tpu.memory_space<vmem>>) target(%dma_start3A_181 : memref<10240x64xbf16, #tpu.memory_space<vmem_shared>>) offsets(%dma_start3A_178 : memref<80xi32, #tpu.memory_space<vmem>>) semaphore(%arg23 : memref<!tpu.dma_semaphore, #tpu.memory_space<semaphore_mem>>) {add = true}
      %sub3A_182 = arith.constant 2 : i32
      %sub3A_183 = arith.subi %add3A_165, %sub3A_182 : i32
      %ge3A_184 = arith.constant 0 : i32
      %ge3A_185 = arith.cmpi sge, %sub3A_183, %ge3A_184 : i32
      %convert_element_type3A_186 = arith.extui %ge3A_185 : i1 to i32
      %cond3A_187 = arith.constant 0 : i32
      %cond3A_188 = arith.cmpi ne, %convert_element_type3A_186, %cond3A_187 : i32
      scf.if %cond3A_188 {
        %dma_wait3A_215 = arith.constant 0 : i32
        %dma_wait3A_216 = tpu.memref_slice %arg7[%sub3A_183, %dma_wait3A_215] : memref<250x80xi32, #tpu.memory_space<vmem>> -> memref<1x80xi32, #tpu.memory_space<vmem>>
        %dma_wait3A_217 = tpu.memref_squeeze %dma_wait3A_216 : memref<1x80xi32, #tpu.memory_space<vmem>> -> memref<80xi32, #tpu.memory_space<vmem>>
        %dma_wait3A_218 = arith.constant 0 : i32
        %dma_wait3A_219 = arith.constant 0 : i32
        %dma_wait3A_220 = tpu.memref_slice %arg14[%dma_wait3A_218, %dma_wait3A_219] : memref<10240x64xbf16, #tpu.memory_space<vmem_shared>> -> memref<10240x64xbf16, #tpu.memory_space<vmem_shared>>
        tpu.wait_indirect_dma semaphore(%arg21 : memref<!tpu.dma_semaphore, #tpu.memory_space<semaphore_mem>>) src(%arg10 : memref<80x64xbf16, #tpu.memory_space<vmem>>) dst(%dma_wait3A_220 : memref<10240x64xbf16, #tpu.memory_space<vmem_shared>>)
        %add3A_221 = arith.constant 5 : i32
        %add3A_222 = arith.addi %sub3A_183, %add3A_221 : i32
        %lt3A = arith.constant 250 : i32
        %lt3A_223 = arith.cmpi slt, %add3A_222, %lt3A : i32
        %convert_element_type3A_224 = arith.extui %lt3A_223 : i1 to i32
        %cond3A_225 = arith.constant 0 : i32
        %cond3A_226 = arith.cmpi ne, %convert_element_type3A_224, %cond3A_225 : i32
        scf.if %cond3A_226 {
          %add3A_227 = arith.constant 5 : i32
          %add3A_228 = arith.addi %sub3A_183, %add3A_227 : i32
          %dma_start3A_229 = arith.constant 0 : i32
          %dma_start3A_230 = tpu.memref_slice %arg6[%add3A_228, %dma_start3A_229] : memref<250x80xi32, #tpu.memory_space<vmem>> -> memref<1x80xi32, #tpu.memory_space<vmem>>
          %dma_start3A_231 = tpu.memref_squeeze %dma_start3A_230 : memref<1x80xi32, #tpu.memory_space<vmem>> -> memref<80xi32, #tpu.memory_space<vmem>>
          %dma_start3A_232 = arith.constant 0 : i32
          %dma_start3A_233 = arith.constant 0 : i32
          %dma_start3A_234 = tpu.memref_slice %arg2[%arg0, %dma_start3A_232, %dma_start3A_233] : memref<2x10240x64xbf16, #tpu.memory_space<hbm>> -> memref<1x10240x64xbf16, #tpu.memory_space<hbm>>
          %dma_start3A_235 = tpu.memref_squeeze %dma_start3A_234 : memref<1x10240x64xbf16, #tpu.memory_space<hbm>> -> memref<10240x64xbf16, #tpu.memory_space<hbm>>
          %dma_start3A_236 = arith.constant 0 : i32
          %dma_start3A_237 = arith.constant 0 : i32
          %dma_start3A_238 = tpu.memref_slice %dma_start3A_235[%dma_start3A_236, %dma_start3A_237] : memref<10240x64xbf16, #tpu.memory_space<hbm>> -> memref<10240x64xbf16, #tpu.memory_space<hbm>>
          tpu.enqueue_indirect_dma source(%dma_start3A_238 : memref<10240x64xbf16, #tpu.memory_space<hbm>>) target(%arg10 : memref<80x64xbf16, #tpu.memory_space<vmem>>) offsets(%dma_start3A_231 : memref<80xi32, #tpu.memory_space<vmem>>) semaphore(%arg16 : memref<!tpu.dma_semaphore, #tpu.memory_space<semaphore_mem>>)
        } else {
        }
      } else {
      }
      %add3A_189 = arith.constant 4 : i32
      %add3A_190 = arith.addi %mul3A_93, %add3A_189 : i32
      %dma_wait3A_191 = arith.constant 0 : i32
      %dma_wait3A_192 = tpu.memref_slice %arg6[%add3A_190, %dma_wait3A_191] : memref<250x80xi32, #tpu.memory_space<vmem>> -> memref<1x80xi32, #tpu.memory_space<vmem>>
      %dma_wait3A_193 = tpu.memref_squeeze %dma_wait3A_192 : memref<1x80xi32, #tpu.memory_space<vmem>> -> memref<80xi32, #tpu.memory_space<vmem>>
      %dma_wait3A_194 = arith.constant 0 : i32
      %dma_wait3A_195 = arith.constant 0 : i32
      %dma_wait3A_196 = tpu.memref_slice %arg2[%arg0, %dma_wait3A_194, %dma_wait3A_195] : memref<2x10240x64xbf16, #tpu.memory_space<hbm>> -> memref<1x10240x64xbf16, #tpu.memory_space<hbm>>
      %dma_wait3A_197 = tpu.memref_squeeze %dma_wait3A_196 : memref<1x10240x64xbf16, #tpu.memory_space<hbm>> -> memref<10240x64xbf16, #tpu.memory_space<hbm>>
      %dma_wait3A_198 = arith.constant 0 : i32
      %dma_wait3A_199 = arith.constant 0 : i32
      %dma_wait3A_200 = tpu.memref_slice %dma_wait3A_197[%dma_wait3A_198, %dma_wait3A_199] : memref<10240x64xbf16, #tpu.memory_space<hbm>> -> memref<10240x64xbf16, #tpu.memory_space<hbm>>
      tpu.wait_indirect_dma semaphore(%arg19 : memref<!tpu.dma_semaphore, #tpu.memory_space<semaphore_mem>>) src(%dma_wait3A_200 : memref<10240x64xbf16, #tpu.memory_space<hbm>>) dst(%arg13 : memref<80x64xbf16, #tpu.memory_space<vmem>>)
      %dma_start3A_201 = arith.constant 0 : i32
      %dma_start3A_202 = tpu.memref_slice %arg7[%add3A_190, %dma_start3A_201] : memref<250x80xi32, #tpu.memory_space<vmem>> -> memref<1x80xi32, #tpu.memory_space<vmem>>
      %dma_start3A_203 = tpu.memref_squeeze %dma_start3A_202 : memref<1x80xi32, #tpu.memory_space<vmem>> -> memref<80xi32, #tpu.memory_space<vmem>>
      %dma_start3A_204 = arith.constant 0 : i32
      %dma_start3A_205 = arith.constant 0 : i32
      %dma_start3A_206 = tpu.memref_slice %arg14[%dma_start3A_204, %dma_start3A_205] : memref<10240x64xbf16, #tpu.memory_space<vmem_shared>> -> memref<10240x64xbf16, #tpu.memory_space<vmem_shared>>
      tpu.enqueue_indirect_dma source(%arg13 : memref<80x64xbf16, #tpu.memory_space<vmem>>) target(%dma_start3A_206 : memref<10240x64xbf16, #tpu.memory_space<vmem_shared>>) offsets(%dma_start3A_203 : memref<80xi32, #tpu.memory_space<vmem>>) semaphore(%arg24 : memref<!tpu.dma_semaphore, #tpu.memory_space<semaphore_mem>>) {add = true}
      %sub3A_207 = arith.constant 2 : i32
      %sub3A_208 = arith.subi %add3A_190, %sub3A_207 : i32
      %ge3A_209 = arith.constant 0 : i32
      %ge3A_210 = arith.cmpi sge, %sub3A_208, %ge3A_209 : i32
      %convert_element_type3A_211 = arith.extui %ge3A_210 : i1 to i32
      %cond3A_212 = arith.constant 0 : i32
      %cond3A_213 = arith.cmpi ne, %convert_element_type3A_211, %cond3A_212 : i32
      scf.if %cond3A_213 {
        %dma_wait3A_215 = arith.constant 0 : i32
        %dma_wait3A_216 = tpu.memref_slice %arg7[%sub3A_208, %dma_wait3A_215] : memref<250x80xi32, #tpu.memory_space<vmem>> -> memref<1x80xi32, #tpu.memory_space<vmem>>
        %dma_wait3A_217 = tpu.memref_squeeze %dma_wait3A_216 : memref<1x80xi32, #tpu.memory_space<vmem>> -> memref<80xi32, #tpu.memory_space<vmem>>
        %dma_wait3A_218 = arith.constant 0 : i32
        %dma_wait3A_219 = arith.constant 0 : i32
        %dma_wait3A_220 = tpu.memref_slice %arg14[%dma_wait3A_218, %dma_wait3A_219] : memref<10240x64xbf16, #tpu.memory_space<vmem_shared>> -> memref<10240x64xbf16, #tpu.memory_space<vmem_shared>>
        tpu.wait_indirect_dma semaphore(%arg22 : memref<!tpu.dma_semaphore, #tpu.memory_space<semaphore_mem>>) src(%arg11 : memref<80x64xbf16, #tpu.memory_space<vmem>>) dst(%dma_wait3A_220 : memref<10240x64xbf16, #tpu.memory_space<vmem_shared>>)
        %add3A_221 = arith.constant 5 : i32
        %add3A_222 = arith.addi %sub3A_208, %add3A_221 : i32
        %lt3A = arith.constant 250 : i32
        %lt3A_223 = arith.cmpi slt, %add3A_222, %lt3A : i32
        %convert_element_type3A_224 = arith.extui %lt3A_223 : i1 to i32
        %cond3A_225 = arith.constant 0 : i32
        %cond3A_226 = arith.cmpi ne, %convert_element_type3A_224, %cond3A_225 : i32
        scf.if %cond3A_226 {
          %add3A_227 = arith.constant 5 : i32
          %add3A_228 = arith.addi %sub3A_208, %add3A_227 : i32
          %dma_start3A_229 = arith.constant 0 : i32
          %dma_start3A_230 = tpu.memref_slice %arg6[%add3A_228, %dma_start3A_229] : memref<250x80xi32, #tpu.memory_space<vmem>> -> memref<1x80xi32, #tpu.memory_space<vmem>>
          %dma_start3A_231 = tpu.memref_squeeze %dma_start3A_230 : memref<1x80xi32, #tpu.memory_space<vmem>> -> memref<80xi32, #tpu.memory_space<vmem>>
          %dma_start3A_232 = arith.constant 0 : i32
          %dma_start3A_233 = arith.constant 0 : i32
          %dma_start3A_234 = tpu.memref_slice %arg2[%arg0, %dma_start3A_232, %dma_start3A_233] : memref<2x10240x64xbf16, #tpu.memory_space<hbm>> -> memref<1x10240x64xbf16, #tpu.memory_space<hbm>>
          %dma_start3A_235 = tpu.memref_squeeze %dma_start3A_234 : memref<1x10240x64xbf16, #tpu.memory_space<hbm>> -> memref<10240x64xbf16, #tpu.memory_space<hbm>>
          %dma_start3A_236 = arith.constant 0 : i32
          %dma_start3A_237 = arith.constant 0 : i32
          %dma_start3A_238 = tpu.memref_slice %dma_start3A_235[%dma_start3A_236, %dma_start3A_237] : memref<10240x64xbf16, #tpu.memory_space<hbm>> -> memref<10240x64xbf16, #tpu.memory_space<hbm>>
          tpu.enqueue_indirect_dma source(%dma_start3A_238 : memref<10240x64xbf16, #tpu.memory_space<hbm>>) target(%arg11 : memref<80x64xbf16, #tpu.memory_space<vmem>>) offsets(%dma_start3A_231 : memref<80xi32, #tpu.memory_space<vmem>>) semaphore(%arg17 : memref<!tpu.dma_semaphore, #tpu.memory_space<semaphore_mem>>)
        } else {
        }
      } else {
      }
      %scan3A_214 = arith.constant 0 : i32
      scf.yield %scan3A_214 : i32
    }
    %scan3A_75 = arith.constant 50 : i32
    %dma_wait3A = arith.constant 248 : i32
    %dma_wait3A_76 = arith.constant 0 : i32
    %dma_wait3A_77 = tpu.memref_slice %arg7[%dma_wait3A, %dma_wait3A_76] : memref<250x80xi32, #tpu.memory_space<vmem>> -> memref<1x80xi32, #tpu.memory_space<vmem>>
    %dma_wait3A_78 = tpu.memref_squeeze %dma_wait3A_77 : memref<1x80xi32, #tpu.memory_space<vmem>> -> memref<80xi32, #tpu.memory_space<vmem>>
    %dma_wait3A_79 = arith.constant 0 : i32
    %dma_wait3A_80 = arith.constant 0 : i32
    %dma_wait3A_81 = tpu.memref_slice %arg14[%dma_wait3A_79, %dma_wait3A_80] : memref<10240x64xbf16, #tpu.memory_space<vmem_shared>> -> memref<10240x64xbf16, #tpu.memory_space<vmem_shared>>
    tpu.wait_indirect_dma semaphore(%arg23 : memref<!tpu.dma_semaphore, #tpu.memory_space<semaphore_mem>>) src(%arg12 : memref<80x64xbf16, #tpu.memory_space<vmem>>) dst(%dma_wait3A_81 : memref<10240x64xbf16, #tpu.memory_space<vmem_shared>>)
    %dma_wait3A_82 = arith.constant 249 : i32
    %dma_wait3A_83 = arith.constant 0 : i32
    %dma_wait3A_84 = tpu.memref_slice %arg7[%dma_wait3A_82, %dma_wait3A_83] : memref<250x80xi32, #tpu.memory_space<vmem>> -> memref<1x80xi32, #tpu.memory_space<vmem>>
    %dma_wait3A_85 = tpu.memref_squeeze %dma_wait3A_84 : memref<1x80xi32, #tpu.memory_space<vmem>> -> memref<80xi32, #tpu.memory_space<vmem>>
    %dma_wait3A_86 = arith.constant 0 : i32
    %dma_wait3A_87 = arith.constant 0 : i32
    %dma_wait3A_88 = tpu.memref_slice %arg14[%dma_wait3A_86, %dma_wait3A_87] : memref<10240x64xbf16, #tpu.memory_space<vmem_shared>> -> memref<10240x64xbf16, #tpu.memory_space<vmem_shared>>
    tpu.wait_indirect_dma semaphore(%arg24 : memref<!tpu.dma_semaphore, #tpu.memory_space<semaphore_mem>>) src(%arg13 : memref<80x64xbf16, #tpu.memory_space<vmem>>) dst(%dma_wait3A_88 : memref<10240x64xbf16, #tpu.memory_space<vmem_shared>>)
    %barrier3A_89 = arith.constant 0 : index
    tpu.barrier barrier_id(%barrier3A_89)
    "tpu.region"() ({
      %run_scoped3A = tpu.sem_alloc : memref<!tpu.dma_semaphore, #tpu.memory_space<semaphore_mem>>
      %dma_start3A_90 = arith.constant 0 : i32
      %dma_start3A_91 = tpu.memref_slice %arg5[%arg0, %mul3A_0, %dma_start3A_90] : memref<2x10240x64xbf16, #tpu.memory_space<hbm>> -> memref<1x640x64xbf16, #tpu.memory_space<hbm>>
      %dma_start3A_92 = tpu.memref_squeeze %dma_start3A_91 : memref<1x640x64xbf16, #tpu.memory_space<hbm>> -> memref<640x64xbf16, #tpu.memory_space<hbm>>
      %dma_start3A_93 = arith.constant 0 : i32
      %dma_start3A_94 = tpu.memref_slice %arg14[%mul3A_0, %dma_start3A_93] : memref<10240x64xbf16, #tpu.memory_space<vmem_shared>> -> memref<640x64xbf16, #tpu.memory_space<vmem_shared>>
      tpu.enqueue_dma source(%dma_start3A_94 : memref<640x64xbf16, #tpu.memory_space<vmem_shared>>) target(%dma_start3A_92 : memref<640x64xbf16, #tpu.memory_space<hbm>>) target_semaphore(%run_scoped3A : memref<!tpu.dma_semaphore, #tpu.memory_space<semaphore_mem>>)
      %dma_wait3A_95 = arith.constant 0 : i32
      %dma_wait3A_96 = tpu.memref_slice %arg5[%arg0, %mul3A_0, %dma_wait3A_95] : memref<2x10240x64xbf16, #tpu.memory_space<hbm>> -> memref<1x640x64xbf16, #tpu.memory_space<hbm>>
      %dma_wait3A_97 = tpu.memref_squeeze %dma_wait3A_96 : memref<1x640x64xbf16, #tpu.memory_space<hbm>> -> memref<640x64xbf16, #tpu.memory_space<hbm>>
      %dma_wait3A_98 = arith.constant 0 : i32
      %dma_wait3A_99 = tpu.memref_slice %arg14[%mul3A_0, %dma_wait3A_98] : memref<10240x64xbf16, #tpu.memory_space<vmem_shared>> -> memref<640x64xbf16, #tpu.memory_space<vmem_shared>>
      tpu.wait_dma2 semaphore(%run_scoped3A : memref<!tpu.dma_semaphore, #tpu.memory_space<semaphore_mem>>) src(%dma_wait3A_99 : memref<640x64xbf16, #tpu.memory_space<vmem_shared>>) dst(%dma_wait3A_97 : memref<640x64xbf16, #tpu.memory_space<hbm>>)
      tpu.yield
    }) : () -> ()
    return
  }
}

#map = affine_map<(d0, d1) -> (0, 0, 0)>
module attributes {stable_mosaic.version = 14 : i64} {
  func.func @_sc_degree(%arg0: i32, %arg1: i32, %arg2: memref<32x79x128xi32, #tpu.memory_space<hbm>>, %arg3: memref<32x79x128xi32, #tpu.memory_space<hbm>>, %arg4: memref<2x2x10240xf32, #tpu.memory_space<hbm>>, %arg5: memref<79x128xi32, #tpu.memory_space<vmem>>, %arg6: memref<79x128xi32, #tpu.memory_space<vmem>>, %arg7: memref<128xf32, #tpu.memory_space<vmem>>, %arg8: memref<640xf32, #tpu.memory_space<vmem>>, %arg9: memref<10240xf32, #tpu.memory_space<vmem_shared>>, %arg10: memref<10240xf32, #tpu.memory_space<vmem_shared>>, %arg11: memref<!tpu.dma_semaphore, #tpu.memory_space<semaphore_mem>>, %arg12: memref<!tpu.dma_semaphore, #tpu.memory_space<semaphore_mem>>) attributes {dimension_semantics = [#tpu.dimension_semantics<core_parallel>, #tpu.dimension_semantics<subcore_parallel>], iteration_bounds = array<i64: 2, 16>, scalar_prefetch = 0 : i64, scratch_operands = 8 : i64, tpu.core_type = #tpu.core_type<sc_vector_subcore>, window_params = [{transform_indices = #map}, {transform_indices = #map}, {transform_indices = #map}]} {
    %mul3A = arith.constant 2 : i32
    %mul3A_0 = arith.muli %arg1, %mul3A : i32
    %add3A = arith.addi %mul3A_0, %arg0 : i32
    %mul3A_1 = arith.constant 640 : i32
    %mul3A_2 = arith.muli %arg1, %mul3A_1 : i32
    %broadcast_in_dim3A = arith.constant 1.000000e+00 : f32
    %broadcast_in_dim3A_3 = vector.broadcast %broadcast_in_dim3A : f32 to vector<16xf32>
    %broadcast_in_dim3A_4 = arith.constant 0.000000e+00 : f32
    %broadcast_in_dim3A_5 = vector.broadcast %broadcast_in_dim3A_4 : f32 to vector<16xf32>
    %scan3A = arith.constant 0 : i32
    %scan3A_6 = arith.constant 0 : i32
    %scan3A_7 = arith.constant 8 : i32
    %scan3A_8 = arith.addi %scan3A_6, %scan3A_7 : i32
    %scan3A_9 = arith.constant 1 : i32
    %scan3A_10 = scf.for %scan3A_35 = %scan3A_6 to %scan3A_8 step %scan3A_9 iter_args(%scan3A_36 = %scan3A) -> (i32)  : i32 {
      %mul3A_37 = arith.constant 16 : i32
      %mul3A_38 = arith.muli %scan3A_35, %mul3A_37 : i32
      %swap3A = arith.index_cast %mul3A_38 : i32 to index
      %swap3A_39 = tpu.vector_load %arg7[%swap3A] {strides = array<i32>} : memref<128xf32, #tpu.memory_space<vmem>>, vector<16xf32>,
      %swap3A_40 = vector.shape_cast %swap3A_39 : vector<16xf32> to vector<16xf32>
      %swap3A_41 = vector.shape_cast %broadcast_in_dim3A_3 : vector<16xf32> to vector<16xf32>
      tpu.vector_store %arg7[%swap3A], %swap3A_41 {strides = array<i32>} : memref<128xf32, #tpu.memory_space<vmem>>, vector<16xf32>,
      %scan3A_42 = arith.constant 0 : i32
      scf.yield %scan3A_42 : i32
    }
    %scan3A_11 = arith.constant 8 : i32
    %scan3A_12 = arith.constant 0 : i32
    %scan3A_13 = arith.constant 0 : i32
    %scan3A_14 = arith.constant 40 : i32
    %scan3A_15 = arith.addi %scan3A_13, %scan3A_14 : i32
    %scan3A_16 = arith.constant 1 : i32
    %scan3A_17 = scf.for %scan3A_35 = %scan3A_13 to %scan3A_15 step %scan3A_16 iter_args(%scan3A_36 = %scan3A_12) -> (i32)  : i32 {
      %mul3A_37 = arith.constant 16 : i32
      %mul3A_38 = arith.muli %scan3A_35, %mul3A_37 : i32
      %swap3A = arith.index_cast %mul3A_38 : i32 to index
      %swap3A_39 = tpu.vector_load %arg8[%swap3A] {strides = array<i32>} : memref<640xf32, #tpu.memory_space<vmem>>, vector<16xf32>,
      %swap3A_40 = vector.shape_cast %swap3A_39 : vector<16xf32> to vector<16xf32>
      %swap3A_41 = vector.shape_cast %broadcast_in_dim3A_5 : vector<16xf32> to vector<16xf32>
      tpu.vector_store %arg8[%swap3A], %swap3A_41 {strides = array<i32>} : memref<640xf32, #tpu.memory_space<vmem>>, vector<16xf32>,
      %scan3A_42 = arith.constant 0 : i32
      scf.yield %scan3A_42 : i32
    }
    %scan3A_18 = arith.constant 40 : i32
    "tpu.region"() ({
      %run_scoped3A_35 = tpu.sem_alloc : memref<!tpu.dma_semaphore, #tpu.memory_space<semaphore_mem>>
      %dma_start3A = arith.constant 0 : i32
      %dma_start3A_36 = arith.constant 0 : i32
      %dma_start3A_37 = tpu.memref_slice %arg2[%add3A, %dma_start3A, %dma_start3A_36] : memref<32x79x128xi32, #tpu.memory_space<hbm>> -> memref<1x79x128xi32, #tpu.memory_space<hbm>>
      %dma_start3A_38 = tpu.memref_squeeze %dma_start3A_37 : memref<1x79x128xi32, #tpu.memory_space<hbm>> -> memref<79x128xi32, #tpu.memory_space<hbm>>
      %dma_start3A_39 = arith.constant 0 : i32
      %dma_start3A_40 = arith.constant 0 : i32
      %dma_start3A_41 = tpu.memref_slice %arg2[%add3A, %dma_start3A_39, %dma_start3A_40] : memref<32x79x128xi32, #tpu.memory_space<hbm>> -> memref<1x79x128xi32, #tpu.memory_space<hbm>>
      %dma_start3A_42 = tpu.memref_squeeze %dma_start3A_41 : memref<1x79x128xi32, #tpu.memory_space<hbm>> -> memref<79x128xi32, #tpu.memory_space<hbm>>
      tpu.enqueue_dma source(%dma_start3A_42 : memref<79x128xi32, #tpu.memory_space<hbm>>) target(%arg5 : memref<79x128xi32, #tpu.memory_space<vmem>>) target_semaphore(%run_scoped3A_35 : memref<!tpu.dma_semaphore, #tpu.memory_space<semaphore_mem>>)
      %dma_wait3A = arith.constant 0 : i32
      %dma_wait3A_43 = arith.constant 0 : i32
      %dma_wait3A_44 = tpu.memref_slice %arg2[%add3A, %dma_wait3A, %dma_wait3A_43] : memref<32x79x128xi32, #tpu.memory_space<hbm>> -> memref<1x79x128xi32, #tpu.memory_space<hbm>>
      %dma_wait3A_45 = tpu.memref_squeeze %dma_wait3A_44 : memref<1x79x128xi32, #tpu.memory_space<hbm>> -> memref<79x128xi32, #tpu.memory_space<hbm>>
      %dma_wait3A_46 = arith.constant 0 : i32
      %dma_wait3A_47 = arith.constant 0 : i32
      %dma_wait3A_48 = tpu.memref_slice %arg2[%add3A, %dma_wait3A_46, %dma_wait3A_47] : memref<32x79x128xi32, #tpu.memory_space<hbm>> -> memref<1x79x128xi32, #tpu.memory_space<hbm>>
      %dma_wait3A_49 = tpu.memref_squeeze %dma_wait3A_48 : memref<1x79x128xi32, #tpu.memory_space<hbm>> -> memref<79x128xi32, #tpu.memory_space<hbm>>
      tpu.wait_dma2 semaphore(%run_scoped3A_35 : memref<!tpu.dma_semaphore, #tpu.memory_space<semaphore_mem>>) src(%dma_wait3A_49 : memref<79x128xi32, #tpu.memory_space<hbm>>) dst(%arg5 : memref<79x128xi32, #tpu.memory_space<vmem>>)
      tpu.yield
    }) : () -> ()
    "tpu.region"() ({
      %run_scoped3A_35 = tpu.sem_alloc : memref<!tpu.dma_semaphore, #tpu.memory_space<semaphore_mem>>
      %dma_start3A = arith.constant 0 : i32
      %dma_start3A_36 = arith.constant 0 : i32
      %dma_start3A_37 = tpu.memref_slice %arg3[%add3A, %dma_start3A, %dma_start3A_36] : memref<32x79x128xi32, #tpu.memory_space<hbm>> -> memref<1x79x128xi32, #tpu.memory_space<hbm>>
      %dma_start3A_38 = tpu.memref_squeeze %dma_start3A_37 : memref<1x79x128xi32, #tpu.memory_space<hbm>> -> memref<79x128xi32, #tpu.memory_space<hbm>>
      %dma_start3A_39 = arith.constant 0 : i32
      %dma_start3A_40 = arith.constant 0 : i32
      %dma_start3A_41 = tpu.memref_slice %arg3[%add3A, %dma_start3A_39, %dma_start3A_40] : memref<32x79x128xi32, #tpu.memory_space<hbm>> -> memref<1x79x128xi32, #tpu.memory_space<hbm>>
      %dma_start3A_42 = tpu.memref_squeeze %dma_start3A_41 : memref<1x79x128xi32, #tpu.memory_space<hbm>> -> memref<79x128xi32, #tpu.memory_space<hbm>>
      tpu.enqueue_dma source(%dma_start3A_42 : memref<79x128xi32, #tpu.memory_space<hbm>>) target(%arg6 : memref<79x128xi32, #tpu.memory_space<vmem>>) target_semaphore(%run_scoped3A_35 : memref<!tpu.dma_semaphore, #tpu.memory_space<semaphore_mem>>)
      %dma_wait3A = arith.constant 0 : i32
      %dma_wait3A_43 = arith.constant 0 : i32
      %dma_wait3A_44 = tpu.memref_slice %arg3[%add3A, %dma_wait3A, %dma_wait3A_43] : memref<32x79x128xi32, #tpu.memory_space<hbm>> -> memref<1x79x128xi32, #tpu.memory_space<hbm>>
      %dma_wait3A_45 = tpu.memref_squeeze %dma_wait3A_44 : memref<1x79x128xi32, #tpu.memory_space<hbm>> -> memref<79x128xi32, #tpu.memory_space<hbm>>
      %dma_wait3A_46 = arith.constant 0 : i32
      %dma_wait3A_47 = arith.constant 0 : i32
      %dma_wait3A_48 = tpu.memref_slice %arg3[%add3A, %dma_wait3A_46, %dma_wait3A_47] : memref<32x79x128xi32, #tpu.memory_space<hbm>> -> memref<1x79x128xi32, #tpu.memory_space<hbm>>
      %dma_wait3A_49 = tpu.memref_squeeze %dma_wait3A_48 : memref<1x79x128xi32, #tpu.memory_space<hbm>> -> memref<79x128xi32, #tpu.memory_space<hbm>>
      tpu.wait_dma2 semaphore(%run_scoped3A_35 : memref<!tpu.dma_semaphore, #tpu.memory_space<semaphore_mem>>) src(%dma_wait3A_49 : memref<79x128xi32, #tpu.memory_space<hbm>>) dst(%arg6 : memref<79x128xi32, #tpu.memory_space<vmem>>)
      tpu.yield
    }) : () -> ()
    "tpu.region"() ({
      %run_scoped3A_35 = tpu.sem_alloc : memref<!tpu.dma_semaphore, #tpu.memory_space<semaphore_mem>>
      %dma_start3A = tpu.memref_slice %arg9[%mul3A_2] : memref<10240xf32, #tpu.memory_space<vmem_shared>> -> memref<640xf32, #tpu.memory_space<vmem_shared>>
      %dma_start3A_36 = tpu.memref_slice %arg9[%mul3A_2] : memref<10240xf32, #tpu.memory_space<vmem_shared>> -> memref<640xf32, #tpu.memory_space<vmem_shared>>
      tpu.enqueue_dma source(%arg8 : memref<640xf32, #tpu.memory_space<vmem>>) target(%dma_start3A_36 : memref<640xf32, #tpu.memory_space<vmem_shared>>) target_semaphore(%run_scoped3A_35 : memref<!tpu.dma_semaphore, #tpu.memory_space<semaphore_mem>>)
      %dma_wait3A = tpu.memref_slice %arg9[%mul3A_2] : memref<10240xf32, #tpu.memory_space<vmem_shared>> -> memref<640xf32, #tpu.memory_space<vmem_shared>>
      %dma_wait3A_37 = tpu.memref_slice %arg9[%mul3A_2] : memref<10240xf32, #tpu.memory_space<vmem_shared>> -> memref<640xf32, #tpu.memory_space<vmem_shared>>
      tpu.wait_dma2 semaphore(%run_scoped3A_35 : memref<!tpu.dma_semaphore, #tpu.memory_space<semaphore_mem>>) src(%arg8 : memref<640xf32, #tpu.memory_space<vmem>>) dst(%dma_wait3A_37 : memref<640xf32, #tpu.memory_space<vmem_shared>>)
      tpu.yield
    }) : () -> ()
    "tpu.region"() ({
      %run_scoped3A_35 = tpu.sem_alloc : memref<!tpu.dma_semaphore, #tpu.memory_space<semaphore_mem>>
      %dma_start3A = tpu.memref_slice %arg10[%mul3A_2] : memref<10240xf32, #tpu.memory_space<vmem_shared>> -> memref<640xf32, #tpu.memory_space<vmem_shared>>
      %dma_start3A_36 = tpu.memref_slice %arg10[%mul3A_2] : memref<10240xf32, #tpu.memory_space<vmem_shared>> -> memref<640xf32, #tpu.memory_space<vmem_shared>>
      tpu.enqueue_dma source(%arg8 : memref<640xf32, #tpu.memory_space<vmem>>) target(%dma_start3A_36 : memref<640xf32, #tpu.memory_space<vmem_shared>>) target_semaphore(%run_scoped3A_35 : memref<!tpu.dma_semaphore, #tpu.memory_space<semaphore_mem>>)
      %dma_wait3A = tpu.memref_slice %arg10[%mul3A_2] : memref<10240xf32, #tpu.memory_space<vmem_shared>> -> memref<640xf32, #tpu.memory_space<vmem_shared>>
      %dma_wait3A_37 = tpu.memref_slice %arg10[%mul3A_2] : memref<10240xf32, #tpu.memory_space<vmem_shared>> -> memref<640xf32, #tpu.memory_space<vmem_shared>>
      tpu.wait_dma2 semaphore(%run_scoped3A_35 : memref<!tpu.dma_semaphore, #tpu.memory_space<semaphore_mem>>) src(%arg8 : memref<640xf32, #tpu.memory_space<vmem>>) dst(%dma_wait3A_37 : memref<640xf32, #tpu.memory_space<vmem_shared>>)
      tpu.yield
    }) : () -> ()
    %barrier3A = arith.constant 0 : index
    tpu.barrier barrier_id(%barrier3A)
    %scan3A_19 = arith.constant 0 : i32
    %scan3A_20 = arith.constant 0 : i32
    %scan3A_21 = arith.constant 79 : i32
    %scan3A_22 = arith.addi %scan3A_20, %scan3A_21 : i32
    %scan3A_23 = arith.constant 1 : i32
    %scan3A_24 = scf.for %scan3A_35 = %scan3A_20 to %scan3A_22 step %scan3A_23 iter_args(%scan3A_36 = %scan3A_19) -> (i32)  : i32 {
      %ge3A = arith.constant 16 : i32
      %ge3A_37 = arith.cmpi sge, %scan3A_35, %ge3A : i32
      %convert_element_type3A = arith.extui %ge3A_37 : i1 to i32
      %cond3A = arith.constant 0 : i32
      %cond3A_38 = arith.cmpi ne, %convert_element_type3A, %cond3A : i32
      scf.if %cond3A_38 {
        %sub3A = arith.constant 16 : i32
        %sub3A_49 = arith.subi %scan3A_35, %sub3A : i32
        %dma_wait3A = arith.constant 0 : i32
        %dma_wait3A_50 = tpu.memref_slice %arg5[%sub3A_49, %dma_wait3A] : memref<79x128xi32, #tpu.memory_space<vmem>> -> memref<1x128xi32, #tpu.memory_space<vmem>>
        %dma_wait3A_51 = tpu.memref_squeeze %dma_wait3A_50 : memref<1x128xi32, #tpu.memory_space<vmem>> -> memref<128xi32, #tpu.memory_space<vmem>>
        %dma_wait3A_52 = arith.constant 0 : i32
        %dma_wait3A_53 = tpu.memref_slice %arg9[%dma_wait3A_52] : memref<10240xf32, #tpu.memory_space<vmem_shared>> -> memref<10240xf32, #tpu.memory_space<vmem_shared>>
        tpu.wait_indirect_dma semaphore(%arg11 : memref<!tpu.dma_semaphore, #tpu.memory_space<semaphore_mem>>) src(%arg7 : memref<128xf32, #tpu.memory_space<vmem>>) dst(%dma_wait3A_53 : memref<10240xf32, #tpu.memory_space<vmem_shared>>)
        %sub3A_54 = arith.constant 16 : i32
        %sub3A_55 = arith.subi %scan3A_35, %sub3A_54 : i32
        %dma_wait3A_56 = arith.constant 0 : i32
        %dma_wait3A_57 = tpu.memref_slice %arg6[%sub3A_55, %dma_wait3A_56] : memref<79x128xi32, #tpu.memory_space<vmem>> -> memref<1x128xi32, #tpu.memory_space<vmem>>
        %dma_wait3A_58 = tpu.memref_squeeze %dma_wait3A_57 : memref<1x128xi32, #tpu.memory_space<vmem>> -> memref<128xi32, #tpu.memory_space<vmem>>
        %dma_wait3A_59 = arith.constant 0 : i32
        %dma_wait3A_60 = tpu.memref_slice %arg10[%dma_wait3A_59] : memref<10240xf32, #tpu.memory_space<vmem_shared>> -> memref<10240xf32, #tpu.memory_space<vmem_shared>>
        tpu.wait_indirect_dma semaphore(%arg12 : memref<!tpu.dma_semaphore, #tpu.memory_space<semaphore_mem>>) src(%arg7 : memref<128xf32, #tpu.memory_space<vmem>>) dst(%dma_wait3A_60 : memref<10240xf32, #tpu.memory_space<vmem_shared>>)
      } else {
      }
      %dma_start3A = arith.constant 0 : i32
      %dma_start3A_39 = tpu.memref_slice %arg5[%scan3A_35, %dma_start3A] : memref<79x128xi32, #tpu.memory_space<vmem>> -> memref<1x128xi32, #tpu.memory_space<vmem>>
      %dma_start3A_40 = tpu.memref_squeeze %dma_start3A_39 : memref<1x128xi32, #tpu.memory_space<vmem>> -> memref<128xi32, #tpu.memory_space<vmem>>
      %dma_start3A_41 = arith.constant 0 : i32
      %dma_start3A_42 = tpu.memref_slice %arg9[%dma_start3A_41] : memref<10240xf32, #tpu.memory_space<vmem_shared>> -> memref<10240xf32, #tpu.memory_space<vmem_shared>>
      tpu.enqueue_indirect_dma source(%arg7 : memref<128xf32, #tpu.memory_space<vmem>>) target(%dma_start3A_42 : memref<10240xf32, #tpu.memory_space<vmem_shared>>) offsets(%dma_start3A_40 : memref<128xi32, #tpu.memory_space<vmem>>) semaphore(%arg11 : memref<!tpu.dma_semaphore, #tpu.memory_space<semaphore_mem>>) {add = true}
      %dma_start3A_43 = arith.constant 0 : i32
      %dma_start3A_44 = tpu.memref_slice %arg6[%scan3A_35, %dma_start3A_43] : memref<79x128xi32, #tpu.memory_space<vmem>> -> memref<1x128xi32, #tpu.memory_space<vmem>>
      %dma_start3A_45 = tpu.memref_squeeze %dma_start3A_44 : memref<1x128xi32, #tpu.memory_space<vmem>> -> memref<128xi32, #tpu.memory_space<vmem>>
      %dma_start3A_46 = arith.constant 0 : i32
      %dma_start3A_47 = tpu.memref_slice %arg10[%dma_start3A_46] : memref<10240xf32, #tpu.memory_space<vmem_shared>> -> memref<10240xf32, #tpu.memory_space<vmem_shared>>
      tpu.enqueue_indirect_dma source(%arg7 : memref<128xf32, #tpu.memory_space<vmem>>) target(%dma_start3A_47 : memref<10240xf32, #tpu.memory_space<vmem_shared>>) offsets(%dma_start3A_45 : memref<128xi32, #tpu.memory_space<vmem>>) semaphore(%arg12 : memref<!tpu.dma_semaphore, #tpu.memory_space<semaphore_mem>>) {add = true}
      %scan3A_48 = arith.constant 0 : i32
      scf.yield %scan3A_48 : i32
    }
    %scan3A_25 = arith.constant 79 : i32
    %scan3A_26 = arith.constant 0 : i32
    %scan3A_27 = arith.constant 63 : i32
    %scan3A_28 = arith.constant 16 : i32
    %scan3A_29 = arith.addi %scan3A_27, %scan3A_28 : i32
    %scan3A_30 = arith.constant 1 : i32
    %scan3A_31 = scf.for %scan3A_35 = %scan3A_27 to %scan3A_29 step %scan3A_30 iter_args(%scan3A_36 = %scan3A_26) -> (i32)  : i32 {
      %dma_wait3A = arith.constant 0 : i32
      %dma_wait3A_37 = tpu.memref_slice %arg5[%scan3A_35, %dma_wait3A] : memref<79x128xi32, #tpu.memory_space<vmem>> -> memref<1x128xi32, #tpu.memory_space<vmem>>
      %dma_wait3A_38 = tpu.memref_squeeze %dma_wait3A_37 : memref<1x128xi32, #tpu.memory_space<vmem>> -> memref<128xi32, #tpu.memory_space<vmem>>
      %dma_wait3A_39 = arith.constant 0 : i32
      %dma_wait3A_40 = tpu.memref_slice %arg9[%dma_wait3A_39] : memref<10240xf32, #tpu.memory_space<vmem_shared>> -> memref<10240xf32, #tpu.memory_space<vmem_shared>>
      tpu.wait_indirect_dma semaphore(%arg11 : memref<!tpu.dma_semaphore, #tpu.memory_space<semaphore_mem>>) src(%arg7 : memref<128xf32, #tpu.memory_space<vmem>>) dst(%dma_wait3A_40 : memref<10240xf32, #tpu.memory_space<vmem_shared>>)
      %dma_wait3A_41 = arith.constant 0 : i32
      %dma_wait3A_42 = tpu.memref_slice %arg6[%scan3A_35, %dma_wait3A_41] : memref<79x128xi32, #tpu.memory_space<vmem>> -> memref<1x128xi32, #tpu.memory_space<vmem>>
      %dma_wait3A_43 = tpu.memref_squeeze %dma_wait3A_42 : memref<1x128xi32, #tpu.memory_space<vmem>> -> memref<128xi32, #tpu.memory_space<vmem>>
      %dma_wait3A_44 = arith.constant 0 : i32
      %dma_wait3A_45 = tpu.memref_slice %arg10[%dma_wait3A_44] : memref<10240xf32, #tpu.memory_space<vmem_shared>> -> memref<10240xf32, #tpu.memory_space<vmem_shared>>
      tpu.wait_indirect_dma semaphore(%arg12 : memref<!tpu.dma_semaphore, #tpu.memory_space<semaphore_mem>>) src(%arg7 : memref<128xf32, #tpu.memory_space<vmem>>) dst(%dma_wait3A_45 : memref<10240xf32, #tpu.memory_space<vmem_shared>>)
      %scan3A_46 = arith.constant 0 : i32
      scf.yield %scan3A_46 : i32
    }
    %scan3A_32 = arith.constant 16 : i32
    %barrier3A_33 = arith.constant 0 : index
    tpu.barrier barrier_id(%barrier3A_33)
    %run_scoped3A = arith.constant 0 : i32
    "tpu.region"() ({
      %run_scoped3A_35 = tpu.sem_alloc : memref<!tpu.dma_semaphore, #tpu.memory_space<semaphore_mem>>
      %dma_start3A = tpu.memref_slice %arg4[%arg0, %run_scoped3A, %mul3A_2] : memref<2x2x10240xf32, #tpu.memory_space<hbm>> -> memref<1x1x640xf32, #tpu.memory_space<hbm>>
      %dma_start3A_36 = tpu.memref_squeeze %dma_start3A : memref<1x1x640xf32, #tpu.memory_space<hbm>> -> memref<640xf32, #tpu.memory_space<hbm>>
      %dma_start3A_37 = tpu.memref_slice %arg9[%mul3A_2] : memref<10240xf32, #tpu.memory_space<vmem_shared>> -> memref<640xf32, #tpu.memory_space<vmem_shared>>
      tpu.enqueue_dma source(%dma_start3A_37 : memref<640xf32, #tpu.memory_space<vmem_shared>>) target(%dma_start3A_36 : memref<640xf32, #tpu.memory_space<hbm>>) target_semaphore(%run_scoped3A_35 : memref<!tpu.dma_semaphore, #tpu.memory_space<semaphore_mem>>)
      %dma_wait3A = tpu.memref_slice %arg4[%arg0, %run_scoped3A, %mul3A_2] : memref<2x2x10240xf32, #tpu.memory_space<hbm>> -> memref<1x1x640xf32, #tpu.memory_space<hbm>>
      %dma_wait3A_38 = tpu.memref_squeeze %dma_wait3A : memref<1x1x640xf32, #tpu.memory_space<hbm>> -> memref<640xf32, #tpu.memory_space<hbm>>
      %dma_wait3A_39 = tpu.memref_slice %arg9[%mul3A_2] : memref<10240xf32, #tpu.memory_space<vmem_shared>> -> memref<640xf32, #tpu.memory_space<vmem_shared>>
      tpu.wait_dma2 semaphore(%run_scoped3A_35 : memref<!tpu.dma_semaphore, #tpu.memory_space<semaphore_mem>>) src(%dma_wait3A_39 : memref<640xf32, #tpu.memory_space<vmem_shared>>) dst(%dma_wait3A_38 : memref<640xf32, #tpu.memory_space<hbm>>)
      tpu.yield
    }) : () -> ()
    %run_scoped3A_34 = arith.constant 1 : i32
    "tpu.region"() ({
      %run_scoped3A_35 = tpu.sem_alloc : memref<!tpu.dma_semaphore, #tpu.memory_space<semaphore_mem>>
      %dma_start3A = tpu.memref_slice %arg4[%arg0, %run_scoped3A_34, %mul3A_2] : memref<2x2x10240xf32, #tpu.memory_space<hbm>> -> memref<1x1x640xf32, #tpu.memory_space<hbm>>
      %dma_start3A_36 = tpu.memref_squeeze %dma_start3A : memref<1x1x640xf32, #tpu.memory_space<hbm>> -> memref<640xf32, #tpu.memory_space<hbm>>
      %dma_start3A_37 = tpu.memref_slice %arg10[%mul3A_2] : memref<10240xf32, #tpu.memory_space<vmem_shared>> -> memref<640xf32, #tpu.memory_space<vmem_shared>>
      tpu.enqueue_dma source(%dma_start3A_37 : memref<640xf32, #tpu.memory_space<vmem_shared>>) target(%dma_start3A_36 : memref<640xf32, #tpu.memory_space<hbm>>) target_semaphore(%run_scoped3A_35 : memref<!tpu.dma_semaphore, #tpu.memory_space<semaphore_mem>>)
      %dma_wait3A = tpu.memref_slice %arg4[%arg0, %run_scoped3A_34, %mul3A_2] : memref<2x2x10240xf32, #tpu.memory_space<hbm>> -> memref<1x1x640xf32, #tpu.memory_space<hbm>>
      %dma_wait3A_38 = tpu.memref_squeeze %dma_wait3A : memref<1x1x640xf32, #tpu.memory_space<hbm>> -> memref<640xf32, #tpu.memory_space<hbm>>
      %dma_wait3A_39 = tpu.memref_slice %arg10[%mul3A_2] : memref<10240xf32, #tpu.memory_space<vmem_shared>> -> memref<640xf32, #tpu.memory_space<vmem_shared>>
      tpu.wait_dma2 semaphore(%run_scoped3A_35 : memref<!tpu.dma_semaphore, #tpu.memory_space<semaphore_mem>>) src(%dma_wait3A_39 : memref<640xf32, #tpu.memory_space<vmem_shared>>) dst(%dma_wait3A_38 : memref<640xf32, #tpu.memory_space<hbm>>)
      tpu.yield
    }) : () -> ()
    return
  }
}

#map = affine_map<(d0, d1) -> (0, 0, 0)>
module attributes {stable_mosaic.version = 14 : i64} {
  func.func @_sc_segsum(%arg0: i32, %arg1: i32, %arg2: memref<2x10240x64xbf16, #tpu.memory_space<hbm>>, %arg3: memref<16x250x80xi32, #tpu.memory_space<hbm>>, %arg4: memref<16x250x80xi32, #tpu.memory_space<hbm>>, %arg5: memref<2x10240x64xbf16, #tpu.memory_space<hbm>>, %arg6: memref<250x80xi32, #tpu.memory_space<vmem>>, %arg7: memref<250x80xi32, #tpu.memory_space<vmem>>, %arg8: memref<80x64xbf16, #tpu.memory_space<vmem>>, %arg9: memref<80x64xbf16, #tpu.memory_space<vmem>>, %arg10: memref<80x64xbf16, #tpu.memory_space<vmem>>, %arg11: memref<80x64xbf16, #tpu.memory_space<vmem>>, %arg12: memref<80x64xbf16, #tpu.memory_space<vmem>>, %arg13: memref<80x64xbf16, #tpu.memory_space<vmem>>, %arg14: memref<10240x64xbf16, #tpu.memory_space<vmem_shared>>, %arg15: memref<!tpu.dma_semaphore, #tpu.memory_space<semaphore_mem>>, %arg16: memref<!tpu.dma_semaphore, #tpu.memory_space<semaphore_mem>>, %arg17: memref<!tpu.dma_semaphore, #tpu.memory_space<semaphore_mem>>, %arg18: memref<!tpu.dma_semaphore, #tpu.memory_space<semaphore_mem>>, %arg19: memref<!tpu.dma_semaphore, #tpu.memory_space<semaphore_mem>>, %arg20: memref<!tpu.dma_semaphore, #tpu.memory_space<semaphore_mem>>, %arg21: memref<!tpu.dma_semaphore, #tpu.memory_space<semaphore_mem>>, %arg22: memref<!tpu.dma_semaphore, #tpu.memory_space<semaphore_mem>>, %arg23: memref<!tpu.dma_semaphore, #tpu.memory_space<semaphore_mem>>, %arg24: memref<!tpu.dma_semaphore, #tpu.memory_space<semaphore_mem>>) attributes {dimension_semantics = [#tpu.dimension_semantics<core_parallel>, #tpu.dimension_semantics<subcore_parallel>], iteration_bounds = array<i64: 2, 16>, scalar_prefetch = 0 : i64, scratch_operands = 19 : i64, tpu.core_type = #tpu.core_type<sc_vector_subcore>, window_params = [{transform_indices = #map}, {transform_indices = #map}, {transform_indices = #map}, {transform_indices = #map}]} {
    %mul3A = arith.constant 640 : i32
    %mul3A_0 = arith.muli %arg1, %mul3A : i32
    %broadcast_in_dim3A = arith.constant 0.000000e+00 : bf16
    %broadcast_in_dim3A_1 = vector.broadcast %broadcast_in_dim3A : bf16 to vector<32xbf16>
    %scan3A = arith.constant 0 : i32
    %scan3A_2 = arith.constant 0 : i32
    %scan3A_3 = arith.constant 160 : i32
    %scan3A_4 = arith.addi %scan3A_2, %scan3A_3 : i32
    %scan3A_5 = arith.constant 1 : i32
    %scan3A_6 = scf.for %scan3A_90 = %scan3A_2 to %scan3A_4 step %scan3A_5 iter_args(%scan3A_91 = %scan3A) -> (i32)  : i32 {
      %jit3A = arith.constant 2 : i32
      %div3A = arith.divsi %scan3A_90, %jit3A : i32
      %sign3A = arith.constant 0 : i32
      %sign3A_92 = arith.cmpi sgt, %scan3A_90, %sign3A : i32
      %sign3A_93 = arith.extui %sign3A_92 : i1 to i32
      %sign3A_94 = arith.constant 0 : i32
      %sign3A_95 = arith.cmpi slt, %scan3A_90, %sign3A_94 : i32
      %sign3A_96 = arith.extui %sign3A_95 : i1 to i32
      %sign3A_97 = arith.subi %sign3A_93, %sign3A_96 : i32
      %sign3A_98 = arith.constant 0 : i32
      %sign3A_99 = arith.cmpi sgt, %jit3A, %sign3A_98 : i32
      %sign3A_100 = arith.extui %sign3A_99 : i1 to i32
      %sign3A_101 = arith.constant 0 : i32
      %sign3A_102 = arith.cmpi slt, %jit3A, %sign3A_101 : i32
      %sign3A_103 = arith.extui %sign3A_102 : i1 to i32
      %sign3A_104 = arith.subi %sign3A_100, %sign3A_103 : i32
      %ne3A = arith.cmpi ne, %sign3A_97, %sign3A_104 : i32
      %rem3A = arith.remsi %scan3A_90, %jit3A : i32
      %ne3A_105 = arith.constant 0 : i32
      %ne3A_106 = arith.cmpi ne, %rem3A, %ne3A_105 : i32
      %and3A = arith.andi %ne3A, %ne3A_106 : i1
      %sub3A = arith.constant 1 : i32
      %sub3A_107 = arith.subi %div3A, %sub3A : i32
      %select_n3A = arith.select %and3A, %sub3A_107, %div3A : i32
      %jit3A_108 = arith.constant 2 : i32
      %eq3A = arith.constant 0 : i32
      %eq3A_109 = arith.cmpi eq, %jit3A_108, %eq3A : i32
      %jit3A_110 = arith.constant 1 : i32
      %select_n3A_111 = arith.select %eq3A_109, %jit3A_110, %jit3A_108 : i32
      %rem3A_112 = arith.remsi %scan3A_90, %select_n3A_111 : i32
      %ne3A_113 = arith.constant 0 : i32
      %ne3A_114 = arith.cmpi ne, %rem3A_112, %ne3A_113 : i32
      %lt3A = arith.constant 0 : i32
      %lt3A_115 = arith.cmpi slt, %rem3A_112, %lt3A : i32
      %lt3A_116 = arith.constant 0 : i32
      %lt3A_117 = arith.cmpi slt, %select_n3A_111, %lt3A_116 : i32
      %ne3A_118 = arith.xori %lt3A_115, %lt3A_117 : i1
      %and3A_119 = arith.andi %ne3A_118, %ne3A_114 : i1
      %add3A = arith.addi %rem3A_112, %select_n3A_111 : i32
      %select_n3A_120 = arith.select %and3A_119, %add3A, %rem3A_112 : i32
      %mul3A_121 = arith.constant 32 : i32
      %mul3A_122 = arith.muli %select_n3A_120, %mul3A_121 : i32
      %swap3A = arith.index_cast %select_n3A : i32 to index
      %swap3A_123 = arith.index_cast %mul3A_122 : i32 to index
      %swap3A_124 = tpu.vector_load %arg8[%swap3A, %swap3A_123] {strides = array<i32>} : memref<80x64xbf16, #tpu.memory_space<vmem>>, vector<1x32xbf16>,
      %swap3A_125 = vector.shape_cast %swap3A_124 : vector<1x32xbf16> to vector<32xbf16>
      %swap3A_126 = vector.shape_cast %broadcast_in_dim3A_1 : vector<32xbf16> to vector<1x32xbf16>
      tpu.vector_store %arg8[%swap3A, %swap3A_123], %swap3A_126 {strides = array<i32>} : memref<80x64xbf16, #tpu.memory_space<vmem>>, vector<1x32xbf16>,
      %scan3A_127 = arith.constant 0 : i32
      scf.yield %scan3A_127 : i32
    }
    %scan3A_7 = arith.constant 160 : i32
    "tpu.region"() ({
      %run_scoped3A = tpu.sem_alloc : memref<!tpu.dma_semaphore, #tpu.memory_space<semaphore_mem>>
      %dma_start3A_90 = arith.constant 0 : i32
      %dma_start3A_91 = arith.constant 0 : i32
      %dma_start3A_92 = tpu.memref_slice %arg3[%arg1, %dma_start3A_90, %dma_start3A_91] : memref<16x250x80xi32, #tpu.memory_space<hbm>> -> memref<1x250x80xi32, #tpu.memory_space<hbm>>
      %dma_start3A_93 = tpu.memref_squeeze %dma_start3A_92 : memref<1x250x80xi32, #tpu.memory_space<hbm>> -> memref<250x80xi32, #tpu.memory_space<hbm>>
      %dma_start3A_94 = arith.constant 0 : i32
      %dma_start3A_95 = arith.constant 0 : i32
      %dma_start3A_96 = tpu.memref_slice %arg3[%arg1, %dma_start3A_94, %dma_start3A_95] : memref<16x250x80xi32, #tpu.memory_space<hbm>> -> memref<1x250x80xi32, #tpu.memory_space<hbm>>
      %dma_start3A_97 = tpu.memref_squeeze %dma_start3A_96 : memref<1x250x80xi32, #tpu.memory_space<hbm>> -> memref<250x80xi32, #tpu.memory_space<hbm>>
      tpu.enqueue_dma source(%dma_start3A_97 : memref<250x80xi32, #tpu.memory_space<hbm>>) target(%arg6 : memref<250x80xi32, #tpu.memory_space<vmem>>) target_semaphore(%run_scoped3A : memref<!tpu.dma_semaphore, #tpu.memory_space<semaphore_mem>>)
      %dma_wait3A_98 = arith.constant 0 : i32
      %dma_wait3A_99 = arith.constant 0 : i32
      %dma_wait3A_100 = tpu.memref_slice %arg3[%arg1, %dma_wait3A_98, %dma_wait3A_99] : memref<16x250x80xi32, #tpu.memory_space<hbm>> -> memref<1x250x80xi32, #tpu.memory_space<hbm>>
      %dma_wait3A_101 = tpu.memref_squeeze %dma_wait3A_100 : memref<1x250x80xi32, #tpu.memory_space<hbm>> -> memref<250x80xi32, #tpu.memory_space<hbm>>
      %dma_wait3A_102 = arith.constant 0 : i32
      %dma_wait3A_103 = arith.constant 0 : i32
      %dma_wait3A_104 = tpu.memref_slice %arg3[%arg1, %dma_wait3A_102, %dma_wait3A_103] : memref<16x250x80xi32, #tpu.memory_space<hbm>> -> memref<1x250x80xi32, #tpu.memory_space<hbm>>
      %dma_wait3A_105 = tpu.memref_squeeze %dma_wait3A_104 : memref<1x250x80xi32, #tpu.memory_space<hbm>> -> memref<250x80xi32, #tpu.memory_space<hbm>>
      tpu.wait_dma2 semaphore(%run_scoped3A : memref<!tpu.dma_semaphore, #tpu.memory_space<semaphore_mem>>) src(%dma_wait3A_105 : memref<250x80xi32, #tpu.memory_space<hbm>>) dst(%arg6 : memref<250x80xi32, #tpu.memory_space<vmem>>)
      tpu.yield
    }) : () -> ()
    "tpu.region"() ({
      %run_scoped3A = tpu.sem_alloc : memref<!tpu.dma_semaphore, #tpu.memory_space<semaphore_mem>>
      %dma_start3A_90 = arith.constant 0 : i32
      %dma_start3A_91 = arith.constant 0 : i32
      %dma_start3A_92 = tpu.memref_slice %arg4[%arg1, %dma_start3A_90, %dma_start3A_91] : memref<16x250x80xi32, #tpu.memory_space<hbm>> -> memref<1x250x80xi32, #tpu.memory_space<hbm>>
      %dma_start3A_93 = tpu.memref_squeeze %dma_start3A_92 : memref<1x250x80xi32, #tpu.memory_space<hbm>> -> memref<250x80xi32, #tpu.memory_space<hbm>>
      %dma_start3A_94 = arith.constant 0 : i32
      %dma_start3A_95 = arith.constant 0 : i32
      %dma_start3A_96 = tpu.memref_slice %arg4[%arg1, %dma_start3A_94, %dma_start3A_95] : memref<16x250x80xi32, #tpu.memory_space<hbm>> -> memref<1x250x80xi32, #tpu.memory_space<hbm>>
      %dma_start3A_97 = tpu.memref_squeeze %dma_start3A_96 : memref<1x250x80xi32, #tpu.memory_space<hbm>> -> memref<250x80xi32, #tpu.memory_space<hbm>>
      tpu.enqueue_dma source(%dma_start3A_97 : memref<250x80xi32, #tpu.memory_space<hbm>>) target(%arg7 : memref<250x80xi32, #tpu.memory_space<vmem>>) target_semaphore(%run_scoped3A : memref<!tpu.dma_semaphore, #tpu.memory_space<semaphore_mem>>)
      %dma_wait3A_98 = arith.constant 0 : i32
      %dma_wait3A_99 = arith.constant 0 : i32
      %dma_wait3A_100 = tpu.memref_slice %arg4[%arg1, %dma_wait3A_98, %dma_wait3A_99] : memref<16x250x80xi32, #tpu.memory_space<hbm>> -> memref<1x250x80xi32, #tpu.memory_space<hbm>>
      %dma_wait3A_101 = tpu.memref_squeeze %dma_wait3A_100 : memref<1x250x80xi32, #tpu.memory_space<hbm>> -> memref<250x80xi32, #tpu.memory_space<hbm>>
      %dma_wait3A_102 = arith.constant 0 : i32
      %dma_wait3A_103 = arith.constant 0 : i32
      %dma_wait3A_104 = tpu.memref_slice %arg4[%arg1, %dma_wait3A_102, %dma_wait3A_103] : memref<16x250x80xi32, #tpu.memory_space<hbm>> -> memref<1x250x80xi32, #tpu.memory_space<hbm>>
      %dma_wait3A_105 = tpu.memref_squeeze %dma_wait3A_104 : memref<1x250x80xi32, #tpu.memory_space<hbm>> -> memref<250x80xi32, #tpu.memory_space<hbm>>
      tpu.wait_dma2 semaphore(%run_scoped3A : memref<!tpu.dma_semaphore, #tpu.memory_space<semaphore_mem>>) src(%dma_wait3A_105 : memref<250x80xi32, #tpu.memory_space<hbm>>) dst(%arg7 : memref<250x80xi32, #tpu.memory_space<vmem>>)
      tpu.yield
    }) : () -> ()
    %dma_start3A = arith.constant 0 : i32
    %dma_start3A_8 = arith.constant 0 : i32
    %dma_start3A_9 = tpu.memref_slice %arg6[%dma_start3A, %dma_start3A_8] : memref<250x80xi32, #tpu.memory_space<vmem>> -> memref<1x80xi32, #tpu.memory_space<vmem>>
    %dma_start3A_10 = tpu.memref_squeeze %dma_start3A_9 : memref<1x80xi32, #tpu.memory_space<vmem>> -> memref<80xi32, #tpu.memory_space<vmem>>
    %dma_start3A_11 = arith.constant 0 : i32
    %dma_start3A_12 = arith.constant 0 : i32
    %dma_start3A_13 = tpu.memref_slice %arg2[%arg0, %dma_start3A_11, %dma_start3A_12] : memref<2x10240x64xbf16, #tpu.memory_space<hbm>> -> memref<1x10240x64xbf16, #tpu.memory_space<hbm>>
    %dma_start3A_14 = tpu.memref_squeeze %dma_start3A_13 : memref<1x10240x64xbf16, #tpu.memory_space<hbm>> -> memref<10240x64xbf16, #tpu.memory_space<hbm>>
    %dma_start3A_15 = arith.constant 0 : i32
    %dma_start3A_16 = arith.constant 0 : i32
    %dma_start3A_17 = tpu.memref_slice %dma_start3A_14[%dma_start3A_15, %dma_start3A_16] : memref<10240x64xbf16, #tpu.memory_space<hbm>> -> memref<10240x64xbf16, #tpu.memory_space<hbm>>
    tpu.enqueue_indirect_dma source(%dma_start3A_17 : memref<10240x64xbf16, #tpu.memory_space<hbm>>) target(%arg9 : memref<80x64xbf16, #tpu.memory_space<vmem>>) offsets(%dma_start3A_10 : memref<80xi32, #tpu.memory_space<vmem>>) semaphore(%arg15 : memref<!tpu.dma_semaphore, #tpu.memory_space<semaphore_mem>>)
    %dma_start3A_18 = arith.constant 1 : i32
    %dma_start3A_19 = arith.constant 0 : i32
    %dma_start3A_20 = tpu.memref_slice %arg6[%dma_start3A_18, %dma_start3A_19] : memref<250x80xi32, #tpu.memory_space<vmem>> -> memref<1x80xi32, #tpu.memory_space<vmem>>
    %dma_start3A_21 = tpu.memref_squeeze %dma_start3A_20 : memref<1x80xi32, #tpu.memory_space<vmem>> -> memref<80xi32, #tpu.memory_space<vmem>>
    %dma_start3A_22 = arith.constant 0 : i32
    %dma_start3A_23 = arith.constant 0 : i32
    %dma_start3A_24 = tpu.memref_slice %arg2[%arg0, %dma_start3A_22, %dma_start3A_23] : memref<2x10240x64xbf16, #tpu.memory_space<hbm>> -> memref<1x10240x64xbf16, #tpu.memory_space<hbm>>
    %dma_start3A_25 = tpu.memref_squeeze %dma_start3A_24 : memref<1x10240x64xbf16, #tpu.memory_space<hbm>> -> memref<10240x64xbf16, #tpu.memory_space<hbm>>
    %dma_start3A_26 = arith.constant 0 : i32
    %dma_start3A_27 = arith.constant 0 : i32
    %dma_start3A_28 = tpu.memref_slice %dma_start3A_25[%dma_start3A_26, %dma_start3A_27] : memref<10240x64xbf16, #tpu.memory_space<hbm>> -> memref<10240x64xbf16, #tpu.memory_space<hbm>>
    tpu.enqueue_indirect_dma source(%dma_start3A_28 : memref<10240x64xbf16, #tpu.memory_space<hbm>>) target(%arg10 : memref<80x64xbf16, #tpu.memory_space<vmem>>) offsets(%dma_start3A_21 : memref<80xi32, #tpu.memory_space<vmem>>) semaphore(%arg16 : memref<!tpu.dma_semaphore, #tpu.memory_space<semaphore_mem>>)
    %dma_start3A_29 = arith.constant 2 : i32
    %dma_start3A_30 = arith.constant 0 : i32
    %dma_start3A_31 = tpu.memref_slice %arg6[%dma_start3A_29, %dma_start3A_30] : memref<250x80xi32, #tpu.memory_space<vmem>> -> memref<1x80xi32, #tpu.memory_space<vmem>>
    %dma_start3A_32 = tpu.memref_squeeze %dma_start3A_31 : memref<1x80xi32, #tpu.memory_space<vmem>> -> memref<80xi32, #tpu.memory_space<vmem>>
    %dma_start3A_33 = arith.constant 0 : i32
    %dma_start3A_34 = arith.constant 0 : i32
    %dma_start3A_35 = tpu.memref_slice %arg2[%arg0, %dma_start3A_33, %dma_start3A_34] : memref<2x10240x64xbf16, #tpu.memory_space<hbm>> -> memref<1x10240x64xbf16, #tpu.memory_space<hbm>>
    %dma_start3A_36 = tpu.memref_squeeze %dma_start3A_35 : memref<1x10240x64xbf16, #tpu.memory_space<hbm>> -> memref<10240x64xbf16, #tpu.memory_space<hbm>>
    %dma_start3A_37 = arith.constant 0 : i32
    %dma_start3A_38 = arith.constant 0 : i32
    %dma_start3A_39 = tpu.memref_slice %dma_start3A_36[%dma_start3A_37, %dma_start3A_38] : memref<10240x64xbf16, #tpu.memory_space<hbm>> -> memref<10240x64xbf16, #tpu.memory_space<hbm>>
    tpu.enqueue_indirect_dma source(%dma_start3A_39 : memref<10240x64xbf16, #tpu.memory_space<hbm>>) target(%arg11 : memref<80x64xbf16, #tpu.memory_space<vmem>>) offsets(%dma_start3A_32 : memref<80xi32, #tpu.memory_space<vmem>>) semaphore(%arg17 : memref<!tpu.dma_semaphore, #tpu.memory_space<semaphore_mem>>)
    %dma_start3A_40 = arith.constant 3 : i32
    %dma_start3A_41 = arith.constant 0 : i32
    %dma_start3A_42 = tpu.memref_slice %arg6[%dma_start3A_40, %dma_start3A_41] : memref<250x80xi32, #tpu.memory_space<vmem>> -> memref<1x80xi32, #tpu.memory_space<vmem>>
    %dma_start3A_43 = tpu.memref_squeeze %dma_start3A_42 : memref<1x80xi32, #tpu.memory_space<vmem>> -> memref<80xi32, #tpu.memory_space<vmem>>
    %dma_start3A_44 = arith.constant 0 : i32
    %dma_start3A_45 = arith.constant 0 : i32
    %dma_start3A_46 = tpu.memref_slice %arg2[%arg0, %dma_start3A_44, %dma_start3A_45] : memref<2x10240x64xbf16, #tpu.memory_space<hbm>> -> memref<1x10240x64xbf16, #tpu.memory_space<hbm>>
    %dma_start3A_47 = tpu.memref_squeeze %dma_start3A_46 : memref<1x10240x64xbf16, #tpu.memory_space<hbm>> -> memref<10240x64xbf16, #tpu.memory_space<hbm>>
    %dma_start3A_48 = arith.constant 0 : i32
    %dma_start3A_49 = arith.constant 0 : i32
    %dma_start3A_50 = tpu.memref_slice %dma_start3A_47[%dma_start3A_48, %dma_start3A_49] : memref<10240x64xbf16, #tpu.memory_space<hbm>> -> memref<10240x64xbf16, #tpu.memory_space<hbm>>
    tpu.enqueue_indirect_dma source(%dma_start3A_50 : memref<10240x64xbf16, #tpu.memory_space<hbm>>) target(%arg12 : memref<80x64xbf16, #tpu.memory_space<vmem>>) offsets(%dma_start3A_43 : memref<80xi32, #tpu.memory_space<vmem>>) semaphore(%arg18 : memref<!tpu.dma_semaphore, #tpu.memory_space<semaphore_mem>>)
    %dma_start3A_51 = arith.constant 4 : i32
    %dma_start3A_52 = arith.constant 0 : i32
    %dma_start3A_53 = tpu.memref_slice %arg6[%dma_start3A_51, %dma_start3A_52] : memref<250x80xi32, #tpu.memory_space<vmem>> -> memref<1x80xi32, #tpu.memory_space<vmem>>
    %dma_start3A_54 = tpu.memref_squeeze %dma_start3A_53 : memref<1x80xi32, #tpu.memory_space<vmem>> -> memref<80xi32, #tpu.memory_space<vmem>>
    %dma_start3A_55 = arith.constant 0 : i32
    %dma_start3A_56 = arith.constant 0 : i32
    %dma_start3A_57 = tpu.memref_slice %arg2[%arg0, %dma_start3A_55, %dma_start3A_56] : memref<2x10240x64xbf16, #tpu.memory_space<hbm>> -> memref<1x10240x64xbf16, #tpu.memory_space<hbm>>
    %dma_start3A_58 = tpu.memref_squeeze %dma_start3A_57 : memref<1x10240x64xbf16, #tpu.memory_space<hbm>> -> memref<10240x64xbf16, #tpu.memory_space<hbm>>
    %dma_start3A_59 = arith.constant 0 : i32
    %dma_start3A_60 = arith.constant 0 : i32
    %dma_start3A_61 = tpu.memref_slice %dma_start3A_58[%dma_start3A_59, %dma_start3A_60] : memref<10240x64xbf16, #tpu.memory_space<hbm>> -> memref<10240x64xbf16, #tpu.memory_space<hbm>>
    tpu.enqueue_indirect_dma source(%dma_start3A_61 : memref<10240x64xbf16, #tpu.memory_space<hbm>>) target(%arg13 : memref<80x64xbf16, #tpu.memory_space<vmem>>) offsets(%dma_start3A_54 : memref<80xi32, #tpu.memory_space<vmem>>) semaphore(%arg19 : memref<!tpu.dma_semaphore, #tpu.memory_space<semaphore_mem>>)
    %scan3A_62 = arith.constant 0 : i32
    %scan3A_63 = arith.constant 0 : i32
    %scan3A_64 = arith.constant 8 : i32
    %scan3A_65 = arith.addi %scan3A_63, %scan3A_64 : i32
    %scan3A_66 = arith.constant 1 : i32
    %scan3A_67 = scf.for %scan3A_90 = %scan3A_63 to %scan3A_65 step %scan3A_66 iter_args(%scan3A_91 = %scan3A_62) -> (i32)  : i32 {
      %mul3A_92 = arith.constant 80 : i32
      %mul3A_93 = arith.muli %scan3A_90, %mul3A_92 : i32
      %add3A = arith.addi %mul3A_0, %mul3A_93 : i32
      "tpu.region"() ({
        %run_scoped3A = tpu.sem_alloc : memref<!tpu.dma_semaphore, #tpu.memory_space<semaphore_mem>>
        %dma_start3A_95 = arith.constant 0 : i32
        %dma_start3A_96 = tpu.memref_slice %arg14[%add3A, %dma_start3A_95] : memref<10240x64xbf16, #tpu.memory_space<vmem_shared>> -> memref<80x64xbf16, #tpu.memory_space<vmem_shared>>
        %dma_start3A_97 = arith.constant 0 : i32
        %dma_start3A_98 = tpu.memref_slice %arg14[%add3A, %dma_start3A_97] : memref<10240x64xbf16, #tpu.memory_space<vmem_shared>> -> memref<80x64xbf16, #tpu.memory_space<vmem_shared>>
        tpu.enqueue_dma source(%arg8 : memref<80x64xbf16, #tpu.memory_space<vmem>>) target(%dma_start3A_98 : memref<80x64xbf16, #tpu.memory_space<vmem_shared>>) target_semaphore(%run_scoped3A : memref<!tpu.dma_semaphore, #tpu.memory_space<semaphore_mem>>)
        %dma_wait3A_99 = arith.constant 0 : i32
        %dma_wait3A_100 = tpu.memref_slice %arg14[%add3A, %dma_wait3A_99] : memref<10240x64xbf16, #tpu.memory_space<vmem_shared>> -> memref<80x64xbf16, #tpu.memory_space<vmem_shared>>
        %dma_wait3A_101 = arith.constant 0 : i32
        %dma_wait3A_102 = tpu.memref_slice %arg14[%add3A, %dma_wait3A_101] : memref<10240x64xbf16, #tpu.memory_space<vmem_shared>> -> memref<80x64xbf16, #tpu.memory_space<vmem_shared>>
        tpu.wait_dma2 semaphore(%run_scoped3A : memref<!tpu.dma_semaphore, #tpu.memory_space<semaphore_mem>>) src(%arg8 : memref<80x64xbf16, #tpu.memory_space<vmem>>) dst(%dma_wait3A_102 : memref<80x64xbf16, #tpu.memory_space<vmem_shared>>)
        tpu.yield
      }) : () -> ()
      %scan3A_94 = arith.constant 0 : i32
      scf.yield %scan3A_94 : i32
    }
    %scan3A_68 = arith.constant 8 : i32
    %barrier3A = arith.constant 0 : index
    tpu.barrier barrier_id(%barrier3A)
    %scan3A_69 = arith.constant 0 : i32
    %scan3A_70 = arith.constant 0 : i32
    %scan3A_71 = arith.constant 50 : i32
    %scan3A_72 = arith.addi %scan3A_70, %scan3A_71 : i32
    %scan3A_73 = arith.constant 1 : i32
    %scan3A_74 = scf.for %scan3A_90 = %scan3A_70 to %scan3A_72 step %scan3A_73 iter_args(%scan3A_91 = %scan3A_69) -> (i32)  : i32 {
      %mul3A_92 = arith.constant 5 : i32
      %mul3A_93 = arith.muli %scan3A_90, %mul3A_92 : i32
      %add3A = arith.constant 0 : i32
      %add3A_94 = arith.addi %mul3A_93, %add3A : i32
      %dma_wait3A_95 = arith.constant 0 : i32
      %dma_wait3A_96 = tpu.memref_slice %arg6[%add3A_94, %dma_wait3A_95] : memref<250x80xi32, #tpu.memory_space<vmem>> -> memref<1x80xi32, #tpu.memory_space<vmem>>
      %dma_wait3A_97 = tpu.memref_squeeze %dma_wait3A_96 : memref<1x80xi32, #tpu.memory_space<vmem>> -> memref<80xi32, #tpu.memory_space<vmem>>
      %dma_wait3A_98 = arith.constant 0 : i32
      %dma_wait3A_99 = arith.constant 0 : i32
      %dma_wait3A_100 = tpu.memref_slice %arg2[%arg0, %dma_wait3A_98, %dma_wait3A_99] : memref<2x10240x64xbf16, #tpu.memory_space<hbm>> -> memref<1x10240x64xbf16, #tpu.memory_space<hbm>>
      %dma_wait3A_101 = tpu.memref_squeeze %dma_wait3A_100 : memref<1x10240x64xbf16, #tpu.memory_space<hbm>> -> memref<10240x64xbf16, #tpu.memory_space<hbm>>
      %dma_wait3A_102 = arith.constant 0 : i32
      %dma_wait3A_103 = arith.constant 0 : i32
      %dma_wait3A_104 = tpu.memref_slice %dma_wait3A_101[%dma_wait3A_102, %dma_wait3A_103] : memref<10240x64xbf16, #tpu.memory_space<hbm>> -> memref<10240x64xbf16, #tpu.memory_space<hbm>>
      tpu.wait_indirect_dma semaphore(%arg15 : memref<!tpu.dma_semaphore, #tpu.memory_space<semaphore_mem>>) src(%dma_wait3A_104 : memref<10240x64xbf16, #tpu.memory_space<hbm>>) dst(%arg9 : memref<80x64xbf16, #tpu.memory_space<vmem>>)
      %dma_start3A_105 = arith.constant 0 : i32
      %dma_start3A_106 = tpu.memref_slice %arg7[%add3A_94, %dma_start3A_105] : memref<250x80xi32, #tpu.memory_space<vmem>> -> memref<1x80xi32, #tpu.memory_space<vmem>>
      %dma_start3A_107 = tpu.memref_squeeze %dma_start3A_106 : memref<1x80xi32, #tpu.memory_space<vmem>> -> memref<80xi32, #tpu.memory_space<vmem>>
      %dma_start3A_108 = arith.constant 0 : i32
      %dma_start3A_109 = arith.constant 0 : i32
      %dma_start3A_110 = tpu.memref_slice %arg14[%dma_start3A_108, %dma_start3A_109] : memref<10240x64xbf16, #tpu.memory_space<vmem_shared>> -> memref<10240x64xbf16, #tpu.memory_space<vmem_shared>>
      tpu.enqueue_indirect_dma source(%arg9 : memref<80x64xbf16, #tpu.memory_space<vmem>>) target(%dma_start3A_110 : memref<10240x64xbf16, #tpu.memory_space<vmem_shared>>) offsets(%dma_start3A_107 : memref<80xi32, #tpu.memory_space<vmem>>) semaphore(%arg20 : memref<!tpu.dma_semaphore, #tpu.memory_space<semaphore_mem>>) {add = true}
      %sub3A = arith.constant 2 : i32
      %sub3A_111 = arith.subi %add3A_94, %sub3A : i32
      %ge3A = arith.constant 0 : i32
      %ge3A_112 = arith.cmpi sge, %sub3A_111, %ge3A : i32
      %convert_element_type3A = arith.extui %ge3A_112 : i1 to i32
      %cond3A = arith.constant 0 : i32
      %cond3A_113 = arith.cmpi ne, %convert_element_type3A, %cond3A : i32
      scf.if %cond3A_113 {
        %dma_wait3A_215 = arith.constant 0 : i32
        %dma_wait3A_216 = tpu.memref_slice %arg7[%sub3A_111, %dma_wait3A_215] : memref<250x80xi32, #tpu.memory_space<vmem>> -> memref<1x80xi32, #tpu.memory_space<vmem>>
        %dma_wait3A_217 = tpu.memref_squeeze %dma_wait3A_216 : memref<1x80xi32, #tpu.memory_space<vmem>> -> memref<80xi32, #tpu.memory_space<vmem>>
        %dma_wait3A_218 = arith.constant 0 : i32
        %dma_wait3A_219 = arith.constant 0 : i32
        %dma_wait3A_220 = tpu.memref_slice %arg14[%dma_wait3A_218, %dma_wait3A_219] : memref<10240x64xbf16, #tpu.memory_space<vmem_shared>> -> memref<10240x64xbf16, #tpu.memory_space<vmem_shared>>
        tpu.wait_indirect_dma semaphore(%arg23 : memref<!tpu.dma_semaphore, #tpu.memory_space<semaphore_mem>>) src(%arg12 : memref<80x64xbf16, #tpu.memory_space<vmem>>) dst(%dma_wait3A_220 : memref<10240x64xbf16, #tpu.memory_space<vmem_shared>>)
        %add3A_221 = arith.constant 5 : i32
        %add3A_222 = arith.addi %sub3A_111, %add3A_221 : i32
        %lt3A = arith.constant 250 : i32
        %lt3A_223 = arith.cmpi slt, %add3A_222, %lt3A : i32
        %convert_element_type3A_224 = arith.extui %lt3A_223 : i1 to i32
        %cond3A_225 = arith.constant 0 : i32
        %cond3A_226 = arith.cmpi ne, %convert_element_type3A_224, %cond3A_225 : i32
        scf.if %cond3A_226 {
          %add3A_227 = arith.constant 5 : i32
          %add3A_228 = arith.addi %sub3A_111, %add3A_227 : i32
          %dma_start3A_229 = arith.constant 0 : i32
          %dma_start3A_230 = tpu.memref_slice %arg6[%add3A_228, %dma_start3A_229] : memref<250x80xi32, #tpu.memory_space<vmem>> -> memref<1x80xi32, #tpu.memory_space<vmem>>
          %dma_start3A_231 = tpu.memref_squeeze %dma_start3A_230 : memref<1x80xi32, #tpu.memory_space<vmem>> -> memref<80xi32, #tpu.memory_space<vmem>>
          %dma_start3A_232 = arith.constant 0 : i32
          %dma_start3A_233 = arith.constant 0 : i32
          %dma_start3A_234 = tpu.memref_slice %arg2[%arg0, %dma_start3A_232, %dma_start3A_233] : memref<2x10240x64xbf16, #tpu.memory_space<hbm>> -> memref<1x10240x64xbf16, #tpu.memory_space<hbm>>
          %dma_start3A_235 = tpu.memref_squeeze %dma_start3A_234 : memref<1x10240x64xbf16, #tpu.memory_space<hbm>> -> memref<10240x64xbf16, #tpu.memory_space<hbm>>
          %dma_start3A_236 = arith.constant 0 : i32
          %dma_start3A_237 = arith.constant 0 : i32
          %dma_start3A_238 = tpu.memref_slice %dma_start3A_235[%dma_start3A_236, %dma_start3A_237] : memref<10240x64xbf16, #tpu.memory_space<hbm>> -> memref<10240x64xbf16, #tpu.memory_space<hbm>>
          tpu.enqueue_indirect_dma source(%dma_start3A_238 : memref<10240x64xbf16, #tpu.memory_space<hbm>>) target(%arg12 : memref<80x64xbf16, #tpu.memory_space<vmem>>) offsets(%dma_start3A_231 : memref<80xi32, #tpu.memory_space<vmem>>) semaphore(%arg18 : memref<!tpu.dma_semaphore, #tpu.memory_space<semaphore_mem>>)
        } else {
        }
      } else {
      }
      %add3A_114 = arith.constant 1 : i32
      %add3A_115 = arith.addi %mul3A_93, %add3A_114 : i32
      %dma_wait3A_116 = arith.constant 0 : i32
      %dma_wait3A_117 = tpu.memref_slice %arg6[%add3A_115, %dma_wait3A_116] : memref<250x80xi32, #tpu.memory_space<vmem>> -> memref<1x80xi32, #tpu.memory_space<vmem>>
      %dma_wait3A_118 = tpu.memref_squeeze %dma_wait3A_117 : memref<1x80xi32, #tpu.memory_space<vmem>> -> memref<80xi32, #tpu.memory_space<vmem>>
      %dma_wait3A_119 = arith.constant 0 : i32
      %dma_wait3A_120 = arith.constant 0 : i32
      %dma_wait3A_121 = tpu.memref_slice %arg2[%arg0, %dma_wait3A_119, %dma_wait3A_120] : memref<2x10240x64xbf16, #tpu.memory_space<hbm>> -> memref<1x10240x64xbf16, #tpu.memory_space<hbm>>
      %dma_wait3A_122 = tpu.memref_squeeze %dma_wait3A_121 : memref<1x10240x64xbf16, #tpu.memory_space<hbm>> -> memref<10240x64xbf16, #tpu.memory_space<hbm>>
      %dma_wait3A_123 = arith.constant 0 : i32
      %dma_wait3A_124 = arith.constant 0 : i32
      %dma_wait3A_125 = tpu.memref_slice %dma_wait3A_122[%dma_wait3A_123, %dma_wait3A_124] : memref<10240x64xbf16, #tpu.memory_space<hbm>> -> memref<10240x64xbf16, #tpu.memory_space<hbm>>
      tpu.wait_indirect_dma semaphore(%arg16 : memref<!tpu.dma_semaphore, #tpu.memory_space<semaphore_mem>>) src(%dma_wait3A_125 : memref<10240x64xbf16, #tpu.memory_space<hbm>>) dst(%arg10 : memref<80x64xbf16, #tpu.memory_space<vmem>>)
      %dma_start3A_126 = arith.constant 0 : i32
      %dma_start3A_127 = tpu.memref_slice %arg7[%add3A_115, %dma_start3A_126] : memref<250x80xi32, #tpu.memory_space<vmem>> -> memref<1x80xi32, #tpu.memory_space<vmem>>
      %dma_start3A_128 = tpu.memref_squeeze %dma_start3A_127 : memref<1x80xi32, #tpu.memory_space<vmem>> -> memref<80xi32, #tpu.memory_space<vmem>>
      %dma_start3A_129 = arith.constant 0 : i32
      %dma_start3A_130 = arith.constant 0 : i32
      %dma_start3A_131 = tpu.memref_slice %arg14[%dma_start3A_129, %dma_start3A_130] : memref<10240x64xbf16, #tpu.memory_space<vmem_shared>> -> memref<10240x64xbf16, #tpu.memory_space<vmem_shared>>
      tpu.enqueue_indirect_dma source(%arg10 : memref<80x64xbf16, #tpu.memory_space<vmem>>) target(%dma_start3A_131 : memref<10240x64xbf16, #tpu.memory_space<vmem_shared>>) offsets(%dma_start3A_128 : memref<80xi32, #tpu.memory_space<vmem>>) semaphore(%arg21 : memref<!tpu.dma_semaphore, #tpu.memory_space<semaphore_mem>>) {add = true}
      %sub3A_132 = arith.constant 2 : i32
      %sub3A_133 = arith.subi %add3A_115, %sub3A_132 : i32
      %ge3A_134 = arith.constant 0 : i32
      %ge3A_135 = arith.cmpi sge, %sub3A_133, %ge3A_134 : i32
      %convert_element_type3A_136 = arith.extui %ge3A_135 : i1 to i32
      %cond3A_137 = arith.constant 0 : i32
      %cond3A_138 = arith.cmpi ne, %convert_element_type3A_136, %cond3A_137 : i32
      scf.if %cond3A_138 {
        %dma_wait3A_215 = arith.constant 0 : i32
        %dma_wait3A_216 = tpu.memref_slice %arg7[%sub3A_133, %dma_wait3A_215] : memref<250x80xi32, #tpu.memory_space<vmem>> -> memref<1x80xi32, #tpu.memory_space<vmem>>
        %dma_wait3A_217 = tpu.memref_squeeze %dma_wait3A_216 : memref<1x80xi32, #tpu.memory_space<vmem>> -> memref<80xi32, #tpu.memory_space<vmem>>
        %dma_wait3A_218 = arith.constant 0 : i32
        %dma_wait3A_219 = arith.constant 0 : i32
        %dma_wait3A_220 = tpu.memref_slice %arg14[%dma_wait3A_218, %dma_wait3A_219] : memref<10240x64xbf16, #tpu.memory_space<vmem_shared>> -> memref<10240x64xbf16, #tpu.memory_space<vmem_shared>>
        tpu.wait_indirect_dma semaphore(%arg24 : memref<!tpu.dma_semaphore, #tpu.memory_space<semaphore_mem>>) src(%arg13 : memref<80x64xbf16, #tpu.memory_space<vmem>>) dst(%dma_wait3A_220 : memref<10240x64xbf16, #tpu.memory_space<vmem_shared>>)
        %add3A_221 = arith.constant 5 : i32
        %add3A_222 = arith.addi %sub3A_133, %add3A_221 : i32
        %lt3A = arith.constant 250 : i32
        %lt3A_223 = arith.cmpi slt, %add3A_222, %lt3A : i32
        %convert_element_type3A_224 = arith.extui %lt3A_223 : i1 to i32
        %cond3A_225 = arith.constant 0 : i32
        %cond3A_226 = arith.cmpi ne, %convert_element_type3A_224, %cond3A_225 : i32
        scf.if %cond3A_226 {
          %add3A_227 = arith.constant 5 : i32
          %add3A_228 = arith.addi %sub3A_133, %add3A_227 : i32
          %dma_start3A_229 = arith.constant 0 : i32
          %dma_start3A_230 = tpu.memref_slice %arg6[%add3A_228, %dma_start3A_229] : memref<250x80xi32, #tpu.memory_space<vmem>> -> memref<1x80xi32, #tpu.memory_space<vmem>>
          %dma_start3A_231 = tpu.memref_squeeze %dma_start3A_230 : memref<1x80xi32, #tpu.memory_space<vmem>> -> memref<80xi32, #tpu.memory_space<vmem>>
          %dma_start3A_232 = arith.constant 0 : i32
          %dma_start3A_233 = arith.constant 0 : i32
          %dma_start3A_234 = tpu.memref_slice %arg2[%arg0, %dma_start3A_232, %dma_start3A_233] : memref<2x10240x64xbf16, #tpu.memory_space<hbm>> -> memref<1x10240x64xbf16, #tpu.memory_space<hbm>>
          %dma_start3A_235 = tpu.memref_squeeze %dma_start3A_234 : memref<1x10240x64xbf16, #tpu.memory_space<hbm>> -> memref<10240x64xbf16, #tpu.memory_space<hbm>>
          %dma_start3A_236 = arith.constant 0 : i32
          %dma_start3A_237 = arith.constant 0 : i32
          %dma_start3A_238 = tpu.memref_slice %dma_start3A_235[%dma_start3A_236, %dma_start3A_237] : memref<10240x64xbf16, #tpu.memory_space<hbm>> -> memref<10240x64xbf16, #tpu.memory_space<hbm>>
          tpu.enqueue_indirect_dma source(%dma_start3A_238 : memref<10240x64xbf16, #tpu.memory_space<hbm>>) target(%arg13 : memref<80x64xbf16, #tpu.memory_space<vmem>>) offsets(%dma_start3A_231 : memref<80xi32, #tpu.memory_space<vmem>>) semaphore(%arg19 : memref<!tpu.dma_semaphore, #tpu.memory_space<semaphore_mem>>)
        } else {
        }
      } else {
      }
      %add3A_139 = arith.constant 2 : i32
      %add3A_140 = arith.addi %mul3A_93, %add3A_139 : i32
      %dma_wait3A_141 = arith.constant 0 : i32
      %dma_wait3A_142 = tpu.memref_slice %arg6[%add3A_140, %dma_wait3A_141] : memref<250x80xi32, #tpu.memory_space<vmem>> -> memref<1x80xi32, #tpu.memory_space<vmem>>
      %dma_wait3A_143 = tpu.memref_squeeze %dma_wait3A_142 : memref<1x80xi32, #tpu.memory_space<vmem>> -> memref<80xi32, #tpu.memory_space<vmem>>
      %dma_wait3A_144 = arith.constant 0 : i32
      %dma_wait3A_145 = arith.constant 0 : i32
      %dma_wait3A_146 = tpu.memref_slice %arg2[%arg0, %dma_wait3A_144, %dma_wait3A_145] : memref<2x10240x64xbf16, #tpu.memory_space<hbm>> -> memref<1x10240x64xbf16, #tpu.memory_space<hbm>>
      %dma_wait3A_147 = tpu.memref_squeeze %dma_wait3A_146 : memref<1x10240x64xbf16, #tpu.memory_space<hbm>> -> memref<10240x64xbf16, #tpu.memory_space<hbm>>
      %dma_wait3A_148 = arith.constant 0 : i32
      %dma_wait3A_149 = arith.constant 0 : i32
      %dma_wait3A_150 = tpu.memref_slice %dma_wait3A_147[%dma_wait3A_148, %dma_wait3A_149] : memref<10240x64xbf16, #tpu.memory_space<hbm>> -> memref<10240x64xbf16, #tpu.memory_space<hbm>>
      tpu.wait_indirect_dma semaphore(%arg17 : memref<!tpu.dma_semaphore, #tpu.memory_space<semaphore_mem>>) src(%dma_wait3A_150 : memref<10240x64xbf16, #tpu.memory_space<hbm>>) dst(%arg11 : memref<80x64xbf16, #tpu.memory_space<vmem>>)
      %dma_start3A_151 = arith.constant 0 : i32
      %dma_start3A_152 = tpu.memref_slice %arg7[%add3A_140, %dma_start3A_151] : memref<250x80xi32, #tpu.memory_space<vmem>> -> memref<1x80xi32, #tpu.memory_space<vmem>>
      %dma_start3A_153 = tpu.memref_squeeze %dma_start3A_152 : memref<1x80xi32, #tpu.memory_space<vmem>> -> memref<80xi32, #tpu.memory_space<vmem>>
      %dma_start3A_154 = arith.constant 0 : i32
      %dma_start3A_155 = arith.constant 0 : i32
      %dma_start3A_156 = tpu.memref_slice %arg14[%dma_start3A_154, %dma_start3A_155] : memref<10240x64xbf16, #tpu.memory_space<vmem_shared>> -> memref<10240x64xbf16, #tpu.memory_space<vmem_shared>>
      tpu.enqueue_indirect_dma source(%arg11 : memref<80x64xbf16, #tpu.memory_space<vmem>>) target(%dma_start3A_156 : memref<10240x64xbf16, #tpu.memory_space<vmem_shared>>) offsets(%dma_start3A_153 : memref<80xi32, #tpu.memory_space<vmem>>) semaphore(%arg22 : memref<!tpu.dma_semaphore, #tpu.memory_space<semaphore_mem>>) {add = true}
      %sub3A_157 = arith.constant 2 : i32
      %sub3A_158 = arith.subi %add3A_140, %sub3A_157 : i32
      %ge3A_159 = arith.constant 0 : i32
      %ge3A_160 = arith.cmpi sge, %sub3A_158, %ge3A_159 : i32
      %convert_element_type3A_161 = arith.extui %ge3A_160 : i1 to i32
      %cond3A_162 = arith.constant 0 : i32
      %cond3A_163 = arith.cmpi ne, %convert_element_type3A_161, %cond3A_162 : i32
      scf.if %cond3A_163 {
        %dma_wait3A_215 = arith.constant 0 : i32
        %dma_wait3A_216 = tpu.memref_slice %arg7[%sub3A_158, %dma_wait3A_215] : memref<250x80xi32, #tpu.memory_space<vmem>> -> memref<1x80xi32, #tpu.memory_space<vmem>>
        %dma_wait3A_217 = tpu.memref_squeeze %dma_wait3A_216 : memref<1x80xi32, #tpu.memory_space<vmem>> -> memref<80xi32, #tpu.memory_space<vmem>>
        %dma_wait3A_218 = arith.constant 0 : i32
        %dma_wait3A_219 = arith.constant 0 : i32
        %dma_wait3A_220 = tpu.memref_slice %arg14[%dma_wait3A_218, %dma_wait3A_219] : memref<10240x64xbf16, #tpu.memory_space<vmem_shared>> -> memref<10240x64xbf16, #tpu.memory_space<vmem_shared>>
        tpu.wait_indirect_dma semaphore(%arg20 : memref<!tpu.dma_semaphore, #tpu.memory_space<semaphore_mem>>) src(%arg9 : memref<80x64xbf16, #tpu.memory_space<vmem>>) dst(%dma_wait3A_220 : memref<10240x64xbf16, #tpu.memory_space<vmem_shared>>)
        %add3A_221 = arith.constant 5 : i32
        %add3A_222 = arith.addi %sub3A_158, %add3A_221 : i32
        %lt3A = arith.constant 250 : i32
        %lt3A_223 = arith.cmpi slt, %add3A_222, %lt3A : i32
        %convert_element_type3A_224 = arith.extui %lt3A_223 : i1 to i32
        %cond3A_225 = arith.constant 0 : i32
        %cond3A_226 = arith.cmpi ne, %convert_element_type3A_224, %cond3A_225 : i32
        scf.if %cond3A_226 {
          %add3A_227 = arith.constant 5 : i32
          %add3A_228 = arith.addi %sub3A_158, %add3A_227 : i32
          %dma_start3A_229 = arith.constant 0 : i32
          %dma_start3A_230 = tpu.memref_slice %arg6[%add3A_228, %dma_start3A_229] : memref<250x80xi32, #tpu.memory_space<vmem>> -> memref<1x80xi32, #tpu.memory_space<vmem>>
          %dma_start3A_231 = tpu.memref_squeeze %dma_start3A_230 : memref<1x80xi32, #tpu.memory_space<vmem>> -> memref<80xi32, #tpu.memory_space<vmem>>
          %dma_start3A_232 = arith.constant 0 : i32
          %dma_start3A_233 = arith.constant 0 : i32
          %dma_start3A_234 = tpu.memref_slice %arg2[%arg0, %dma_start3A_232, %dma_start3A_233] : memref<2x10240x64xbf16, #tpu.memory_space<hbm>> -> memref<1x10240x64xbf16, #tpu.memory_space<hbm>>
          %dma_start3A_235 = tpu.memref_squeeze %dma_start3A_234 : memref<1x10240x64xbf16, #tpu.memory_space<hbm>> -> memref<10240x64xbf16, #tpu.memory_space<hbm>>
          %dma_start3A_236 = arith.constant 0 : i32
          %dma_start3A_237 = arith.constant 0 : i32
          %dma_start3A_238 = tpu.memref_slice %dma_start3A_235[%dma_start3A_236, %dma_start3A_237] : memref<10240x64xbf16, #tpu.memory_space<hbm>> -> memref<10240x64xbf16, #tpu.memory_space<hbm>>
          tpu.enqueue_indirect_dma source(%dma_start3A_238 : memref<10240x64xbf16, #tpu.memory_space<hbm>>) target(%arg9 : memref<80x64xbf16, #tpu.memory_space<vmem>>) offsets(%dma_start3A_231 : memref<80xi32, #tpu.memory_space<vmem>>) semaphore(%arg15 : memref<!tpu.dma_semaphore, #tpu.memory_space<semaphore_mem>>)
        } else {
        }
      } else {
      }
      %add3A_164 = arith.constant 3 : i32
      %add3A_165 = arith.addi %mul3A_93, %add3A_164 : i32
      %dma_wait3A_166 = arith.constant 0 : i32
      %dma_wait3A_167 = tpu.memref_slice %arg6[%add3A_165, %dma_wait3A_166] : memref<250x80xi32, #tpu.memory_space<vmem>> -> memref<1x80xi32, #tpu.memory_space<vmem>>
      %dma_wait3A_168 = tpu.memref_squeeze %dma_wait3A_167 : memref<1x80xi32, #tpu.memory_space<vmem>> -> memref<80xi32, #tpu.memory_space<vmem>>
      %dma_wait3A_169 = arith.constant 0 : i32
      %dma_wait3A_170 = arith.constant 0 : i32
      %dma_wait3A_171 = tpu.memref_slice %arg2[%arg0, %dma_wait3A_169, %dma_wait3A_170] : memref<2x10240x64xbf16, #tpu.memory_space<hbm>> -> memref<1x10240x64xbf16, #tpu.memory_space<hbm>>
      %dma_wait3A_172 = tpu.memref_squeeze %dma_wait3A_171 : memref<1x10240x64xbf16, #tpu.memory_space<hbm>> -> memref<10240x64xbf16, #tpu.memory_space<hbm>>
      %dma_wait3A_173 = arith.constant 0 : i32
      %dma_wait3A_174 = arith.constant 0 : i32
      %dma_wait3A_175 = tpu.memref_slice %dma_wait3A_172[%dma_wait3A_173, %dma_wait3A_174] : memref<10240x64xbf16, #tpu.memory_space<hbm>> -> memref<10240x64xbf16, #tpu.memory_space<hbm>>
      tpu.wait_indirect_dma semaphore(%arg18 : memref<!tpu.dma_semaphore, #tpu.memory_space<semaphore_mem>>) src(%dma_wait3A_175 : memref<10240x64xbf16, #tpu.memory_space<hbm>>) dst(%arg12 : memref<80x64xbf16, #tpu.memory_space<vmem>>)
      %dma_start3A_176 = arith.constant 0 : i32
      %dma_start3A_177 = tpu.memref_slice %arg7[%add3A_165, %dma_start3A_176] : memref<250x80xi32, #tpu.memory_space<vmem>> -> memref<1x80xi32, #tpu.memory_space<vmem>>
      %dma_start3A_178 = tpu.memref_squeeze %dma_start3A_177 : memref<1x80xi32, #tpu.memory_space<vmem>> -> memref<80xi32, #tpu.memory_space<vmem>>
      %dma_start3A_179 = arith.constant 0 : i32
      %dma_start3A_180 = arith.constant 0 : i32
      %dma_start3A_181 = tpu.memref_slice %arg14[%dma_start3A_179, %dma_start3A_180] : memref<10240x64xbf16, #tpu.memory_space<vmem_shared>> -> memref<10240x64xbf16, #tpu.memory_space<vmem_shared>>
      tpu.enqueue_indirect_dma source(%arg12 : memref<80x64xbf16, #tpu.memory_space<vmem>>) target(%dma_start3A_181 : memref<10240x64xbf16, #tpu.memory_space<vmem_shared>>) offsets(%dma_start3A_178 : memref<80xi32, #tpu.memory_space<vmem>>) semaphore(%arg23 : memref<!tpu.dma_semaphore, #tpu.memory_space<semaphore_mem>>) {add = true}
      %sub3A_182 = arith.constant 2 : i32
      %sub3A_183 = arith.subi %add3A_165, %sub3A_182 : i32
      %ge3A_184 = arith.constant 0 : i32
      %ge3A_185 = arith.cmpi sge, %sub3A_183, %ge3A_184 : i32
      %convert_element_type3A_186 = arith.extui %ge3A_185 : i1 to i32
      %cond3A_187 = arith.constant 0 : i32
      %cond3A_188 = arith.cmpi ne, %convert_element_type3A_186, %cond3A_187 : i32
      scf.if %cond3A_188 {
        %dma_wait3A_215 = arith.constant 0 : i32
        %dma_wait3A_216 = tpu.memref_slice %arg7[%sub3A_183, %dma_wait3A_215] : memref<250x80xi32, #tpu.memory_space<vmem>> -> memref<1x80xi32, #tpu.memory_space<vmem>>
        %dma_wait3A_217 = tpu.memref_squeeze %dma_wait3A_216 : memref<1x80xi32, #tpu.memory_space<vmem>> -> memref<80xi32, #tpu.memory_space<vmem>>
        %dma_wait3A_218 = arith.constant 0 : i32
        %dma_wait3A_219 = arith.constant 0 : i32
        %dma_wait3A_220 = tpu.memref_slice %arg14[%dma_wait3A_218, %dma_wait3A_219] : memref<10240x64xbf16, #tpu.memory_space<vmem_shared>> -> memref<10240x64xbf16, #tpu.memory_space<vmem_shared>>
        tpu.wait_indirect_dma semaphore(%arg21 : memref<!tpu.dma_semaphore, #tpu.memory_space<semaphore_mem>>) src(%arg10 : memref<80x64xbf16, #tpu.memory_space<vmem>>) dst(%dma_wait3A_220 : memref<10240x64xbf16, #tpu.memory_space<vmem_shared>>)
        %add3A_221 = arith.constant 5 : i32
        %add3A_222 = arith.addi %sub3A_183, %add3A_221 : i32
        %lt3A = arith.constant 250 : i32
        %lt3A_223 = arith.cmpi slt, %add3A_222, %lt3A : i32
        %convert_element_type3A_224 = arith.extui %lt3A_223 : i1 to i32
        %cond3A_225 = arith.constant 0 : i32
        %cond3A_226 = arith.cmpi ne, %convert_element_type3A_224, %cond3A_225 : i32
        scf.if %cond3A_226 {
          %add3A_227 = arith.constant 5 : i32
          %add3A_228 = arith.addi %sub3A_183, %add3A_227 : i32
          %dma_start3A_229 = arith.constant 0 : i32
          %dma_start3A_230 = tpu.memref_slice %arg6[%add3A_228, %dma_start3A_229] : memref<250x80xi32, #tpu.memory_space<vmem>> -> memref<1x80xi32, #tpu.memory_space<vmem>>
          %dma_start3A_231 = tpu.memref_squeeze %dma_start3A_230 : memref<1x80xi32, #tpu.memory_space<vmem>> -> memref<80xi32, #tpu.memory_space<vmem>>
          %dma_start3A_232 = arith.constant 0 : i32
          %dma_start3A_233 = arith.constant 0 : i32
          %dma_start3A_234 = tpu.memref_slice %arg2[%arg0, %dma_start3A_232, %dma_start3A_233] : memref<2x10240x64xbf16, #tpu.memory_space<hbm>> -> memref<1x10240x64xbf16, #tpu.memory_space<hbm>>
          %dma_start3A_235 = tpu.memref_squeeze %dma_start3A_234 : memref<1x10240x64xbf16, #tpu.memory_space<hbm>> -> memref<10240x64xbf16, #tpu.memory_space<hbm>>
          %dma_start3A_236 = arith.constant 0 : i32
          %dma_start3A_237 = arith.constant 0 : i32
          %dma_start3A_238 = tpu.memref_slice %dma_start3A_235[%dma_start3A_236, %dma_start3A_237] : memref<10240x64xbf16, #tpu.memory_space<hbm>> -> memref<10240x64xbf16, #tpu.memory_space<hbm>>
          tpu.enqueue_indirect_dma source(%dma_start3A_238 : memref<10240x64xbf16, #tpu.memory_space<hbm>>) target(%arg10 : memref<80x64xbf16, #tpu.memory_space<vmem>>) offsets(%dma_start3A_231 : memref<80xi32, #tpu.memory_space<vmem>>) semaphore(%arg16 : memref<!tpu.dma_semaphore, #tpu.memory_space<semaphore_mem>>)
        } else {
        }
      } else {
      }
      %add3A_189 = arith.constant 4 : i32
      %add3A_190 = arith.addi %mul3A_93, %add3A_189 : i32
      %dma_wait3A_191 = arith.constant 0 : i32
      %dma_wait3A_192 = tpu.memref_slice %arg6[%add3A_190, %dma_wait3A_191] : memref<250x80xi32, #tpu.memory_space<vmem>> -> memref<1x80xi32, #tpu.memory_space<vmem>>
      %dma_wait3A_193 = tpu.memref_squeeze %dma_wait3A_192 : memref<1x80xi32, #tpu.memory_space<vmem>> -> memref<80xi32, #tpu.memory_space<vmem>>
      %dma_wait3A_194 = arith.constant 0 : i32
      %dma_wait3A_195 = arith.constant 0 : i32
      %dma_wait3A_196 = tpu.memref_slice %arg2[%arg0, %dma_wait3A_194, %dma_wait3A_195] : memref<2x10240x64xbf16, #tpu.memory_space<hbm>> -> memref<1x10240x64xbf16, #tpu.memory_space<hbm>>
      %dma_wait3A_197 = tpu.memref_squeeze %dma_wait3A_196 : memref<1x10240x64xbf16, #tpu.memory_space<hbm>> -> memref<10240x64xbf16, #tpu.memory_space<hbm>>
      %dma_wait3A_198 = arith.constant 0 : i32
      %dma_wait3A_199 = arith.constant 0 : i32
      %dma_wait3A_200 = tpu.memref_slice %dma_wait3A_197[%dma_wait3A_198, %dma_wait3A_199] : memref<10240x64xbf16, #tpu.memory_space<hbm>> -> memref<10240x64xbf16, #tpu.memory_space<hbm>>
      tpu.wait_indirect_dma semaphore(%arg19 : memref<!tpu.dma_semaphore, #tpu.memory_space<semaphore_mem>>) src(%dma_wait3A_200 : memref<10240x64xbf16, #tpu.memory_space<hbm>>) dst(%arg13 : memref<80x64xbf16, #tpu.memory_space<vmem>>)
      %dma_start3A_201 = arith.constant 0 : i32
      %dma_start3A_202 = tpu.memref_slice %arg7[%add3A_190, %dma_start3A_201] : memref<250x80xi32, #tpu.memory_space<vmem>> -> memref<1x80xi32, #tpu.memory_space<vmem>>
      %dma_start3A_203 = tpu.memref_squeeze %dma_start3A_202 : memref<1x80xi32, #tpu.memory_space<vmem>> -> memref<80xi32, #tpu.memory_space<vmem>>
      %dma_start3A_204 = arith.constant 0 : i32
      %dma_start3A_205 = arith.constant 0 : i32
      %dma_start3A_206 = tpu.memref_slice %arg14[%dma_start3A_204, %dma_start3A_205] : memref<10240x64xbf16, #tpu.memory_space<vmem_shared>> -> memref<10240x64xbf16, #tpu.memory_space<vmem_shared>>
      tpu.enqueue_indirect_dma source(%arg13 : memref<80x64xbf16, #tpu.memory_space<vmem>>) target(%dma_start3A_206 : memref<10240x64xbf16, #tpu.memory_space<vmem_shared>>) offsets(%dma_start3A_203 : memref<80xi32, #tpu.memory_space<vmem>>) semaphore(%arg24 : memref<!tpu.dma_semaphore, #tpu.memory_space<semaphore_mem>>) {add = true}
      %sub3A_207 = arith.constant 2 : i32
      %sub3A_208 = arith.subi %add3A_190, %sub3A_207 : i32
      %ge3A_209 = arith.constant 0 : i32
      %ge3A_210 = arith.cmpi sge, %sub3A_208, %ge3A_209 : i32
      %convert_element_type3A_211 = arith.extui %ge3A_210 : i1 to i32
      %cond3A_212 = arith.constant 0 : i32
      %cond3A_213 = arith.cmpi ne, %convert_element_type3A_211, %cond3A_212 : i32
      scf.if %cond3A_213 {
        %dma_wait3A_215 = arith.constant 0 : i32
        %dma_wait3A_216 = tpu.memref_slice %arg7[%sub3A_208, %dma_wait3A_215] : memref<250x80xi32, #tpu.memory_space<vmem>> -> memref<1x80xi32, #tpu.memory_space<vmem>>
        %dma_wait3A_217 = tpu.memref_squeeze %dma_wait3A_216 : memref<1x80xi32, #tpu.memory_space<vmem>> -> memref<80xi32, #tpu.memory_space<vmem>>
        %dma_wait3A_218 = arith.constant 0 : i32
        %dma_wait3A_219 = arith.constant 0 : i32
        %dma_wait3A_220 = tpu.memref_slice %arg14[%dma_wait3A_218, %dma_wait3A_219] : memref<10240x64xbf16, #tpu.memory_space<vmem_shared>> -> memref<10240x64xbf16, #tpu.memory_space<vmem_shared>>
        tpu.wait_indirect_dma semaphore(%arg22 : memref<!tpu.dma_semaphore, #tpu.memory_space<semaphore_mem>>) src(%arg11 : memref<80x64xbf16, #tpu.memory_space<vmem>>) dst(%dma_wait3A_220 : memref<10240x64xbf16, #tpu.memory_space<vmem_shared>>)
        %add3A_221 = arith.constant 5 : i32
        %add3A_222 = arith.addi %sub3A_208, %add3A_221 : i32
        %lt3A = arith.constant 250 : i32
        %lt3A_223 = arith.cmpi slt, %add3A_222, %lt3A : i32
        %convert_element_type3A_224 = arith.extui %lt3A_223 : i1 to i32
        %cond3A_225 = arith.constant 0 : i32
        %cond3A_226 = arith.cmpi ne, %convert_element_type3A_224, %cond3A_225 : i32
        scf.if %cond3A_226 {
          %add3A_227 = arith.constant 5 : i32
          %add3A_228 = arith.addi %sub3A_208, %add3A_227 : i32
          %dma_start3A_229 = arith.constant 0 : i32
          %dma_start3A_230 = tpu.memref_slice %arg6[%add3A_228, %dma_start3A_229] : memref<250x80xi32, #tpu.memory_space<vmem>> -> memref<1x80xi32, #tpu.memory_space<vmem>>
          %dma_start3A_231 = tpu.memref_squeeze %dma_start3A_230 : memref<1x80xi32, #tpu.memory_space<vmem>> -> memref<80xi32, #tpu.memory_space<vmem>>
          %dma_start3A_232 = arith.constant 0 : i32
          %dma_start3A_233 = arith.constant 0 : i32
          %dma_start3A_234 = tpu.memref_slice %arg2[%arg0, %dma_start3A_232, %dma_start3A_233] : memref<2x10240x64xbf16, #tpu.memory_space<hbm>> -> memref<1x10240x64xbf16, #tpu.memory_space<hbm>>
          %dma_start3A_235 = tpu.memref_squeeze %dma_start3A_234 : memref<1x10240x64xbf16, #tpu.memory_space<hbm>> -> memref<10240x64xbf16, #tpu.memory_space<hbm>>
          %dma_start3A_236 = arith.constant 0 : i32
          %dma_start3A_237 = arith.constant 0 : i32
          %dma_start3A_238 = tpu.memref_slice %dma_start3A_235[%dma_start3A_236, %dma_start3A_237] : memref<10240x64xbf16, #tpu.memory_space<hbm>> -> memref<10240x64xbf16, #tpu.memory_space<hbm>>
          tpu.enqueue_indirect_dma source(%dma_start3A_238 : memref<10240x64xbf16, #tpu.memory_space<hbm>>) target(%arg11 : memref<80x64xbf16, #tpu.memory_space<vmem>>) offsets(%dma_start3A_231 : memref<80xi32, #tpu.memory_space<vmem>>) semaphore(%arg17 : memref<!tpu.dma_semaphore, #tpu.memory_space<semaphore_mem>>)
        } else {
        }
      } else {
      }
      %scan3A_214 = arith.constant 0 : i32
      scf.yield %scan3A_214 : i32
    }
    %scan3A_75 = arith.constant 50 : i32
    %dma_wait3A = arith.constant 248 : i32
    %dma_wait3A_76 = arith.constant 0 : i32
    %dma_wait3A_77 = tpu.memref_slice %arg7[%dma_wait3A, %dma_wait3A_76] : memref<250x80xi32, #tpu.memory_space<vmem>> -> memref<1x80xi32, #tpu.memory_space<vmem>>
    %dma_wait3A_78 = tpu.memref_squeeze %dma_wait3A_77 : memref<1x80xi32, #tpu.memory_space<vmem>> -> memref<80xi32, #tpu.memory_space<vmem>>
    %dma_wait3A_79 = arith.constant 0 : i32
    %dma_wait3A_80 = arith.constant 0 : i32
    %dma_wait3A_81 = tpu.memref_slice %arg14[%dma_wait3A_79, %dma_wait3A_80] : memref<10240x64xbf16, #tpu.memory_space<vmem_shared>> -> memref<10240x64xbf16, #tpu.memory_space<vmem_shared>>
    tpu.wait_indirect_dma semaphore(%arg23 : memref<!tpu.dma_semaphore, #tpu.memory_space<semaphore_mem>>) src(%arg12 : memref<80x64xbf16, #tpu.memory_space<vmem>>) dst(%dma_wait3A_81 : memref<10240x64xbf16, #tpu.memory_space<vmem_shared>>)
    %dma_wait3A_82 = arith.constant 249 : i32
    %dma_wait3A_83 = arith.constant 0 : i32
    %dma_wait3A_84 = tpu.memref_slice %arg7[%dma_wait3A_82, %dma_wait3A_83] : memref<250x80xi32, #tpu.memory_space<vmem>> -> memref<1x80xi32, #tpu.memory_space<vmem>>
    %dma_wait3A_85 = tpu.memref_squeeze %dma_wait3A_84 : memref<1x80xi32, #tpu.memory_space<vmem>> -> memref<80xi32, #tpu.memory_space<vmem>>
    %dma_wait3A_86 = arith.constant 0 : i32
    %dma_wait3A_87 = arith.constant 0 : i32
    %dma_wait3A_88 = tpu.memref_slice %arg14[%dma_wait3A_86, %dma_wait3A_87] : memref<10240x64xbf16, #tpu.memory_space<vmem_shared>> -> memref<10240x64xbf16, #tpu.memory_space<vmem_shared>>
    tpu.wait_indirect_dma semaphore(%arg24 : memref<!tpu.dma_semaphore, #tpu.memory_space<semaphore_mem>>) src(%arg13 : memref<80x64xbf16, #tpu.memory_space<vmem>>) dst(%dma_wait3A_88 : memref<10240x64xbf16, #tpu.memory_space<vmem_shared>>)
    %barrier3A_89 = arith.constant 0 : index
    tpu.barrier barrier_id(%barrier3A_89)
    "tpu.region"() ({
      %run_scoped3A = tpu.sem_alloc : memref<!tpu.dma_semaphore, #tpu.memory_space<semaphore_mem>>
      %dma_start3A_90 = arith.constant 0 : i32
      %dma_start3A_91 = tpu.memref_slice %arg5[%arg0, %mul3A_0, %dma_start3A_90] : memref<2x10240x64xbf16, #tpu.memory_space<hbm>> -> memref<1x640x64xbf16, #tpu.memory_space<hbm>>
      %dma_start3A_92 = tpu.memref_squeeze %dma_start3A_91 : memref<1x640x64xbf16, #tpu.memory_space<hbm>> -> memref<640x64xbf16, #tpu.memory_space<hbm>>
      %dma_start3A_93 = arith.constant 0 : i32
      %dma_start3A_94 = tpu.memref_slice %arg14[%mul3A_0, %dma_start3A_93] : memref<10240x64xbf16, #tpu.memory_space<vmem_shared>> -> memref<640x64xbf16, #tpu.memory_space<vmem_shared>>
      tpu.enqueue_dma source(%dma_start3A_94 : memref<640x64xbf16, #tpu.memory_space<vmem_shared>>) target(%dma_start3A_92 : memref<640x64xbf16, #tpu.memory_space<hbm>>) target_semaphore(%run_scoped3A : memref<!tpu.dma_semaphore, #tpu.memory_space<semaphore_mem>>)
      %dma_wait3A_95 = arith.constant 0 : i32
      %dma_wait3A_96 = tpu.memref_slice %arg5[%arg0, %mul3A_0, %dma_wait3A_95] : memref<2x10240x64xbf16, #tpu.memory_space<hbm>> -> memref<1x640x64xbf16, #tpu.memory_space<hbm>>
      %dma_wait3A_97 = tpu.memref_squeeze %dma_wait3A_96 : memref<1x640x64xbf16, #tpu.memory_space<hbm>> -> memref<640x64xbf16, #tpu.memory_space<hbm>>
      %dma_wait3A_98 = arith.constant 0 : i32
      %dma_wait3A_99 = tpu.memref_slice %arg14[%mul3A_0, %dma_wait3A_98] : memref<10240x64xbf16, #tpu.memory_space<vmem_shared>> -> memref<640x64xbf16, #tpu.memory_space<vmem_shared>>
      tpu.wait_dma2 semaphore(%run_scoped3A : memref<!tpu.dma_semaphore, #tpu.memory_space<semaphore_mem>>) src(%dma_wait3A_99 : memref<640x64xbf16, #tpu.memory_space<vmem_shared>>) dst(%dma_wait3A_97 : memref<640x64xbf16, #tpu.memory_space<hbm>>)
      tpu.yield
    }) : () -> ()
    return
  }
}

#map = affine_map<(d0, d1) -> (0, 0)>
#map1 = affine_map<(d0, d1) -> (0, 0, 0)>
module attributes {stable_mosaic.version = 14 : i64} {
  func.func @_sc_pred(%arg0: i32, %arg1: i32, %arg2: memref<10240x16xf32, #tpu.memory_space<hbm>>, %arg3: memref<10240x16xf32, #tpu.memory_space<hbm>>, %arg4: memref<32x125x80xi32, #tpu.memory_space<hbm>>, %arg5: memref<32x125x80xi32, #tpu.memory_space<hbm>>, %arg6: memref<320000x16xf32, #tpu.memory_space<hbm>>, %arg7: memref<125x80xi32, #tpu.memory_space<vmem>>, %arg8: memref<125x80xi32, #tpu.memory_space<vmem>>, %arg9: memref<80x16xf32, #tpu.memory_space<vmem>>, %arg10: memref<80x16xf32, #tpu.memory_space<vmem>>, %arg11: memref<80x16xf32, #tpu.memory_space<vmem>>, %arg12: memref<80x16xf32, #tpu.memory_space<vmem>>, %arg13: memref<80x16xf32, #tpu.memory_space<vmem>>, %arg14: memref<80x16xf32, #tpu.memory_space<vmem>>, %arg15: memref<80x16xf32, #tpu.memory_space<vmem>>, %arg16: memref<80x16xf32, #tpu.memory_space<vmem>>, %arg17: memref<80x16xf32, #tpu.memory_space<vmem>>, %arg18: memref<80x16xf32, #tpu.memory_space<vmem>>, %arg19: memref<80x16xf32, #tpu.memory_space<vmem>>, %arg20: memref<80x16xf32, #tpu.memory_space<vmem>>, %arg21: memref<80x16xf32, #tpu.memory_space<vmem>>, %arg22: memref<80x16xf32, #tpu.memory_space<vmem>>, %arg23: memref<80x16xf32, #tpu.memory_space<vmem>>, %arg24: memref<!tpu.dma_semaphore, #tpu.memory_space<semaphore_mem>>, %arg25: memref<!tpu.dma_semaphore, #tpu.memory_space<semaphore_mem>>, %arg26: memref<!tpu.dma_semaphore, #tpu.memory_space<semaphore_mem>>, %arg27: memref<!tpu.dma_semaphore, #tpu.memory_space<semaphore_mem>>, %arg28: memref<!tpu.dma_semaphore, #tpu.memory_space<semaphore_mem>>, %arg29: memref<!tpu.dma_semaphore, #tpu.memory_space<semaphore_mem>>, %arg30: memref<!tpu.dma_semaphore, #tpu.memory_space<semaphore_mem>>, %arg31: memref<!tpu.dma_semaphore, #tpu.memory_space<semaphore_mem>>, %arg32: memref<!tpu.dma_semaphore, #tpu.memory_space<semaphore_mem>>, %arg33: memref<!tpu.dma_semaphore, #tpu.memory_space<semaphore_mem>>, %arg34: memref<!tpu.dma_semaphore, #tpu.memory_space<semaphore_mem>>, %arg35: memref<!tpu.dma_semaphore, #tpu.memory_space<semaphore_mem>>, %arg36: memref<!tpu.dma_semaphore, #tpu.memory_space<semaphore_mem>>, %arg37: memref<!tpu.dma_semaphore, #tpu.memory_space<semaphore_mem>>, %arg38: memref<!tpu.dma_semaphore, #tpu.memory_space<semaphore_mem>>) attributes {dimension_semantics = [#tpu.dimension_semantics<core_parallel>, #tpu.dimension_semantics<subcore_parallel>], iteration_bounds = array<i64: 2, 16>, scalar_prefetch = 0 : i64, scratch_operands = 32 : i64, tpu.core_type = #tpu.core_type<sc_vector_subcore>, window_params = [{transform_indices = #map}, {transform_indices = #map}, {transform_indices = #map1}, {transform_indices = #map1}, {transform_indices = #map}]} {
    %mul3A = arith.constant 2 : i32
    %mul3A_0 = arith.muli %arg1, %mul3A : i32
    %add3A = arith.addi %mul3A_0, %arg0 : i32
    %mul3A_1 = arith.constant 10000 : i32
    %mul3A_2 = arith.muli %add3A, %mul3A_1 : i32
    "tpu.region"() ({
      %run_scoped3A = tpu.sem_alloc : memref<!tpu.dma_semaphore, #tpu.memory_space<semaphore_mem>>
      %dma_start3A_89 = arith.constant 0 : i32
      %dma_start3A_90 = arith.constant 0 : i32
      %dma_start3A_91 = tpu.memref_slice %arg4[%add3A, %dma_start3A_89, %dma_start3A_90] : memref<32x125x80xi32, #tpu.memory_space<hbm>> -> memref<1x125x80xi32, #tpu.memory_space<hbm>>
      %dma_start3A_92 = tpu.memref_squeeze %dma_start3A_91 : memref<1x125x80xi32, #tpu.memory_space<hbm>> -> memref<125x80xi32, #tpu.memory_space<hbm>>
      %dma_start3A_93 = arith.constant 0 : i32
      %dma_start3A_94 = arith.constant 0 : i32
      %dma_start3A_95 = tpu.memref_slice %arg4[%add3A, %dma_start3A_93, %dma_start3A_94] : memref<32x125x80xi32, #tpu.memory_space<hbm>> -> memref<1x125x80xi32, #tpu.memory_space<hbm>>
      %dma_start3A_96 = tpu.memref_squeeze %dma_start3A_95 : memref<1x125x80xi32, #tpu.memory_space<hbm>> -> memref<125x80xi32, #tpu.memory_space<hbm>>
      tpu.enqueue_dma source(%dma_start3A_96 : memref<125x80xi32, #tpu.memory_space<hbm>>) target(%arg7 : memref<125x80xi32, #tpu.memory_space<vmem>>) target_semaphore(%run_scoped3A : memref<!tpu.dma_semaphore, #tpu.memory_space<semaphore_mem>>)
      %dma_wait3A_97 = arith.constant 0 : i32
      %dma_wait3A_98 = arith.constant 0 : i32
      %dma_wait3A_99 = tpu.memref_slice %arg4[%add3A, %dma_wait3A_97, %dma_wait3A_98] : memref<32x125x80xi32, #tpu.memory_space<hbm>> -> memref<1x125x80xi32, #tpu.memory_space<hbm>>
      %dma_wait3A_100 = tpu.memref_squeeze %dma_wait3A_99 : memref<1x125x80xi32, #tpu.memory_space<hbm>> -> memref<125x80xi32, #tpu.memory_space<hbm>>
      %dma_wait3A_101 = arith.constant 0 : i32
      %dma_wait3A_102 = arith.constant 0 : i32
      %dma_wait3A_103 = tpu.memref_slice %arg4[%add3A, %dma_wait3A_101, %dma_wait3A_102] : memref<32x125x80xi32, #tpu.memory_space<hbm>> -> memref<1x125x80xi32, #tpu.memory_space<hbm>>
      %dma_wait3A_104 = tpu.memref_squeeze %dma_wait3A_103 : memref<1x125x80xi32, #tpu.memory_space<hbm>> -> memref<125x80xi32, #tpu.memory_space<hbm>>
      tpu.wait_dma2 semaphore(%run_scoped3A : memref<!tpu.dma_semaphore, #tpu.memory_space<semaphore_mem>>) src(%dma_wait3A_104 : memref<125x80xi32, #tpu.memory_space<hbm>>) dst(%arg7 : memref<125x80xi32, #tpu.memory_space<vmem>>)
      tpu.yield
    }) : () -> ()
    "tpu.region"() ({
      %run_scoped3A = tpu.sem_alloc : memref<!tpu.dma_semaphore, #tpu.memory_space<semaphore_mem>>
      %dma_start3A_89 = arith.constant 0 : i32
      %dma_start3A_90 = arith.constant 0 : i32
      %dma_start3A_91 = tpu.memref_slice %arg5[%add3A, %dma_start3A_89, %dma_start3A_90] : memref<32x125x80xi32, #tpu.memory_space<hbm>> -> memref<1x125x80xi32, #tpu.memory_space<hbm>>
      %dma_start3A_92 = tpu.memref_squeeze %dma_start3A_91 : memref<1x125x80xi32, #tpu.memory_space<hbm>> -> memref<125x80xi32, #tpu.memory_space<hbm>>
      %dma_start3A_93 = arith.constant 0 : i32
      %dma_start3A_94 = arith.constant 0 : i32
      %dma_start3A_95 = tpu.memref_slice %arg5[%add3A, %dma_start3A_93, %dma_start3A_94] : memref<32x125x80xi32, #tpu.memory_space<hbm>> -> memref<1x125x80xi32, #tpu.memory_space<hbm>>
      %dma_start3A_96 = tpu.memref_squeeze %dma_start3A_95 : memref<1x125x80xi32, #tpu.memory_space<hbm>> -> memref<125x80xi32, #tpu.memory_space<hbm>>
      tpu.enqueue_dma source(%dma_start3A_96 : memref<125x80xi32, #tpu.memory_space<hbm>>) target(%arg8 : memref<125x80xi32, #tpu.memory_space<vmem>>) target_semaphore(%run_scoped3A : memref<!tpu.dma_semaphore, #tpu.memory_space<semaphore_mem>>)
      %dma_wait3A_97 = arith.constant 0 : i32
      %dma_wait3A_98 = arith.constant 0 : i32
      %dma_wait3A_99 = tpu.memref_slice %arg5[%add3A, %dma_wait3A_97, %dma_wait3A_98] : memref<32x125x80xi32, #tpu.memory_space<hbm>> -> memref<1x125x80xi32, #tpu.memory_space<hbm>>
      %dma_wait3A_100 = tpu.memref_squeeze %dma_wait3A_99 : memref<1x125x80xi32, #tpu.memory_space<hbm>> -> memref<125x80xi32, #tpu.memory_space<hbm>>
      %dma_wait3A_101 = arith.constant 0 : i32
      %dma_wait3A_102 = arith.constant 0 : i32
      %dma_wait3A_103 = tpu.memref_slice %arg5[%add3A, %dma_wait3A_101, %dma_wait3A_102] : memref<32x125x80xi32, #tpu.memory_space<hbm>> -> memref<1x125x80xi32, #tpu.memory_space<hbm>>
      %dma_wait3A_104 = tpu.memref_squeeze %dma_wait3A_103 : memref<1x125x80xi32, #tpu.memory_space<hbm>> -> memref<125x80xi32, #tpu.memory_space<hbm>>
      tpu.wait_dma2 semaphore(%run_scoped3A : memref<!tpu.dma_semaphore, #tpu.memory_space<semaphore_mem>>) src(%dma_wait3A_104 : memref<125x80xi32, #tpu.memory_space<hbm>>) dst(%arg8 : memref<125x80xi32, #tpu.memory_space<vmem>>)
      tpu.yield
    }) : () -> ()
    %dma_start3A = arith.constant 0 : i32
    %dma_start3A_3 = arith.constant 0 : i32
    %dma_start3A_4 = tpu.memref_slice %arg7[%dma_start3A, %dma_start3A_3] : memref<125x80xi32, #tpu.memory_space<vmem>> -> memref<1x80xi32, #tpu.memory_space<vmem>>
    %dma_start3A_5 = tpu.memref_squeeze %dma_start3A_4 : memref<1x80xi32, #tpu.memory_space<vmem>> -> memref<80xi32, #tpu.memory_space<vmem>>
    %dma_start3A_6 = arith.constant 0 : i32
    %dma_start3A_7 = arith.constant 0 : i32
    %dma_start3A_8 = tpu.memref_slice %arg2[%dma_start3A_6, %dma_start3A_7] : memref<10240x16xf32, #tpu.memory_space<hbm>> -> memref<10240x16xf32, #tpu.memory_space<hbm>>
    tpu.enqueue_indirect_dma source(%dma_start3A_8 : memref<10240x16xf32, #tpu.memory_space<hbm>>) target(%arg9 : memref<80x16xf32, #tpu.memory_space<vmem>>) offsets(%dma_start3A_5 : memref<80xi32, #tpu.memory_space<vmem>>) semaphore(%arg24 : memref<!tpu.dma_semaphore, #tpu.memory_space<semaphore_mem>>)
    %dma_start3A_9 = arith.constant 0 : i32
    %dma_start3A_10 = arith.constant 0 : i32
    %dma_start3A_11 = tpu.memref_slice %arg8[%dma_start3A_9, %dma_start3A_10] : memref<125x80xi32, #tpu.memory_space<vmem>> -> memref<1x80xi32, #tpu.memory_space<vmem>>
    %dma_start3A_12 = tpu.memref_squeeze %dma_start3A_11 : memref<1x80xi32, #tpu.memory_space<vmem>> -> memref<80xi32, #tpu.memory_space<vmem>>
    %dma_start3A_13 = arith.constant 0 : i32
    %dma_start3A_14 = arith.constant 0 : i32
    %dma_start3A_15 = tpu.memref_slice %arg3[%dma_start3A_13, %dma_start3A_14] : memref<10240x16xf32, #tpu.memory_space<hbm>> -> memref<10240x16xf32, #tpu.memory_space<hbm>>
    tpu.enqueue_indirect_dma source(%dma_start3A_15 : memref<10240x16xf32, #tpu.memory_space<hbm>>) target(%arg14 : memref<80x16xf32, #tpu.memory_space<vmem>>) offsets(%dma_start3A_12 : memref<80xi32, #tpu.memory_space<vmem>>) semaphore(%arg29 : memref<!tpu.dma_semaphore, #tpu.memory_space<semaphore_mem>>)
    %dma_start3A_16 = arith.constant 1 : i32
    %dma_start3A_17 = arith.constant 0 : i32
    %dma_start3A_18 = tpu.memref_slice %arg7[%dma_start3A_16, %dma_start3A_17] : memref<125x80xi32, #tpu.memory_space<vmem>> -> memref<1x80xi32, #tpu.memory_space<vmem>>
    %dma_start3A_19 = tpu.memref_squeeze %dma_start3A_18 : memref<1x80xi32, #tpu.memory_space<vmem>> -> memref<80xi32, #tpu.memory_space<vmem>>
    %dma_start3A_20 = arith.constant 0 : i32
    %dma_start3A_21 = arith.constant 0 : i32
    %dma_start3A_22 = tpu.memref_slice %arg2[%dma_start3A_20, %dma_start3A_21] : memref<10240x16xf32, #tpu.memory_space<hbm>> -> memref<10240x16xf32, #tpu.memory_space<hbm>>
    tpu.enqueue_indirect_dma source(%dma_start3A_22 : memref<10240x16xf32, #tpu.memory_space<hbm>>) target(%arg10 : memref<80x16xf32, #tpu.memory_space<vmem>>) offsets(%dma_start3A_19 : memref<80xi32, #tpu.memory_space<vmem>>) semaphore(%arg25 : memref<!tpu.dma_semaphore, #tpu.memory_space<semaphore_mem>>)
    %dma_start3A_23 = arith.constant 1 : i32
    %dma_start3A_24 = arith.constant 0 : i32
    %dma_start3A_25 = tpu.memref_slice %arg8[%dma_start3A_23, %dma_start3A_24] : memref<125x80xi32, #tpu.memory_space<vmem>> -> memref<1x80xi32, #tpu.memory_space<vmem>>
    %dma_start3A_26 = tpu.memref_squeeze %dma_start3A_25 : memref<1x80xi32, #tpu.memory_space<vmem>> -> memref<80xi32, #tpu.memory_space<vmem>>
    %dma_start3A_27 = arith.constant 0 : i32
    %dma_start3A_28 = arith.constant 0 : i32
    %dma_start3A_29 = tpu.memref_slice %arg3[%dma_start3A_27, %dma_start3A_28] : memref<10240x16xf32, #tpu.memory_space<hbm>> -> memref<10240x16xf32, #tpu.memory_space<hbm>>
    tpu.enqueue_indirect_dma source(%dma_start3A_29 : memref<10240x16xf32, #tpu.memory_space<hbm>>) target(%arg15 : memref<80x16xf32, #tpu.memory_space<vmem>>) offsets(%dma_start3A_26 : memref<80xi32, #tpu.memory_space<vmem>>) semaphore(%arg30 : memref<!tpu.dma_semaphore, #tpu.memory_space<semaphore_mem>>)
    %dma_start3A_30 = arith.constant 2 : i32
    %dma_start3A_31 = arith.constant 0 : i32
    %dma_start3A_32 = tpu.memref_slice %arg7[%dma_start3A_30, %dma_start3A_31] : memref<125x80xi32, #tpu.memory_space<vmem>> -> memref<1x80xi32, #tpu.memory_space<vmem>>
    %dma_start3A_33 = tpu.memref_squeeze %dma_start3A_32 : memref<1x80xi32, #tpu.memory_space<vmem>> -> memref<80xi32, #tpu.memory_space<vmem>>
    %dma_start3A_34 = arith.constant 0 : i32
    %dma_start3A_35 = arith.constant 0 : i32
    %dma_start3A_36 = tpu.memref_slice %arg2[%dma_start3A_34, %dma_start3A_35] : memref<10240x16xf32, #tpu.memory_space<hbm>> -> memref<10240x16xf32, #tpu.memory_space<hbm>>
    tpu.enqueue_indirect_dma source(%dma_start3A_36 : memref<10240x16xf32, #tpu.memory_space<hbm>>) target(%arg11 : memref<80x16xf32, #tpu.memory_space<vmem>>) offsets(%dma_start3A_33 : memref<80xi32, #tpu.memory_space<vmem>>) semaphore(%arg26 : memref<!tpu.dma_semaphore, #tpu.memory_space<semaphore_mem>>)
    %dma_start3A_37 = arith.constant 2 : i32
    %dma_start3A_38 = arith.constant 0 : i32
    %dma_start3A_39 = tpu.memref_slice %arg8[%dma_start3A_37, %dma_start3A_38] : memref<125x80xi32, #tpu.memory_space<vmem>> -> memref<1x80xi32, #tpu.memory_space<vmem>>
    %dma_start3A_40 = tpu.memref_squeeze %dma_start3A_39 : memref<1x80xi32, #tpu.memory_space<vmem>> -> memref<80xi32, #tpu.memory_space<vmem>>
    %dma_start3A_41 = arith.constant 0 : i32
    %dma_start3A_42 = arith.constant 0 : i32
    %dma_start3A_43 = tpu.memref_slice %arg3[%dma_start3A_41, %dma_start3A_42] : memref<10240x16xf32, #tpu.memory_space<hbm>> -> memref<10240x16xf32, #tpu.memory_space<hbm>>
    tpu.enqueue_indirect_dma source(%dma_start3A_43 : memref<10240x16xf32, #tpu.memory_space<hbm>>) target(%arg16 : memref<80x16xf32, #tpu.memory_space<vmem>>) offsets(%dma_start3A_40 : memref<80xi32, #tpu.memory_space<vmem>>) semaphore(%arg31 : memref<!tpu.dma_semaphore, #tpu.memory_space<semaphore_mem>>)
    %dma_start3A_44 = arith.constant 3 : i32
    %dma_start3A_45 = arith.constant 0 : i32
    %dma_start3A_46 = tpu.memref_slice %arg7[%dma_start3A_44, %dma_start3A_45] : memref<125x80xi32, #tpu.memory_space<vmem>> -> memref<1x80xi32, #tpu.memory_space<vmem>>
    %dma_start3A_47 = tpu.memref_squeeze %dma_start3A_46 : memref<1x80xi32, #tpu.memory_space<vmem>> -> memref<80xi32, #tpu.memory_space<vmem>>
    %dma_start3A_48 = arith.constant 0 : i32
    %dma_start3A_49 = arith.constant 0 : i32
    %dma_start3A_50 = tpu.memref_slice %arg2[%dma_start3A_48, %dma_start3A_49] : memref<10240x16xf32, #tpu.memory_space<hbm>> -> memref<10240x16xf32, #tpu.memory_space<hbm>>
    tpu.enqueue_indirect_dma source(%dma_start3A_50 : memref<10240x16xf32, #tpu.memory_space<hbm>>) target(%arg12 : memref<80x16xf32, #tpu.memory_space<vmem>>) offsets(%dma_start3A_47 : memref<80xi32, #tpu.memory_space<vmem>>) semaphore(%arg27 : memref<!tpu.dma_semaphore, #tpu.memory_space<semaphore_mem>>)
    %dma_start3A_51 = arith.constant 3 : i32
    %dma_start3A_52 = arith.constant 0 : i32
    %dma_start3A_53 = tpu.memref_slice %arg8[%dma_start3A_51, %dma_start3A_52] : memref<125x80xi32, #tpu.memory_space<vmem>> -> memref<1x80xi32, #tpu.memory_space<vmem>>
    %dma_start3A_54 = tpu.memref_squeeze %dma_start3A_53 : memref<1x80xi32, #tpu.memory_space<vmem>> -> memref<80xi32, #tpu.memory_space<vmem>>
    %dma_start3A_55 = arith.constant 0 : i32
    %dma_start3A_56 = arith.constant 0 : i32
    %dma_start3A_57 = tpu.memref_slice %arg3[%dma_start3A_55, %dma_start3A_56] : memref<10240x16xf32, #tpu.memory_space<hbm>> -> memref<10240x16xf32, #tpu.memory_space<hbm>>
    tpu.enqueue_indirect_dma source(%dma_start3A_57 : memref<10240x16xf32, #tpu.memory_space<hbm>>) target(%arg17 : memref<80x16xf32, #tpu.memory_space<vmem>>) offsets(%dma_start3A_54 : memref<80xi32, #tpu.memory_space<vmem>>) semaphore(%arg32 : memref<!tpu.dma_semaphore, #tpu.memory_space<semaphore_mem>>)
    %dma_start3A_58 = arith.constant 4 : i32
    %dma_start3A_59 = arith.constant 0 : i32
    %dma_start3A_60 = tpu.memref_slice %arg7[%dma_start3A_58, %dma_start3A_59] : memref<125x80xi32, #tpu.memory_space<vmem>> -> memref<1x80xi32, #tpu.memory_space<vmem>>
    %dma_start3A_61 = tpu.memref_squeeze %dma_start3A_60 : memref<1x80xi32, #tpu.memory_space<vmem>> -> memref<80xi32, #tpu.memory_space<vmem>>
    %dma_start3A_62 = arith.constant 0 : i32
    %dma_start3A_63 = arith.constant 0 : i32
    %dma_start3A_64 = tpu.memref_slice %arg2[%dma_start3A_62, %dma_start3A_63] : memref<10240x16xf32, #tpu.memory_space<hbm>> -> memref<10240x16xf32, #tpu.memory_space<hbm>>
    tpu.enqueue_indirect_dma source(%dma_start3A_64 : memref<10240x16xf32, #tpu.memory_space<hbm>>) target(%arg13 : memref<80x16xf32, #tpu.memory_space<vmem>>) offsets(%dma_start3A_61 : memref<80xi32, #tpu.memory_space<vmem>>) semaphore(%arg28 : memref<!tpu.dma_semaphore, #tpu.memory_space<semaphore_mem>>)
    %dma_start3A_65 = arith.constant 4 : i32
    %dma_start3A_66 = arith.constant 0 : i32
    %dma_start3A_67 = tpu.memref_slice %arg8[%dma_start3A_65, %dma_start3A_66] : memref<125x80xi32, #tpu.memory_space<vmem>> -> memref<1x80xi32, #tpu.memory_space<vmem>>
    %dma_start3A_68 = tpu.memref_squeeze %dma_start3A_67 : memref<1x80xi32, #tpu.memory_space<vmem>> -> memref<80xi32, #tpu.memory_space<vmem>>
    %dma_start3A_69 = arith.constant 0 : i32
    %dma_start3A_70 = arith.constant 0 : i32
    %dma_start3A_71 = tpu.memref_slice %arg3[%dma_start3A_69, %dma_start3A_70] : memref<10240x16xf32, #tpu.memory_space<hbm>> -> memref<10240x16xf32, #tpu.memory_space<hbm>>
    tpu.enqueue_indirect_dma source(%dma_start3A_71 : memref<10240x16xf32, #tpu.memory_space<hbm>>) target(%arg18 : memref<80x16xf32, #tpu.memory_space<vmem>>) offsets(%dma_start3A_68 : memref<80xi32, #tpu.memory_space<vmem>>) semaphore(%arg33 : memref<!tpu.dma_semaphore, #tpu.memory_space<semaphore_mem>>)
    %scan3A = arith.constant 0 : i32
    %scan3A_72 = arith.constant 0 : i32
    %scan3A_73 = arith.constant 25 : i32
    %scan3A_74 = arith.addi %scan3A_72, %scan3A_73 : i32
    %scan3A_75 = arith.constant 1 : i32
    %scan3A_76 = scf.for %scan3A_89 = %scan3A_72 to %scan3A_74 step %scan3A_75 iter_args(%scan3A_90 = %scan3A) -> (i32)  : i32 {
      %mul3A_91 = arith.constant 5 : i32
      %mul3A_92 = arith.muli %scan3A_89, %mul3A_91 : i32
      %add3A_93 = arith.constant 0 : i32
      %add3A_94 = arith.addi %mul3A_92, %add3A_93 : i32
      %dma_wait3A_95 = arith.constant 0 : i32
      %dma_wait3A_96 = tpu.memref_slice %arg7[%add3A_94, %dma_wait3A_95] : memref<125x80xi32, #tpu.memory_space<vmem>> -> memref<1x80xi32, #tpu.memory_space<vmem>>
      %dma_wait3A_97 = tpu.memref_squeeze %dma_wait3A_96 : memref<1x80xi32, #tpu.memory_space<vmem>> -> memref<80xi32, #tpu.memory_space<vmem>>
      %dma_wait3A_98 = arith.constant 0 : i32
      %dma_wait3A_99 = arith.constant 0 : i32
      %dma_wait3A_100 = tpu.memref_slice %arg2[%dma_wait3A_98, %dma_wait3A_99] : memref<10240x16xf32, #tpu.memory_space<hbm>> -> memref<10240x16xf32, #tpu.memory_space<hbm>>
      tpu.wait_indirect_dma semaphore(%arg24 : memref<!tpu.dma_semaphore, #tpu.memory_space<semaphore_mem>>) src(%dma_wait3A_100 : memref<10240x16xf32, #tpu.memory_space<hbm>>) dst(%arg9 : memref<80x16xf32, #tpu.memory_space<vmem>>)
      %dma_wait3A_101 = arith.constant 0 : i32
      %dma_wait3A_102 = tpu.memref_slice %arg8[%add3A_94, %dma_wait3A_101] : memref<125x80xi32, #tpu.memory_space<vmem>> -> memref<1x80xi32, #tpu.memory_space<vmem>>
      %dma_wait3A_103 = tpu.memref_squeeze %dma_wait3A_102 : memref<1x80xi32, #tpu.memory_space<vmem>> -> memref<80xi32, #tpu.memory_space<vmem>>
      %dma_wait3A_104 = arith.constant 0 : i32
      %dma_wait3A_105 = arith.constant 0 : i32
      %dma_wait3A_106 = tpu.memref_slice %arg3[%dma_wait3A_104, %dma_wait3A_105] : memref<10240x16xf32, #tpu.memory_space<hbm>> -> memref<10240x16xf32, #tpu.memory_space<hbm>>
      tpu.wait_indirect_dma semaphore(%arg29 : memref<!tpu.dma_semaphore, #tpu.memory_space<semaphore_mem>>) src(%dma_wait3A_106 : memref<10240x16xf32, #tpu.memory_space<hbm>>) dst(%arg14 : memref<80x16xf32, #tpu.memory_space<vmem>>)
      %scan3A_107 = arith.constant 0 : i32
      %scan3A_108 = arith.constant 0 : i32
      %scan3A_109 = arith.constant 80 : i32
      %scan3A_110 = arith.addi %scan3A_108, %scan3A_109 : i32
      %scan3A_111 = arith.constant 1 : i32
      %scan3A_112 = scf.for %scan3A_265 = %scan3A_108 to %scan3A_110 step %scan3A_111 iter_args(%scan3A_266 = %scan3A_107) -> (i32)  : i32 {
        %get3A = arith.index_cast %scan3A_265 : i32 to index
        %get3A_267 = arith.constant 0 : index
        %get3A_268 = tpu.vector_load %arg9[%get3A, %get3A_267] {strides = array<i32>} : memref<80x16xf32, #tpu.memory_space<vmem>>, vector<1x16xf32>,
        %get3A_269 = vector.shape_cast %get3A_268 : vector<1x16xf32> to vector<16xf32>
        %get3A_270 = arith.index_cast %scan3A_265 : i32 to index
        %get3A_271 = arith.constant 0 : index
        %get3A_272 = tpu.vector_load %arg14[%get3A_270, %get3A_271] {strides = array<i32>} : memref<80x16xf32, #tpu.memory_space<vmem>>, vector<1x16xf32>,
        %get3A_273 = vector.shape_cast %get3A_272 : vector<1x16xf32> to vector<16xf32>
        %add3A_274 = arith.addf %get3A_269, %get3A_273 : vector<16xf32>
        %neg3A = arith.constant 0.000000e+00 : f32
        %neg3A_275 = vector.broadcast %neg3A : f32 to vector<16xf32>
        %neg3A_276 = arith.subf %neg3A_275, %add3A_274 : vector<16xf32>
        %exp3A = math.exp %neg3A_276 : vector<16xf32>
        %add3A_277 = arith.constant 1.000000e+00 : f32
        %add3A_278 = vector.broadcast %add3A_277 : f32 to vector<16xf32>
        %add3A_279 = arith.addf %add3A_278, %exp3A : vector<16xf32>
        %div3A = arith.constant 1.000000e+00 : f32
        %div3A_280 = vector.broadcast %div3A : f32 to vector<16xf32>
        %div3A_281 = arith.divf %div3A_280, %add3A_279 : vector<16xf32>
        %swap3A = arith.index_cast %scan3A_265 : i32 to index
        %swap3A_282 = arith.constant 0 : index
        %swap3A_283 = tpu.vector_load %arg19[%swap3A, %swap3A_282] {strides = array<i32>} : memref<80x16xf32, #tpu.memory_space<vmem>>, vector<1x16xf32>,
        %swap3A_284 = vector.shape_cast %swap3A_283 : vector<1x16xf32> to vector<16xf32>
        %swap3A_285 = vector.shape_cast %div3A_281 : vector<16xf32> to vector<1x16xf32>
        tpu.vector_store %arg19[%swap3A, %swap3A_282], %swap3A_285 {strides = array<i32>} : memref<80x16xf32, #tpu.memory_space<vmem>>, vector<1x16xf32>,
        %scan3A_286 = arith.constant 0 : i32
        scf.yield %scan3A_286 : i32
      }
      %scan3A_113 = arith.constant 80 : i32
      %mul3A_114 = arith.constant 80 : i32
      %mul3A_115 = arith.muli %add3A_94, %mul3A_114 : i32
      %add3A_116 = arith.addi %mul3A_2, %mul3A_115 : i32
      %dma_start3A_117 = arith.constant 0 : i32
      %dma_start3A_118 = tpu.memref_slice %arg6[%add3A_116, %dma_start3A_117] : memref<320000x16xf32, #tpu.memory_space<hbm>> -> memref<80x16xf32, #tpu.memory_space<hbm>>
      %dma_start3A_119 = arith.constant 0 : i32
      %dma_start3A_120 = tpu.memref_slice %arg6[%add3A_116, %dma_start3A_119] : memref<320000x16xf32, #tpu.memory_space<hbm>> -> memref<80x16xf32, #tpu.memory_space<hbm>>
      tpu.enqueue_dma source(%arg19 : memref<80x16xf32, #tpu.memory_space<vmem>>) target(%dma_start3A_120 : memref<80x16xf32, #tpu.memory_space<hbm>>) target_semaphore(%arg34 : memref<!tpu.dma_semaphore, #tpu.memory_space<semaphore_mem>>)
      %sub3A = arith.constant 2 : i32
      %sub3A_121 = arith.subi %add3A_94, %sub3A : i32
      %ge3A = arith.constant 0 : i32
      %ge3A_122 = arith.cmpi sge, %sub3A_121, %ge3A : i32
      %convert_element_type3A = arith.extui %ge3A_122 : i1 to i32
      %cond3A = arith.constant 0 : i32
      %cond3A_123 = arith.cmpi ne, %convert_element_type3A, %cond3A : i32
      scf.if %cond3A_123 {
        %mul3A_265 = arith.constant 80 : i32
        %mul3A_266 = arith.muli %sub3A_121, %mul3A_265 : i32
        %add3A_267 = arith.addi %mul3A_2, %mul3A_266 : i32
        %dma_wait3A_268 = arith.constant 0 : i32
        %dma_wait3A_269 = tpu.memref_slice %arg6[%add3A_267, %dma_wait3A_268] : memref<320000x16xf32, #tpu.memory_space<hbm>> -> memref<80x16xf32, #tpu.memory_space<hbm>>
        %dma_wait3A_270 = arith.constant 0 : i32
        %dma_wait3A_271 = tpu.memref_slice %arg6[%add3A_267, %dma_wait3A_270] : memref<320000x16xf32, #tpu.memory_space<hbm>> -> memref<80x16xf32, #tpu.memory_space<hbm>>
        tpu.wait_dma2 semaphore(%arg37 : memref<!tpu.dma_semaphore, #tpu.memory_space<semaphore_mem>>) src(%arg22 : memref<80x16xf32, #tpu.memory_space<vmem>>) dst(%dma_wait3A_271 : memref<80x16xf32, #tpu.memory_space<hbm>>)
        %add3A_272 = arith.constant 5 : i32
        %add3A_273 = arith.addi %sub3A_121, %add3A_272 : i32
        %lt3A = arith.constant 125 : i32
        %lt3A_274 = arith.cmpi slt, %add3A_273, %lt3A : i32
        %convert_element_type3A_275 = arith.extui %lt3A_274 : i1 to i32
        %cond3A_276 = arith.constant 0 : i32
        %cond3A_277 = arith.cmpi ne, %convert_element_type3A_275, %cond3A_276 : i32
        scf.if %cond3A_277 {
          %add3A_278 = arith.constant 5 : i32
          %add3A_279 = arith.addi %sub3A_121, %add3A_278 : i32
          %dma_start3A_280 = arith.constant 0 : i32
          %dma_start3A_281 = tpu.memref_slice %arg7[%add3A_279, %dma_start3A_280] : memref<125x80xi32, #tpu.memory_space<vmem>> -> memref<1x80xi32, #tpu.memory_space<vmem>>
          %dma_start3A_282 = tpu.memref_squeeze %dma_start3A_281 : memref<1x80xi32, #tpu.memory_space<vmem>> -> memref<80xi32, #tpu.memory_space<vmem>>
          %dma_start3A_283 = arith.constant 0 : i32
          %dma_start3A_284 = arith.constant 0 : i32
          %dma_start3A_285 = tpu.memref_slice %arg2[%dma_start3A_283, %dma_start3A_284] : memref<10240x16xf32, #tpu.memory_space<hbm>> -> memref<10240x16xf32, #tpu.memory_space<hbm>>
          tpu.enqueue_indirect_dma source(%dma_start3A_285 : memref<10240x16xf32, #tpu.memory_space<hbm>>) target(%arg12 : memref<80x16xf32, #tpu.memory_space<vmem>>) offsets(%dma_start3A_282 : memref<80xi32, #tpu.memory_space<vmem>>) semaphore(%arg27 : memref<!tpu.dma_semaphore, #tpu.memory_space<semaphore_mem>>)
          %add3A_286 = arith.constant 5 : i32
          %add3A_287 = arith.addi %sub3A_121, %add3A_286 : i32
          %dma_start3A_288 = arith.constant 0 : i32
          %dma_start3A_289 = tpu.memref_slice %arg8[%add3A_287, %dma_start3A_288] : memref<125x80xi32, #tpu.memory_space<vmem>> -> memref<1x80xi32, #tpu.memory_space<vmem>>
          %dma_start3A_290 = tpu.memref_squeeze %dma_start3A_289 : memref<1x80xi32, #tpu.memory_space<vmem>> -> memref<80xi32, #tpu.memory_space<vmem>>
          %dma_start3A_291 = arith.constant 0 : i32
          %dma_start3A_292 = arith.constant 0 : i32
          %dma_start3A_293 = tpu.memref_slice %arg3[%dma_start3A_291, %dma_start3A_292] : memref<10240x16xf32, #tpu.memory_space<hbm>> -> memref<10240x16xf32, #tpu.memory_space<hbm>>
          tpu.enqueue_indirect_dma source(%dma_start3A_293 : memref<10240x16xf32, #tpu.memory_space<hbm>>) target(%arg17 : memref<80x16xf32, #tpu.memory_space<vmem>>) offsets(%dma_start3A_290 : memref<80xi32, #tpu.memory_space<vmem>>) semaphore(%arg32 : memref<!tpu.dma_semaphore, #tpu.memory_space<semaphore_mem>>)
        } else {
        }
      } else {
      }
      %add3A_124 = arith.constant 1 : i32
      %add3A_125 = arith.addi %mul3A_92, %add3A_124 : i32
      %dma_wait3A_126 = arith.constant 0 : i32
      %dma_wait3A_127 = tpu.memref_slice %arg7[%add3A_125, %dma_wait3A_126] : memref<125x80xi32, #tpu.memory_space<vmem>> -> memref<1x80xi32, #tpu.memory_space<vmem>>
      %dma_wait3A_128 = tpu.memref_squeeze %dma_wait3A_127 : memref<1x80xi32, #tpu.memory_space<vmem>> -> memref<80xi32, #tpu.memory_space<vmem>>
      %dma_wait3A_129 = arith.constant 0 : i32
      %dma_wait3A_130 = arith.constant 0 : i32
      %dma_wait3A_131 = tpu.memref_slice %arg2[%dma_wait3A_129, %dma_wait3A_130] : memref<10240x16xf32, #tpu.memory_space<hbm>> -> memref<10240x16xf32, #tpu.memory_space<hbm>>
      tpu.wait_indirect_dma semaphore(%arg25 : memref<!tpu.dma_semaphore, #tpu.memory_space<semaphore_mem>>) src(%dma_wait3A_131 : memref<10240x16xf32, #tpu.memory_space<hbm>>) dst(%arg10 : memref<80x16xf32, #tpu.memory_space<vmem>>)
      %dma_wait3A_132 = arith.constant 0 : i32
      %dma_wait3A_133 = tpu.memref_slice %arg8[%add3A_125, %dma_wait3A_132] : memref<125x80xi32, #tpu.memory_space<vmem>> -> memref<1x80xi32, #tpu.memory_space<vmem>>
      %dma_wait3A_134 = tpu.memref_squeeze %dma_wait3A_133 : memref<1x80xi32, #tpu.memory_space<vmem>> -> memref<80xi32, #tpu.memory_space<vmem>>
      %dma_wait3A_135 = arith.constant 0 : i32
      %dma_wait3A_136 = arith.constant 0 : i32
      %dma_wait3A_137 = tpu.memref_slice %arg3[%dma_wait3A_135, %dma_wait3A_136] : memref<10240x16xf32, #tpu.memory_space<hbm>> -> memref<10240x16xf32, #tpu.memory_space<hbm>>
      tpu.wait_indirect_dma semaphore(%arg30 : memref<!tpu.dma_semaphore, #tpu.memory_space<semaphore_mem>>) src(%dma_wait3A_137 : memref<10240x16xf32, #tpu.memory_space<hbm>>) dst(%arg15 : memref<80x16xf32, #tpu.memory_space<vmem>>)
      %scan3A_138 = arith.constant 0 : i32
      %scan3A_139 = arith.constant 0 : i32
      %scan3A_140 = arith.constant 80 : i32
      %scan3A_141 = arith.addi %scan3A_139, %scan3A_140 : i32
      %scan3A_142 = arith.constant 1 : i32
      %scan3A_143 = scf.for %scan3A_265 = %scan3A_139 to %scan3A_141 step %scan3A_142 iter_args(%scan3A_266 = %scan3A_138) -> (i32)  : i32 {
        %get3A = arith.index_cast %scan3A_265 : i32 to index
        %get3A_267 = arith.constant 0 : index
        %get3A_268 = tpu.vector_load %arg10[%get3A, %get3A_267] {strides = array<i32>} : memref<80x16xf32, #tpu.memory_space<vmem>>, vector<1x16xf32>,
        %get3A_269 = vector.shape_cast %get3A_268 : vector<1x16xf32> to vector<16xf32>
        %get3A_270 = arith.index_cast %scan3A_265 : i32 to index
        %get3A_271 = arith.constant 0 : index
        %get3A_272 = tpu.vector_load %arg15[%get3A_270, %get3A_271] {strides = array<i32>} : memref<80x16xf32, #tpu.memory_space<vmem>>, vector<1x16xf32>,
        %get3A_273 = vector.shape_cast %get3A_272 : vector<1x16xf32> to vector<16xf32>
        %add3A_274 = arith.addf %get3A_269, %get3A_273 : vector<16xf32>
        %neg3A = arith.constant 0.000000e+00 : f32
        %neg3A_275 = vector.broadcast %neg3A : f32 to vector<16xf32>
        %neg3A_276 = arith.subf %neg3A_275, %add3A_274 : vector<16xf32>
        %exp3A = math.exp %neg3A_276 : vector<16xf32>
        %add3A_277 = arith.constant 1.000000e+00 : f32
        %add3A_278 = vector.broadcast %add3A_277 : f32 to vector<16xf32>
        %add3A_279 = arith.addf %add3A_278, %exp3A : vector<16xf32>
        %div3A = arith.constant 1.000000e+00 : f32
        %div3A_280 = vector.broadcast %div3A : f32 to vector<16xf32>
        %div3A_281 = arith.divf %div3A_280, %add3A_279 : vector<16xf32>
        %swap3A = arith.index_cast %scan3A_265 : i32 to index
        %swap3A_282 = arith.constant 0 : index
        %swap3A_283 = tpu.vector_load %arg20[%swap3A, %swap3A_282] {strides = array<i32>} : memref<80x16xf32, #tpu.memory_space<vmem>>, vector<1x16xf32>,
        %swap3A_284 = vector.shape_cast %swap3A_283 : vector<1x16xf32> to vector<16xf32>
        %swap3A_285 = vector.shape_cast %div3A_281 : vector<16xf32> to vector<1x16xf32>
        tpu.vector_store %arg20[%swap3A, %swap3A_282], %swap3A_285 {strides = array<i32>} : memref<80x16xf32, #tpu.memory_space<vmem>>, vector<1x16xf32>,
        %scan3A_286 = arith.constant 0 : i32
        scf.yield %scan3A_286 : i32
      }
      %scan3A_144 = arith.constant 80 : i32
      %mul3A_145 = arith.constant 80 : i32
      %mul3A_146 = arith.muli %add3A_125, %mul3A_145 : i32
      %add3A_147 = arith.addi %mul3A_2, %mul3A_146 : i32
      %dma_start3A_148 = arith.constant 0 : i32
      %dma_start3A_149 = tpu.memref_slice %arg6[%add3A_147, %dma_start3A_148] : memref<320000x16xf32, #tpu.memory_space<hbm>> -> memref<80x16xf32, #tpu.memory_space<hbm>>
      %dma_start3A_150 = arith.constant 0 : i32
      %dma_start3A_151 = tpu.memref_slice %arg6[%add3A_147, %dma_start3A_150] : memref<320000x16xf32, #tpu.memory_space<hbm>> -> memref<80x16xf32, #tpu.memory_space<hbm>>
      tpu.enqueue_dma source(%arg20 : memref<80x16xf32, #tpu.memory_space<vmem>>) target(%dma_start3A_151 : memref<80x16xf32, #tpu.memory_space<hbm>>) target_semaphore(%arg35 : memref<!tpu.dma_semaphore, #tpu.memory_space<semaphore_mem>>)
      %sub3A_152 = arith.constant 2 : i32
      %sub3A_153 = arith.subi %add3A_125, %sub3A_152 : i32
      %ge3A_154 = arith.constant 0 : i32
      %ge3A_155 = arith.cmpi sge, %sub3A_153, %ge3A_154 : i32
      %convert_element_type3A_156 = arith.extui %ge3A_155 : i1 to i32
      %cond3A_157 = arith.constant 0 : i32
      %cond3A_158 = arith.cmpi ne, %convert_element_type3A_156, %cond3A_157 : i32
      scf.if %cond3A_158 {
        %mul3A_265 = arith.constant 80 : i32
        %mul3A_266 = arith.muli %sub3A_153, %mul3A_265 : i32
        %add3A_267 = arith.addi %mul3A_2, %mul3A_266 : i32
        %dma_wait3A_268 = arith.constant 0 : i32
        %dma_wait3A_269 = tpu.memref_slice %arg6[%add3A_267, %dma_wait3A_268] : memref<320000x16xf32, #tpu.memory_space<hbm>> -> memref<80x16xf32, #tpu.memory_space<hbm>>
        %dma_wait3A_270 = arith.constant 0 : i32
        %dma_wait3A_271 = tpu.memref_slice %arg6[%add3A_267, %dma_wait3A_270] : memref<320000x16xf32, #tpu.memory_space<hbm>> -> memref<80x16xf32, #tpu.memory_space<hbm>>
        tpu.wait_dma2 semaphore(%arg38 : memref<!tpu.dma_semaphore, #tpu.memory_space<semaphore_mem>>) src(%arg23 : memref<80x16xf32, #tpu.memory_space<vmem>>) dst(%dma_wait3A_271 : memref<80x16xf32, #tpu.memory_space<hbm>>)
        %add3A_272 = arith.constant 5 : i32
        %add3A_273 = arith.addi %sub3A_153, %add3A_272 : i32
        %lt3A = arith.constant 125 : i32
        %lt3A_274 = arith.cmpi slt, %add3A_273, %lt3A : i32
        %convert_element_type3A_275 = arith.extui %lt3A_274 : i1 to i32
        %cond3A_276 = arith.constant 0 : i32
        %cond3A_277 = arith.cmpi ne, %convert_element_type3A_275, %cond3A_276 : i32
        scf.if %cond3A_277 {
          %add3A_278 = arith.constant 5 : i32
          %add3A_279 = arith.addi %sub3A_153, %add3A_278 : i32
          %dma_start3A_280 = arith.constant 0 : i32
          %dma_start3A_281 = tpu.memref_slice %arg7[%add3A_279, %dma_start3A_280] : memref<125x80xi32, #tpu.memory_space<vmem>> -> memref<1x80xi32, #tpu.memory_space<vmem>>
          %dma_start3A_282 = tpu.memref_squeeze %dma_start3A_281 : memref<1x80xi32, #tpu.memory_space<vmem>> -> memref<80xi32, #tpu.memory_space<vmem>>
          %dma_start3A_283 = arith.constant 0 : i32
          %dma_start3A_284 = arith.constant 0 : i32
          %dma_start3A_285 = tpu.memref_slice %arg2[%dma_start3A_283, %dma_start3A_284] : memref<10240x16xf32, #tpu.memory_space<hbm>> -> memref<10240x16xf32, #tpu.memory_space<hbm>>
          tpu.enqueue_indirect_dma source(%dma_start3A_285 : memref<10240x16xf32, #tpu.memory_space<hbm>>) target(%arg13 : memref<80x16xf32, #tpu.memory_space<vmem>>) offsets(%dma_start3A_282 : memref<80xi32, #tpu.memory_space<vmem>>) semaphore(%arg28 : memref<!tpu.dma_semaphore, #tpu.memory_space<semaphore_mem>>)
          %add3A_286 = arith.constant 5 : i32
          %add3A_287 = arith.addi %sub3A_153, %add3A_286 : i32
          %dma_start3A_288 = arith.constant 0 : i32
          %dma_start3A_289 = tpu.memref_slice %arg8[%add3A_287, %dma_start3A_288] : memref<125x80xi32, #tpu.memory_space<vmem>> -> memref<1x80xi32, #tpu.memory_space<vmem>>
          %dma_start3A_290 = tpu.memref_squeeze %dma_start3A_289 : memref<1x80xi32, #tpu.memory_space<vmem>> -> memref<80xi32, #tpu.memory_space<vmem>>
          %dma_start3A_291 = arith.constant 0 : i32
          %dma_start3A_292 = arith.constant 0 : i32
          %dma_start3A_293 = tpu.memref_slice %arg3[%dma_start3A_291, %dma_start3A_292] : memref<10240x16xf32, #tpu.memory_space<hbm>> -> memref<10240x16xf32, #tpu.memory_space<hbm>>
          tpu.enqueue_indirect_dma source(%dma_start3A_293 : memref<10240x16xf32, #tpu.memory_space<hbm>>) target(%arg18 : memref<80x16xf32, #tpu.memory_space<vmem>>) offsets(%dma_start3A_290 : memref<80xi32, #tpu.memory_space<vmem>>) semaphore(%arg33 : memref<!tpu.dma_semaphore, #tpu.memory_space<semaphore_mem>>)
        } else {
        }
      } else {
      }
      %add3A_159 = arith.constant 2 : i32
      %add3A_160 = arith.addi %mul3A_92, %add3A_159 : i32
      %dma_wait3A_161 = arith.constant 0 : i32
      %dma_wait3A_162 = tpu.memref_slice %arg7[%add3A_160, %dma_wait3A_161] : memref<125x80xi32, #tpu.memory_space<vmem>> -> memref<1x80xi32, #tpu.memory_space<vmem>>
      %dma_wait3A_163 = tpu.memref_squeeze %dma_wait3A_162 : memref<1x80xi32, #tpu.memory_space<vmem>> -> memref<80xi32, #tpu.memory_space<vmem>>
      %dma_wait3A_164 = arith.constant 0 : i32
      %dma_wait3A_165 = arith.constant 0 : i32
      %dma_wait3A_166 = tpu.memref_slice %arg2[%dma_wait3A_164, %dma_wait3A_165] : memref<10240x16xf32, #tpu.memory_space<hbm>> -> memref<10240x16xf32, #tpu.memory_space<hbm>>
      tpu.wait_indirect_dma semaphore(%arg26 : memref<!tpu.dma_semaphore, #tpu.memory_space<semaphore_mem>>) src(%dma_wait3A_166 : memref<10240x16xf32, #tpu.memory_space<hbm>>) dst(%arg11 : memref<80x16xf32, #tpu.memory_space<vmem>>)
      %dma_wait3A_167 = arith.constant 0 : i32
      %dma_wait3A_168 = tpu.memref_slice %arg8[%add3A_160, %dma_wait3A_167] : memref<125x80xi32, #tpu.memory_space<vmem>> -> memref<1x80xi32, #tpu.memory_space<vmem>>
      %dma_wait3A_169 = tpu.memref_squeeze %dma_wait3A_168 : memref<1x80xi32, #tpu.memory_space<vmem>> -> memref<80xi32, #tpu.memory_space<vmem>>
      %dma_wait3A_170 = arith.constant 0 : i32
      %dma_wait3A_171 = arith.constant 0 : i32
      %dma_wait3A_172 = tpu.memref_slice %arg3[%dma_wait3A_170, %dma_wait3A_171] : memref<10240x16xf32, #tpu.memory_space<hbm>> -> memref<10240x16xf32, #tpu.memory_space<hbm>>
      tpu.wait_indirect_dma semaphore(%arg31 : memref<!tpu.dma_semaphore, #tpu.memory_space<semaphore_mem>>) src(%dma_wait3A_172 : memref<10240x16xf32, #tpu.memory_space<hbm>>) dst(%arg16 : memref<80x16xf32, #tpu.memory_space<vmem>>)
      %scan3A_173 = arith.constant 0 : i32
      %scan3A_174 = arith.constant 0 : i32
      %scan3A_175 = arith.constant 80 : i32
      %scan3A_176 = arith.addi %scan3A_174, %scan3A_175 : i32
      %scan3A_177 = arith.constant 1 : i32
      %scan3A_178 = scf.for %scan3A_265 = %scan3A_174 to %scan3A_176 step %scan3A_177 iter_args(%scan3A_266 = %scan3A_173) -> (i32)  : i32 {
        %get3A = arith.index_cast %scan3A_265 : i32 to index
        %get3A_267 = arith.constant 0 : index
        %get3A_268 = tpu.vector_load %arg11[%get3A, %get3A_267] {strides = array<i32>} : memref<80x16xf32, #tpu.memory_space<vmem>>, vector<1x16xf32>,
        %get3A_269 = vector.shape_cast %get3A_268 : vector<1x16xf32> to vector<16xf32>
        %get3A_270 = arith.index_cast %scan3A_265 : i32 to index
        %get3A_271 = arith.constant 0 : index
        %get3A_272 = tpu.vector_load %arg16[%get3A_270, %get3A_271] {strides = array<i32>} : memref<80x16xf32, #tpu.memory_space<vmem>>, vector<1x16xf32>,
        %get3A_273 = vector.shape_cast %get3A_272 : vector<1x16xf32> to vector<16xf32>
        %add3A_274 = arith.addf %get3A_269, %get3A_273 : vector<16xf32>
        %neg3A = arith.constant 0.000000e+00 : f32
        %neg3A_275 = vector.broadcast %neg3A : f32 to vector<16xf32>
        %neg3A_276 = arith.subf %neg3A_275, %add3A_274 : vector<16xf32>
        %exp3A = math.exp %neg3A_276 : vector<16xf32>
        %add3A_277 = arith.constant 1.000000e+00 : f32
        %add3A_278 = vector.broadcast %add3A_277 : f32 to vector<16xf32>
        %add3A_279 = arith.addf %add3A_278, %exp3A : vector<16xf32>
        %div3A = arith.constant 1.000000e+00 : f32
        %div3A_280 = vector.broadcast %div3A : f32 to vector<16xf32>
        %div3A_281 = arith.divf %div3A_280, %add3A_279 : vector<16xf32>
        %swap3A = arith.index_cast %scan3A_265 : i32 to index
        %swap3A_282 = arith.constant 0 : index
        %swap3A_283 = tpu.vector_load %arg21[%swap3A, %swap3A_282] {strides = array<i32>} : memref<80x16xf32, #tpu.memory_space<vmem>>, vector<1x16xf32>,
        %swap3A_284 = vector.shape_cast %swap3A_283 : vector<1x16xf32> to vector<16xf32>
        %swap3A_285 = vector.shape_cast %div3A_281 : vector<16xf32> to vector<1x16xf32>
        tpu.vector_store %arg21[%swap3A, %swap3A_282], %swap3A_285 {strides = array<i32>} : memref<80x16xf32, #tpu.memory_space<vmem>>, vector<1x16xf32>,
        %scan3A_286 = arith.constant 0 : i32
        scf.yield %scan3A_286 : i32
      }
      %scan3A_179 = arith.constant 80 : i32
      %mul3A_180 = arith.constant 80 : i32
      %mul3A_181 = arith.muli %add3A_160, %mul3A_180 : i32
      %add3A_182 = arith.addi %mul3A_2, %mul3A_181 : i32
      %dma_start3A_183 = arith.constant 0 : i32
      %dma_start3A_184 = tpu.memref_slice %arg6[%add3A_182, %dma_start3A_183] : memref<320000x16xf32, #tpu.memory_space<hbm>> -> memref<80x16xf32, #tpu.memory_space<hbm>>
      %dma_start3A_185 = arith.constant 0 : i32
      %dma_start3A_186 = tpu.memref_slice %arg6[%add3A_182, %dma_start3A_185] : memref<320000x16xf32, #tpu.memory_space<hbm>> -> memref<80x16xf32, #tpu.memory_space<hbm>>
      tpu.enqueue_dma source(%arg21 : memref<80x16xf32, #tpu.memory_space<vmem>>) target(%dma_start3A_186 : memref<80x16xf32, #tpu.memory_space<hbm>>) target_semaphore(%arg36 : memref<!tpu.dma_semaphore, #tpu.memory_space<semaphore_mem>>)
      %sub3A_187 = arith.constant 2 : i32
      %sub3A_188 = arith.subi %add3A_160, %sub3A_187 : i32
      %ge3A_189 = arith.constant 0 : i32
      %ge3A_190 = arith.cmpi sge, %sub3A_188, %ge3A_189 : i32
      %convert_element_type3A_191 = arith.extui %ge3A_190 : i1 to i32
      %cond3A_192 = arith.constant 0 : i32
      %cond3A_193 = arith.cmpi ne, %convert_element_type3A_191, %cond3A_192 : i32
      scf.if %cond3A_193 {
        %mul3A_265 = arith.constant 80 : i32
        %mul3A_266 = arith.muli %sub3A_188, %mul3A_265 : i32
        %add3A_267 = arith.addi %mul3A_2, %mul3A_266 : i32
        %dma_wait3A_268 = arith.constant 0 : i32
        %dma_wait3A_269 = tpu.memref_slice %arg6[%add3A_267, %dma_wait3A_268] : memref<320000x16xf32, #tpu.memory_space<hbm>> -> memref<80x16xf32, #tpu.memory_space<hbm>>
        %dma_wait3A_270 = arith.constant 0 : i32
        %dma_wait3A_271 = tpu.memref_slice %arg6[%add3A_267, %dma_wait3A_270] : memref<320000x16xf32, #tpu.memory_space<hbm>> -> memref<80x16xf32, #tpu.memory_space<hbm>>
        tpu.wait_dma2 semaphore(%arg34 : memref<!tpu.dma_semaphore, #tpu.memory_space<semaphore_mem>>) src(%arg19 : memref<80x16xf32, #tpu.memory_space<vmem>>) dst(%dma_wait3A_271 : memref<80x16xf32, #tpu.memory_space<hbm>>)
        %add3A_272 = arith.constant 5 : i32
        %add3A_273 = arith.addi %sub3A_188, %add3A_272 : i32
        %lt3A = arith.constant 125 : i32
        %lt3A_274 = arith.cmpi slt, %add3A_273, %lt3A : i32
        %convert_element_type3A_275 = arith.extui %lt3A_274 : i1 to i32
        %cond3A_276 = arith.constant 0 : i32
        %cond3A_277 = arith.cmpi ne, %convert_element_type3A_275, %cond3A_276 : i32
        scf.if %cond3A_277 {
          %add3A_278 = arith.constant 5 : i32
          %add3A_279 = arith.addi %sub3A_188, %add3A_278 : i32
          %dma_start3A_280 = arith.constant 0 : i32
          %dma_start3A_281 = tpu.memref_slice %arg7[%add3A_279, %dma_start3A_280] : memref<125x80xi32, #tpu.memory_space<vmem>> -> memref<1x80xi32, #tpu.memory_space<vmem>>
          %dma_start3A_282 = tpu.memref_squeeze %dma_start3A_281 : memref<1x80xi32, #tpu.memory_space<vmem>> -> memref<80xi32, #tpu.memory_space<vmem>>
          %dma_start3A_283 = arith.constant 0 : i32
          %dma_start3A_284 = arith.constant 0 : i32
          %dma_start3A_285 = tpu.memref_slice %arg2[%dma_start3A_283, %dma_start3A_284] : memref<10240x16xf32, #tpu.memory_space<hbm>> -> memref<10240x16xf32, #tpu.memory_space<hbm>>
          tpu.enqueue_indirect_dma source(%dma_start3A_285 : memref<10240x16xf32, #tpu.memory_space<hbm>>) target(%arg9 : memref<80x16xf32, #tpu.memory_space<vmem>>) offsets(%dma_start3A_282 : memref<80xi32, #tpu.memory_space<vmem>>) semaphore(%arg24 : memref<!tpu.dma_semaphore, #tpu.memory_space<semaphore_mem>>)
          %add3A_286 = arith.constant 5 : i32
          %add3A_287 = arith.addi %sub3A_188, %add3A_286 : i32
          %dma_start3A_288 = arith.constant 0 : i32
          %dma_start3A_289 = tpu.memref_slice %arg8[%add3A_287, %dma_start3A_288] : memref<125x80xi32, #tpu.memory_space<vmem>> -> memref<1x80xi32, #tpu.memory_space<vmem>>
          %dma_start3A_290 = tpu.memref_squeeze %dma_start3A_289 : memref<1x80xi32, #tpu.memory_space<vmem>> -> memref<80xi32, #tpu.memory_space<vmem>>
          %dma_start3A_291 = arith.constant 0 : i32
          %dma_start3A_292 = arith.constant 0 : i32
          %dma_start3A_293 = tpu.memref_slice %arg3[%dma_start3A_291, %dma_start3A_292] : memref<10240x16xf32, #tpu.memory_space<hbm>> -> memref<10240x16xf32, #tpu.memory_space<hbm>>
          tpu.enqueue_indirect_dma source(%dma_start3A_293 : memref<10240x16xf32, #tpu.memory_space<hbm>>) target(%arg14 : memref<80x16xf32, #tpu.memory_space<vmem>>) offsets(%dma_start3A_290 : memref<80xi32, #tpu.memory_space<vmem>>) semaphore(%arg29 : memref<!tpu.dma_semaphore, #tpu.memory_space<semaphore_mem>>)
        } else {
        }
      } else {
      }
      %add3A_194 = arith.constant 3 : i32
      %add3A_195 = arith.addi %mul3A_92, %add3A_194 : i32
      %dma_wait3A_196 = arith.constant 0 : i32
      %dma_wait3A_197 = tpu.memref_slice %arg7[%add3A_195, %dma_wait3A_196] : memref<125x80xi32, #tpu.memory_space<vmem>> -> memref<1x80xi32, #tpu.memory_space<vmem>>
      %dma_wait3A_198 = tpu.memref_squeeze %dma_wait3A_197 : memref<1x80xi32, #tpu.memory_space<vmem>> -> memref<80xi32, #tpu.memory_space<vmem>>
      %dma_wait3A_199 = arith.constant 0 : i32
      %dma_wait3A_200 = arith.constant 0 : i32
      %dma_wait3A_201 = tpu.memref_slice %arg2[%dma_wait3A_199, %dma_wait3A_200] : memref<10240x16xf32, #tpu.memory_space<hbm>> -> memref<10240x16xf32, #tpu.memory_space<hbm>>
      tpu.wait_indirect_dma semaphore(%arg27 : memref<!tpu.dma_semaphore, #tpu.memory_space<semaphore_mem>>) src(%dma_wait3A_201 : memref<10240x16xf32, #tpu.memory_space<hbm>>) dst(%arg12 : memref<80x16xf32, #tpu.memory_space<vmem>>)
      %dma_wait3A_202 = arith.constant 0 : i32
      %dma_wait3A_203 = tpu.memref_slice %arg8[%add3A_195, %dma_wait3A_202] : memref<125x80xi32, #tpu.memory_space<vmem>> -> memref<1x80xi32, #tpu.memory_space<vmem>>
      %dma_wait3A_204 = tpu.memref_squeeze %dma_wait3A_203 : memref<1x80xi32, #tpu.memory_space<vmem>> -> memref<80xi32, #tpu.memory_space<vmem>>
      %dma_wait3A_205 = arith.constant 0 : i32
      %dma_wait3A_206 = arith.constant 0 : i32
      %dma_wait3A_207 = tpu.memref_slice %arg3[%dma_wait3A_205, %dma_wait3A_206] : memref<10240x16xf32, #tpu.memory_space<hbm>> -> memref<10240x16xf32, #tpu.memory_space<hbm>>
      tpu.wait_indirect_dma semaphore(%arg32 : memref<!tpu.dma_semaphore, #tpu.memory_space<semaphore_mem>>) src(%dma_wait3A_207 : memref<10240x16xf32, #tpu.memory_space<hbm>>) dst(%arg17 : memref<80x16xf32, #tpu.memory_space<vmem>>)
      %scan3A_208 = arith.constant 0 : i32
      %scan3A_209 = arith.constant 0 : i32
      %scan3A_210 = arith.constant 80 : i32
      %scan3A_211 = arith.addi %scan3A_209, %scan3A_210 : i32
      %scan3A_212 = arith.constant 1 : i32
      %scan3A_213 = scf.for %scan3A_265 = %scan3A_209 to %scan3A_211 step %scan3A_212 iter_args(%scan3A_266 = %scan3A_208) -> (i32)  : i32 {
        %get3A = arith.index_cast %scan3A_265 : i32 to index
        %get3A_267 = arith.constant 0 : index
        %get3A_268 = tpu.vector_load %arg12[%get3A, %get3A_267] {strides = array<i32>} : memref<80x16xf32, #tpu.memory_space<vmem>>, vector<1x16xf32>,
        %get3A_269 = vector.shape_cast %get3A_268 : vector<1x16xf32> to vector<16xf32>
        %get3A_270 = arith.index_cast %scan3A_265 : i32 to index
        %get3A_271 = arith.constant 0 : index
        %get3A_272 = tpu.vector_load %arg17[%get3A_270, %get3A_271] {strides = array<i32>} : memref<80x16xf32, #tpu.memory_space<vmem>>, vector<1x16xf32>,
        %get3A_273 = vector.shape_cast %get3A_272 : vector<1x16xf32> to vector<16xf32>
        %add3A_274 = arith.addf %get3A_269, %get3A_273 : vector<16xf32>
        %neg3A = arith.constant 0.000000e+00 : f32
        %neg3A_275 = vector.broadcast %neg3A : f32 to vector<16xf32>
        %neg3A_276 = arith.subf %neg3A_275, %add3A_274 : vector<16xf32>
        %exp3A = math.exp %neg3A_276 : vector<16xf32>
        %add3A_277 = arith.constant 1.000000e+00 : f32
        %add3A_278 = vector.broadcast %add3A_277 : f32 to vector<16xf32>
        %add3A_279 = arith.addf %add3A_278, %exp3A : vector<16xf32>
        %div3A = arith.constant 1.000000e+00 : f32
        %div3A_280 = vector.broadcast %div3A : f32 to vector<16xf32>
        %div3A_281 = arith.divf %div3A_280, %add3A_279 : vector<16xf32>
        %swap3A = arith.index_cast %scan3A_265 : i32 to index
        %swap3A_282 = arith.constant 0 : index
        %swap3A_283 = tpu.vector_load %arg22[%swap3A, %swap3A_282] {strides = array<i32>} : memref<80x16xf32, #tpu.memory_space<vmem>>, vector<1x16xf32>,
        %swap3A_284 = vector.shape_cast %swap3A_283 : vector<1x16xf32> to vector<16xf32>
        %swap3A_285 = vector.shape_cast %div3A_281 : vector<16xf32> to vector<1x16xf32>
        tpu.vector_store %arg22[%swap3A, %swap3A_282], %swap3A_285 {strides = array<i32>} : memref<80x16xf32, #tpu.memory_space<vmem>>, vector<1x16xf32>,
        %scan3A_286 = arith.constant 0 : i32
        scf.yield %scan3A_286 : i32
      }
      %scan3A_214 = arith.constant 80 : i32
      %mul3A_215 = arith.constant 80 : i32
      %mul3A_216 = arith.muli %add3A_195, %mul3A_215 : i32
      %add3A_217 = arith.addi %mul3A_2, %mul3A_216 : i32
      %dma_start3A_218 = arith.constant 0 : i32
      %dma_start3A_219 = tpu.memref_slice %arg6[%add3A_217, %dma_start3A_218] : memref<320000x16xf32, #tpu.memory_space<hbm>> -> memref<80x16xf32, #tpu.memory_space<hbm>>
      %dma_start3A_220 = arith.constant 0 : i32
      %dma_start3A_221 = tpu.memref_slice %arg6[%add3A_217, %dma_start3A_220] : memref<320000x16xf32, #tpu.memory_space<hbm>> -> memref<80x16xf32, #tpu.memory_space<hbm>>
      tpu.enqueue_dma source(%arg22 : memref<80x16xf32, #tpu.memory_space<vmem>>) target(%dma_start3A_221 : memref<80x16xf32, #tpu.memory_space<hbm>>) target_semaphore(%arg37 : memref<!tpu.dma_semaphore, #tpu.memory_space<semaphore_mem>>)
      %sub3A_222 = arith.constant 2 : i32
      %sub3A_223 = arith.subi %add3A_195, %sub3A_222 : i32
      %ge3A_224 = arith.constant 0 : i32
      %ge3A_225 = arith.cmpi sge, %sub3A_223, %ge3A_224 : i32
      %convert_element_type3A_226 = arith.extui %ge3A_225 : i1 to i32
      %cond3A_227 = arith.constant 0 : i32
      %cond3A_228 = arith.cmpi ne, %convert_element_type3A_226, %cond3A_227 : i32
      scf.if %cond3A_228 {
        %mul3A_265 = arith.constant 80 : i32
        %mul3A_266 = arith.muli %sub3A_223, %mul3A_265 : i32
        %add3A_267 = arith.addi %mul3A_2, %mul3A_266 : i32
        %dma_wait3A_268 = arith.constant 0 : i32
        %dma_wait3A_269 = tpu.memref_slice %arg6[%add3A_267, %dma_wait3A_268] : memref<320000x16xf32, #tpu.memory_space<hbm>> -> memref<80x16xf32, #tpu.memory_space<hbm>>
        %dma_wait3A_270 = arith.constant 0 : i32
        %dma_wait3A_271 = tpu.memref_slice %arg6[%add3A_267, %dma_wait3A_270] : memref<320000x16xf32, #tpu.memory_space<hbm>> -> memref<80x16xf32, #tpu.memory_space<hbm>>
        tpu.wait_dma2 semaphore(%arg35 : memref<!tpu.dma_semaphore, #tpu.memory_space<semaphore_mem>>) src(%arg20 : memref<80x16xf32, #tpu.memory_space<vmem>>) dst(%dma_wait3A_271 : memref<80x16xf32, #tpu.memory_space<hbm>>)
        %add3A_272 = arith.constant 5 : i32
        %add3A_273 = arith.addi %sub3A_223, %add3A_272 : i32
        %lt3A = arith.constant 125 : i32
        %lt3A_274 = arith.cmpi slt, %add3A_273, %lt3A : i32
        %convert_element_type3A_275 = arith.extui %lt3A_274 : i1 to i32
        %cond3A_276 = arith.constant 0 : i32
        %cond3A_277 = arith.cmpi ne, %convert_element_type3A_275, %cond3A_276 : i32
        scf.if %cond3A_277 {
          %add3A_278 = arith.constant 5 : i32
          %add3A_279 = arith.addi %sub3A_223, %add3A_278 : i32
          %dma_start3A_280 = arith.constant 0 : i32
          %dma_start3A_281 = tpu.memref_slice %arg7[%add3A_279, %dma_start3A_280] : memref<125x80xi32, #tpu.memory_space<vmem>> -> memref<1x80xi32, #tpu.memory_space<vmem>>
          %dma_start3A_282 = tpu.memref_squeeze %dma_start3A_281 : memref<1x80xi32, #tpu.memory_space<vmem>> -> memref<80xi32, #tpu.memory_space<vmem>>
          %dma_start3A_283 = arith.constant 0 : i32
          %dma_start3A_284 = arith.constant 0 : i32
          %dma_start3A_285 = tpu.memref_slice %arg2[%dma_start3A_283, %dma_start3A_284] : memref<10240x16xf32, #tpu.memory_space<hbm>> -> memref<10240x16xf32, #tpu.memory_space<hbm>>
          tpu.enqueue_indirect_dma source(%dma_start3A_285 : memref<10240x16xf32, #tpu.memory_space<hbm>>) target(%arg10 : memref<80x16xf32, #tpu.memory_space<vmem>>) offsets(%dma_start3A_282 : memref<80xi32, #tpu.memory_space<vmem>>) semaphore(%arg25 : memref<!tpu.dma_semaphore, #tpu.memory_space<semaphore_mem>>)
          %add3A_286 = arith.constant 5 : i32
          %add3A_287 = arith.addi %sub3A_223, %add3A_286 : i32
          %dma_start3A_288 = arith.constant 0 : i32
          %dma_start3A_289 = tpu.memref_slice %arg8[%add3A_287, %dma_start3A_288] : memref<125x80xi32, #tpu.memory_space<vmem>> -> memref<1x80xi32, #tpu.memory_space<vmem>>
          %dma_start3A_290 = tpu.memref_squeeze %dma_start3A_289 : memref<1x80xi32, #tpu.memory_space<vmem>> -> memref<80xi32, #tpu.memory_space<vmem>>
          %dma_start3A_291 = arith.constant 0 : i32
          %dma_start3A_292 = arith.constant 0 : i32
          %dma_start3A_293 = tpu.memref_slice %arg3[%dma_start3A_291, %dma_start3A_292] : memref<10240x16xf32, #tpu.memory_space<hbm>> -> memref<10240x16xf32, #tpu.memory_space<hbm>>
          tpu.enqueue_indirect_dma source(%dma_start3A_293 : memref<10240x16xf32, #tpu.memory_space<hbm>>) target(%arg15 : memref<80x16xf32, #tpu.memory_space<vmem>>) offsets(%dma_start3A_290 : memref<80xi32, #tpu.memory_space<vmem>>) semaphore(%arg30 : memref<!tpu.dma_semaphore, #tpu.memory_space<semaphore_mem>>)
        } else {
        }
      } else {
      }
      %add3A_229 = arith.constant 4 : i32
      %add3A_230 = arith.addi %mul3A_92, %add3A_229 : i32
      %dma_wait3A_231 = arith.constant 0 : i32
      %dma_wait3A_232 = tpu.memref_slice %arg7[%add3A_230, %dma_wait3A_231] : memref<125x80xi32, #tpu.memory_space<vmem>> -> memref<1x80xi32, #tpu.memory_space<vmem>>
      %dma_wait3A_233 = tpu.memref_squeeze %dma_wait3A_232 : memref<1x80xi32, #tpu.memory_space<vmem>> -> memref<80xi32, #tpu.memory_space<vmem>>
      %dma_wait3A_234 = arith.constant 0 : i32
      %dma_wait3A_235 = arith.constant 0 : i32
      %dma_wait3A_236 = tpu.memref_slice %arg2[%dma_wait3A_234, %dma_wait3A_235] : memref<10240x16xf32, #tpu.memory_space<hbm>> -> memref<10240x16xf32, #tpu.memory_space<hbm>>
      tpu.wait_indirect_dma semaphore(%arg28 : memref<!tpu.dma_semaphore, #tpu.memory_space<semaphore_mem>>) src(%dma_wait3A_236 : memref<10240x16xf32, #tpu.memory_space<hbm>>) dst(%arg13 : memref<80x16xf32, #tpu.memory_space<vmem>>)
      %dma_wait3A_237 = arith.constant 0 : i32
      %dma_wait3A_238 = tpu.memref_slice %arg8[%add3A_230, %dma_wait3A_237] : memref<125x80xi32, #tpu.memory_space<vmem>> -> memref<1x80xi32, #tpu.memory_space<vmem>>
      %dma_wait3A_239 = tpu.memref_squeeze %dma_wait3A_238 : memref<1x80xi32, #tpu.memory_space<vmem>> -> memref<80xi32, #tpu.memory_space<vmem>>
      %dma_wait3A_240 = arith.constant 0 : i32
      %dma_wait3A_241 = arith.constant 0 : i32
      %dma_wait3A_242 = tpu.memref_slice %arg3[%dma_wait3A_240, %dma_wait3A_241] : memref<10240x16xf32, #tpu.memory_space<hbm>> -> memref<10240x16xf32, #tpu.memory_space<hbm>>
      tpu.wait_indirect_dma semaphore(%arg33 : memref<!tpu.dma_semaphore, #tpu.memory_space<semaphore_mem>>) src(%dma_wait3A_242 : memref<10240x16xf32, #tpu.memory_space<hbm>>) dst(%arg18 : memref<80x16xf32, #tpu.memory_space<vmem>>)
      %scan3A_243 = arith.constant 0 : i32
      %scan3A_244 = arith.constant 0 : i32
      %scan3A_245 = arith.constant 80 : i32
      %scan3A_246 = arith.addi %scan3A_244, %scan3A_245 : i32
      %scan3A_247 = arith.constant 1 : i32
      %scan3A_248 = scf.for %scan3A_265 = %scan3A_244 to %scan3A_246 step %scan3A_247 iter_args(%scan3A_266 = %scan3A_243) -> (i32)  : i32 {
        %get3A = arith.index_cast %scan3A_265 : i32 to index
        %get3A_267 = arith.constant 0 : index
        %get3A_268 = tpu.vector_load %arg13[%get3A, %get3A_267] {strides = array<i32>} : memref<80x16xf32, #tpu.memory_space<vmem>>, vector<1x16xf32>,
        %get3A_269 = vector.shape_cast %get3A_268 : vector<1x16xf32> to vector<16xf32>
        %get3A_270 = arith.index_cast %scan3A_265 : i32 to index
        %get3A_271 = arith.constant 0 : index
        %get3A_272 = tpu.vector_load %arg18[%get3A_270, %get3A_271] {strides = array<i32>} : memref<80x16xf32, #tpu.memory_space<vmem>>, vector<1x16xf32>,
        %get3A_273 = vector.shape_cast %get3A_272 : vector<1x16xf32> to vector<16xf32>
        %add3A_274 = arith.addf %get3A_269, %get3A_273 : vector<16xf32>
        %neg3A = arith.constant 0.000000e+00 : f32
        %neg3A_275 = vector.broadcast %neg3A : f32 to vector<16xf32>
        %neg3A_276 = arith.subf %neg3A_275, %add3A_274 : vector<16xf32>
        %exp3A = math.exp %neg3A_276 : vector<16xf32>
        %add3A_277 = arith.constant 1.000000e+00 : f32
        %add3A_278 = vector.broadcast %add3A_277 : f32 to vector<16xf32>
        %add3A_279 = arith.addf %add3A_278, %exp3A : vector<16xf32>
        %div3A = arith.constant 1.000000e+00 : f32
        %div3A_280 = vector.broadcast %div3A : f32 to vector<16xf32>
        %div3A_281 = arith.divf %div3A_280, %add3A_279 : vector<16xf32>
        %swap3A = arith.index_cast %scan3A_265 : i32 to index
        %swap3A_282 = arith.constant 0 : index
        %swap3A_283 = tpu.vector_load %arg23[%swap3A, %swap3A_282] {strides = array<i32>} : memref<80x16xf32, #tpu.memory_space<vmem>>, vector<1x16xf32>,
        %swap3A_284 = vector.shape_cast %swap3A_283 : vector<1x16xf32> to vector<16xf32>
        %swap3A_285 = vector.shape_cast %div3A_281 : vector<16xf32> to vector<1x16xf32>
        tpu.vector_store %arg23[%swap3A, %swap3A_282], %swap3A_285 {strides = array<i32>} : memref<80x16xf32, #tpu.memory_space<vmem>>, vector<1x16xf32>,
        %scan3A_286 = arith.constant 0 : i32
        scf.yield %scan3A_286 : i32
      }
      %scan3A_249 = arith.constant 80 : i32
      %mul3A_250 = arith.constant 80 : i32
      %mul3A_251 = arith.muli %add3A_230, %mul3A_250 : i32
      %add3A_252 = arith.addi %mul3A_2, %mul3A_251 : i32
      %dma_start3A_253 = arith.constant 0 : i32
      %dma_start3A_254 = tpu.memref_slice %arg6[%add3A_252, %dma_start3A_253] : memref<320000x16xf32, #tpu.memory_space<hbm>> -> memref<80x16xf32, #tpu.memory_space<hbm>>
      %dma_start3A_255 = arith.constant 0 : i32
      %dma_start3A_256 = tpu.memref_slice %arg6[%add3A_252, %dma_start3A_255] : memref<320000x16xf32, #tpu.memory_space<hbm>> -> memref<80x16xf32, #tpu.memory_space<hbm>>
      tpu.enqueue_dma source(%arg23 : memref<80x16xf32, #tpu.memory_space<vmem>>) target(%dma_start3A_256 : memref<80x16xf32, #tpu.memory_space<hbm>>) target_semaphore(%arg38 : memref<!tpu.dma_semaphore, #tpu.memory_space<semaphore_mem>>)
      %sub3A_257 = arith.constant 2 : i32
      %sub3A_258 = arith.subi %add3A_230, %sub3A_257 : i32
      %ge3A_259 = arith.constant 0 : i32
      %ge3A_260 = arith.cmpi sge, %sub3A_258, %ge3A_259 : i32
      %convert_element_type3A_261 = arith.extui %ge3A_260 : i1 to i32
      %cond3A_262 = arith.constant 0 : i32
      %cond3A_263 = arith.cmpi ne, %convert_element_type3A_261, %cond3A_262 : i32
      scf.if %cond3A_263 {
        %mul3A_265 = arith.constant 80 : i32
        %mul3A_266 = arith.muli %sub3A_258, %mul3A_265 : i32
        %add3A_267 = arith.addi %mul3A_2, %mul3A_266 : i32
        %dma_wait3A_268 = arith.constant 0 : i32
        %dma_wait3A_269 = tpu.memref_slice %arg6[%add3A_267, %dma_wait3A_268] : memref<320000x16xf32, #tpu.memory_space<hbm>> -> memref<80x16xf32, #tpu.memory_space<hbm>>
        %dma_wait3A_270 = arith.constant 0 : i32
        %dma_wait3A_271 = tpu.memref_slice %arg6[%add3A_267, %dma_wait3A_270] : memref<320000x16xf32, #tpu.memory_space<hbm>> -> memref<80x16xf32, #tpu.memory_space<hbm>>
        tpu.wait_dma2 semaphore(%arg36 : memref<!tpu.dma_semaphore, #tpu.memory_space<semaphore_mem>>) src(%arg21 : memref<80x16xf32, #tpu.memory_space<vmem>>) dst(%dma_wait3A_271 : memref<80x16xf32, #tpu.memory_space<hbm>>)
        %add3A_272 = arith.constant 5 : i32
        %add3A_273 = arith.addi %sub3A_258, %add3A_272 : i32
        %lt3A = arith.constant 125 : i32
        %lt3A_274 = arith.cmpi slt, %add3A_273, %lt3A : i32
        %convert_element_type3A_275 = arith.extui %lt3A_274 : i1 to i32
        %cond3A_276 = arith.constant 0 : i32
        %cond3A_277 = arith.cmpi ne, %convert_element_type3A_275, %cond3A_276 : i32
        scf.if %cond3A_277 {
          %add3A_278 = arith.constant 5 : i32
          %add3A_279 = arith.addi %sub3A_258, %add3A_278 : i32
          %dma_start3A_280 = arith.constant 0 : i32
          %dma_start3A_281 = tpu.memref_slice %arg7[%add3A_279, %dma_start3A_280] : memref<125x80xi32, #tpu.memory_space<vmem>> -> memref<1x80xi32, #tpu.memory_space<vmem>>
          %dma_start3A_282 = tpu.memref_squeeze %dma_start3A_281 : memref<1x80xi32, #tpu.memory_space<vmem>> -> memref<80xi32, #tpu.memory_space<vmem>>
          %dma_start3A_283 = arith.constant 0 : i32
          %dma_start3A_284 = arith.constant 0 : i32
          %dma_start3A_285 = tpu.memref_slice %arg2[%dma_start3A_283, %dma_start3A_284] : memref<10240x16xf32, #tpu.memory_space<hbm>> -> memref<10240x16xf32, #tpu.memory_space<hbm>>
          tpu.enqueue_indirect_dma source(%dma_start3A_285 : memref<10240x16xf32, #tpu.memory_space<hbm>>) target(%arg11 : memref<80x16xf32, #tpu.memory_space<vmem>>) offsets(%dma_start3A_282 : memref<80xi32, #tpu.memory_space<vmem>>) semaphore(%arg26 : memref<!tpu.dma_semaphore, #tpu.memory_space<semaphore_mem>>)
          %add3A_286 = arith.constant 5 : i32
          %add3A_287 = arith.addi %sub3A_258, %add3A_286 : i32
          %dma_start3A_288 = arith.constant 0 : i32
          %dma_start3A_289 = tpu.memref_slice %arg8[%add3A_287, %dma_start3A_288] : memref<125x80xi32, #tpu.memory_space<vmem>> -> memref<1x80xi32, #tpu.memory_space<vmem>>
          %dma_start3A_290 = tpu.memref_squeeze %dma_start3A_289 : memref<1x80xi32, #tpu.memory_space<vmem>> -> memref<80xi32, #tpu.memory_space<vmem>>
          %dma_start3A_291 = arith.constant 0 : i32
          %dma_start3A_292 = arith.constant 0 : i32
          %dma_start3A_293 = tpu.memref_slice %arg3[%dma_start3A_291, %dma_start3A_292] : memref<10240x16xf32, #tpu.memory_space<hbm>> -> memref<10240x16xf32, #tpu.memory_space<hbm>>
          tpu.enqueue_indirect_dma source(%dma_start3A_293 : memref<10240x16xf32, #tpu.memory_space<hbm>>) target(%arg16 : memref<80x16xf32, #tpu.memory_space<vmem>>) offsets(%dma_start3A_290 : memref<80xi32, #tpu.memory_space<vmem>>) semaphore(%arg31 : memref<!tpu.dma_semaphore, #tpu.memory_space<semaphore_mem>>)
        } else {
        }
      } else {
      }
      %scan3A_264 = arith.constant 0 : i32
      scf.yield %scan3A_264 : i32
    }
    %scan3A_77 = arith.constant 25 : i32
    %add3A_78 = arith.constant 9840 : i32
    %add3A_79 = arith.addi %mul3A_2, %add3A_78 : i32
    %dma_wait3A = arith.constant 0 : i32
    %dma_wait3A_80 = tpu.memref_slice %arg6[%add3A_79, %dma_wait3A] : memref<320000x16xf32, #tpu.memory_space<hbm>> -> memref<80x16xf32, #tpu.memory_space<hbm>>
    %dma_wait3A_81 = arith.constant 0 : i32
    %dma_wait3A_82 = tpu.memref_slice %arg6[%add3A_79, %dma_wait3A_81] : memref<320000x16xf32, #tpu.memory_space<hbm>> -> memref<80x16xf32, #tpu.memory_space<hbm>>
    tpu.wait_dma2 semaphore(%arg37 : memref<!tpu.dma_semaphore, #tpu.memory_space<semaphore_mem>>) src(%arg22 : memref<80x16xf32, #tpu.memory_space<vmem>>) dst(%dma_wait3A_82 : memref<80x16xf32, #tpu.memory_space<hbm>>)
    %add3A_83 = arith.constant 9920 : i32
    %add3A_84 = arith.addi %mul3A_2, %add3A_83 : i32
    %dma_wait3A_85 = arith.constant 0 : i32
    %dma_wait3A_86 = tpu.memref_slice %arg6[%add3A_84, %dma_wait3A_85] : memref<320000x16xf32, #tpu.memory_space<hbm>> -> memref<80x16xf32, #tpu.memory_space<hbm>>
    %dma_wait3A_87 = arith.constant 0 : i32
    %dma_wait3A_88 = tpu.memref_slice %arg6[%add3A_84, %dma_wait3A_87] : memref<320000x16xf32, #tpu.memory_space<hbm>> -> memref<80x16xf32, #tpu.memory_space<hbm>>
    tpu.wait_dma2 semaphore(%arg38 : memref<!tpu.dma_semaphore, #tpu.memory_space<semaphore_mem>>) src(%arg23 : memref<80x16xf32, #tpu.memory_space<vmem>>) dst(%dma_wait3A_88 : memref<80x16xf32, #tpu.memory_space<hbm>>)
    return
  }
}

module attributes {stable_mosaic.version = 14 : i64} {
  func.func @body(%arg0: memref<10240x4xf32, #tpu.memory_space<vmem>>, %arg1: memref<10240x128xf32, #tpu.memory_space<vmem>>, %arg2: memref<128x128xf32, #tpu.memory_space<vmem>>, %arg3: memref<10240x1xf32, #tpu.memory_space<vmem>>, %arg4: memref<10240x1xf32, #tpu.memory_space<vmem>>, %arg5: memref<2x10240x64xbf16, #tpu.memory_space<vmem>>) attributes {dimension_semantics = [], scalar_prefetch = 0 : i64, scratch_operands = 0 : i64, tpu.core_type = #tpu.core_type<tc>} {
    %get3A = arith.constant 0 : index
    %get3A_0 = arith.constant 0 : index
    %get3A_1 = vector.load %arg0[%get3A, %get3A_0] : memref<10240x4xf32, #tpu.memory_space<vmem>>, vector<10240x4xf32>
    %slice3A = vector.extract_strided_slice %get3A_1 {offsets = [0, 0], sizes = [10240, 1], strides = [1, 1]} : vector<10240x4xf32> to vector<10240x1xf32>
    %slice3A_2 = vector.extract_strided_slice %get3A_1 {offsets = [0, 2], sizes = [10240, 1], strides = [1, 1]} : vector<10240x4xf32> to vector<10240x1xf32>
    %add3A = arith.addf %slice3A, %slice3A_2 : vector<10240x1xf32>
    %slice3A_3 = vector.extract_strided_slice %get3A_1 {offsets = [0, 1], sizes = [10240, 1], strides = [1, 1]} : vector<10240x4xf32> to vector<10240x1xf32>
    %slice3A_4 = vector.extract_strided_slice %get3A_1 {offsets = [0, 3], sizes = [10240, 1], strides = [1, 1]} : vector<10240x4xf32> to vector<10240x1xf32>
    %add3A_5 = arith.addf %slice3A_3, %slice3A_4 : vector<10240x1xf32>
    %max3A = arith.constant 1.000000e+00 : f32
    %max3A_6 = vector.broadcast %max3A : f32 to vector<10240x1xf32>
    %max3A_7 = arith.maximumf %add3A, %max3A_6 : vector<10240x1xf32>
    %rsqrt3A = math.rsqrt %max3A_7 : vector<10240x1xf32>
    %max3A_8 = arith.constant 1.000000e+00 : f32
    %max3A_9 = vector.broadcast %max3A_8 : f32 to vector<10240x1xf32>
    %max3A_10 = arith.maximumf %add3A_5, %max3A_9 : vector<10240x1xf32>
    %rsqrt3A_11 = math.rsqrt %max3A_10 : vector<10240x1xf32>
    %swap3A = arith.constant 0 : index
    %swap3A_12 = arith.constant 0 : index
    %swap3A_13 = vector.load %arg3[%swap3A, %swap3A_12] : memref<10240x1xf32, #tpu.memory_space<vmem>>, vector<10240x1xf32>
    tpu.vector_store %arg3[%swap3A, %swap3A_12], %rsqrt3A {strides = array<i32>} : memref<10240x1xf32, #tpu.memory_space<vmem>>, vector<10240x1xf32>,
    %swap3A_14 = arith.constant 0 : index
    %swap3A_15 = arith.constant 0 : index
    %swap3A_16 = vector.load %arg4[%swap3A_14, %swap3A_15] : memref<10240x1xf32, #tpu.memory_space<vmem>>, vector<10240x1xf32>
    tpu.vector_store %arg4[%swap3A_14, %swap3A_15], %rsqrt3A_11 {strides = array<i32>} : memref<10240x1xf32, #tpu.memory_space<vmem>>, vector<10240x1xf32>,
    %get3A_17 = arith.constant 0 : index
    %get3A_18 = arith.constant 0 : index
    %get3A_19 = vector.load %arg1[%get3A_17, %get3A_18] : memref<10240x128xf32, #tpu.memory_space<vmem>>, vector<10240x128xf32>
    %mul3A = vector.broadcast %rsqrt3A : vector<10240x1xf32> to vector<10240x128xf32>
    %mul3A_20 = arith.mulf %get3A_19, %mul3A : vector<10240x128xf32>
    %get3A_21 = arith.constant 0 : index
    %get3A_22 = arith.constant 0 : index
    %get3A_23 = vector.load %arg2[%get3A_21, %get3A_22] : memref<128x128xf32, #tpu.memory_space<vmem>>, vector<128x128xf32>
    %dot_general3A = arith.constant dense<0.000000e+00> : vector<10240x128xf32>
    %dot_general3A_24 = tpu.matmul %mul3A_20, %get3A_23, %dot_general3A {dimension_numbers = #tpu.dot_dimension_numbers<[1], [0], [0], [1], [0, 0, 1, 1], [], []>, transpose_lhs_hint = false} : vector<10240x128xf32>, vector<128x128xf32>, vector<10240x128xf32> -> vector<10240x128xf32>
    %slice3A_25 = vector.extract_strided_slice %dot_general3A_24 {offsets = [0, 0], sizes = [10240, 64], strides = [1, 1]} : vector<10240x128xf32> to vector<10240x64xf32>
    %convert_element_type3A = arith.truncf %slice3A_25 : vector<10240x64xf32> to vector<10240x64xbf16>
    %swap3A_26 = arith.constant 0 : index
    %swap3A_27 = arith.constant 0 : index
    %swap3A_28 = arith.constant 0 : index
    %swap3A_29 = vector.load %arg5[%swap3A_26, %swap3A_27, %swap3A_28] : memref<2x10240x64xbf16, #tpu.memory_space<vmem>>, vector<1x10240x64xbf16>
    %swap3A_30 = vector.shape_cast %swap3A_29 : vector<1x10240x64xbf16> to vector<10240x64xbf16>
    %swap3A_31 = vector.shape_cast %convert_element_type3A : vector<10240x64xbf16> to vector<1x10240x64xbf16>
    tpu.vector_store %arg5[%swap3A_26, %swap3A_27, %swap3A_28], %swap3A_31 {strides = array<i32>} : memref<2x10240x64xbf16, #tpu.memory_space<vmem>>, vector<1x10240x64xbf16>,
    %slice3A_32 = vector.extract_strided_slice %dot_general3A_24 {offsets = [0, 64], sizes = [10240, 64], strides = [1, 1]} : vector<10240x128xf32> to vector<10240x64xf32>
    %convert_element_type3A_33 = arith.truncf %slice3A_32 : vector<10240x64xf32> to vector<10240x64xbf16>
    %swap3A_34 = arith.constant 1 : index
    %swap3A_35 = arith.constant 0 : index
    %swap3A_36 = arith.constant 0 : index
    %swap3A_37 = vector.load %arg5[%swap3A_34, %swap3A_35, %swap3A_36] : memref<2x10240x64xbf16, #tpu.memory_space<vmem>>, vector<1x10240x64xbf16>
    %swap3A_38 = vector.shape_cast %swap3A_37 : vector<1x10240x64xbf16> to vector<10240x64xbf16>
    %swap3A_39 = vector.shape_cast %convert_element_type3A_33 : vector<10240x64xbf16> to vector<1x10240x64xbf16>
    tpu.vector_store %arg5[%swap3A_34, %swap3A_35, %swap3A_36], %swap3A_39 {strides = array<i32>} : memref<2x10240x64xbf16, #tpu.memory_space<vmem>>, vector<1x10240x64xbf16>,
    return
  }
}

module attributes {stable_mosaic.version = 14 : i64} {
  func.func @body(%arg0: memref<2x10240x64xbf16, #tpu.memory_space<vmem>>, %arg1: memref<10240x1xf32, #tpu.memory_space<vmem>>, %arg2: memref<10240x1xf32, #tpu.memory_space<vmem>>, %arg3: memref<1x128xf32, #tpu.memory_space<vmem>>, %arg4: memref<128x128xf32, #tpu.memory_space<vmem>>, %arg5: memref<2x10240x64xbf16, #tpu.memory_space<vmem>>) attributes {dimension_semantics = [], scalar_prefetch = 0 : i64, scratch_operands = 0 : i64, tpu.core_type = #tpu.core_type<tc>} {
    %get3A = arith.constant 0 : index
    %get3A_0 = arith.constant 0 : index
    %get3A_1 = arith.constant 0 : index
    %get3A_2 = vector.load %arg0[%get3A, %get3A_0, %get3A_1] : memref<2x10240x64xbf16, #tpu.memory_space<vmem>>, vector<2x10240x64xbf16>
    %convert_element_type3A = arith.extf %get3A_2 : vector<2x10240x64xbf16> to vector<2x10240x64xf32>
    %slice3A = vector.extract_strided_slice %convert_element_type3A {offsets = [0, 0, 0], sizes = [1, 10240, 64], strides = [1, 1, 1]} : vector<2x10240x64xf32> to vector<1x10240x64xf32>
    %squeeze3A = vector.shape_cast %slice3A : vector<1x10240x64xf32> to vector<10240x64xf32>
    %slice3A_3 = vector.extract_strided_slice %convert_element_type3A {offsets = [1, 0, 0], sizes = [1, 10240, 64], strides = [1, 1, 1]} : vector<2x10240x64xf32> to vector<1x10240x64xf32>
    %squeeze3A_4 = vector.shape_cast %slice3A_3 : vector<1x10240x64xf32> to vector<10240x64xf32>
    %concatenate3A = tpu.concatenate %squeeze3A, %squeeze3A_4 in 1 : vector<10240x64xf32>, vector<10240x64xf32> -> vector<10240x128xf32>
    %get3A_5 = arith.constant 0 : index
    %get3A_6 = arith.constant 0 : index
    %get3A_7 = vector.load %arg1[%get3A_5, %get3A_6] : memref<10240x1xf32, #tpu.memory_space<vmem>>, vector<10240x1xf32>
    %mul3A = vector.broadcast %get3A_7 : vector<10240x1xf32> to vector<10240x128xf32>
    %mul3A_8 = arith.mulf %concatenate3A, %mul3A : vector<10240x128xf32>
    %get3A_9 = arith.constant 0 : index
    %get3A_10 = arith.constant 0 : index
    %get3A_11 = vector.load %arg3[%get3A_9, %get3A_10] : memref<1x128xf32, #tpu.memory_space<vmem>>, vector<1x128xf32>
    %add3A = vector.broadcast %get3A_11 : vector<1x128xf32> to vector<10240x128xf32>
    %add3A_12 = arith.addf %mul3A_8, %add3A : vector<10240x128xf32>
    %max3A = arith.constant 0.000000e+00 : f32
    %max3A_13 = vector.broadcast %max3A : f32 to vector<10240x128xf32>
    %max3A_14 = arith.maximumf %add3A_12, %max3A_13 : vector<10240x128xf32>
    %get3A_15 = arith.constant 0 : index
    %get3A_16 = arith.constant 0 : index
    %get3A_17 = vector.load %arg2[%get3A_15, %get3A_16] : memref<10240x1xf32, #tpu.memory_space<vmem>>, vector<10240x1xf32>
    %mul3A_18 = vector.broadcast %get3A_17 : vector<10240x1xf32> to vector<10240x128xf32>
    %mul3A_19 = arith.mulf %max3A_14, %mul3A_18 : vector<10240x128xf32>
    %get3A_20 = arith.constant 0 : index
    %get3A_21 = arith.constant 0 : index
    %get3A_22 = vector.load %arg4[%get3A_20, %get3A_21] : memref<128x128xf32, #tpu.memory_space<vmem>>, vector<128x128xf32>
    %dot_general3A = arith.constant dense<0.000000e+00> : vector<10240x128xf32>
    %dot_general3A_23 = tpu.matmul %mul3A_19, %get3A_22, %dot_general3A {dimension_numbers = #tpu.dot_dimension_numbers<[1], [0], [0], [1], [0, 0, 1, 1], [], []>, transpose_lhs_hint = false} : vector<10240x128xf32>, vector<128x128xf32>, vector<10240x128xf32> -> vector<10240x128xf32>
    %slice3A_24 = vector.extract_strided_slice %dot_general3A_23 {offsets = [0, 0], sizes = [10240, 64], strides = [1, 1]} : vector<10240x128xf32> to vector<10240x64xf32>
    %convert_element_type3A_25 = arith.truncf %slice3A_24 : vector<10240x64xf32> to vector<10240x64xbf16>
    %swap3A = arith.constant 0 : index
    %swap3A_26 = arith.constant 0 : index
    %swap3A_27 = arith.constant 0 : index
    %swap3A_28 = vector.load %arg5[%swap3A, %swap3A_26, %swap3A_27] : memref<2x10240x64xbf16, #tpu.memory_space<vmem>>, vector<1x10240x64xbf16>
    %swap3A_29 = vector.shape_cast %swap3A_28 : vector<1x10240x64xbf16> to vector<10240x64xbf16>
    %swap3A_30 = vector.shape_cast %convert_element_type3A_25 : vector<10240x64xbf16> to vector<1x10240x64xbf16>
    tpu.vector_store %arg5[%swap3A, %swap3A_26, %swap3A_27], %swap3A_30 {strides = array<i32>} : memref<2x10240x64xbf16, #tpu.memory_space<vmem>>, vector<1x10240x64xbf16>,
    %slice3A_31 = vector.extract_strided_slice %dot_general3A_23 {offsets = [0, 64], sizes = [10240, 64], strides = [1, 1]} : vector<10240x128xf32> to vector<10240x64xf32>
    %convert_element_type3A_32 = arith.truncf %slice3A_31 : vector<10240x64xf32> to vector<10240x64xbf16>
    %swap3A_33 = arith.constant 1 : index
    %swap3A_34 = arith.constant 0 : index
    %swap3A_35 = arith.constant 0 : index
    %swap3A_36 = vector.load %arg5[%swap3A_33, %swap3A_34, %swap3A_35] : memref<2x10240x64xbf16, #tpu.memory_space<vmem>>, vector<1x10240x64xbf16>
    %swap3A_37 = vector.shape_cast %swap3A_36 : vector<1x10240x64xbf16> to vector<10240x64xbf16>
    %swap3A_38 = vector.shape_cast %convert_element_type3A_32 : vector<10240x64xbf16> to vector<1x10240x64xbf16>
    tpu.vector_store %arg5[%swap3A_33, %swap3A_34, %swap3A_35], %swap3A_38 {strides = array<i32>} : memref<2x10240x64xbf16, #tpu.memory_space<vmem>>, vector<1x10240x64xbf16>,
    return
  }
}

module attributes {stable_mosaic.version = 14 : i64} {
  func.func @body(%arg0: memref<2x10240x64xbf16, #tpu.memory_space<vmem>>, %arg1: memref<10240x1xf32, #tpu.memory_space<vmem>>, %arg2: memref<1x128xf32, #tpu.memory_space<vmem>>, %arg3: memref<128x16xf32, #tpu.memory_space<vmem>>, %arg4: memref<128x16xf32, #tpu.memory_space<vmem>>, %arg5: memref<1x16xf32, #tpu.memory_space<vmem>>, %arg6: memref<10240x16xf32, #tpu.memory_space<vmem>>, %arg7: memref<10240x16xf32, #tpu.memory_space<vmem>>) attributes {dimension_semantics = [], scalar_prefetch = 0 : i64, scratch_operands = 0 : i64, tpu.core_type = #tpu.core_type<tc>} {
    %get3A = arith.constant 0 : index
    %get3A_0 = arith.constant 0 : index
    %get3A_1 = arith.constant 0 : index
    %get3A_2 = vector.load %arg0[%get3A, %get3A_0, %get3A_1] : memref<2x10240x64xbf16, #tpu.memory_space<vmem>>, vector<2x10240x64xbf16>
    %convert_element_type3A = arith.extf %get3A_2 : vector<2x10240x64xbf16> to vector<2x10240x64xf32>
    %slice3A = vector.extract_strided_slice %convert_element_type3A {offsets = [0, 0, 0], sizes = [1, 10240, 64], strides = [1, 1, 1]} : vector<2x10240x64xf32> to vector<1x10240x64xf32>
    %squeeze3A = vector.shape_cast %slice3A : vector<1x10240x64xf32> to vector<10240x64xf32>
    %slice3A_3 = vector.extract_strided_slice %convert_element_type3A {offsets = [1, 0, 0], sizes = [1, 10240, 64], strides = [1, 1, 1]} : vector<2x10240x64xf32> to vector<1x10240x64xf32>
    %squeeze3A_4 = vector.shape_cast %slice3A_3 : vector<1x10240x64xf32> to vector<10240x64xf32>
    %concatenate3A = tpu.concatenate %squeeze3A, %squeeze3A_4 in 1 : vector<10240x64xf32>, vector<10240x64xf32> -> vector<10240x128xf32>
    %get3A_5 = arith.constant 0 : index
    %get3A_6 = arith.constant 0 : index
    %get3A_7 = vector.load %arg1[%get3A_5, %get3A_6] : memref<10240x1xf32, #tpu.memory_space<vmem>>, vector<10240x1xf32>
    %mul3A = vector.broadcast %get3A_7 : vector<10240x1xf32> to vector<10240x128xf32>
    %mul3A_8 = arith.mulf %concatenate3A, %mul3A : vector<10240x128xf32>
    %get3A_9 = arith.constant 0 : index
    %get3A_10 = arith.constant 0 : index
    %get3A_11 = vector.load %arg2[%get3A_9, %get3A_10] : memref<1x128xf32, #tpu.memory_space<vmem>>, vector<1x128xf32>
    %add3A = vector.broadcast %get3A_11 : vector<1x128xf32> to vector<10240x128xf32>
    %add3A_12 = arith.addf %mul3A_8, %add3A : vector<10240x128xf32>
    %max3A = arith.constant 0.000000e+00 : f32
    %max3A_13 = vector.broadcast %max3A : f32 to vector<10240x128xf32>
    %max3A_14 = arith.maximumf %add3A_12, %max3A_13 : vector<10240x128xf32>
    %get3A_15 = arith.constant 0 : index
    %get3A_16 = arith.constant 0 : index
    %get3A_17 = vector.load %arg3[%get3A_15, %get3A_16] : memref<128x16xf32, #tpu.memory_space<vmem>>, vector<128x16xf32>
    %dot_general3A = arith.constant dense<0.000000e+00> : vector<10240x16xf32>
    %dot_general3A_18 = tpu.matmul %max3A_14, %get3A_17, %dot_general3A {dimension_numbers = #tpu.dot_dimension_numbers<[1], [0], [0], [1], [0, 0, 1, 1], [], []>, transpose_lhs_hint = false} : vector<10240x128xf32>, vector<128x16xf32>, vector<10240x16xf32> -> vector<10240x16xf32>
    %get3A_19 = arith.constant 0 : index
    %get3A_20 = arith.constant 0 : index
    %get3A_21 = vector.load %arg5[%get3A_19, %get3A_20] : memref<1x16xf32, #tpu.memory_space<vmem>>, vector<1x16xf32>
    %add3A_22 = vector.broadcast %get3A_21 : vector<1x16xf32> to vector<10240x16xf32>
    %add3A_23 = arith.addf %dot_general3A_18, %add3A_22 : vector<10240x16xf32>
    %swap3A = arith.constant 0 : index
    %swap3A_24 = arith.constant 0 : index
    %swap3A_25 = vector.load %arg6[%swap3A, %swap3A_24] : memref<10240x16xf32, #tpu.memory_space<vmem>>, vector<10240x16xf32>
    tpu.vector_store %arg6[%swap3A, %swap3A_24], %add3A_23 {strides = array<i32>} : memref<10240x16xf32, #tpu.memory_space<vmem>>, vector<10240x16xf32>,
    %get3A_26 = arith.constant 0 : index
    %get3A_27 = arith.constant 0 : index
    %get3A_28 = vector.load %arg4[%get3A_26, %get3A_27] : memref<128x16xf32, #tpu.memory_space<vmem>>, vector<128x16xf32>
    %dot_general3A_29 = arith.constant dense<0.000000e+00> : vector<10240x16xf32>
    %dot_general3A_30 = tpu.matmul %max3A_14, %get3A_28, %dot_general3A_29 {dimension_numbers = #tpu.dot_dimension_numbers<[1], [0], [0], [1], [0, 0, 1, 1], [], []>, transpose_lhs_hint = false} : vector<10240x128xf32>, vector<128x16xf32>, vector<10240x16xf32> -> vector<10240x16xf32>
    %swap3A_31 = arith.constant 0 : index
    %swap3A_32 = arith.constant 0 : index
    %swap3A_33 = vector.load %arg7[%swap3A_31, %swap3A_32] : memref<10240x16xf32, #tpu.memory_space<vmem>>, vector<10240x16xf32>
    tpu.vector_store %arg7[%swap3A_31, %swap3A_32], %dot_general3A_30 {strides = array<i32>} : memref<10240x16xf32, #tpu.memory_space<vmem>>, vector<10240x16xf32>,
    return
  }
}

</mosaic_0001>

<sc_bundles>
// kernel: kernel.13.cloned.1.call-start
scs
__scs_entry_jumppad:
0x0: {  	(pc) =	sbr.rel $0x88, $3  }
0x1: {  	(tag) =	ssettag $0x0;
	lr =	simm.s32 $0x1  }
0x2: {  	[smem:$0x3F95] =	sst lr;
	_ =	strace $0xD0000000  }
0x3: {  	_ = 	snop  }
0x4: {  	_ = 	snop  }
0x5: {  	_ = 	snop  }
0x6: {  	_ = 	snop  }
0x7: {  	_ = 	snop  }
__scs_overlays_trampoline_lowered:
0x8: {  	[smem:$0x3FA4] =	sst s0  }
0x9: {  	[smem:$0x3FA5] =	sst s1  }
0xa: {  	[smem:$0x3FA6] =	sst s2  }
0xb: {  	[smem:$0x3FA7] =	sst s3  }
0xc: {  	[smem:$0x3FA8] =	sst s4  }
0xd: {  	[smem:$0x3FA9] =	sst s5  }
0xe: {  	[smem:$0x3FAA] =	sst s6  }
0xf: {  	[smem:$0x3FAB] =	sst s7  }
0x10: {  	[smem:$0x3FAC] =	sst s8  }
0x11: {  	[smem:$0x3FAD] =	sst s9;
	s0 =	simm.s32 @!p0 $0x0  }
0x12: {  	s1 =	sld [smem:$0x3F93];
	s0 =	simm.s32 @p0 $0x1  }
0x13: {  	[smem:$0x3FAE] =	sst s0;
	s0 =	simm.s32 @!p1 $0x0  }
0x14: {  	s2 =	sld [smem:$0x3F92];
	s0 =	simm.s32 @p1 $0x1  }
0x15: {  	[smem:$0x3FAF] =	sst s0;
	s0 =	simm.s32 @!p2 $0x0  }
0x16: {  	s3 =	sld [smem:$0x3FDB];
	s0 =	simm.s32 @p2 $0x1  }
0x17: {  	s4 =	simm.s32 $0x1BF5;
	[smem:$0x3FB1] =	sst s0  }
0x18: {  	s0 =	sld [smem:$0x3F94];
	_ =	swait.ge [sflag:s4], $0x0  }
0x19: {  	s7 =	sld [smem:$0x3F95]  }
0x1a: {  	s8 =	sadd.s32 $0xFFFFE003, lr  }
0x1b: {  	s9 =	sadd.s32 $0xFFFFFEF7, lr;
	s5 =	simm.s32 $0xFFFFFFFF;
	p2 =	slt.u32 s8, $0xFFFFF086  }
0x1c: {  	p1 =	slt.u32 s9, $0xF7A;
	s5 =	simm.s32 @!p2 $0x0  }
0x1d: {  	s5 =	simm.s32 @p1 $0x1;
	p0 =	seq.s32 s7, s2  }
0x1e: {  	s7 =	smul.u32 @!p0 $0xF7A, s2;
	p2 =	seq.s32 @!p0 s5, $0x0  }
0x1f: {  	s9 =	smul.u32 $0xF7A, s1;
	s8 =	simm.s32 @!p0 $0x1BF5;
	p2 =	por !p2, p0  }
0x20: {  	[sflag:s8] =	ssyncset.s32 @!p0 $0xFFFFF086;
	s6 =	sadd.s32 @!p0 s3, s7;
	s7 =	simm.s32 @!p0 $0x108  }
0x21: {  	s3 =	sadd.s32 s3, s9;
	s6 =	sadd.s32 @!p0 $0x88, s6;
	s7 =	simm.s32 @p2 $0x1082  }
0x22: {  	[simem:s7], [sflag:s8] =	dma.local @!p0 [hbm:s6], $0xF7A  }
0x23: {  	s9 =	sor.u32 $0xD0000000, s2;
	s6 =	simm.s32 $0x108;
	_ =	swait.ge @!p0 [sflag:s8], $0x0  }
0x24: {  	s3 =	sadd.s32 $0x88, s3;
	s6 =	simm.s32 @!p1 $0x1082;
	[sflag:s4] =	ssyncset.s32 $0xFFFFF086  }
0x25: {  	[simem:s6], [sflag:s4] =	dma.local [hbm:s3], $0xF7A  }
0x26: {  	[smem:$0x3F95] =	sst s1;
	(tag) =	ssettag s2;
	_ =	strace s9  }
0x27: {  	s1 =	sld [smem:$0x3FA5]  }
0x28: {  	s2 =	sld [smem:$0x3FA6]  }
0x29: {  	s4 =	sld [smem:$0x3FA8]  }
0x2a: {  	p0 =	seq.s32 s5, $0x0;
	s5 =	sld [smem:$0x3FA9]  }
0x2b: {  	s6 =	sld [smem:$0x3FAA]  }
0x2c: {  	s7 =	sld [smem:$0x3FAB]  }
0x2d: {  	s3 =	simm.s32 $0x108;
	s8 =	sld [smem:$0x3FAC]  }
0x2e: {  	s3 =	simm.s32 @!p0 $0x1082;
	s9 =	sld [smem:$0x3FAD]  }
0x2f: {  	lr =	sadd.s32 s0, s3;
	s0 =	sld [smem:$0x3FA4]  }
0x30: {  	s3 =	sld [smem:$0x3FA7]  }
0x31: {  	[smem:$0x3FB0] =	sst s10  }
0x32: {  	s10 =	sld [smem:$0x3FAE];
	_ =	sdelay $0x3  }
0x33: {  	p0 =	seq.s32 s10, $0x1;
	s10 =	sld [smem:$0x3FB0];
	_ =	sdelay $0x3  }
0x34: {  	[smem:$0x3FB0] =	sst s10  }
0x35: {  	s10 =	sld [smem:$0x3FAF];
	_ =	sdelay $0x3  }
0x36: {  	p1 =	seq.s32 s10, $0x1;
	s10 =	sld [smem:$0x3FB0];
	_ =	sdelay $0x3  }
0x37: {  	[smem:$0x3FB0] =	sst s10  }
0x38: {  	s10 =	sld [smem:$0x3FB1]  }
0x39: {  	_ = 	snop;
	(pc) =	sbr.ind lr, $3  }
0x3a: {  	_ = 	snop  }
0x3b: {  	_ = 	snop  }
0x3c: {  	p2 =	seq.s32 s10, $0x1;
	s10 =	sld [smem:$0x3FB0]  }
0x3d: {  	_ =	shalt  }
0x3e: {  	_ =	shalt  }
0x3f: {  	_ =	shalt  }
0x40: {  	_ =	shalt  }
0x41: {  	_ =	shalt  }
0x42: {  	_ =	shalt  }
0x43: {  	_ =	shalt  }
0x44: {  	_ =	shalt  }
0x45: {  	_ =	shalt  }
0x46: {  	_ =	shalt  }
0x47: {  	_ =	shalt  }
0x48: {  	_ =	shalt  }
0x49: {  	_ =	shalt  }
0x4a: {  	_ =	shalt  }
0x4b: {  	_ =	shalt  }
0x4c: {  	_ =	shalt  }
0x4d: {  	_ =	shalt  }
0x4e: {  	_ =	shalt  }
0x4f: {  	_ =	shalt  }
0x50: {  	_ =	shalt  }
0x51: {  	_ =	shalt  }
0x52: {  	_ =	shalt  }
0x53: {  	_ =	shalt  }
0x54: {  	_ =	shalt  }
0x55: {  	_ =	shalt  }
0x56: {  	_ =	shalt  }
0x57: {  	_ =	shalt  }
0x58: {  	_ =	shalt  }
0x59: {  	_ =	shalt  }
0x5a: {  	_ =	shalt  }
0x5b: {  	_ =	shalt  }
0x5c: {  	_ =	shalt  }
0x5d: {  	_ =	shalt  }
0x5e: {  	_ =	shalt  }
0x5f: {  	_ =	shalt  }
0x60: {  	_ =	shalt  }
0x61: {  	_ =	shalt  }
0x62: {  	_ =	shalt  }
0x63: {  	_ =	shalt  }
0x64: {  	_ =	shalt  }
0x65: {  	_ =	shalt  }
0x66: {  	_ =	shalt  }
0x67: {  	_ =	shalt  }
0x68: {  	_ =	shalt  }
0x69: {  	_ =	shalt  }
0x6a: {  	_ =	shalt  }
0x6b: {  	_ =	shalt  }
0x6c: {  	_ =	shalt  }
0x6d: {  	_ =	shalt  }
0x6e: {  	_ =	shalt  }
0x6f: {  	_ =	shalt  }
0x70: {  	_ =	shalt  }
0x71: {  	_ =	shalt  }
0x72: {  	_ =	shalt  }
0x73: {  	_ =	shalt  }
0x74: {  	_ =	shalt  }
0x75: {  	_ =	shalt  }
0x76: {  	_ =	shalt  }
0x77: {  	_ =	shalt  }
0x78: {  	_ =	shalt  }
0x79: {  	_ =	shalt  }
0x7a: {  	_ =	shalt  }
0x7b: {  	_ =	shalt  }
0x7c: {  	_ =	shalt  }
0x7d: {  	_ =	shalt  }
0x7e: {  	_ =	shalt  }
0x7f: {  	_ =	shalt  }
0x80: {  	_ =	shalt  }
0x81: {  	_ =	shalt  }
0x82: {  	_ =	shalt  }
0x83: {  	_ =	shalt  }
0x84: {  	_ =	shalt  }
0x85: {  	_ =	shalt  }
0x86: {  	_ =	shalt  }
0x87: {  	_ =	shalt  }
.Lfunc_end0:
.L_simem_size_0:
called_computation_lowered:
.L_overlay_start_0:
0x88: {  	s2 =	sld [smem:$0x3FD9]  }
0x89: {  	s3 =	sld [smem:$0x3FFE];
	_ =	sdelay $0x1  }
0x8a: {  	s1 =	srdreg.scid  }
0x8b: {  	s0 =	sand.u32 $0x1, s1  }
0x8c: {  	s16 =	sshll.u32 s0, $0xA;
	s2 =	sadd.s32 s3, s2  }
0x8d: {  	s2 =	sadd.s32 s2, s16  }
0x8e: {  	[smem:$0x3FBC] =	sst s2  }
0x8f: {  	_ = 	snop  }
0x90: {  	(tm) =	ssettm $0x1  }
0x91: {  	s17 =	sld [smem:$0x3FFB];
	_ =	sdelay $0x3  }
0x92: {  	_ =	strace s17  }
0x93: {  	s2 =	sld [smem:$0x3FFC];
	_ =	sdelay $0x3  }
0x94: {  	_ =	strace s2  }
0x95: {  	s2 =	sld [smem:$0x3FFD];
	_ =	sdelay $0x3  }
0x96: {  	_ =	strace s2  }
0x97: {  	_ =	strace $0x8FFFFFFF  }
0x98: {  	s18 =	sld [smem:$0x3FDB];
	_ =	sdelay $0x1  }
0x99: {  	s19 =	simm.s32 $_scs_section_size  }
0x9a: {  	s4 =	simm.s32 $_size__tile_overlayer_lowered;
	s5 =	simm.s32 $_tile_overlayer_lowered  }
0x9b: {  	s22 =	simm.s32 $0x1BFF;
	s21 =	sshll.u32 s5, $0x1;
	s2 =	sadd.s32 s19, s18  }
0x9c: {  	s6 =	simm.s32 $0x0;
	s20 =	sshll.u32 s4, $0x1;
	s4 =	sadd.s32 s21, s2  }
0x9d: {  	[timem:s6], [sflag:s22] =	dma.local [hbm:s4], s20  }
0x9e: {  	_ =	swait.ge [sflag:s22], s20  }
0x9f: {  	s3 =	ssub.s32 $0x0, s20;
	[sflag:s22] =	ssyncset.done $0x0  }
0xa0: {  	[sflag:s22] =	ssyncadd.s32 s3;
	_ =	sdelay $0x1  }
0xa1: {  	s23 =	simm.s32 $0x1B8B  }
0xa2: {  	_ =	swait.ge [sflag:s23], $0x1  }
0xa3: {  	[sflag:s23] =	ssyncset.done $0x0  }
0xa4: {  	s25 =	simm.s32 $0x1B8E;
	s24 =	sld [smem:$0x3FFE];
	[sflag:s23] =	ssyncadd.s32 $0xFFFFFFFF  }
0xa5: {  	s26 =	simm.s32 $execute0_lowered;
	[smem:$0x3FD2] =	sst s25  }
0xa6: {  	s4 =	sshll.u32 s26, $0x1;
	_ =	strace $0x80000046;
	[dreg:$0x1] =	wrdreg $0xFFFFFFFF  }
0xa7: {  	s28 =	simm.s32 $_size_execute0_lowered;
	s2 =	sadd.s32 s2, s4;
	[dreg:$0x0] =	wrdreg $0x0  }
0xa8: {  	s4 =	sshll.u32 s28, $0x1;
	[dreg:$0x2] =	wrdreg s2  }
0xa9: {  	[dreg:$0x3] =	wrdreg s4  }
0xaa: {  	[dreg:$0x4] =	wrdreg $0xC0  }
0xab: {  	_ =	task [dreg:s6], $0x5FFFF  }
0xac: {  	[dreg:$0x1] =	wrdreg $0xFFFFFFFF  }
0xad: {  	[dreg:$0x0] =	wrdreg $0x60  }
0xae: {  	[dreg:$0x2] =	wrdreg s24  }
0xaf: {  	[dreg:$0x3] =	wrdreg $0x52000  }
0xb0: {  	[dreg:$0x4] =	wrdreg $0x54800  }
0xb1: {  	[dreg:$0x5] =	wrdreg $0x9  }
0xb2: {  	_ =	task.clear_ibuf [dreg:s6], $0x6FFFF;
	_ =	strace $0x90000046  }
0xb3: {  	s29 =	simm.s32 $0x9;
	_ =	strace $0x80000048  }
0xb4: {  	_ =	swait.ge [sflag:s29], $0x1  }
0xb5: {  	[sflag:s29] =	ssyncadd.s32 $0xFFFFFFFF  }
0xb6: {  	_ =	strace $0x90000048  }
0xb7: {  	_ =	sfence  }
0xb8: {  	s30 =	sld [smem:$0x0];
	_ =	sdelay $0x2  }
0xb9: {  	s31 =	sshll.u32 s1, $0xD;
	s1 =	sshrl.u32 s1, $0x2  }
0xba: {  	s3 =	sand.u32 $0x4000, s31;
	s1 =	sadd.s32 s1, s30  }
0xbb: {  	s0 =	sor.u32 s3, s0;
	s1 =	sshll.u32 s1, $0x11  }
0xbc: {  	s0 =	sor.u32 s1, s0  }
0xbd: {  	s0 =	sadd.s32 $0x8F2B, s0  }
0xbe: {  	[sflag:s0] =	ssyncadd.remote.s32 $0x1  }
0xbf: {  	_ =	sfence.sel $0xFFFF  }
0xc0: {  	[dreg:$0x0] =	wrdreg $0xFFFFFFFF;
	(pc) =	sbr.abs _section_cstart, $3  }
0xc1: {  	[dreg:$0x1] =	wrdreg $0xFFFFFFFF  }
0xc2: {  	_ =	task.clear_ibuf [dreg:s6], $0x2FFFF;
	_ =	strace $0x9FFFFFFF  }
0xc3: {  	(tm) =	ssettm $0x7FFFFFFF  }
tec
execute0_lowered:
.L_overlay_start_1:
0x0: {  	(tag) =	ssettag $0x1  }
0x1: {  	s5 =	rddreg [dreg:$0x0]  }
0x2: {  	s1 =	srdreg.scid;
	s2 =	rddreg [dreg:$0x1]  }
0x3: {  	s0 =	stileid.u32;
	s3 =	rddreg [dreg:$0x2];
	s4 =	simm.s32 $0x0  }
0x4: {  	s12 =	simm.s32 $0x3;
	s13 =	simm.s32 $0x4F80;
	s14 =	simm.s32 $0x80  }
0x5: {  	s15 =	simm.s32 $0x4F00;
	s16 =	simm.s32 $0x1;
	s17 =	simm.s32 $0x2  }
0x6: {  	s18 =	simm.s32 $0x0;
	s6 =	sand.u32 $0x1, s1;
	s8 =	smul.u32 $0x280, s0  }
0x7: {  	s7 =	sshll.u32 s0, $0x1;
	s1 =	rddreg [dreg:$0x3];
	s9 =	smul.u32 $0x5000, s6  }
0x8: {  	[smem:$0x7FF] =	sst s4;
	s7 =	sor.u32 s6, s7;
	s6 =	ssub.s32 $0x2, s6  }
0x9: {  	s7 =	smul.u32 $0x4F0, s7;
	s31 =	sshrl.u32 s6, $0x1;
	s9 =	sadd.s32 s8, s9  }
0xa: {  	_ =	strace $0x80000047;
	s11 =	ssub.s32 s6, s31;
	s9 =	sshrl.u32 s9, $0x3  }
0xb: {  	s7 =	sadd.s32 s7, s5;
	s11 =	smax.u32 s11, $0x1;
	s10 =	sadd.s32 s9, s5  }
0xc: {  	s5 =	sadd.s32 $0x21000, s7;
	s6 =	sadd.s32 $0x17200, s7;
	s7 =	sadd.s32 s8, s2  }
0xd: {  	v0 =	vimm.f32 $1.000000000e+00;
	v1 =	vimm.f32 $0.0e+00;
	s8 =	sadd.s32 s8, s3;
	s9 =	sadd.s32 $0x2AE00, s10;
	s10 =	sadd.s32 $0x2B300, s10  }
.LBB2_1:
0xe: {  	[tilespmem:$0x4F00] =	vst v0  }
0xf: {  	[tilespmem:$0x4F10] =	vst v0  }
0x10: {  	[tilespmem:$0x4F20] =	vst v0  }
0x11: {  	[tilespmem:$0x4F30] =	vst v0  }
0x12: {  	[tilespmem:$0x4F40] =	vst v0  }
0x13: {  	[tilespmem:$0x4F50] =	vst v0  }
0x14: {  	[tilespmem:$0x4F60] =	vst v0  }
0x15: {  	[tilespmem:$0x4F70] =	vst v0  }
0x16: {  	[tilespmem:$0x4F80] =	vst v1  }
0x17: {  	[tilespmem:$0x4F90] =	vst v1  }
0x18: {  	[tilespmem:$0x4FA0] =	vst v1  }
0x19: {  	[tilespmem:$0x4FB0] =	vst v1  }
0x1a: {  	[tilespmem:$0x4FC0] =	vst v1  }
0x1b: {  	[tilespmem:$0x4FD0] =	vst v1  }
0x1c: {  	[tilespmem:$0x4FE0] =	vst v1  }
0x1d: {  	[tilespmem:$0x4FF0] =	vst v1  }
0x1e: {  	[tilespmem:$0x5000] =	vst v1  }
0x1f: {  	[tilespmem:$0x5010] =	vst v1  }
0x20: {  	[tilespmem:$0x5020] =	vst v1  }
0x21: {  	[tilespmem:$0x5030] =	vst v1  }
0x22: {  	[tilespmem:$0x5040] =	vst v1  }
0x23: {  	[tilespmem:$0x5050] =	vst v1  }
0x24: {  	[tilespmem:$0x5060] =	vst v1  }
0x25: {  	[tilespmem:$0x5070] =	vst v1  }
0x26: {  	[tilespmem:$0x5080] =	vst v1  }
0x27: {  	[tilespmem:$0x5090] =	vst v1  }
0x28: {  	[tilespmem:$0x50A0] =	vst v1  }
0x29: {  	[tilespmem:$0x50B0] =	vst v1  }
0x2a: {  	[tilespmem:$0x50C0] =	vst v1  }
0x2b: {  	[tilespmem:$0x50D0] =	vst v1  }
0x2c: {  	[tilespmem:$0x50E0] =	vst v1  }
0x2d: {  	[tilespmem:$0x50F0] =	vst v1  }
0x2e: {  	[tilespmem:$0x5100] =	vst v1  }
0x2f: {  	[tilespmem:$0x5110] =	vst v1  }
0x30: {  	[tilespmem:$0x5120] =	vst v1  }
0x31: {  	[tilespmem:$0x5130] =	vst v1  }
0x32: {  	[tilespmem:$0x5140] =	vst v1  }
0x33: {  	[tilespmem:$0x5150] =	vst v1  }
0x34: {  	[tilespmem:$0x5160] =	vst v1  }
0x35: {  	[tilespmem:$0x5170] =	vst v1  }
0x36: {  	[tilespmem:$0x5180] =	vst v1  }
0x37: {  	[tilespmem:$0x5190] =	vst v1  }
0x38: {  	[tilespmem:$0x51A0] =	vst v1  }
0x39: {  	[tilespmem:$0x51B0] =	vst v1  }
0x3a: {  	[tilespmem:$0x51C0] =	vst v1  }
0x3b: {  	[tilespmem:$0x51D0] =	vst v1  }
0x3c: {  	[tilespmem:$0x51E0] =	vst v1  }
0x3d: {  	[tilespmem:$0x51F0] =	vst v1  }
0x3e: {  	[tilespmem:s4], [sflag:$0x3] =	stream.linear.gather [hbm4b:s5+s4], $0x2780, $0x38;
	[tilespmem:$0x5700] =	vst v63  }
0x3f: {  	_ =	swait.ge [sflag:s12], $0x2780  }
0x40: {  	[sflag:s12] =	ssyncset.done $0x0  }
0x41: {  	s19 =	simm.s32 $0x2780;
	[sflag:s12] =	ssyncadd.s32 $0xFFFFD880  }
0x42: {  	[tilespmem:s19], [sflag:$0x3] =	stream.linear.gather [hbm4b:s6+s4], $0x2780, $0x38;
	[tilespmem:$0x5700] =	vst v63  }
0x43: {  	_ =	swait.ge [sflag:s12], $0x2780  }
0x44: {  	[sflag:s12] =	ssyncset.done $0x0  }
0x45: {  	[sflag:s12] =	ssyncadd.s32 $0xFFFFD880  }
0x46: {  	[spmem:s7] =	stream.linear.scatter [tilespmem:s13], [sflag:$0x3], $0x280, $0x38;
	[tilespmem:$0x5700] =	vst v63  }
0x47: {  	_ =	swait.ge [sflag:s12], $0x280  }
0x48: {  	[sflag:s12] =	ssyncset.done $0x0  }
0x49: {  	[sflag:s12] =	ssyncadd.s32 $0xFFFFFD80  }
0x4a: {  	[spmem:s8] =	stream.linear.scatter [tilespmem:s13], [sflag:$0x3], $0x280, $0x38;
	[tilespmem:$0x5700] =	vst v63  }
0x4b: {  	_ =	swait.ge [sflag:s12], $0x280  }
0x4c: {  	[sflag:s12] =	ssyncset.done $0x0  }
0x4d: {  	p0 =	por $0x1, $0x1;
	[sflag:s12] =	ssyncadd.s32 $0xFFFFFD80  }
0x4e: {  	s20 =	simm.s32 @!p0 $0x1;
	[bflag:$0x0] =	sbarrier.arrive $0xFFFF  }
0x4f: {  	_ =	swait.ge @!p0 [sflag:s20], $0x80  }
0x50: {  	[sflag:s20] =	ssyncset.done @!p0 $0x0  }
0x51: {  	[sflag:s20] =	ssyncadd.s32 @!p0 $0xFFFFFF80;
	s20 =	simm.s32 @!p0 $0x2  }
0x52: {  	_ =	swait.ge @!p0 [sflag:s20], $0x80  }
0x53: {  	s22 =	simm.s32 $0x2;
	s21 =	simm.s32 $0x0;
	[sflag:s20] =	ssyncset.done @!p0 $0x0  }
0x54: {  	[sflag:s20] =	ssyncadd.s32 @!p0 $0xFFFFFF80;
	p0 =	por $0x1, $0x1;
	s20 =	simm.s32 $0x2800  }
0x55: {  	[spmem:s2] =	stream.indirect.scatter.add.f32 [tilespmem:s15], [sflag:$0x1], $0x1, s4, s14, $0xb8;
	[tilespmem:$0x5700] =	vst v63  }
.LBB2_2:
0x56: {  	s23 =	simm.s32 @!p0 $0x1  }
0x57: {  	s21 =	sadd.s32 $0x80, s21;
	s24 =	smov.u32 s22;
	s22 =	sadd.s32 $0x1, s22  }
0x58: {  	[spmem:s3] =	stream.indirect.scatter.add.f32 [tilespmem:s15], [sflag:$0x2], $0x1, s19, s14, $0xb8;
	[tilespmem:$0x5700] =	vst v63  }
0x59: {  	p1 =	sne.s32 s22, $0x4F;
	s19 =	smov.u32 s20;
	_ =	swait.ge @!p0 [sflag:s23], $0x80  }
0x5a: {  	[sflag:s23] =	ssyncset.done @!p0 $0x0  }
.Ltmp0:
0x5b: {  	[sflag:s23] =	ssyncadd.s32 @!p0 $0xFFFFFF80;
	s23 =	simm.s32 @!p0 $0x2;
	(pc) =	sbr.rel @p1 .LBB2_2-.Ltmp0, $4  }
0x5c: {  	_ =	swait.ge @!p0 [sflag:s23], $0x80  }
0x5d: {  	[sflag:s23] =	ssyncset.done @!p0 $0x0  }
0x5e: {  	s20 =	sadd.s32 $0x80, s20;
	[sflag:s23] =	ssyncadd.s32 @!p0 $0xFFFFFF80;
	p0 =	slt.u32 s24, $0x10  }
0x5f: {  	[spmem:s2] =	stream.indirect.scatter.add.f32 [tilespmem:s15], [sflag:$0x1], $0x1, s21, s14, $0xb8;
	[tilespmem:$0x5700] =	vst v63  }
0x60: {  	s22 =	simm.s32 @!p0 $0x1  }
0x61: {  	[spmem:s3] =	stream.indirect.scatter.add.f32 [tilespmem:s15], [sflag:$0x2], $0x1, s19, s14, $0xb8;
	[tilespmem:$0x5700] =	vst v63  }
0x62: {  	_ =	swait.ge @!p0 [sflag:s22], $0x80  }
0x63: {  	[sflag:s22] =	ssyncset.done @!p0 $0x0  }
0x64: {  	s19 =	simm.s32 @!p0 $0x2;
	[sflag:s22] =	ssyncadd.s32 @!p0 $0xFFFFFF80  }
0x65: {  	_ =	swait.ge @!p0 [sflag:s19], $0x80  }
0x66: {  	[sflag:s19] =	ssyncset.done @!p0 $0x0  }
0x67: {  	s21 =	sadd.s32 $0x80, s21;
	[sflag:s19] =	ssyncadd.s32 @!p0 $0xFFFFFF80  }
0x68: {  	[spmem:s2] =	stream.indirect.scatter.add.f32 [tilespmem:s15], [sflag:$0x1], $0x1, s21, s14, $0xb8;
	[tilespmem:$0x5700] =	vst v63  }
0x69: {  	_ = 	snop  }
0x6a: {  	[spmem:s3] =	stream.indirect.scatter.add.f32 [tilespmem:s15], [sflag:$0x2], $0x1, s20, s14, $0xb8;
	[tilespmem:$0x5700] =	vst v63  }
0x6b: {  	_ =	swait.ge [sflag:s16], $0x80  }
0x6c: {  	[sflag:s16] =	ssyncset.done $0x0  }
0x6d: {  	[sflag:s16] =	ssyncadd.s32 $0xFFFFFF80  }
0x6e: {  	_ =	swait.ge [sflag:s17], $0x80  }
0x6f: {  	[sflag:s17] =	ssyncset.done $0x0  }
0x70: {  	[sflag:s17] =	ssyncadd.s32 $0xFFFFFF80  }
0x71: {  	_ =	swait.ge [sflag:s16], $0x80  }
0x72: {  	[sflag:s16] =	ssyncset.done $0x0  }
0x73: {  	[sflag:s16] =	ssyncadd.s32 $0xFFFFFF80  }
0x74: {  	_ =	swait.ge [sflag:s17], $0x80  }
0x75: {  	[sflag:s17] =	ssyncset.done $0x0  }
0x76: {  	[sflag:s17] =	ssyncadd.s32 $0xFFFFFF80  }
0x77: {  	_ =	swait.ge [sflag:s16], $0x80  }
0x78: {  	[sflag:s16] =	ssyncset.done $0x0  }
0x79: {  	[sflag:s16] =	ssyncadd.s32 $0xFFFFFF80  }
0x7a: {  	_ =	swait.ge [sflag:s17], $0x80  }
0x7b: {  	[sflag:s17] =	ssyncset.done $0x0  }
0x7c: {  	[sflag:s17] =	ssyncadd.s32 $0xFFFFFF80  }
0x7d: {  	_ =	swait.ge [sflag:s16], $0x80  }
0x7e: {  	[sflag:s16] =	ssyncset.done $0x0  }
0x7f: {  	[sflag:s16] =	ssyncadd.s32 $0xFFFFFF80  }
0x80: {  	_ =	swait.ge [sflag:s17], $0x80  }
0x81: {  	[sflag:s17] =	ssyncset.done $0x0  }
0x82: {  	[sflag:s17] =	ssyncadd.s32 $0xFFFFFF80  }
0x83: {  	_ =	swait.ge [sflag:s16], $0x80  }
0x84: {  	[sflag:s16] =	ssyncset.done $0x0  }
0x85: {  	[sflag:s16] =	ssyncadd.s32 $0xFFFFFF80  }
0x86: {  	_ =	swait.ge [sflag:s17], $0x80  }
0x87: {  	[sflag:s17] =	ssyncset.done $0x0  }
0x88: {  	[sflag:s17] =	ssyncadd.s32 $0xFFFFFF80  }
0x89: {  	_ =	swait.ge [sflag:s16], $0x80  }
0x8a: {  	[sflag:s16] =	ssyncset.done $0x0  }
0x8b: {  	[sflag:s16] =	ssyncadd.s32 $0xFFFFFF80  }
0x8c: {  	_ =	swait.ge [sflag:s17], $0x80  }
0x8d: {  	[sflag:s17] =	ssyncset.done $0x0  }
0x8e: {  	[sflag:s17] =	ssyncadd.s32 $0xFFFFFF80  }
0x8f: {  	_ =	swait.ge [sflag:s16], $0x80  }
0x90: {  	[sflag:s16] =	ssyncset.done $0x0  }
0x91: {  	[sflag:s16] =	ssyncadd.s32 $0xFFFFFF80  }
0x92: {  	_ =	swait.ge [sflag:s17], $0x80  }
0x93: {  	[sflag:s17] =	ssyncset.done $0x0  }
0x94: {  	[sflag:s17] =	ssyncadd.s32 $0xFFFFFF80  }
0x95: {  	_ =	swait.ge [sflag:s16], $0x80  }
0x96: {  	[sflag:s16] =	ssyncset.done $0x0  }
0x97: {  	[sflag:s16] =	ssyncadd.s32 $0xFFFFFF80  }
0x98: {  	_ =	swait.ge [sflag:s17], $0x80  }
0x99: {  	[sflag:s17] =	ssyncset.done $0x0  }
0x9a: {  	[sflag:s17] =	ssyncadd.s32 $0xFFFFFF80  }
0x9b: {  	_ =	swait.ge [sflag:s16], $0x80  }
0x9c: {  	[sflag:s16] =	ssyncset.done $0x0  }
0x9d: {  	[sflag:s16] =	ssyncadd.s32 $0xFFFFFF80  }
0x9e: {  	_ =	swait.ge [sflag:s17], $0x80  }
0x9f: {  	[sflag:s17] =	ssyncset.done $0x0  }
0xa0: {  	[sflag:s17] =	ssyncadd.s32 $0xFFFFFF80  }
0xa1: {  	_ =	swait.ge [sflag:s16], $0x80  }
0xa2: {  	[sflag:s16] =	ssyncset.done $0x0  }
0xa3: {  	[sflag:s16] =	ssyncadd.s32 $0xFFFFFF80  }
0xa4: {  	_ =	swait.ge [sflag:s17], $0x80  }
0xa5: {  	[sflag:s17] =	ssyncset.done $0x0  }
0xa6: {  	[sflag:s17] =	ssyncadd.s32 $0xFFFFFF80  }
0xa7: {  	_ =	swait.ge [sflag:s16], $0x80  }
0xa8: {  	[sflag:s16] =	ssyncset.done $0x0  }
0xa9: {  	[sflag:s16] =	ssyncadd.s32 $0xFFFFFF80  }
0xaa: {  	_ =	swait.ge [sflag:s17], $0x80  }
0xab: {  	[sflag:s17] =	ssyncset.done $0x0  }
0xac: {  	[sflag:s17] =	ssyncadd.s32 $0xFFFFFF80  }
0xad: {  	_ =	swait.ge [sflag:s16], $0x80  }
0xae: {  	[sflag:s16] =	ssyncset.done $0x0  }
0xaf: {  	[sflag:s16] =	ssyncadd.s32 $0xFFFFFF80  }
0xb0: {  	_ =	swait.ge [sflag:s17], $0x80  }
0xb1: {  	[sflag:s17] =	ssyncset.done $0x0  }
0xb2: {  	[sflag:s17] =	ssyncadd.s32 $0xFFFFFF80  }
0xb3: {  	_ =	swait.ge [sflag:s16], $0x80  }
0xb4: {  	[sflag:s16] =	ssyncset.done $0x0  }
0xb5: {  	[sflag:s16] =	ssyncadd.s32 $0xFFFFFF80  }
0xb6: {  	_ =	swait.ge [sflag:s17], $0x80  }
0xb7: {  	[sflag:s17] =	ssyncset.done $0x0  }
0xb8: {  	[sflag:s17] =	ssyncadd.s32 $0xFFFFFF80  }
0xb9: {  	_ =	swait.ge [sflag:s16], $0x80  }
0xba: {  	[sflag:s16] =	ssyncset.done $0x0  }
0xbb: {  	[sflag:s16] =	ssyncadd.s32 $0xFFFFFF80  }
0xbc: {  	_ =	swait.ge [sflag:s17], $0x80  }
0xbd: {  	[sflag:s17] =	ssyncset.done $0x0  }
0xbe: {  	[sflag:s17] =	ssyncadd.s32 $0xFFFFFF80  }
0xbf: {  	_ =	swait.ge [sflag:s16], $0x80  }
0xc0: {  	[sflag:s16] =	ssyncset.done $0x0  }
0xc1: {  	[sflag:s16] =	ssyncadd.s32 $0xFFFFFF80  }
0xc2: {  	_ =	swait.ge [sflag:s17], $0x80  }
0xc3: {  	[sflag:s17] =	ssyncset.done $0x0  }
0xc4: {  	[sflag:s17] =	ssyncadd.s32 $0xFFFFFF80  }
0xc5: {  	_ =	swait.ge [sflag:s16], $0x80  }
0xc6: {  	[sflag:s16] =	ssyncset.done $0x0  }
0xc7: {  	[sflag:s16] =	ssyncadd.s32 $0xFFFFFF80  }
0xc8: {  	_ =	swait.ge [sflag:s17], $0x80  }
0xc9: {  	[sflag:s17] =	ssyncset.done $0x0  }
0xca: {  	s29 =	sshll.u32 s0, $0x6;
	[sflag:s17] =	ssyncadd.s32 $0xFFFFFF80  }
0xcb: {  	s30 =	sshrl.u32 s7, $0x3;
	s19 =	sor.u32 $0x1C03, s29;
	[bflag:$0x0] =	sbarrier.arrive $0xFFFF  }
0xcc: {  	[hbm:s9], [sflag:s19] =	dma.local [spmem:s30], $0x50  }
0xcd: {  	s18 =	sadd.s32 $0x1, s18;
	_ =	swait.ge [sflag:s12], $0x50  }
0xce: {  	p0 =	sne.s32 s18, s11;
	[sflag:s12] =	ssyncset.done $0x0  }
.Ltmp1:
0xcf: {  	s31 =	sshrl.u32 s8, $0x3;
	[sflag:s12] =	ssyncadd.s32 $0xFFFFFFB0;
	(pc) =	sbr.rel @p0 .LBB2_1-.Ltmp1, $4  }
0xd0: {  	[hbm:s10], [sflag:s19] =	dma.local [spmem:s31], $0x50  }
0xd1: {  	_ =	swait.ge [sflag:s12], $0x50  }
0xd2: {  	[sflag:s12] =	ssyncset.done $0x0  }
0xd3: {  	[sflag:s12] =	ssyncadd.s32 $0xFFFFFFB0  }
0xd4: {  	_ =	sfence.sel $0x180000  }
0xd5: {  	[bflag:$0x0] =	sbarrier.arrive $0xFFFF  }
0xd6: {  	p0 =	sne.s32 s0, $0x0;
	_ =	strace $0x90000047  }
0xd7: {  	s0 =	sadd.s32 @!p0 $0x100000, s1;
	[bflag:$0x2] =	sbarrier.arrive $0xFFFF  }
0xd8: {  	[sflag:s0] =	ssyncadd.tile.s32 @!p0 $0x1;
	_ =	shalt  }
.Lfunc_end2:
_tile_overlayer_lowered:
.L_overlay_start_2:
0xd9: {  	(tag) =	ssettag $0x2  }
0xda: {  	s0 =	rddreg [dreg:$0x0];
	s2 =	stileid.u32  }
0xdb: {  	s1 =	rddreg [dreg:$0x1];
	p0 =	sne.s32 s2, $0x0  }
0xdc: {  	s3 =	rddreg [dreg:$0x2];
	[bflag:$0x3] =	sbarrier.arrive $0xFFFF;
	s2 =	simm.s32 @!p0 $0x1C03  }
0xdd: {  	[timem:s3], [sflag:s2] =	dma.local @!p0 [hbm:s0], s1  }
0xde: {  	s0 =	simm.s32 @!p0 $0x3  }
0xdf: {  	_ =	swait.ge @!p0 [sflag:s0], s1  }
0xe0: {  	s1 =	ssub.s32 @!p0 $0x0, s1;
	[sflag:s0] =	ssyncset.done @!p0 $0x0  }
0xe1: {  	[sflag:s0] =	ssyncadd.s32 @!p0 s1  }
0xe2: {  	[bflag:$0x3] =	sbarrier.arrive $0xFFFF  }
0xe3: {  	_ =	shalt  }

// kernel: kernel.16.cloned.1.call-start
scs
__scs_entry_jumppad:
0x0: {  	(pc) =	sbr.rel $0x88, $3  }
0x1: {  	(tag) =	ssettag $0x0;
	lr =	simm.s32 $0x1  }
0x2: {  	[smem:$0x3F95] =	sst lr;
	_ =	strace $0xD0000000  }
0x3: {  	_ = 	snop  }
0x4: {  	_ = 	snop  }
0x5: {  	_ = 	snop  }
0x6: {  	_ = 	snop  }
0x7: {  	_ = 	snop  }
__scs_overlays_trampoline_lowered:
0x8: {  	[smem:$0x3FA4] =	sst s0  }
0x9: {  	[smem:$0x3FA5] =	sst s1  }
0xa: {  	[smem:$0x3FA6] =	sst s2  }
0xb: {  	[smem:$0x3FA7] =	sst s3  }
0xc: {  	[smem:$0x3FA8] =	sst s4  }
0xd: {  	[smem:$0x3FA9] =	sst s5  }
0xe: {  	[smem:$0x3FAA] =	sst s6  }
0xf: {  	[smem:$0x3FAB] =	sst s7  }
0x10: {  	[smem:$0x3FAC] =	sst s8  }
0x11: {  	[smem:$0x3FAD] =	sst s9;
	s0 =	simm.s32 @!p0 $0x0  }
0x12: {  	s1 =	sld [smem:$0x3F93];
	s0 =	simm.s32 @p0 $0x1  }
0x13: {  	[smem:$0x3FAE] =	sst s0;
	s0 =	simm.s32 @!p1 $0x0  }
0x14: {  	s2 =	sld [smem:$0x3F92];
	s0 =	simm.s32 @p1 $0x1  }
0x15: {  	[smem:$0x3FAF] =	sst s0;
	s0 =	simm.s32 @!p2 $0x0  }
0x16: {  	s3 =	sld [smem:$0x3FDB];
	s0 =	simm.s32 @p2 $0x1  }
0x17: {  	s4 =	simm.s32 $0x1BF5;
	[smem:$0x3FB1] =	sst s0  }
0x18: {  	s0 =	sld [smem:$0x3F94];
	_ =	swait.ge [sflag:s4], $0x0  }
0x19: {  	s7 =	sld [smem:$0x3F95]  }
0x1a: {  	s8 =	sadd.s32 $0xFFFFE003, lr  }
0x1b: {  	s9 =	sadd.s32 $0xFFFFFEF7, lr;
	s5 =	simm.s32 $0xFFFFFFFF;
	p2 =	slt.u32 s8, $0xFFFFF086  }
0x1c: {  	p1 =	slt.u32 s9, $0xF7A;
	s5 =	simm.s32 @!p2 $0x0  }
0x1d: {  	s5 =	simm.s32 @p1 $0x1;
	p0 =	seq.s32 s7, s2  }
0x1e: {  	s7 =	smul.u32 @!p0 $0xF7A, s2;
	p2 =	seq.s32 @!p0 s5, $0x0  }
0x1f: {  	s9 =	smul.u32 $0xF7A, s1;
	s8 =	simm.s32 @!p0 $0x1BF5;
	p2 =	por !p2, p0  }
0x20: {  	[sflag:s8] =	ssyncset.s32 @!p0 $0xFFFFF086;
	s6 =	sadd.s32 @!p0 s3, s7;
	s7 =	simm.s32 @!p0 $0x108  }
0x21: {  	s3 =	sadd.s32 s3, s9;
	s6 =	sadd.s32 @!p0 $0x88, s6;
	s7 =	simm.s32 @p2 $0x1082  }
0x22: {  	[simem:s7], [sflag:s8] =	dma.local @!p0 [hbm:s6], $0xF7A  }
0x23: {  	s9 =	sor.u32 $0xD0000000, s2;
	s6 =	simm.s32 $0x108;
	_ =	swait.ge @!p0 [sflag:s8], $0x0  }
0x24: {  	s3 =	sadd.s32 $0x88, s3;
	s6 =	simm.s32 @!p1 $0x1082;
	[sflag:s4] =	ssyncset.s32 $0xFFFFF086  }
0x25: {  	[simem:s6], [sflag:s4] =	dma.local [hbm:s3], $0xF7A  }
0x26: {  	[smem:$0x3F95] =	sst s1;
	(tag) =	ssettag s2;
	_ =	strace s9  }
0x27: {  	s1 =	sld [smem:$0x3FA5]  }
0x28: {  	s2 =	sld [smem:$0x3FA6]  }
0x29: {  	s4 =	sld [smem:$0x3FA8]  }
0x2a: {  	p0 =	seq.s32 s5, $0x0;
	s5 =	sld [smem:$0x3FA9]  }
0x2b: {  	s6 =	sld [smem:$0x3FAA]  }
0x2c: {  	s7 =	sld [smem:$0x3FAB]  }
0x2d: {  	s3 =	simm.s32 $0x108;
	s8 =	sld [smem:$0x3FAC]  }
0x2e: {  	s3 =	simm.s32 @!p0 $0x1082;
	s9 =	sld [smem:$0x3FAD]  }
0x2f: {  	lr =	sadd.s32 s0, s3;
	s0 =	sld [smem:$0x3FA4]  }
0x30: {  	s3 =	sld [smem:$0x3FA7]  }
0x31: {  	[smem:$0x3FB0] =	sst s10  }
0x32: {  	s10 =	sld [smem:$0x3FAE];
	_ =	sdelay $0x3  }
0x33: {  	p0 =	seq.s32 s10, $0x1;
	s10 =	sld [smem:$0x3FB0];
	_ =	sdelay $0x3  }
0x34: {  	[smem:$0x3FB0] =	sst s10  }
0x35: {  	s10 =	sld [smem:$0x3FAF];
	_ =	sdelay $0x3  }
0x36: {  	p1 =	seq.s32 s10, $0x1;
	s10 =	sld [smem:$0x3FB0];
	_ =	sdelay $0x3  }
0x37: {  	[smem:$0x3FB0] =	sst s10  }
0x38: {  	s10 =	sld [smem:$0x3FB1]  }
0x39: {  	_ = 	snop;
	(pc) =	sbr.ind lr, $3  }
0x3a: {  	_ = 	snop  }
0x3b: {  	_ = 	snop  }
0x3c: {  	p2 =	seq.s32 s10, $0x1;
	s10 =	sld [smem:$0x3FB0]  }
0x3d: {  	_ =	shalt  }
0x3e: {  	_ =	shalt  }
0x3f: {  	_ =	shalt  }
0x40: {  	_ =	shalt  }
0x41: {  	_ =	shalt  }
0x42: {  	_ =	shalt  }
0x43: {  	_ =	shalt  }
0x44: {  	_ =	shalt  }
0x45: {  	_ =	shalt  }
0x46: {  	_ =	shalt  }
0x47: {  	_ =	shalt  }
0x48: {  	_ =	shalt  }
0x49: {  	_ =	shalt  }
0x4a: {  	_ =	shalt  }
0x4b: {  	_ =	shalt  }
0x4c: {  	_ =	shalt  }
0x4d: {  	_ =	shalt  }
0x4e: {  	_ =	shalt  }
0x4f: {  	_ =	shalt  }
0x50: {  	_ =	shalt  }
0x51: {  	_ =	shalt  }
0x52: {  	_ =	shalt  }
0x53: {  	_ =	shalt  }
0x54: {  	_ =	shalt  }
0x55: {  	_ =	shalt  }
0x56: {  	_ =	shalt  }
0x57: {  	_ =	shalt  }
0x58: {  	_ =	shalt  }
0x59: {  	_ =	shalt  }
0x5a: {  	_ =	shalt  }
0x5b: {  	_ =	shalt  }
0x5c: {  	_ =	shalt  }
0x5d: {  	_ =	shalt  }
0x5e: {  	_ =	shalt  }
0x5f: {  	_ =	shalt  }
0x60: {  	_ =	shalt  }
0x61: {  	_ =	shalt  }
0x62: {  	_ =	shalt  }
0x63: {  	_ =	shalt  }
0x64: {  	_ =	shalt  }
0x65: {  	_ =	shalt  }
0x66: {  	_ =	shalt  }
0x67: {  	_ =	shalt  }
0x68: {  	_ =	shalt  }
0x69: {  	_ =	shalt  }
0x6a: {  	_ =	shalt  }
0x6b: {  	_ =	shalt  }
0x6c: {  	_ =	shalt  }
0x6d: {  	_ =	shalt  }
0x6e: {  	_ =	shalt  }
0x6f: {  	_ =	shalt  }
0x70: {  	_ =	shalt  }
0x71: {  	_ =	shalt  }
0x72: {  	_ =	shalt  }
0x73: {  	_ =	shalt  }
0x74: {  	_ =	shalt  }
0x75: {  	_ =	shalt  }
0x76: {  	_ =	shalt  }
0x77: {  	_ =	shalt  }
0x78: {  	_ =	shalt  }
0x79: {  	_ =	shalt  }
0x7a: {  	_ =	shalt  }
0x7b: {  	_ =	shalt  }
0x7c: {  	_ =	shalt  }
0x7d: {  	_ =	shalt  }
0x7e: {  	_ =	shalt  }
0x7f: {  	_ =	shalt  }
0x80: {  	_ =	shalt  }
0x81: {  	_ =	shalt  }
0x82: {  	_ =	shalt  }
0x83: {  	_ =	shalt  }
0x84: {  	_ =	shalt  }
0x85: {  	_ =	shalt  }
0x86: {  	_ =	shalt  }
0x87: {  	_ =	shalt  }
.Lfunc_end0:
.L_simem_size_0:
called_computation.1_lowered:
.L_overlay_start_0:
0x88: {  	s2 =	sld [smem:$0x3FD9]  }
0x89: {  	s3 =	sld [smem:$0x3FFE];
	_ =	sdelay $0x1  }
0x8a: {  	s1 =	srdreg.scid  }
0x8b: {  	s0 =	sand.u32 $0x1, s1  }
0x8c: {  	s17 =	sshll.u32 s0, $0xA;
	s2 =	sadd.s32 s3, s2  }
0x8d: {  	s2 =	sadd.s32 s2, s17  }
0x8e: {  	[smem:$0x3FBC] =	sst s2  }
0x8f: {  	_ = 	snop  }
0x90: {  	s2 =	sld [smem:$0x3FD0];
	(tm) =	ssettm $0x1  }
0x91: {  	s18 =	sld [smem:$0x3FFB];
	_ =	sdelay $0x3  }
0x92: {  	_ =	strace s18  }
0x93: {  	s3 =	sld [smem:$0x3FFC];
	_ =	sdelay $0x3  }
0x94: {  	_ =	strace s3  }
0x95: {  	s3 =	sld [smem:$0x3FFD];
	_ =	sdelay $0x3  }
0x96: {  	_ =	strace s3  }
0x97: {  	_ =	strace $0x8FFFFFFF  }
0x98: {  	s19 =	sld [smem:$0x3FDB];
	_ =	sdelay $0x1  }
0x99: {  	s4 =	simm.s32 $_scs_section_size  }
0x9a: {  	s5 =	simm.s32 $_size__tile_overlayer_lowered;
	s6 =	simm.s32 $_tile_overlayer_lowered  }
0x9b: {  	s22 =	simm.s32 $0x1BFF;
	s21 =	sshll.u32 s6, $0x1;
	s3 =	sadd.s32 s4, s19  }
0x9c: {  	s7 =	simm.s32 $0x0;
	s20 =	sshll.u32 s5, $0x1;
	s5 =	sadd.s32 s21, s3  }
0x9d: {  	[timem:s7], [sflag:s22] =	dma.local [hbm:s5], s20  }
0x9e: {  	_ =	swait.ge [sflag:s22], s20  }
0x9f: {  	s4 =	ssub.s32 $0x0, s20;
	[sflag:s22] =	ssyncset.done $0x0  }
0xa0: {  	[sflag:s22] =	ssyncadd.s32 s4;
	_ =	sdelay $0x1  }
0xa1: {  	s23 =	simm.s32 $0x1B8B  }
0xa2: {  	_ =	swait.ge [sflag:s23], $0x1  }
0xa3: {  	[sflag:s23] =	ssyncset.done $0x0  }
0xa4: {  	s25 =	simm.s32 $0x1B8E;
	s24 =	sld [smem:$0x3FFE];
	[sflag:s23] =	ssyncadd.s32 $0xFFFFFFFF  }
0xa5: {  	s26 =	simm.s32 $execute0_lowered;
	[smem:$0x3FD2] =	sst s25  }
0xa6: {  	s5 =	sshll.u32 s26, $0x1;
	_ =	strace $0x80000049;
	[dreg:$0x1] =	wrdreg $0xFFFFFFFF  }
0xa7: {  	s28 =	simm.s32 $_size_execute0_lowered;
	s3 =	sadd.s32 s3, s5;
	[dreg:$0x0] =	wrdreg $0x0  }
0xa8: {  	s5 =	sshll.u32 s28, $0x1;
	[dreg:$0x2] =	wrdreg s3  }
0xa9: {  	[dreg:$0x3] =	wrdreg s5  }
0xaa: {  	[dreg:$0x4] =	wrdreg $0xC0  }
0xab: {  	_ =	task [dreg:s7], $0x5FFFF  }
0xac: {  	[dreg:$0x1] =	wrdreg $0xFFFFFFFF  }
0xad: {  	[dreg:$0x0] =	wrdreg $0x60  }
0xae: {  	[dreg:$0x2] =	wrdreg s2  }
0xaf: {  	[dreg:$0x3] =	wrdreg s24  }
0xb0: {  	[dreg:$0x4] =	wrdreg $0xD8400  }
0xb1: {  	[dreg:$0x5] =	wrdreg $0x9  }
0xb2: {  	_ =	task.clear_ibuf [dreg:s7], $0x6FFFF;
	_ =	strace $0x90000049  }
0xb3: {  	s29 =	simm.s32 $0x9;
	_ =	strace $0x8000004B  }
0xb4: {  	_ =	swait.ge [sflag:s29], $0x1  }
0xb5: {  	[sflag:s29] =	ssyncadd.s32 $0xFFFFFFFF  }
0xb6: {  	_ =	strace $0x9000004B  }
0xb7: {  	_ =	sfence  }
0xb8: {  	s30 =	sld [smem:$0x0];
	_ =	sdelay $0x2  }
0xb9: {  	s31 =	sshll.u32 s1, $0xD;
	s1 =	sshrl.u32 s1, $0x2  }
0xba: {  	s3 =	sand.u32 $0x4000, s31;
	s1 =	sadd.s32 s1, s30  }
0xbb: {  	s0 =	sor.u32 s3, s0;
	s1 =	sshll.u32 s1, $0x11  }
0xbc: {  	s0 =	sor.u32 s1, s0  }
0xbd: {  	s0 =	sadd.s32 $0x8F2B, s0  }
0xbe: {  	[sflag:s0] =	ssyncadd.remote.s32 $0x1  }
0xbf: {  	_ =	sfence.sel $0xFFFF  }
0xc0: {  	[dreg:$0x0] =	wrdreg $0xFFFFFFFF;
	(pc) =	sbr.abs _section_cstart, $3  }
0xc1: {  	[dreg:$0x1] =	wrdreg $0xFFFFFFFF  }
0xc2: {  	_ =	task.clear_ibuf [dreg:s7], $0x2FFFF;
	_ =	strace $0x9FFFFFFF  }
0xc3: {  	(tm) =	ssettm $0x7FFFFFFF  }
tec
execute0_lowered:
.L_overlay_start_1:
0x0: {  	(tag) =	ssettag $0x1  }
0x1: {  	s0 =	rddreg [dreg:$0x0]  }
0x2: {  	s1 =	rddreg [dreg:$0x1]  }
0x3: {  	s3 =	srdreg.scid;
	s2 =	rddreg [dreg:$0x2]  }
0x4: {  	s9 =	stileid.u32;
	s6 =	simm.s32 $0x0;
	s29 =	simm.s32 $0xCE40  }
0x5: {  	s30 =	simm.s32 $0x9C40;
	s31 =	simm.s32 $0x1;
	s5 =	smul.u32 $0xA000, s9  }
0x6: {  	s28 =	simm.s32 $0x6;
	s3 =	sand.u32 $0x1, s3;
	s16 =	smul.u32 $0x9C4, s9  }
0x7: {  	[smem:$0x7FF] =	sst s6;
	s17 =	smul.u32 $0x14000, s9;
	s9 =	simm.s32 $0x0  }
0x8: {  	s4 =	smul.u32 $0xA0000, s3;
	_ =	strace $0x8000004A;
	s3 =	ssub.s32 $0x2, s3  }
0x9: {  	s6 =	sadd.s32 s16, s1;
	s8 =	sshrl.u32 s3, $0x1;
	s19 =	sshrl.u32 s5, $0x1  }
0xa: {  	s20 =	sshrl.u32 s17, $0x2;
	s17 =	simm.s32 $0xB;
	s7 =	sadd.s32 s5, s4  }
0xb: {  	s3 =	ssub.s32 s3, s8;
	s18 =	sadd.s32 $0xD400, s6;
	s6 =	sadd.s32 $0x3600, s6  }
0xc: {  	s4 =	sshrl.u32 s4, $0x4;
	s8 =	sadd.s32 s20, s2;
	s20 =	simm.s32 $0xA640  }
0xd: {  	s5 =	simm.s32 $0x9;
	s7 =	sshrl.u32 s7, $0x4;
	[dreg:$0x4] =	wrdreg s18  }
0xe: {  	[dreg:$0x5] =	wrdreg s6;
	s6 =	sadd.s32 s0, s4;
	s0 =	sadd.s32 s19, s2  }
0xf: {  	s21 =	smax.u32 s3, $0x1;
	s22 =	sadd.s32 $0xA00, s8;
	s23 =	sadd.s32 $0x1400, s8  }
0x10: {  	s24 =	sadd.s32 $0x1E00, s8;
	s25 =	sadd.s32 $0x2800, s8;
	[dreg:$0x7] =	wrdreg s21  }
0x11: {  	s26 =	sadd.s32 $0x3200, s8;
	s15 =	sadd.s32 $0x3C00, s8;
	[dreg:$0x8] =	wrdreg s22  }
0x12: {  	s16 =	sadd.s32 $0x4600, s8;
	s19 =	simm.s32 $0x50;
	[dreg:$0x9] =	wrdreg s23  }
0x13: {  	s3 =	simm.s32 $0x5;
	s4 =	simm.s32 $0x8;
	[dreg:$0xa] =	wrdreg s24  }
.Ltmp0:
0x14: {  	s1 =	sadd.s32 s7, s1;
	[dreg:$0xb] =	wrdreg s25;
	(pc) =	sbr.rel .LBB2_1-.Ltmp0, $4  }
0x15: {  	[dreg:$0xc] =	wrdreg s26;
	s21 =	simm.s32 $0xB040;
	s23 =	simm.s32 $0xBA40  }
0x16: {  	s25 =	sshrl.u32 s0, $0x3;
	s26 =	simm.s32 $0xC440;
	s0 =	simm.s32 $0x2  }
0x17: {  	s22 =	simm.s32 $0x3;
	s24 =	simm.s32 $0x4;
	s1 =	sadd.s32 $0x17200, s1  }
0x18: {  	v0 =	vimm.bf16 $0.0e+00;
	s7 =	simm.s32 $0xA;
	[dreg:$0x6] =	wrdreg s1;
	s1 =	simm.s32 $0x7  }
.LBB2_6:
0x19: {  	_ =	swait.ge [sflag:s5], $0xA00  }
0x1a: {  	[sflag:s5] =	ssyncset.done $0x0  }
0x1b: {  	[sflag:s5] =	ssyncadd.s32 $0xFFFFF600  }
0x1c: {  	_ =	swait.ge [sflag:s7], $0xA00  }
0x1d: {  	[sflag:s7] =	ssyncset.done $0x0  }
0x1e: {  	s10 =	stileid.u32;
	[sflag:s7] =	ssyncadd.s32 $0xFFFFF600  }
0x1f: {  	s10 =	sshll.u32 s10, $0x6;
	[bflag:$0x0] =	sbarrier.arrive $0xFFFF  }
0x20: {  	s10 =	sor.u32 $0x1C0B, s10;
	s11 =	rddreg [dreg:$0x6]  }
0x21: {  	[hbm:s11], [sflag:s10] =	dma.local [spmem:s25], $0xA00  }
0x22: {  	_ =	swait.ge [sflag:s17], $0xA00  }
0x23: {  	s9 =	sadd.s32 $0x1, s9;
	s18 =	rddreg [dreg:$0x7]  }
0x24: {  	p0 =	sne.s32 s9, s18  }
.Ltmp1:
0x25: {  	_ = 	snop;
	(pc) =	sbr.rel @!p0 .LBB2_7-.Ltmp1, $3  }
0x26: {  	_ =	sdelay $0x1  }
0x27: {  	[sflag:s17] =	ssyncset.done $0x0  }
0x28: {  	[sflag:s17] =	ssyncadd.s32 $0xFFFFF600  }
.LBB2_1:
0x29: {  	s11 =	simm.s32 $0x0  }
0x2a: {  	s10 =	sand.u32 $0x3F80, s11;
	s11 =	sand.u32 $0x20, s11  }
0x2b: {  	s10 =	sshrl.u32 s10, $0x2;
	s11 =	sshrl.u32 s11, $0x1  }
0x2c: {  	s11 =	sor.u32 s11, s10  }
0x2d: {  	s10 =	simm.s32 $0x40;
	[tilespmem:s11+$0x9C40] =	vst v0;
	s11 =	simm.s32 $0x0  }
.LBB2_2:
0x2e: {  	p0 =	sne.s32 s10, $0x27C0  }
.Ltmp2:
0x2f: {  	s12 =	sand.u32 $0x3F80, s10;
	s11 =	sadd.s32 $0x20, s11;
	(pc) =	sbr.rel @p0 .LBB2_2-.Ltmp2, $4  }
0x30: {  	s10 =	sadd.s32 $0x40, s10;
	s13 =	sand.u32 $0x20, s11  }
0x31: {  	s12 =	sshrl.u32 s12, $0x2;
	s13 =	sshrl.u32 s13, $0x1  }
0x32: {  	s12 =	sor.u32 s13, s12  }
0x33: {  	[tilespmem:s12+$0x9C40] =	vst v0  }
0x34: {  	s10 =	simm.s32 $0x0;
	s11 =	rddreg [dreg:$0x4]  }
0x35: {  	[tilespmem:s10], [sflag:$0xB] =	stream.linear.gather [hbm4b:s11+s10], $0x4E20, $0x38;
	[tilespmem:$0x12840] =	vst v63  }
0x36: {  	_ =	swait.ge [sflag:s17], $0x4E20  }
0x37: {  	[sflag:s17] =	ssyncset.done $0x0  }
0x38: {  	s12 =	simm.s32 $0x4E20;
	s13 =	rddreg [dreg:$0x5];
	[sflag:s17] =	ssyncadd.s32 $0xFFFFB1E0  }
0x39: {  	[tilespmem:s12], [sflag:$0xB] =	stream.linear.gather [hbm4b:s13+s10], $0x4E20, $0x38;
	[tilespmem:$0x12840] =	vst v63  }
0x3a: {  	_ =	swait.ge [sflag:s17], $0x4E20  }
0x3b: {  	[sflag:s17] =	ssyncset.done $0x0  }
0x3c: {  	[sflag:s17] =	ssyncadd.s32 $0xFFFFB1E0  }
0x3d: {  	[tilespmem:s20], [sflag:$0x1] =	stream.indirect.gather [hbm4b:s6+s19], $0x20, s10, s19, $0xb8;
	[tilespmem:$0x12840] =	vst v63  }
0x3e: {  	_ = 	snop  }
0x3f: {  	[tilespmem:s21], [sflag:$0x2] =	stream.indirect.gather [hbm4b:s6+s19], $0x20, s19, s19, $0xb8;
	[tilespmem:$0x12840] =	vst v63  }
0x40: {  	s14 =	simm.s32 $0xA0  }
0x41: {  	[tilespmem:s23], [sflag:$0x3] =	stream.indirect.gather [hbm4b:s6+s19], $0x20, s14, s19, $0xb8;
	[tilespmem:$0x12840] =	vst v63  }
0x42: {  	s18 =	simm.s32 $0xF0  }
0x43: {  	[tilespmem:s26], [sflag:$0x4] =	stream.indirect.gather [hbm4b:s6+s19], $0x20, s18, s19, $0xb8;
	[tilespmem:$0x12840] =	vst v63  }
0x44: {  	s13 =	simm.s32 $0x140  }
0x45: {  	[tilespmem:s29], [sflag:$0x5] =	stream.indirect.gather [hbm4b:s6+s19], $0x20, s13, s19, $0xb8;
	[tilespmem:$0x12840] =	vst v63  }
0x46: {  	_ = 	snop  }
0x47: {  	[spmem:s8] =	stream.linear.scatter [tilespmem:s30], [sflag:$0xB], $0xA00, $0x38;
	[tilespmem:$0x12840] =	vst v63  }
0x48: {  	_ =	swait.ge [sflag:s17], $0xA00  }
0x49: {  	[sflag:s17] =	ssyncset.done $0x0  }
0x4a: {  	s14 =	rddreg [dreg:$0x8];
	[sflag:s17] =	ssyncadd.s32 $0xFFFFF600  }
0x4b: {  	[spmem:s14] =	stream.linear.scatter [tilespmem:s30], [sflag:$0xB], $0xA00, $0x38;
	[tilespmem:$0x12840] =	vst v63  }
0x4c: {  	_ =	swait.ge [sflag:s17], $0xA00  }
0x4d: {  	[sflag:s17] =	ssyncset.done $0x0  }
0x4e: {  	s18 =	rddreg [dreg:$0x9];
	[sflag:s17] =	ssyncadd.s32 $0xFFFFF600  }
0x4f: {  	[spmem:s18] =	stream.linear.scatter [tilespmem:s30], [sflag:$0xB], $0xA00, $0x38;
	[tilespmem:$0x12840] =	vst v63  }
0x50: {  	_ =	swait.ge [sflag:s17], $0xA00  }
0x51: {  	[sflag:s17] =	ssyncset.done $0x0  }
0x52: {  	s13 =	rddreg [dreg:$0xa];
	[sflag:s17] =	ssyncadd.s32 $0xFFFFF600  }
0x53: {  	[spmem:s13] =	stream.linear.scatter [tilespmem:s30], [sflag:$0xB], $0xA00, $0x38;
	[tilespmem:$0x12840] =	vst v63  }
0x54: {  	_ =	swait.ge [sflag:s17], $0xA00  }
0x55: {  	[sflag:s17] =	ssyncset.done $0x0  }
0x56: {  	s14 =	rddreg [dreg:$0xb];
	[sflag:s17] =	ssyncadd.s32 $0xFFFFF600  }
0x57: {  	[spmem:s14] =	stream.linear.scatter [tilespmem:s30], [sflag:$0xB], $0xA00, $0x38;
	[tilespmem:$0x12840] =	vst v63  }
0x58: {  	_ =	swait.ge [sflag:s17], $0xA00  }
0x59: {  	[sflag:s17] =	ssyncset.done $0x0  }
0x5a: {  	s18 =	rddreg [dreg:$0xc];
	[sflag:s17] =	ssyncadd.s32 $0xFFFFF600  }
0x5b: {  	[spmem:s18] =	stream.linear.scatter [tilespmem:s30], [sflag:$0xB], $0xA00, $0x38;
	[tilespmem:$0x12840] =	vst v63  }
0x5c: {  	_ =	swait.ge [sflag:s17], $0xA00  }
0x5d: {  	[sflag:s17] =	ssyncset.done $0x0  }
0x5e: {  	[sflag:s17] =	ssyncadd.s32 $0xFFFFF600  }
0x5f: {  	[spmem:s15] =	stream.linear.scatter [tilespmem:s30], [sflag:$0xB], $0xA00, $0x38;
	[tilespmem:$0x12840] =	vst v63  }
0x60: {  	_ =	swait.ge [sflag:s17], $0xA00  }
0x61: {  	[sflag:s17] =	ssyncset.done $0x0  }
0x62: {  	[sflag:s17] =	ssyncadd.s32 $0xFFFFF600  }
0x63: {  	[spmem:s16] =	stream.linear.scatter [tilespmem:s30], [sflag:$0xB], $0xA00, $0x38;
	[tilespmem:$0x12840] =	vst v63  }
0x64: {  	_ =	swait.ge [sflag:s17], $0xA00  }
0x65: {  	[sflag:s17] =	ssyncset.done $0x0  }
0x66: {  	[sflag:s17] =	ssyncadd.s32 $0xFFFFF600  }
0x67: {  	[bflag:$0x0] =	sbarrier.arrive $0xFFFF  }
0x68: {  	_ =	swait.ge [sflag:s31], $0xA00  }
0x69: {  	[sflag:s31] =	ssyncset.done $0x0  }
0x6a: {  	[sflag:s31] =	ssyncadd.s32 $0xFFFFF600  }
0x6b: {  	[spmem:s2] =	stream.indirect.scatter.add.bf16 [tilespmem:s20], [sflag:$0x6], $0x20, s12, s19, $0xb8;
	[tilespmem:$0x12840] =	vst v63  }
0x6c: {  	_ =	swait.ge [sflag:s0], $0xA00  }
0x6d: {  	[sflag:s0] =	ssyncset.done $0x0  }
0x6e: {  	s13 =	simm.s32 $0x4E70;
	[sflag:s0] =	ssyncadd.s32 $0xFFFFF600  }
0x6f: {  	[spmem:s2] =	stream.indirect.scatter.add.bf16 [tilespmem:s21], [sflag:$0x7], $0x20, s13, s19, $0xb8;
	[tilespmem:$0x12840] =	vst v63  }
0x70: {  	_ =	swait.ge [sflag:s22], $0xA00  }
0x71: {  	[sflag:s22] =	ssyncset.done $0x0  }
0x72: {  	s14 =	simm.s32 $0x4EC0;
	[sflag:s22] =	ssyncadd.s32 $0xFFFFF600  }
0x73: {  	[spmem:s2] =	stream.indirect.scatter.add.bf16 [tilespmem:s23], [sflag:$0x8], $0x20, s14, s19, $0xb8;
	[tilespmem:$0x12840] =	vst v63  }
0x74: {  	_ =	swait.ge [sflag:s28], $0xA00  }
0x75: {  	[sflag:s28] =	ssyncset.done $0x0  }
0x76: {  	s18 =	simm.s32 $0x190;
	[sflag:s28] =	ssyncadd.s32 $0xFFFFF600  }
0x77: {  	[tilespmem:s20], [sflag:$0x1] =	stream.indirect.gather [hbm4b:s6+s19], $0x20, s18, s19, $0xb8;
	[tilespmem:$0x12840] =	vst v63  }
0x78: {  	_ =	swait.ge [sflag:s24], $0xA00  }
0x79: {  	[sflag:s24] =	ssyncset.done $0x0  }
0x7a: {  	s12 =	simm.s32 $0x4F10;
	[sflag:s24] =	ssyncadd.s32 $0xFFFFF600  }
0x7b: {  	[spmem:s2] =	stream.indirect.scatter.add.bf16 [tilespmem:s26], [sflag:$0x9], $0x20, s12, s19, $0xb8;
	[tilespmem:$0x12840] =	vst v63  }
0x7c: {  	_ =	swait.ge [sflag:s1], $0xA00  }
0x7d: {  	[sflag:s1] =	ssyncset.done $0x0  }
0x7e: {  	s13 =	simm.s32 $0x1E0;
	[sflag:s1] =	ssyncadd.s32 $0xFFFFF600  }
0x7f: {  	[tilespmem:s21], [sflag:$0x2] =	stream.indirect.gather [hbm4b:s6+s19], $0x20, s13, s19, $0xb8;
	[tilespmem:$0x12840] =	vst v63  }
0x80: {  	_ =	swait.ge [sflag:s3], $0xA00  }
0x81: {  	[sflag:s3] =	ssyncset.done $0x0  }
0x82: {  	s14 =	simm.s32 $0x4F60;
	[sflag:s3] =	ssyncadd.s32 $0xFFFFF600  }
0x83: {  	[spmem:s2] =	stream.indirect.scatter.add.bf16 [tilespmem:s29], [sflag:$0xA], $0x20, s14, s19, $0xb8;
	[tilespmem:$0x12840] =	vst v63  }
0x84: {  	_ =	swait.ge [sflag:s4], $0xA00  }
0x85: {  	[sflag:s4] =	ssyncset.done $0x0  }
0x86: {  	s18 =	simm.s32 $0x230;
	[sflag:s4] =	ssyncadd.s32 $0xFFFFF600  }
0x87: {  	[tilespmem:s23], [sflag:$0x3] =	stream.indirect.gather [hbm4b:s6+s19], $0x20, s18, s19, $0xb8;
	[tilespmem:$0x12840] =	vst v63  }
.LBB2_4:
0x88: {  	_ =	swait.ge [sflag:s31], $0xA00  }
0x89: {  	s11 =	sshra.s32 s10, $0x2;
	[sflag:s31] =	ssyncset.done $0x0  }
0x8a: {  	s12 =	sadd.s32 $0x4FB0, s11;
	[sflag:s31] =	ssyncadd.s32 $0xFFFFF600  }
0x8b: {  	[spmem:s2] =	stream.indirect.scatter.add.bf16 [tilespmem:s20], [sflag:$0x6], $0x20, s12, s19, $0xb8;
	[tilespmem:$0x12840] =	vst v63  }
0x8c: {  	_ =	swait.ge [sflag:s5], $0xA00  }
0x8d: {  	[sflag:s5] =	ssyncset.done $0x0  }
0x8e: {  	s14 =	sadd.s32 $0x280, s11;
	[sflag:s5] =	ssyncadd.s32 $0xFFFFF600  }
0x8f: {  	[tilespmem:s26], [sflag:$0x4] =	stream.indirect.gather [hbm4b:s6+s19], $0x20, s14, s19, $0xb8;
	[tilespmem:$0x12840] =	vst v63  }
0x90: {  	_ =	swait.ge [sflag:s0], $0xA00  }
0x91: {  	[sflag:s0] =	ssyncset.done $0x0  }
0x92: {  	s18 =	sadd.s32 $0x5000, s11;
	[sflag:s0] =	ssyncadd.s32 $0xFFFFF600  }
0x93: {  	[spmem:s2] =	stream.indirect.scatter.add.bf16 [tilespmem:s21], [sflag:$0x7], $0x20, s18, s19, $0xb8;
	[tilespmem:$0x12840] =	vst v63  }
0x94: {  	_ =	swait.ge [sflag:s7], $0xA00  }
0x95: {  	[sflag:s7] =	ssyncset.done $0x0  }
0x96: {  	s13 =	sadd.s32 $0x2D0, s11;
	[sflag:s7] =	ssyncadd.s32 $0xFFFFF600  }
0x97: {  	[tilespmem:s29], [sflag:$0x5] =	stream.indirect.gather [hbm4b:s6+s19], $0x20, s13, s19, $0xb8;
	[tilespmem:$0x12840] =	vst v63  }
0x98: {  	_ =	swait.ge [sflag:s22], $0xA00  }
0x99: {  	[sflag:s22] =	ssyncset.done $0x0  }
0x9a: {  	s14 =	sadd.s32 $0x5050, s11;
	[sflag:s22] =	ssyncadd.s32 $0xFFFFF600  }
0x9b: {  	[spmem:s2] =	stream.indirect.scatter.add.bf16 [tilespmem:s23], [sflag:$0x8], $0x20, s14, s19, $0xb8;
	[tilespmem:$0x12840] =	vst v63  }
0x9c: {  	_ =	swait.ge [sflag:s28], $0xA00  }
0x9d: {  	p0 =	seq.s32 s10, $0x12C00;
	[sflag:s28] =	ssyncset.done $0x0  }
0x9e: {  	s12 =	simm.s32 @p0 $0x4;
	[sflag:s28] =	ssyncadd.s32 $0xFFFFF600  }
0x9f: {  	_ =	swait.ge @p0 [sflag:s12], $0xA00  }
0xa0: {  	[sflag:s12] =	ssyncset.done @p0 $0x0  }
0xa1: {  	[sflag:s12] =	ssyncadd.s32 @p0 $0xFFFFF600;
	s12 =	sshra.s32 @p0 s10, $0x2  }
0xa2: {  	s13 =	simm.s32 @p0 $0x50;
	s14 =	simm.s32 @p0 $0xC440;
	s12 =	sadd.s32 @p0 $0x50A0, s12  }
0xa3: {  	[spmem:s2] =	stream.indirect.scatter.add.bf16 @p0 [tilespmem:s14], [sflag:$0x9], $0x20, s12, s13, $0xb8;
	[tilespmem:$0x12840] =	vst v63  }
0xa4: {  	s12 =	simm.s32 @p0 $0x7  }
0xa5: {  	_ =	swait.ge @p0 [sflag:s12], $0xA00  }
0xa6: {  	[sflag:s12] =	ssyncset.done @p0 $0x0  }
0xa7: {  	[sflag:s12] =	ssyncadd.s32 @p0 $0xFFFFF600;
	s12 =	sshra.s32 @!p0 s10, $0x2  }
0xa8: {  	s18 =	simm.s32 @!p0 $0xA640;
	s14 =	simm.s32 @!p0 $0x50;
	s13 =	sadd.s32 @!p0 $0x320, s12  }
0xa9: {  	[tilespmem:s18], [sflag:$0x1] =	stream.indirect.gather @!p0 [hbm4b:s6+s14], $0x20, s13, s14, $0xb8;
	[tilespmem:$0x12840] =	vst v63  }
0xaa: {  	s13 =	simm.s32 @!p0 $0x4  }
0xab: {  	_ =	swait.ge @!p0 [sflag:s13], $0xA00  }
0xac: {  	[sflag:s13] =	ssyncset.done @!p0 $0x0  }
0xad: {  	s18 =	simm.s32 @!p0 $0xC440;
	[sflag:s13] =	ssyncadd.s32 @!p0 $0xFFFFF600;
	s13 =	sadd.s32 @!p0 $0x50A0, s12  }
0xae: {  	[spmem:s2] =	stream.indirect.scatter.add.bf16 @!p0 [tilespmem:s18], [sflag:$0x9], $0x20, s13, s14, $0xb8;
	[tilespmem:$0x12840] =	vst v63  }
0xaf: {  	s13 =	simm.s32 @!p0 $0x7  }
0xb0: {  	_ =	swait.ge @!p0 [sflag:s13], $0xA00  }
0xb1: {  	[sflag:s13] =	ssyncset.done @!p0 $0x0  }
0xb2: {  	s12 =	sadd.s32 @!p0 $0x370, s12;
	[sflag:s13] =	ssyncadd.s32 @!p0 $0xFFFFF600;
	s13 =	simm.s32 @!p0 $0xB040  }
0xb3: {  	[tilespmem:s13], [sflag:$0x2] =	stream.indirect.gather @!p0 [hbm4b:s6+s14], $0x20, s12, s14, $0xb8;
	[tilespmem:$0x12840] =	vst v63  }
0xb4: {  	_ =	swait.ge [sflag:s3], $0xA00  }
0xb5: {  	[sflag:s3] =	ssyncset.done $0x0  }
.Ltmp3:
0xb6: {  	s18 =	sadd.s32 $0x50F0, s11;
	[sflag:s3] =	ssyncadd.s32 $0xFFFFF600;
	(pc) =	sbr.rel @p0 .LBB2_6-.Ltmp3, $4  }
0xb7: {  	[spmem:s2] =	stream.indirect.scatter.add.bf16 [tilespmem:s29], [sflag:$0xA], $0x20, s18, s19, $0xb8;
	[tilespmem:$0x12840] =	vst v63  }
0xb8: {  	_ =	swait.ge [sflag:s4], $0xA00  }
0xb9: {  	[sflag:s4] =	ssyncset.done $0x0  }
0xba: {  	[sflag:s4] =	ssyncadd.s32 $0xFFFFF600  }
.Ltmp4:
0xbb: {  	(pc) =	sbr.rel .LBB2_4-.Ltmp4, $3  }
0xbc: {  	_ =	sdelay $0x1  }
0xbd: {  	s11 =	sadd.s32 $0x3C0, s11;
	s10 =	sadd.s32 $0x640, s10  }
0xbe: {  	[tilespmem:s23], [sflag:$0x3] =	stream.indirect.gather [hbm4b:s6+s19], $0x20, s11, s19, $0xb8;
	[tilespmem:$0x12840] =	vst v63  }
.LBB2_7:
0xbf: {  	_ =	sfence.sel $0x180000  }
0xc0: {  	[bflag:$0x0] =	sbarrier.arrive $0xFFFF  }
0xc1: {  	_ =	strace $0x9000004A  }
0xc2: {  	s0 =	stileid.u32;
	[bflag:$0x2] =	sbarrier.arrive $0xFFFF  }
0xc3: {  	p0 =	sne.s32 s0, $0x0;
	s0 =	rddreg [dreg:$0x3]  }
0xc4: {  	s0 =	sadd.s32 @!p0 $0x100000, s0  }
0xc5: {  	[sflag:s0] =	ssyncadd.tile.s32 @!p0 $0x1;
	_ =	shalt  }
.Lfunc_end2:
_tile_overlayer_lowered:
.L_overlay_start_2:
0xc6: {  	(tag) =	ssettag $0x2  }
0xc7: {  	s0 =	rddreg [dreg:$0x0];
	s2 =	stileid.u32  }
0xc8: {  	s1 =	rddreg [dreg:$0x1];
	p0 =	sne.s32 s2, $0x0  }
0xc9: {  	s3 =	rddreg [dreg:$0x2];
	[bflag:$0x3] =	sbarrier.arrive $0xFFFF;
	s2 =	simm.s32 @!p0 $0x1C0B  }
0xca: {  	[timem:s3], [sflag:s2] =	dma.local @!p0 [hbm:s0], s1  }
0xcb: {  	s0 =	simm.s32 @!p0 $0xB  }
0xcc: {  	_ =	swait.ge @!p0 [sflag:s0], s1  }
0xcd: {  	s1 =	ssub.s32 @!p0 $0x0, s1;
	[sflag:s0] =	ssyncset.done @!p0 $0x0  }
0xce: {  	[sflag:s0] =	ssyncadd.s32 @!p0 s1  }
0xcf: {  	[bflag:$0x3] =	sbarrier.arrive $0xFFFF  }
0xd0: {  	_ =	shalt  }

// kernel: kernel.19.cloned.1.call-start
scs
__scs_entry_jumppad:
0x0: {  	(pc) =	sbr.rel $0x88, $3  }
0x1: {  	(tag) =	ssettag $0x0;
	lr =	simm.s32 $0x1  }
0x2: {  	[smem:$0x3F95] =	sst lr;
	_ =	strace $0xD0000000  }
0x3: {  	_ = 	snop  }
0x4: {  	_ = 	snop  }
0x5: {  	_ = 	snop  }
0x6: {  	_ = 	snop  }
0x7: {  	_ = 	snop  }
__scs_overlays_trampoline_lowered:
0x8: {  	[smem:$0x3FA4] =	sst s0  }
0x9: {  	[smem:$0x3FA5] =	sst s1  }
0xa: {  	[smem:$0x3FA6] =	sst s2  }
0xb: {  	[smem:$0x3FA7] =	sst s3  }
0xc: {  	[smem:$0x3FA8] =	sst s4  }
0xd: {  	[smem:$0x3FA9] =	sst s5  }
0xe: {  	[smem:$0x3FAA] =	sst s6  }
0xf: {  	[smem:$0x3FAB] =	sst s7  }
0x10: {  	[smem:$0x3FAC] =	sst s8  }
0x11: {  	[smem:$0x3FAD] =	sst s9;
	s0 =	simm.s32 @!p0 $0x0  }
0x12: {  	s1 =	sld [smem:$0x3F93];
	s0 =	simm.s32 @p0 $0x1  }
0x13: {  	[smem:$0x3FAE] =	sst s0;
	s0 =	simm.s32 @!p1 $0x0  }
0x14: {  	s2 =	sld [smem:$0x3F92];
	s0 =	simm.s32 @p1 $0x1  }
0x15: {  	[smem:$0x3FAF] =	sst s0;
	s0 =	simm.s32 @!p2 $0x0  }
0x16: {  	s3 =	sld [smem:$0x3FDB];
	s0 =	simm.s32 @p2 $0x1  }
0x17: {  	s4 =	simm.s32 $0x1BF5;
	[smem:$0x3FB1] =	sst s0  }
0x18: {  	s0 =	sld [smem:$0x3F94];
	_ =	swait.ge [sflag:s4], $0x0  }
0x19: {  	s7 =	sld [smem:$0x3F95]  }
0x1a: {  	s8 =	sadd.s32 $0xFFFFE003, lr  }
0x1b: {  	s9 =	sadd.s32 $0xFFFFFEF7, lr;
	s5 =	simm.s32 $0xFFFFFFFF;
	p2 =	slt.u32 s8, $0xFFFFF086  }
0x1c: {  	p1 =	slt.u32 s9, $0xF7A;
	s5 =	simm.s32 @!p2 $0x0  }
0x1d: {  	s5 =	simm.s32 @p1 $0x1;
	p0 =	seq.s32 s7, s2  }
0x1e: {  	s7 =	smul.u32 @!p0 $0xF7A, s2;
	p2 =	seq.s32 @!p0 s5, $0x0  }
0x1f: {  	s9 =	smul.u32 $0xF7A, s1;
	s8 =	simm.s32 @!p0 $0x1BF5;
	p2 =	por !p2, p0  }
0x20: {  	[sflag:s8] =	ssyncset.s32 @!p0 $0xFFFFF086;
	s6 =	sadd.s32 @!p0 s3, s7;
	s7 =	simm.s32 @!p0 $0x108  }
0x21: {  	s3 =	sadd.s32 s3, s9;
	s6 =	sadd.s32 @!p0 $0x88, s6;
	s7 =	simm.s32 @p2 $0x1082  }
0x22: {  	[simem:s7], [sflag:s8] =	dma.local @!p0 [hbm:s6], $0xF7A  }
0x23: {  	s9 =	sor.u32 $0xD0000000, s2;
	s6 =	simm.s32 $0x108;
	_ =	swait.ge @!p0 [sflag:s8], $0x0  }
0x24: {  	s3 =	sadd.s32 $0x88, s3;
	s6 =	simm.s32 @!p1 $0x1082;
	[sflag:s4] =	ssyncset.s32 $0xFFFFF086  }
0x25: {  	[simem:s6], [sflag:s4] =	dma.local [hbm:s3], $0xF7A  }
0x26: {  	[smem:$0x3F95] =	sst s1;
	(tag) =	ssettag s2;
	_ =	strace s9  }
0x27: {  	s1 =	sld [smem:$0x3FA5]  }
0x28: {  	s2 =	sld [smem:$0x3FA6]  }
0x29: {  	s4 =	sld [smem:$0x3FA8]  }
0x2a: {  	p0 =	seq.s32 s5, $0x0;
	s5 =	sld [smem:$0x3FA9]  }
0x2b: {  	s6 =	sld [smem:$0x3FAA]  }
0x2c: {  	s7 =	sld [smem:$0x3FAB]  }
0x2d: {  	s3 =	simm.s32 $0x108;
	s8 =	sld [smem:$0x3FAC]  }
0x2e: {  	s3 =	simm.s32 @!p0 $0x1082;
	s9 =	sld [smem:$0x3FAD]  }
0x2f: {  	lr =	sadd.s32 s0, s3;
	s0 =	sld [smem:$0x3FA4]  }
0x30: {  	s3 =	sld [smem:$0x3FA7]  }
0x31: {  	[smem:$0x3FB0] =	sst s10  }
0x32: {  	s10 =	sld [smem:$0x3FAE];
	_ =	sdelay $0x3  }
0x33: {  	p0 =	seq.s32 s10, $0x1;
	s10 =	sld [smem:$0x3FB0];
	_ =	sdelay $0x3  }
0x34: {  	[smem:$0x3FB0] =	sst s10  }
0x35: {  	s10 =	sld [smem:$0x3FAF];
	_ =	sdelay $0x3  }
0x36: {  	p1 =	seq.s32 s10, $0x1;
	s10 =	sld [smem:$0x3FB0];
	_ =	sdelay $0x3  }
0x37: {  	[smem:$0x3FB0] =	sst s10  }
0x38: {  	s10 =	sld [smem:$0x3FB1]  }
0x39: {  	_ = 	snop;
	(pc) =	sbr.ind lr, $3  }
0x3a: {  	_ = 	snop  }
0x3b: {  	_ = 	snop  }
0x3c: {  	p2 =	seq.s32 s10, $0x1;
	s10 =	sld [smem:$0x3FB0]  }
0x3d: {  	_ =	shalt  }
0x3e: {  	_ =	shalt  }
0x3f: {  	_ =	shalt  }
0x40: {  	_ =	shalt  }
0x41: {  	_ =	shalt  }
0x42: {  	_ =	shalt  }
0x43: {  	_ =	shalt  }
0x44: {  	_ =	shalt  }
0x45: {  	_ =	shalt  }
0x46: {  	_ =	shalt  }
0x47: {  	_ =	shalt  }
0x48: {  	_ =	shalt  }
0x49: {  	_ =	shalt  }
0x4a: {  	_ =	shalt  }
0x4b: {  	_ =	shalt  }
0x4c: {  	_ =	shalt  }
0x4d: {  	_ =	shalt  }
0x4e: {  	_ =	shalt  }
0x4f: {  	_ =	shalt  }
0x50: {  	_ =	shalt  }
0x51: {  	_ =	shalt  }
0x52: {  	_ =	shalt  }
0x53: {  	_ =	shalt  }
0x54: {  	_ =	shalt  }
0x55: {  	_ =	shalt  }
0x56: {  	_ =	shalt  }
0x57: {  	_ =	shalt  }
0x58: {  	_ =	shalt  }
0x59: {  	_ =	shalt  }
0x5a: {  	_ =	shalt  }
0x5b: {  	_ =	shalt  }
0x5c: {  	_ =	shalt  }
0x5d: {  	_ =	shalt  }
0x5e: {  	_ =	shalt  }
0x5f: {  	_ =	shalt  }
0x60: {  	_ =	shalt  }
0x61: {  	_ =	shalt  }
0x62: {  	_ =	shalt  }
0x63: {  	_ =	shalt  }
0x64: {  	_ =	shalt  }
0x65: {  	_ =	shalt  }
0x66: {  	_ =	shalt  }
0x67: {  	_ =	shalt  }
0x68: {  	_ =	shalt  }
0x69: {  	_ =	shalt  }
0x6a: {  	_ =	shalt  }
0x6b: {  	_ =	shalt  }
0x6c: {  	_ =	shalt  }
0x6d: {  	_ =	shalt  }
0x6e: {  	_ =	shalt  }
0x6f: {  	_ =	shalt  }
0x70: {  	_ =	shalt  }
0x71: {  	_ =	shalt  }
0x72: {  	_ =	shalt  }
0x73: {  	_ =	shalt  }
0x74: {  	_ =	shalt  }
0x75: {  	_ =	shalt  }
0x76: {  	_ =	shalt  }
0x77: {  	_ =	shalt  }
0x78: {  	_ =	shalt  }
0x79: {  	_ =	shalt  }
0x7a: {  	_ =	shalt  }
0x7b: {  	_ =	shalt  }
0x7c: {  	_ =	shalt  }
0x7d: {  	_ =	shalt  }
0x7e: {  	_ =	shalt  }
0x7f: {  	_ =	shalt  }
0x80: {  	_ =	shalt  }
0x81: {  	_ =	shalt  }
0x82: {  	_ =	shalt  }
0x83: {  	_ =	shalt  }
0x84: {  	_ =	shalt  }
0x85: {  	_ =	shalt  }
0x86: {  	_ =	shalt  }
0x87: {  	_ =	shalt  }
.Lfunc_end0:
.L_simem_size_0:
called_computation.2_lowered:
.L_overlay_start_0:
0x88: {  	s2 =	sld [smem:$0x3FD9]  }
0x89: {  	s3 =	sld [smem:$0x3FFE];
	_ =	sdelay $0x1  }
0x8a: {  	s1 =	srdreg.scid  }
0x8b: {  	s0 =	sand.u32 $0x1, s1  }
0x8c: {  	s17 =	sshll.u32 s0, $0xA;
	s2 =	sadd.s32 s3, s2  }
0x8d: {  	s2 =	sadd.s32 s2, s17  }
0x8e: {  	[smem:$0x3FBC] =	sst s2  }
0x8f: {  	_ = 	snop  }
0x90: {  	s2 =	sld [smem:$0x3FD0];
	(tm) =	ssettm $0x1  }
0x91: {  	s18 =	sld [smem:$0x3FFB];
	_ =	sdelay $0x3  }
0x92: {  	_ =	strace s18  }
0x93: {  	s3 =	sld [smem:$0x3FFC];
	_ =	sdelay $0x3  }
0x94: {  	_ =	strace s3  }
0x95: {  	s3 =	sld [smem:$0x3FFD];
	_ =	sdelay $0x3  }
0x96: {  	_ =	strace s3  }
0x97: {  	_ =	strace $0x8FFFFFFF  }
0x98: {  	s19 =	sld [smem:$0x3FDB];
	_ =	sdelay $0x1  }
0x99: {  	s4 =	simm.s32 $_scs_section_size  }
0x9a: {  	s5 =	simm.s32 $_size__tile_overlayer_lowered;
	s6 =	simm.s32 $_tile_overlayer_lowered  }
0x9b: {  	s22 =	simm.s32 $0x1BFF;
	s21 =	sshll.u32 s6, $0x1;
	s3 =	sadd.s32 s4, s19  }
0x9c: {  	s7 =	simm.s32 $0x0;
	s20 =	sshll.u32 s5, $0x1;
	s5 =	sadd.s32 s21, s3  }
0x9d: {  	[timem:s7], [sflag:s22] =	dma.local [hbm:s5], s20  }
0x9e: {  	_ =	swait.ge [sflag:s22], s20  }
0x9f: {  	s4 =	ssub.s32 $0x0, s20;
	[sflag:s22] =	ssyncset.done $0x0  }
0xa0: {  	[sflag:s22] =	ssyncadd.s32 s4;
	_ =	sdelay $0x1  }
0xa1: {  	s23 =	simm.s32 $0x1B8B  }
0xa2: {  	_ =	swait.ge [sflag:s23], $0x1  }
0xa3: {  	[sflag:s23] =	ssyncset.done $0x0  }
0xa4: {  	s25 =	simm.s32 $0x1B8E;
	s24 =	sld [smem:$0x3FFE];
	[sflag:s23] =	ssyncadd.s32 $0xFFFFFFFF  }
0xa5: {  	s26 =	simm.s32 $execute0_lowered;
	[smem:$0x3FD2] =	sst s25  }
0xa6: {  	s5 =	sshll.u32 s26, $0x1;
	_ =	strace $0x8000004C;
	[dreg:$0x1] =	wrdreg $0xFFFFFFFF  }
0xa7: {  	s28 =	simm.s32 $_size_execute0_lowered;
	s3 =	sadd.s32 s3, s5;
	[dreg:$0x0] =	wrdreg $0x0  }
0xa8: {  	s5 =	sshll.u32 s28, $0x1;
	[dreg:$0x2] =	wrdreg s3  }
0xa9: {  	[dreg:$0x3] =	wrdreg s5  }
0xaa: {  	[dreg:$0x4] =	wrdreg $0xC0  }
0xab: {  	_ =	task [dreg:s7], $0x5FFFF  }
0xac: {  	[dreg:$0x1] =	wrdreg $0xFFFFFFFF  }
0xad: {  	[dreg:$0x0] =	wrdreg $0x60  }
0xae: {  	[dreg:$0x2] =	wrdreg s2  }
0xaf: {  	[dreg:$0x3] =	wrdreg s24  }
0xb0: {  	[dreg:$0x4] =	wrdreg $0xD8400  }
0xb1: {  	[dreg:$0x5] =	wrdreg $0x9  }
0xb2: {  	_ =	task.clear_ibuf [dreg:s7], $0x6FFFF;
	_ =	strace $0x9000004C  }
0xb3: {  	s29 =	simm.s32 $0x9;
	_ =	strace $0x8000004E  }
0xb4: {  	_ =	swait.ge [sflag:s29], $0x1  }
0xb5: {  	[sflag:s29] =	ssyncadd.s32 $0xFFFFFFFF  }
0xb6: {  	_ =	strace $0x9000004E  }
0xb7: {  	_ =	sfence  }
0xb8: {  	s30 =	sld [smem:$0x0];
	_ =	sdelay $0x2  }
0xb9: {  	s31 =	sshll.u32 s1, $0xD;
	s1 =	sshrl.u32 s1, $0x2  }
0xba: {  	s3 =	sand.u32 $0x4000, s31;
	s1 =	sadd.s32 s1, s30  }
0xbb: {  	s0 =	sor.u32 s3, s0;
	s1 =	sshll.u32 s1, $0x11  }
0xbc: {  	s0 =	sor.u32 s1, s0  }
0xbd: {  	s0 =	sadd.s32 $0x8F2B, s0  }
0xbe: {  	[sflag:s0] =	ssyncadd.remote.s32 $0x1  }
0xbf: {  	_ =	sfence.sel $0xFFFF  }
0xc0: {  	[dreg:$0x0] =	wrdreg $0xFFFFFFFF;
	(pc) =	sbr.abs _section_cstart, $3  }
0xc1: {  	[dreg:$0x1] =	wrdreg $0xFFFFFFFF  }
0xc2: {  	_ =	task.clear_ibuf [dreg:s7], $0x2FFFF;
	_ =	strace $0x9FFFFFFF  }
0xc3: {  	(tm) =	ssettm $0x7FFFFFFF  }
tec
execute0_lowered:
.L_overlay_start_1:
0x0: {  	(tag) =	ssettag $0x1  }
0x1: {  	s0 =	rddreg [dreg:$0x0]  }
0x2: {  	s1 =	rddreg [dreg:$0x1]  }
0x3: {  	s3 =	srdreg.scid;
	s2 =	rddreg [dreg:$0x2]  }
0x4: {  	s9 =	stileid.u32;
	s6 =	simm.s32 $0x0;
	s29 =	simm.s32 $0xCE40  }
0x5: {  	s30 =	simm.s32 $0x9C40;
	s31 =	simm.s32 $0x1;
	s5 =	smul.u32 $0xA000, s9  }
0x6: {  	s28 =	simm.s32 $0x6;
	s3 =	sand.u32 $0x1, s3;
	s16 =	smul.u32 $0x9C4, s9  }
0x7: {  	[smem:$0x7FF] =	sst s6;
	s17 =	smul.u32 $0x14000, s9;
	s9 =	simm.s32 $0x0  }
0x8: {  	s4 =	smul.u32 $0xA0000, s3;
	_ =	strace $0x8000004D;
	s3 =	ssub.s32 $0x2, s3  }
0x9: {  	s6 =	sadd.s32 s16, s1;
	s8 =	sshrl.u32 s3, $0x1;
	s19 =	sshrl.u32 s5, $0x1  }
0xa: {  	s20 =	sshrl.u32 s17, $0x2;
	s17 =	simm.s32 $0xB;
	s7 =	sadd.s32 s5, s4  }
0xb: {  	s3 =	ssub.s32 s3, s8;
	s18 =	sadd.s32 $0xD400, s6;
	s6 =	sadd.s32 $0x3600, s6  }
0xc: {  	s4 =	sshrl.u32 s4, $0x4;
	s8 =	sadd.s32 s20, s2;
	s20 =	simm.s32 $0xA640  }
0xd: {  	s5 =	simm.s32 $0x9;
	s7 =	sshrl.u32 s7, $0x4;
	[dreg:$0x4] =	wrdreg s18  }
0xe: {  	[dreg:$0x5] =	wrdreg s6;
	s6 =	sadd.s32 s0, s4;
	s0 =	sadd.s32 s19, s2  }
0xf: {  	s21 =	smax.u32 s3, $0x1;
	s22 =	sadd.s32 $0xA00, s8;
	s23 =	sadd.s32 $0x1400, s8  }
0x10: {  	s24 =	sadd.s32 $0x1E00, s8;
	s25 =	sadd.s32 $0x2800, s8;
	[dreg:$0x7] =	wrdreg s21  }
0x11: {  	s26 =	sadd.s32 $0x3200, s8;
	s15 =	sadd.s32 $0x3C00, s8;
	[dreg:$0x8] =	wrdreg s22  }
0x12: {  	s16 =	sadd.s32 $0x4600, s8;
	s19 =	simm.s32 $0x50;
	[dreg:$0x9] =	wrdreg s23  }
0x13: {  	s3 =	simm.s32 $0x5;
	s4 =	simm.s32 $0x8;
	[dreg:$0xa] =	wrdreg s24  }
.Ltmp0:
0x14: {  	s1 =	sadd.s32 s7, s1;
	[dreg:$0xb] =	wrdreg s25;
	(pc) =	sbr.rel .LBB2_1-.Ltmp0, $4  }
0x15: {  	[dreg:$0xc] =	wrdreg s26;
	s21 =	simm.s32 $0xB040;
	s23 =	simm.s32 $0xBA40  }
0x16: {  	s25 =	sshrl.u32 s0, $0x3;
	s26 =	simm.s32 $0xC440;
	s0 =	simm.s32 $0x2  }
0x17: {  	s22 =	simm.s32 $0x3;
	s24 =	simm.s32 $0x4;
	s1 =	sadd.s32 $0x17200, s1  }
0x18: {  	v0 =	vimm.bf16 $0.0e+00;
	s7 =	simm.s32 $0xA;
	[dreg:$0x6] =	wrdreg s1;
	s1 =	simm.s32 $0x7  }
.LBB2_6:
0x19: {  	_ =	swait.ge [sflag:s5], $0xA00  }
0x1a: {  	[sflag:s5] =	ssyncset.done $0x0  }
0x1b: {  	[sflag:s5] =	ssyncadd.s32 $0xFFFFF600  }
0x1c: {  	_ =	swait.ge [sflag:s7], $0xA00  }
0x1d: {  	[sflag:s7] =	ssyncset.done $0x0  }
0x1e: {  	s10 =	stileid.u32;
	[sflag:s7] =	ssyncadd.s32 $0xFFFFF600  }
0x1f: {  	s10 =	sshll.u32 s10, $0x6;
	[bflag:$0x0] =	sbarrier.arrive $0xFFFF  }
0x20: {  	s10 =	sor.u32 $0x1C0B, s10;
	s11 =	rddreg [dreg:$0x6]  }
0x21: {  	[hbm:s11], [sflag:s10] =	dma.local [spmem:s25], $0xA00  }
0x22: {  	_ =	swait.ge [sflag:s17], $0xA00  }
0x23: {  	s9 =	sadd.s32 $0x1, s9;
	s18 =	rddreg [dreg:$0x7]  }
0x24: {  	p0 =	sne.s32 s9, s18  }
.Ltmp1:
0x25: {  	_ = 	snop;
	(pc) =	sbr.rel @!p0 .LBB2_7-.Ltmp1, $3  }
0x26: {  	_ =	sdelay $0x1  }
0x27: {  	[sflag:s17] =	ssyncset.done $0x0  }
0x28: {  	[sflag:s17] =	ssyncadd.s32 $0xFFFFF600  }
.LBB2_1:
0x29: {  	s11 =	simm.s32 $0x0  }
0x2a: {  	s10 =	sand.u32 $0x3F80, s11;
	s11 =	sand.u32 $0x20, s11  }
0x2b: {  	s10 =	sshrl.u32 s10, $0x2;
	s11 =	sshrl.u32 s11, $0x1  }
0x2c: {  	s11 =	sor.u32 s11, s10  }
0x2d: {  	s10 =	simm.s32 $0x40;
	[tilespmem:s11+$0x9C40] =	vst v0;
	s11 =	simm.s32 $0x0  }
.LBB2_2:
0x2e: {  	p0 =	sne.s32 s10, $0x27C0  }
.Ltmp2:
0x2f: {  	s12 =	sand.u32 $0x3F80, s10;
	s11 =	sadd.s32 $0x20, s11;
	(pc) =	sbr.rel @p0 .LBB2_2-.Ltmp2, $4  }
0x30: {  	s10 =	sadd.s32 $0x40, s10;
	s13 =	sand.u32 $0x20, s11  }
0x31: {  	s12 =	sshrl.u32 s12, $0x2;
	s13 =	sshrl.u32 s13, $0x1  }
0x32: {  	s12 =	sor.u32 s13, s12  }
0x33: {  	[tilespmem:s12+$0x9C40] =	vst v0  }
0x34: {  	s10 =	simm.s32 $0x0;
	s11 =	rddreg [dreg:$0x4]  }
0x35: {  	[tilespmem:s10], [sflag:$0xB] =	stream.linear.gather [hbm4b:s11+s10], $0x4E20, $0x38;
	[tilespmem:$0x12840] =	vst v63  }
0x36: {  	_ =	swait.ge [sflag:s17], $0x4E20  }
0x37: {  	[sflag:s17] =	ssyncset.done $0x0  }
0x38: {  	s12 =	simm.s32 $0x4E20;
	s13 =	rddreg [dreg:$0x5];
	[sflag:s17] =	ssyncadd.s32 $0xFFFFB1E0  }
0x39: {  	[tilespmem:s12], [sflag:$0xB] =	stream.linear.gather [hbm4b:s13+s10], $0x4E20, $0x38;
	[tilespmem:$0x12840] =	vst v63  }
0x3a: {  	_ =	swait.ge [sflag:s17], $0x4E20  }
0x3b: {  	[sflag:s17] =	ssyncset.done $0x0  }
0x3c: {  	[sflag:s17] =	ssyncadd.s32 $0xFFFFB1E0  }
0x3d: {  	[tilespmem:s20], [sflag:$0x1] =	stream.indirect.gather [hbm4b:s6+s19], $0x20, s10, s19, $0xb8;
	[tilespmem:$0x12840] =	vst v63  }
0x3e: {  	_ = 	snop  }
0x3f: {  	[tilespmem:s21], [sflag:$0x2] =	stream.indirect.gather [hbm4b:s6+s19], $0x20, s19, s19, $0xb8;
	[tilespmem:$0x12840] =	vst v63  }
0x40: {  	s14 =	simm.s32 $0xA0  }
0x41: {  	[tilespmem:s23], [sflag:$0x3] =	stream.indirect.gather [hbm4b:s6+s19], $0x20, s14, s19, $0xb8;
	[tilespmem:$0x12840] =	vst v63  }
0x42: {  	s18 =	simm.s32 $0xF0  }
0x43: {  	[tilespmem:s26], [sflag:$0x4] =	stream.indirect.gather [hbm4b:s6+s19], $0x20, s18, s19, $0xb8;
	[tilespmem:$0x12840] =	vst v63  }
0x44: {  	s13 =	simm.s32 $0x140  }
0x45: {  	[tilespmem:s29], [sflag:$0x5] =	stream.indirect.gather [hbm4b:s6+s19], $0x20, s13, s19, $0xb8;
	[tilespmem:$0x12840] =	vst v63  }
0x46: {  	_ = 	snop  }
0x47: {  	[spmem:s8] =	stream.linear.scatter [tilespmem:s30], [sflag:$0xB], $0xA00, $0x38;
	[tilespmem:$0x12840] =	vst v63  }
0x48: {  	_ =	swait.ge [sflag:s17], $0xA00  }
0x49: {  	[sflag:s17] =	ssyncset.done $0x0  }
0x4a: {  	s14 =	rddreg [dreg:$0x8];
	[sflag:s17] =	ssyncadd.s32 $0xFFFFF600  }
0x4b: {  	[spmem:s14] =	stream.linear.scatter [tilespmem:s30], [sflag:$0xB], $0xA00, $0x38;
	[tilespmem:$0x12840] =	vst v63  }
0x4c: {  	_ =	swait.ge [sflag:s17], $0xA00  }
0x4d: {  	[sflag:s17] =	ssyncset.done $0x0  }
0x4e: {  	s18 =	rddreg [dreg:$0x9];
	[sflag:s17] =	ssyncadd.s32 $0xFFFFF600  }
0x4f: {  	[spmem:s18] =	stream.linear.scatter [tilespmem:s30], [sflag:$0xB], $0xA00, $0x38;
	[tilespmem:$0x12840] =	vst v63  }
0x50: {  	_ =	swait.ge [sflag:s17], $0xA00  }
0x51: {  	[sflag:s17] =	ssyncset.done $0x0  }
0x52: {  	s13 =	rddreg [dreg:$0xa];
	[sflag:s17] =	ssyncadd.s32 $0xFFFFF600  }
0x53: {  	[spmem:s13] =	stream.linear.scatter [tilespmem:s30], [sflag:$0xB], $0xA00, $0x38;
	[tilespmem:$0x12840] =	vst v63  }
0x54: {  	_ =	swait.ge [sflag:s17], $0xA00  }
0x55: {  	[sflag:s17] =	ssyncset.done $0x0  }
0x56: {  	s14 =	rddreg [dreg:$0xb];
	[sflag:s17] =	ssyncadd.s32 $0xFFFFF600  }
0x57: {  	[spmem:s14] =	stream.linear.scatter [tilespmem:s30], [sflag:$0xB], $0xA00, $0x38;
	[tilespmem:$0x12840] =	vst v63  }
0x58: {  	_ =	swait.ge [sflag:s17], $0xA00  }
0x59: {  	[sflag:s17] =	ssyncset.done $0x0  }
0x5a: {  	s18 =	rddreg [dreg:$0xc];
	[sflag:s17] =	ssyncadd.s32 $0xFFFFF600  }
0x5b: {  	[spmem:s18] =	stream.linear.scatter [tilespmem:s30], [sflag:$0xB], $0xA00, $0x38;
	[tilespmem:$0x12840] =	vst v63  }
0x5c: {  	_ =	swait.ge [sflag:s17], $0xA00  }
0x5d: {  	[sflag:s17] =	ssyncset.done $0x0  }
0x5e: {  	[sflag:s17] =	ssyncadd.s32 $0xFFFFF600  }
0x5f: {  	[spmem:s15] =	stream.linear.scatter [tilespmem:s30], [sflag:$0xB], $0xA00, $0x38;
	[tilespmem:$0x12840] =	vst v63  }
0x60: {  	_ =	swait.ge [sflag:s17], $0xA00  }
0x61: {  	[sflag:s17] =	ssyncset.done $0x0  }
0x62: {  	[sflag:s17] =	ssyncadd.s32 $0xFFFFF600  }
0x63: {  	[spmem:s16] =	stream.linear.scatter [tilespmem:s30], [sflag:$0xB], $0xA00, $0x38;
	[tilespmem:$0x12840] =	vst v63  }
0x64: {  	_ =	swait.ge [sflag:s17], $0xA00  }
0x65: {  	[sflag:s17] =	ssyncset.done $0x0  }
0x66: {  	[sflag:s17] =	ssyncadd.s32 $0xFFFFF600  }
0x67: {  	[bflag:$0x0] =	sbarrier.arrive $0xFFFF  }
0x68: {  	_ =	swait.ge [sflag:s31], $0xA00  }
0x69: {  	[sflag:s31] =	ssyncset.done $0x0  }
0x6a: {  	[sflag:s31] =	ssyncadd.s32 $0xFFFFF600  }
0x6b: {  	[spmem:s2] =	stream.indirect.scatter.add.bf16 [tilespmem:s20], [sflag:$0x6], $0x20, s12, s19, $0xb8;
	[tilespmem:$0x12840] =	vst v63  }
0x6c: {  	_ =	swait.ge [sflag:s0], $0xA00  }
0x6d: {  	[sflag:s0] =	ssyncset.done $0x0  }
0x6e: {  	s13 =	simm.s32 $0x4E70;
	[sflag:s0] =	ssyncadd.s32 $0xFFFFF600  }
0x6f: {  	[spmem:s2] =	stream.indirect.scatter.add.bf16 [tilespmem:s21], [sflag:$0x7], $0x20, s13, s19, $0xb8;
	[tilespmem:$0x12840] =	vst v63  }
0x70: {  	_ =	swait.ge [sflag:s22], $0xA00  }
0x71: {  	[sflag:s22] =	ssyncset.done $0x0  }
0x72: {  	s14 =	simm.s32 $0x4EC0;
	[sflag:s22] =	ssyncadd.s32 $0xFFFFF600  }
0x73: {  	[spmem:s2] =	stream.indirect.scatter.add.bf16 [tilespmem:s23], [sflag:$0x8], $0x20, s14, s19, $0xb8;
	[tilespmem:$0x12840] =	vst v63  }
0x74: {  	_ =	swait.ge [sflag:s28], $0xA00  }
0x75: {  	[sflag:s28] =	ssyncset.done $0x0  }
0x76: {  	s18 =	simm.s32 $0x190;
	[sflag:s28] =	ssyncadd.s32 $0xFFFFF600  }
0x77: {  	[tilespmem:s20], [sflag:$0x1] =	stream.indirect.gather [hbm4b:s6+s19], $0x20, s18, s19, $0xb8;
	[tilespmem:$0x12840] =	vst v63  }
0x78: {  	_ =	swait.ge [sflag:s24], $0xA00  }
0x79: {  	[sflag:s24] =	ssyncset.done $0x0  }
0x7a: {  	s12 =	simm.s32 $0x4F10;
	[sflag:s24] =	ssyncadd.s32 $0xFFFFF600  }
0x7b: {  	[spmem:s2] =	stream.indirect.scatter.add.bf16 [tilespmem:s26], [sflag:$0x9], $0x20, s12, s19, $0xb8;
	[tilespmem:$0x12840] =	vst v63  }
0x7c: {  	_ =	swait.ge [sflag:s1], $0xA00  }
0x7d: {  	[sflag:s1] =	ssyncset.done $0x0  }
0x7e: {  	s13 =	simm.s32 $0x1E0;
	[sflag:s1] =	ssyncadd.s32 $0xFFFFF600  }
0x7f: {  	[tilespmem:s21], [sflag:$0x2] =	stream.indirect.gather [hbm4b:s6+s19], $0x20, s13, s19, $0xb8;
	[tilespmem:$0x12840] =	vst v63  }
0x80: {  	_ =	swait.ge [sflag:s3], $0xA00  }
0x81: {  	[sflag:s3] =	ssyncset.done $0x0  }
0x82: {  	s14 =	simm.s32 $0x4F60;
	[sflag:s3] =	ssyncadd.s32 $0xFFFFF600  }
0x83: {  	[spmem:s2] =	stream.indirect.scatter.add.bf16 [tilespmem:s29], [sflag:$0xA], $0x20, s14, s19, $0xb8;
	[tilespmem:$0x12840] =	vst v63  }
0x84: {  	_ =	swait.ge [sflag:s4], $0xA00  }
0x85: {  	[sflag:s4] =	ssyncset.done $0x0  }
0x86: {  	s18 =	simm.s32 $0x230;
	[sflag:s4] =	ssyncadd.s32 $0xFFFFF600  }
0x87: {  	[tilespmem:s23], [sflag:$0x3] =	stream.indirect.gather [hbm4b:s6+s19], $0x20, s18, s19, $0xb8;
	[tilespmem:$0x12840] =	vst v63  }
.LBB2_4:
0x88: {  	_ =	swait.ge [sflag:s31], $0xA00  }
0x89: {  	s11 =	sshra.s32 s10, $0x2;
	[sflag:s31] =	ssyncset.done $0x0  }
0x8a: {  	s12 =	sadd.s32 $0x4FB0, s11;
	[sflag:s31] =	ssyncadd.s32 $0xFFFFF600  }
0x8b: {  	[spmem:s2] =	stream.indirect.scatter.add.bf16 [tilespmem:s20], [sflag:$0x6], $0x20, s12, s19, $0xb8;
	[tilespmem:$0x12840] =	vst v63  }
0x8c: {  	_ =	swait.ge [sflag:s5], $0xA00  }
0x8d: {  	[sflag:s5] =	ssyncset.done $0x0  }
0x8e: {  	s14 =	sadd.s32 $0x280, s11;
	[sflag:s5] =	ssyncadd.s32 $0xFFFFF600  }
0x8f: {  	[tilespmem:s26], [sflag:$0x4] =	stream.indirect.gather [hbm4b:s6+s19], $0x20, s14, s19, $0xb8;
	[tilespmem:$0x12840] =	vst v63  }
0x90: {  	_ =	swait.ge [sflag:s0], $0xA00  }
0x91: {  	[sflag:s0] =	ssyncset.done $0x0  }
0x92: {  	s18 =	sadd.s32 $0x5000, s11;
	[sflag:s0] =	ssyncadd.s32 $0xFFFFF600  }
0x93: {  	[spmem:s2] =	stream.indirect.scatter.add.bf16 [tilespmem:s21], [sflag:$0x7], $0x20, s18, s19, $0xb8;
	[tilespmem:$0x12840] =	vst v63  }
0x94: {  	_ =	swait.ge [sflag:s7], $0xA00  }
0x95: {  	[sflag:s7] =	ssyncset.done $0x0  }
0x96: {  	s13 =	sadd.s32 $0x2D0, s11;
	[sflag:s7] =	ssyncadd.s32 $0xFFFFF600  }
0x97: {  	[tilespmem:s29], [sflag:$0x5] =	stream.indirect.gather [hbm4b:s6+s19], $0x20, s13, s19, $0xb8;
	[tilespmem:$0x12840] =	vst v63  }
0x98: {  	_ =	swait.ge [sflag:s22], $0xA00  }
0x99: {  	[sflag:s22] =	ssyncset.done $0x0  }
0x9a: {  	s14 =	sadd.s32 $0x5050, s11;
	[sflag:s22] =	ssyncadd.s32 $0xFFFFF600  }
0x9b: {  	[spmem:s2] =	stream.indirect.scatter.add.bf16 [tilespmem:s23], [sflag:$0x8], $0x20, s14, s19, $0xb8;
	[tilespmem:$0x12840] =	vst v63  }
0x9c: {  	_ =	swait.ge [sflag:s28], $0xA00  }
0x9d: {  	p0 =	seq.s32 s10, $0x12C00;
	[sflag:s28] =	ssyncset.done $0x0  }
0x9e: {  	s12 =	simm.s32 @p0 $0x4;
	[sflag:s28] =	ssyncadd.s32 $0xFFFFF600  }
0x9f: {  	_ =	swait.ge @p0 [sflag:s12], $0xA00  }
0xa0: {  	[sflag:s12] =	ssyncset.done @p0 $0x0  }
0xa1: {  	[sflag:s12] =	ssyncadd.s32 @p0 $0xFFFFF600;
	s12 =	sshra.s32 @p0 s10, $0x2  }
0xa2: {  	s13 =	simm.s32 @p0 $0x50;
	s14 =	simm.s32 @p0 $0xC440;
	s12 =	sadd.s32 @p0 $0x50A0, s12  }
0xa3: {  	[spmem:s2] =	stream.indirect.scatter.add.bf16 @p0 [tilespmem:s14], [sflag:$0x9], $0x20, s12, s13, $0xb8;
	[tilespmem:$0x12840] =	vst v63  }
0xa4: {  	s12 =	simm.s32 @p0 $0x7  }
0xa5: {  	_ =	swait.ge @p0 [sflag:s12], $0xA00  }
0xa6: {  	[sflag:s12] =	ssyncset.done @p0 $0x0  }
0xa7: {  	[sflag:s12] =	ssyncadd.s32 @p0 $0xFFFFF600;
	s12 =	sshra.s32 @!p0 s10, $0x2  }
0xa8: {  	s18 =	simm.s32 @!p0 $0xA640;
	s14 =	simm.s32 @!p0 $0x50;
	s13 =	sadd.s32 @!p0 $0x320, s12  }
0xa9: {  	[tilespmem:s18], [sflag:$0x1] =	stream.indirect.gather @!p0 [hbm4b:s6+s14], $0x20, s13, s14, $0xb8;
	[tilespmem:$0x12840] =	vst v63  }
0xaa: {  	s13 =	simm.s32 @!p0 $0x4  }
0xab: {  	_ =	swait.ge @!p0 [sflag:s13], $0xA00  }
0xac: {  	[sflag:s13] =	ssyncset.done @!p0 $0x0  }
0xad: {  	s18 =	simm.s32 @!p0 $0xC440;
	[sflag:s13] =	ssyncadd.s32 @!p0 $0xFFFFF600;
	s13 =	sadd.s32 @!p0 $0x50A0, s12  }
0xae: {  	[spmem:s2] =	stream.indirect.scatter.add.bf16 @!p0 [tilespmem:s18], [sflag:$0x9], $0x20, s13, s14, $0xb8;
	[tilespmem:$0x12840] =	vst v63  }
0xaf: {  	s13 =	simm.s32 @!p0 $0x7  }
0xb0: {  	_ =	swait.ge @!p0 [sflag:s13], $0xA00  }
0xb1: {  	[sflag:s13] =	ssyncset.done @!p0 $0x0  }
0xb2: {  	s12 =	sadd.s32 @!p0 $0x370, s12;
	[sflag:s13] =	ssyncadd.s32 @!p0 $0xFFFFF600;
	s13 =	simm.s32 @!p0 $0xB040  }
0xb3: {  	[tilespmem:s13], [sflag:$0x2] =	stream.indirect.gather @!p0 [hbm4b:s6+s14], $0x20, s12, s14, $0xb8;
	[tilespmem:$0x12840] =	vst v63  }
0xb4: {  	_ =	swait.ge [sflag:s3], $0xA00  }
0xb5: {  	[sflag:s3] =	ssyncset.done $0x0  }
.Ltmp3:
0xb6: {  	s18 =	sadd.s32 $0x50F0, s11;
	[sflag:s3] =	ssyncadd.s32 $0xFFFFF600;
	(pc) =	sbr.rel @p0 .LBB2_6-.Ltmp3, $4  }
0xb7: {  	[spmem:s2] =	stream.indirect.scatter.add.bf16 [tilespmem:s29], [sflag:$0xA], $0x20, s18, s19, $0xb8;
	[tilespmem:$0x12840] =	vst v63  }
0xb8: {  	_ =	swait.ge [sflag:s4], $0xA00  }
0xb9: {  	[sflag:s4] =	ssyncset.done $0x0  }
0xba: {  	[sflag:s4] =	ssyncadd.s32 $0xFFFFF600  }
.Ltmp4:
0xbb: {  	(pc) =	sbr.rel .LBB2_4-.Ltmp4, $3  }
0xbc: {  	_ =	sdelay $0x1  }
0xbd: {  	s11 =	sadd.s32 $0x3C0, s11;
	s10 =	sadd.s32 $0x640, s10  }
0xbe: {  	[tilespmem:s23], [sflag:$0x3] =	stream.indirect.gather [hbm4b:s6+s19], $0x20, s11, s19, $0xb8;
	[tilespmem:$0x12840] =	vst v63  }
.LBB2_7:
0xbf: {  	_ =	sfence.sel $0x180000  }
0xc0: {  	[bflag:$0x0] =	sbarrier.arrive $0xFFFF  }
0xc1: {  	_ =	strace $0x9000004D  }
0xc2: {  	s0 =	stileid.u32;
	[bflag:$0x2] =	sbarrier.arrive $0xFFFF  }
0xc3: {  	p0 =	sne.s32 s0, $0x0;
	s0 =	rddreg [dreg:$0x3]  }
0xc4: {  	s0 =	sadd.s32 @!p0 $0x100000, s0  }
0xc5: {  	[sflag:s0] =	ssyncadd.tile.s32 @!p0 $0x1;
	_ =	shalt  }
.Lfunc_end2:
_tile_overlayer_lowered:
.L_overlay_start_2:
0xc6: {  	(tag) =	ssettag $0x2  }
0xc7: {  	s0 =	rddreg [dreg:$0x0];
	s2 =	stileid.u32  }
0xc8: {  	s1 =	rddreg [dreg:$0x1];
	p0 =	sne.s32 s2, $0x0  }
0xc9: {  	s3 =	rddreg [dreg:$0x2];
	[bflag:$0x3] =	sbarrier.arrive $0xFFFF;
	s2 =	simm.s32 @!p0 $0x1C0B  }
0xca: {  	[timem:s3], [sflag:s2] =	dma.local @!p0 [hbm:s0], s1  }
0xcb: {  	s0 =	simm.s32 @!p0 $0xB  }
0xcc: {  	_ =	swait.ge @!p0 [sflag:s0], s1  }
0xcd: {  	s1 =	ssub.s32 @!p0 $0x0, s1;
	[sflag:s0] =	ssyncset.done @!p0 $0x0  }
0xce: {  	[sflag:s0] =	ssyncadd.s32 @!p0 s1  }
0xcf: {  	[bflag:$0x3] =	sbarrier.arrive $0xFFFF  }
0xd0: {  	_ =	shalt  }

// kernel: kernel.22.cloned.1.call-start
scs
__scs_entry_jumppad:
0x0: {  	(pc) =	sbr.rel $0x88, $3  }
0x1: {  	(tag) =	ssettag $0x0;
	lr =	simm.s32 $0x1  }
0x2: {  	[smem:$0x3F95] =	sst lr;
	_ =	strace $0xD0000000  }
0x3: {  	_ = 	snop  }
0x4: {  	_ = 	snop  }
0x5: {  	_ = 	snop  }
0x6: {  	_ = 	snop  }
0x7: {  	_ = 	snop  }
__scs_overlays_trampoline_lowered:
0x8: {  	[smem:$0x3FA4] =	sst s0  }
0x9: {  	[smem:$0x3FA5] =	sst s1  }
0xa: {  	[smem:$0x3FA6] =	sst s2  }
0xb: {  	[smem:$0x3FA7] =	sst s3  }
0xc: {  	[smem:$0x3FA8] =	sst s4  }
0xd: {  	[smem:$0x3FA9] =	sst s5  }
0xe: {  	[smem:$0x3FAA] =	sst s6  }
0xf: {  	[smem:$0x3FAB] =	sst s7  }
0x10: {  	[smem:$0x3FAC] =	sst s8  }
0x11: {  	[smem:$0x3FAD] =	sst s9;
	s0 =	simm.s32 @!p0 $0x0  }
0x12: {  	s1 =	sld [smem:$0x3F93];
	s0 =	simm.s32 @p0 $0x1  }
0x13: {  	[smem:$0x3FAE] =	sst s0;
	s0 =	simm.s32 @!p1 $0x0  }
0x14: {  	s2 =	sld [smem:$0x3F92];
	s0 =	simm.s32 @p1 $0x1  }
0x15: {  	[smem:$0x3FAF] =	sst s0;
	s0 =	simm.s32 @!p2 $0x0  }
0x16: {  	s3 =	sld [smem:$0x3FDB];
	s0 =	simm.s32 @p2 $0x1  }
0x17: {  	s4 =	simm.s32 $0x1BF5;
	[smem:$0x3FB1] =	sst s0  }
0x18: {  	s0 =	sld [smem:$0x3F94];
	_ =	swait.ge [sflag:s4], $0x0  }
0x19: {  	s7 =	sld [smem:$0x3F95]  }
0x1a: {  	s8 =	sadd.s32 $0xFFFFE003, lr  }
0x1b: {  	s9 =	sadd.s32 $0xFFFFFEF7, lr;
	s5 =	simm.s32 $0xFFFFFFFF;
	p2 =	slt.u32 s8, $0xFFFFF086  }
0x1c: {  	p1 =	slt.u32 s9, $0xF7A;
	s5 =	simm.s32 @!p2 $0x0  }
0x1d: {  	s5 =	simm.s32 @p1 $0x1;
	p0 =	seq.s32 s7, s2  }
0x1e: {  	s7 =	smul.u32 @!p0 $0xF7A, s2;
	p2 =	seq.s32 @!p0 s5, $0x0  }
0x1f: {  	s9 =	smul.u32 $0xF7A, s1;
	s8 =	simm.s32 @!p0 $0x1BF5;
	p2 =	por !p2, p0  }
0x20: {  	[sflag:s8] =	ssyncset.s32 @!p0 $0xFFFFF086;
	s6 =	sadd.s32 @!p0 s3, s7;
	s7 =	simm.s32 @!p0 $0x108  }
0x21: {  	s3 =	sadd.s32 s3, s9;
	s6 =	sadd.s32 @!p0 $0x88, s6;
	s7 =	simm.s32 @p2 $0x1082  }
0x22: {  	[simem:s7], [sflag:s8] =	dma.local @!p0 [hbm:s6], $0xF7A  }
0x23: {  	s9 =	sor.u32 $0xD0000000, s2;
	s6 =	simm.s32 $0x108;
	_ =	swait.ge @!p0 [sflag:s8], $0x0  }
0x24: {  	s3 =	sadd.s32 $0x88, s3;
	s6 =	simm.s32 @!p1 $0x1082;
	[sflag:s4] =	ssyncset.s32 $0xFFFFF086  }
0x25: {  	[simem:s6], [sflag:s4] =	dma.local [hbm:s3], $0xF7A  }
0x26: {  	[smem:$0x3F95] =	sst s1;
	(tag) =	ssettag s2;
	_ =	strace s9  }
0x27: {  	s1 =	sld [smem:$0x3FA5]  }
0x28: {  	s2 =	sld [smem:$0x3FA6]  }
0x29: {  	s4 =	sld [smem:$0x3FA8]  }
0x2a: {  	p0 =	seq.s32 s5, $0x0;
	s5 =	sld [smem:$0x3FA9]  }
0x2b: {  	s6 =	sld [smem:$0x3FAA]  }
0x2c: {  	s7 =	sld [smem:$0x3FAB]  }
0x2d: {  	s3 =	simm.s32 $0x108;
	s8 =	sld [smem:$0x3FAC]  }
0x2e: {  	s3 =	simm.s32 @!p0 $0x1082;
	s9 =	sld [smem:$0x3FAD]  }
0x2f: {  	lr =	sadd.s32 s0, s3;
	s0 =	sld [smem:$0x3FA4]  }
0x30: {  	s3 =	sld [smem:$0x3FA7]  }
0x31: {  	[smem:$0x3FB0] =	sst s10  }
0x32: {  	s10 =	sld [smem:$0x3FAE];
	_ =	sdelay $0x3  }
0x33: {  	p0 =	seq.s32 s10, $0x1;
	s10 =	sld [smem:$0x3FB0];
	_ =	sdelay $0x3  }
0x34: {  	[smem:$0x3FB0] =	sst s10  }
0x35: {  	s10 =	sld [smem:$0x3FAF];
	_ =	sdelay $0x3  }
0x36: {  	p1 =	seq.s32 s10, $0x1;
	s10 =	sld [smem:$0x3FB0];
	_ =	sdelay $0x3  }
0x37: {  	[smem:$0x3FB0] =	sst s10  }
0x38: {  	s10 =	sld [smem:$0x3FB1]  }
0x39: {  	_ = 	snop;
	(pc) =	sbr.ind lr, $3  }
0x3a: {  	_ = 	snop  }
0x3b: {  	_ = 	snop  }
0x3c: {  	p2 =	seq.s32 s10, $0x1;
	s10 =	sld [smem:$0x3FB0]  }
0x3d: {  	_ =	shalt  }
0x3e: {  	_ =	shalt  }
0x3f: {  	_ =	shalt  }
0x40: {  	_ =	shalt  }
0x41: {  	_ =	shalt  }
0x42: {  	_ =	shalt  }
0x43: {  	_ =	shalt  }
0x44: {  	_ =	shalt  }
0x45: {  	_ =	shalt  }
0x46: {  	_ =	shalt  }
0x47: {  	_ =	shalt  }
0x48: {  	_ =	shalt  }
0x49: {  	_ =	shalt  }
0x4a: {  	_ =	shalt  }
0x4b: {  	_ =	shalt  }
0x4c: {  	_ =	shalt  }
0x4d: {  	_ =	shalt  }
0x4e: {  	_ =	shalt  }
0x4f: {  	_ =	shalt  }
0x50: {  	_ =	shalt  }
0x51: {  	_ =	shalt  }
0x52: {  	_ =	shalt  }
0x53: {  	_ =	shalt  }
0x54: {  	_ =	shalt  }
0x55: {  	_ =	shalt  }
0x56: {  	_ =	shalt  }
0x57: {  	_ =	shalt  }
0x58: {  	_ =	shalt  }
0x59: {  	_ =	shalt  }
0x5a: {  	_ =	shalt  }
0x5b: {  	_ =	shalt  }
0x5c: {  	_ =	shalt  }
0x5d: {  	_ =	shalt  }
0x5e: {  	_ =	shalt  }
0x5f: {  	_ =	shalt  }
0x60: {  	_ =	shalt  }
0x61: {  	_ =	shalt  }
0x62: {  	_ =	shalt  }
0x63: {  	_ =	shalt  }
0x64: {  	_ =	shalt  }
0x65: {  	_ =	shalt  }
0x66: {  	_ =	shalt  }
0x67: {  	_ =	shalt  }
0x68: {  	_ =	shalt  }
0x69: {  	_ =	shalt  }
0x6a: {  	_ =	shalt  }
0x6b: {  	_ =	shalt  }
0x6c: {  	_ =	shalt  }
0x6d: {  	_ =	shalt  }
0x6e: {  	_ =	shalt  }
0x6f: {  	_ =	shalt  }
0x70: {  	_ =	shalt  }
0x71: {  	_ =	shalt  }
0x72: {  	_ =	shalt  }
0x73: {  	_ =	shalt  }
0x74: {  	_ =	shalt  }
0x75: {  	_ =	shalt  }
0x76: {  	_ =	shalt  }
0x77: {  	_ =	shalt  }
0x78: {  	_ =	shalt  }
0x79: {  	_ =	shalt  }
0x7a: {  	_ =	shalt  }
0x7b: {  	_ =	shalt  }
0x7c: {  	_ =	shalt  }
0x7d: {  	_ =	shalt  }
0x7e: {  	_ =	shalt  }
0x7f: {  	_ =	shalt  }
0x80: {  	_ =	shalt  }
0x81: {  	_ =	shalt  }
0x82: {  	_ =	shalt  }
0x83: {  	_ =	shalt  }
0x84: {  	_ =	shalt  }
0x85: {  	_ =	shalt  }
0x86: {  	_ =	shalt  }
0x87: {  	_ =	shalt  }
.Lfunc_end0:
.L_simem_size_0:
called_computation.3_lowered:
.L_overlay_start_0:
0x88: {  	s2 =	sld [smem:$0x3FD9]  }
0x89: {  	s3 =	sld [smem:$0x3FFE];
	_ =	sdelay $0x1  }
0x8a: {  	s1 =	srdreg.scid  }
0x8b: {  	s0 =	sand.u32 $0x1, s1  }
0x8c: {  	s17 =	sshll.u32 s0, $0xA;
	s2 =	sadd.s32 s3, s2  }
0x8d: {  	s2 =	sadd.s32 s2, s17  }
0x8e: {  	[smem:$0x3FBC] =	sst s2  }
0x8f: {  	_ = 	snop  }
0x90: {  	s2 =	sld [smem:$0x3FD0];
	(tm) =	ssettm $0x1  }
0x91: {  	s18 =	sld [smem:$0x3FFB];
	_ =	sdelay $0x3  }
0x92: {  	_ =	strace s18  }
0x93: {  	s3 =	sld [smem:$0x3FFC];
	_ =	sdelay $0x3  }
0x94: {  	_ =	strace s3  }
0x95: {  	s3 =	sld [smem:$0x3FFD];
	_ =	sdelay $0x3  }
0x96: {  	_ =	strace s3  }
0x97: {  	_ =	strace $0x8FFFFFFF  }
0x98: {  	s19 =	sld [smem:$0x3FDB];
	_ =	sdelay $0x1  }
0x99: {  	s4 =	simm.s32 $_scs_section_size  }
0x9a: {  	s5 =	simm.s32 $_size__tile_overlayer_lowered;
	s6 =	simm.s32 $_tile_overlayer_lowered  }
0x9b: {  	s22 =	simm.s32 $0x1BFF;
	s21 =	sshll.u32 s6, $0x1;
	s3 =	sadd.s32 s4, s19  }
0x9c: {  	s7 =	simm.s32 $0x0;
	s20 =	sshll.u32 s5, $0x1;
	s5 =	sadd.s32 s21, s3  }
0x9d: {  	[timem:s7], [sflag:s22] =	dma.local [hbm:s5], s20  }
0x9e: {  	_ =	swait.ge [sflag:s22], s20  }
0x9f: {  	s4 =	ssub.s32 $0x0, s20;
	[sflag:s22] =	ssyncset.done $0x0  }
0xa0: {  	[sflag:s22] =	ssyncadd.s32 s4;
	_ =	sdelay $0x1  }
0xa1: {  	s23 =	simm.s32 $0x1B8B  }
0xa2: {  	_ =	swait.ge [sflag:s23], $0x1  }
0xa3: {  	[sflag:s23] =	ssyncset.done $0x0  }
0xa4: {  	s25 =	simm.s32 $0x1B8E;
	s24 =	sld [smem:$0x3FFE];
	[sflag:s23] =	ssyncadd.s32 $0xFFFFFFFF  }
0xa5: {  	s26 =	simm.s32 $execute0_lowered;
	[smem:$0x3FD2] =	sst s25  }
0xa6: {  	s5 =	sshll.u32 s26, $0x1;
	_ =	strace $0x8000004F;
	[dreg:$0x1] =	wrdreg $0xFFFFFFFF  }
0xa7: {  	s28 =	simm.s32 $_size_execute0_lowered;
	s3 =	sadd.s32 s3, s5;
	[dreg:$0x0] =	wrdreg $0x0  }
0xa8: {  	s5 =	sshll.u32 s28, $0x1;
	[dreg:$0x2] =	wrdreg s3  }
0xa9: {  	[dreg:$0x3] =	wrdreg s5  }
0xaa: {  	[dreg:$0x4] =	wrdreg $0xC0  }
0xab: {  	_ =	task [dreg:s7], $0x5FFFF  }
0xac: {  	[dreg:$0x1] =	wrdreg $0xFFFFFFFF  }
0xad: {  	[dreg:$0x0] =	wrdreg $0x60  }
0xae: {  	[dreg:$0x2] =	wrdreg s2  }
0xaf: {  	[dreg:$0x3] =	wrdreg s24  }
0xb0: {  	[dreg:$0x4] =	wrdreg $0xD8400  }
0xb1: {  	[dreg:$0x5] =	wrdreg $0x9  }
0xb2: {  	_ =	task.clear_ibuf [dreg:s7], $0x6FFFF;
	_ =	strace $0x9000004F  }
0xb3: {  	s29 =	simm.s32 $0x9;
	_ =	strace $0x80000051  }
0xb4: {  	_ =	swait.ge [sflag:s29], $0x1  }
0xb5: {  	[sflag:s29] =	ssyncadd.s32 $0xFFFFFFFF  }
0xb6: {  	_ =	strace $0x90000051  }
0xb7: {  	_ =	sfence  }
0xb8: {  	s30 =	sld [smem:$0x0];
	_ =	sdelay $0x2  }
0xb9: {  	s31 =	sshll.u32 s1, $0xD;
	s1 =	sshrl.u32 s1, $0x2  }
0xba: {  	s3 =	sand.u32 $0x4000, s31;
	s1 =	sadd.s32 s1, s30  }
0xbb: {  	s0 =	sor.u32 s3, s0;
	s1 =	sshll.u32 s1, $0x11  }
0xbc: {  	s0 =	sor.u32 s1, s0  }
0xbd: {  	s0 =	sadd.s32 $0x8F2B, s0  }
0xbe: {  	[sflag:s0] =	ssyncadd.remote.s32 $0x1  }
0xbf: {  	_ =	sfence.sel $0xFFFF  }
0xc0: {  	[dreg:$0x0] =	wrdreg $0xFFFFFFFF;
	(pc) =	sbr.abs _section_cstart, $3  }
0xc1: {  	[dreg:$0x1] =	wrdreg $0xFFFFFFFF  }
0xc2: {  	_ =	task.clear_ibuf [dreg:s7], $0x2FFFF;
	_ =	strace $0x9FFFFFFF  }
0xc3: {  	(tm) =	ssettm $0x7FFFFFFF  }
tec
execute0_lowered:
.L_overlay_start_1:
0x0: {  	(tag) =	ssettag $0x1  }
0x1: {  	s0 =	rddreg [dreg:$0x0]  }
0x2: {  	s1 =	rddreg [dreg:$0x1]  }
0x3: {  	s3 =	srdreg.scid;
	s2 =	rddreg [dreg:$0x2]  }
0x4: {  	s9 =	stileid.u32;
	s6 =	simm.s32 $0x0;
	s29 =	simm.s32 $0xCE40  }
0x5: {  	s30 =	simm.s32 $0x9C40;
	s31 =	simm.s32 $0x1;
	s5 =	smul.u32 $0xA000, s9  }
0x6: {  	s28 =	simm.s32 $0x6;
	s3 =	sand.u32 $0x1, s3;
	s16 =	smul.u32 $0x9C4, s9  }
0x7: {  	[smem:$0x7FF] =	sst s6;
	s17 =	smul.u32 $0x14000, s9;
	s9 =	simm.s32 $0x0  }
0x8: {  	s4 =	smul.u32 $0xA0000, s3;
	_ =	strace $0x80000050;
	s3 =	ssub.s32 $0x2, s3  }
0x9: {  	s6 =	sadd.s32 s16, s1;
	s8 =	sshrl.u32 s3, $0x1;
	s19 =	sshrl.u32 s5, $0x1  }
0xa: {  	s20 =	sshrl.u32 s17, $0x2;
	s17 =	simm.s32 $0xB;
	s7 =	sadd.s32 s5, s4  }
0xb: {  	s3 =	ssub.s32 s3, s8;
	s18 =	sadd.s32 $0xD400, s6;
	s6 =	sadd.s32 $0x3600, s6  }
0xc: {  	s4 =	sshrl.u32 s4, $0x4;
	s8 =	sadd.s32 s20, s2;
	s20 =	simm.s32 $0xA640  }
0xd: {  	s5 =	simm.s32 $0x9;
	s7 =	sshrl.u32 s7, $0x4;
	[dreg:$0x4] =	wrdreg s18  }
0xe: {  	[dreg:$0x5] =	wrdreg s6;
	s6 =	sadd.s32 s0, s4;
	s0 =	sadd.s32 s19, s2  }
0xf: {  	s21 =	smax.u32 s3, $0x1;
	s22 =	sadd.s32 $0xA00, s8;
	s23 =	sadd.s32 $0x1400, s8  }
0x10: {  	s24 =	sadd.s32 $0x1E00, s8;
	s25 =	sadd.s32 $0x2800, s8;
	[dreg:$0x7] =	wrdreg s21  }
0x11: {  	s26 =	sadd.s32 $0x3200, s8;
	s15 =	sadd.s32 $0x3C00, s8;
	[dreg:$0x8] =	wrdreg s22  }
0x12: {  	s16 =	sadd.s32 $0x4600, s8;
	s19 =	simm.s32 $0x50;
	[dreg:$0x9] =	wrdreg s23  }
0x13: {  	s3 =	simm.s32 $0x5;
	s4 =	simm.s32 $0x8;
	[dreg:$0xa] =	wrdreg s24  }
.Ltmp0:
0x14: {  	s1 =	sadd.s32 s7, s1;
	[dreg:$0xb] =	wrdreg s25;
	(pc) =	sbr.rel .LBB2_1-.Ltmp0, $4  }
0x15: {  	[dreg:$0xc] =	wrdreg s26;
	s21 =	simm.s32 $0xB040;
	s23 =	simm.s32 $0xBA40  }
0x16: {  	s25 =	sshrl.u32 s0, $0x3;
	s26 =	simm.s32 $0xC440;
	s0 =	simm.s32 $0x2  }
0x17: {  	s22 =	simm.s32 $0x3;
	s24 =	simm.s32 $0x4;
	s1 =	sadd.s32 $0x17200, s1  }
0x18: {  	v0 =	vimm.bf16 $0.0e+00;
	s7 =	simm.s32 $0xA;
	[dreg:$0x6] =	wrdreg s1;
	s1 =	simm.s32 $0x7  }
.LBB2_6:
0x19: {  	_ =	swait.ge [sflag:s5], $0xA00  }
0x1a: {  	[sflag:s5] =	ssyncset.done $0x0  }
0x1b: {  	[sflag:s5] =	ssyncadd.s32 $0xFFFFF600  }
0x1c: {  	_ =	swait.ge [sflag:s7], $0xA00  }
0x1d: {  	[sflag:s7] =	ssyncset.done $0x0  }
0x1e: {  	s10 =	stileid.u32;
	[sflag:s7] =	ssyncadd.s32 $0xFFFFF600  }
0x1f: {  	s10 =	sshll.u32 s10, $0x6;
	[bflag:$0x0] =	sbarrier.arrive $0xFFFF  }
0x20: {  	s10 =	sor.u32 $0x1C0B, s10;
	s11 =	rddreg [dreg:$0x6]  }
0x21: {  	[hbm:s11], [sflag:s10] =	dma.local [spmem:s25], $0xA00  }
0x22: {  	_ =	swait.ge [sflag:s17], $0xA00  }
0x23: {  	s9 =	sadd.s32 $0x1, s9;
	s18 =	rddreg [dreg:$0x7]  }
0x24: {  	p0 =	sne.s32 s9, s18  }
.Ltmp1:
0x25: {  	_ = 	snop;
	(pc) =	sbr.rel @!p0 .LBB2_7-.Ltmp1, $3  }
0x26: {  	_ =	sdelay $0x1  }
0x27: {  	[sflag:s17] =	ssyncset.done $0x0  }
0x28: {  	[sflag:s17] =	ssyncadd.s32 $0xFFFFF600  }
.LBB2_1:
0x29: {  	s11 =	simm.s32 $0x0  }
0x2a: {  	s10 =	sand.u32 $0x3F80, s11;
	s11 =	sand.u32 $0x20, s11  }
0x2b: {  	s10 =	sshrl.u32 s10, $0x2;
	s11 =	sshrl.u32 s11, $0x1  }
0x2c: {  	s11 =	sor.u32 s11, s10  }
0x2d: {  	s10 =	simm.s32 $0x40;
	[tilespmem:s11+$0x9C40] =	vst v0;
	s11 =	simm.s32 $0x0  }
.LBB2_2:
0x2e: {  	p0 =	sne.s32 s10, $0x27C0  }
.Ltmp2:
0x2f: {  	s12 =	sand.u32 $0x3F80, s10;
	s11 =	sadd.s32 $0x20, s11;
	(pc) =	sbr.rel @p0 .LBB2_2-.Ltmp2, $4  }
0x30: {  	s10 =	sadd.s32 $0x40, s10;
	s13 =	sand.u32 $0x20, s11  }
0x31: {  	s12 =	sshrl.u32 s12, $0x2;
	s13 =	sshrl.u32 s13, $0x1  }
0x32: {  	s12 =	sor.u32 s13, s12  }
0x33: {  	[tilespmem:s12+$0x9C40] =	vst v0  }
0x34: {  	s10 =	simm.s32 $0x0;
	s11 =	rddreg [dreg:$0x4]  }
0x35: {  	[tilespmem:s10], [sflag:$0xB] =	stream.linear.gather [hbm4b:s11+s10], $0x4E20, $0x38;
	[tilespmem:$0x12840] =	vst v63  }
0x36: {  	_ =	swait.ge [sflag:s17], $0x4E20  }
0x37: {  	[sflag:s17] =	ssyncset.done $0x0  }
0x38: {  	s12 =	simm.s32 $0x4E20;
	s13 =	rddreg [dreg:$0x5];
	[sflag:s17] =	ssyncadd.s32 $0xFFFFB1E0  }
0x39: {  	[tilespmem:s12], [sflag:$0xB] =	stream.linear.gather [hbm4b:s13+s10], $0x4E20, $0x38;
	[tilespmem:$0x12840] =	vst v63  }
0x3a: {  	_ =	swait.ge [sflag:s17], $0x4E20  }
0x3b: {  	[sflag:s17] =	ssyncset.done $0x0  }
0x3c: {  	[sflag:s17] =	ssyncadd.s32 $0xFFFFB1E0  }
0x3d: {  	[tilespmem:s20], [sflag:$0x1] =	stream.indirect.gather [hbm4b:s6+s19], $0x20, s10, s19, $0xb8;
	[tilespmem:$0x12840] =	vst v63  }
0x3e: {  	_ = 	snop  }
0x3f: {  	[tilespmem:s21], [sflag:$0x2] =	stream.indirect.gather [hbm4b:s6+s19], $0x20, s19, s19, $0xb8;
	[tilespmem:$0x12840] =	vst v63  }
0x40: {  	s14 =	simm.s32 $0xA0  }
0x41: {  	[tilespmem:s23], [sflag:$0x3] =	stream.indirect.gather [hbm4b:s6+s19], $0x20, s14, s19, $0xb8;
	[tilespmem:$0x12840] =	vst v63  }
0x42: {  	s18 =	simm.s32 $0xF0  }
0x43: {  	[tilespmem:s26], [sflag:$0x4] =	stream.indirect.gather [hbm4b:s6+s19], $0x20, s18, s19, $0xb8;
	[tilespmem:$0x12840] =	vst v63  }
0x44: {  	s13 =	simm.s32 $0x140  }
0x45: {  	[tilespmem:s29], [sflag:$0x5] =	stream.indirect.gather [hbm4b:s6+s19], $0x20, s13, s19, $0xb8;
	[tilespmem:$0x12840] =	vst v63  }
0x46: {  	_ = 	snop  }
0x47: {  	[spmem:s8] =	stream.linear.scatter [tilespmem:s30], [sflag:$0xB], $0xA00, $0x38;
	[tilespmem:$0x12840] =	vst v63  }
0x48: {  	_ =	swait.ge [sflag:s17], $0xA00  }
0x49: {  	[sflag:s17] =	ssyncset.done $0x0  }
0x4a: {  	s14 =	rddreg [dreg:$0x8];
	[sflag:s17] =	ssyncadd.s32 $0xFFFFF600  }
0x4b: {  	[spmem:s14] =	stream.linear.scatter [tilespmem:s30], [sflag:$0xB], $0xA00, $0x38;
	[tilespmem:$0x12840] =	vst v63  }
0x4c: {  	_ =	swait.ge [sflag:s17], $0xA00  }
0x4d: {  	[sflag:s17] =	ssyncset.done $0x0  }
0x4e: {  	s18 =	rddreg [dreg:$0x9];
	[sflag:s17] =	ssyncadd.s32 $0xFFFFF600  }
0x4f: {  	[spmem:s18] =	stream.linear.scatter [tilespmem:s30], [sflag:$0xB], $0xA00, $0x38;
	[tilespmem:$0x12840] =	vst v63  }
0x50: {  	_ =	swait.ge [sflag:s17], $0xA00  }
0x51: {  	[sflag:s17] =	ssyncset.done $0x0  }
0x52: {  	s13 =	rddreg [dreg:$0xa];
	[sflag:s17] =	ssyncadd.s32 $0xFFFFF600  }
0x53: {  	[spmem:s13] =	stream.linear.scatter [tilespmem:s30], [sflag:$0xB], $0xA00, $0x38;
	[tilespmem:$0x12840] =	vst v63  }
0x54: {  	_ =	swait.ge [sflag:s17], $0xA00  }
0x55: {  	[sflag:s17] =	ssyncset.done $0x0  }
0x56: {  	s14 =	rddreg [dreg:$0xb];
	[sflag:s17] =	ssyncadd.s32 $0xFFFFF600  }
0x57: {  	[spmem:s14] =	stream.linear.scatter [tilespmem:s30], [sflag:$0xB], $0xA00, $0x38;
	[tilespmem:$0x12840] =	vst v63  }
0x58: {  	_ =	swait.ge [sflag:s17], $0xA00  }
0x59: {  	[sflag:s17] =	ssyncset.done $0x0  }
0x5a: {  	s18 =	rddreg [dreg:$0xc];
	[sflag:s17] =	ssyncadd.s32 $0xFFFFF600  }
0x5b: {  	[spmem:s18] =	stream.linear.scatter [tilespmem:s30], [sflag:$0xB], $0xA00, $0x38;
	[tilespmem:$0x12840] =	vst v63  }
0x5c: {  	_ =	swait.ge [sflag:s17], $0xA00  }
0x5d: {  	[sflag:s17] =	ssyncset.done $0x0  }
0x5e: {  	[sflag:s17] =	ssyncadd.s32 $0xFFFFF600  }
0x5f: {  	[spmem:s15] =	stream.linear.scatter [tilespmem:s30], [sflag:$0xB], $0xA00, $0x38;
	[tilespmem:$0x12840] =	vst v63  }
0x60: {  	_ =	swait.ge [sflag:s17], $0xA00  }
0x61: {  	[sflag:s17] =	ssyncset.done $0x0  }
0x62: {  	[sflag:s17] =	ssyncadd.s32 $0xFFFFF600  }
0x63: {  	[spmem:s16] =	stream.linear.scatter [tilespmem:s30], [sflag:$0xB], $0xA00, $0x38;
	[tilespmem:$0x12840] =	vst v63  }
0x64: {  	_ =	swait.ge [sflag:s17], $0xA00  }
0x65: {  	[sflag:s17] =	ssyncset.done $0x0  }
0x66: {  	[sflag:s17] =	ssyncadd.s32 $0xFFFFF600  }
0x67: {  	[bflag:$0x0] =	sbarrier.arrive $0xFFFF  }
0x68: {  	_ =	swait.ge [sflag:s31], $0xA00  }
0x69: {  	[sflag:s31] =	ssyncset.done $0x0  }
0x6a: {  	[sflag:s31] =	ssyncadd.s32 $0xFFFFF600  }
0x6b: {  	[spmem:s2] =	stream.indirect.scatter.add.bf16 [tilespmem:s20], [sflag:$0x6], $0x20, s12, s19, $0xb8;
	[tilespmem:$0x12840] =	vst v63  }
0x6c: {  	_ =	swait.ge [sflag:s0], $0xA00  }
0x6d: {  	[sflag:s0] =	ssyncset.done $0x0  }
0x6e: {  	s13 =	simm.s32 $0x4E70;
	[sflag:s0] =	ssyncadd.s32 $0xFFFFF600  }
0x6f: {  	[spmem:s2] =	stream.indirect.scatter.add.bf16 [tilespmem:s21], [sflag:$0x7], $0x20, s13, s19, $0xb8;
	[tilespmem:$0x12840] =	vst v63  }
0x70: {  	_ =	swait.ge [sflag:s22], $0xA00  }
0x71: {  	[sflag:s22] =	ssyncset.done $0x0  }
0x72: {  	s14 =	simm.s32 $0x4EC0;
	[sflag:s22] =	ssyncadd.s32 $0xFFFFF600  }
0x73: {  	[spmem:s2] =	stream.indirect.scatter.add.bf16 [tilespmem:s23], [sflag:$0x8], $0x20, s14, s19, $0xb8;
	[tilespmem:$0x12840] =	vst v63  }
0x74: {  	_ =	swait.ge [sflag:s28], $0xA00  }
0x75: {  	[sflag:s28] =	ssyncset.done $0x0  }
0x76: {  	s18 =	simm.s32 $0x190;
	[sflag:s28] =	ssyncadd.s32 $0xFFFFF600  }
0x77: {  	[tilespmem:s20], [sflag:$0x1] =	stream.indirect.gather [hbm4b:s6+s19], $0x20, s18, s19, $0xb8;
	[tilespmem:$0x12840] =	vst v63  }
0x78: {  	_ =	swait.ge [sflag:s24], $0xA00  }
0x79: {  	[sflag:s24] =	ssyncset.done $0x0  }
0x7a: {  	s12 =	simm.s32 $0x4F10;
	[sflag:s24] =	ssyncadd.s32 $0xFFFFF600  }
0x7b: {  	[spmem:s2] =	stream.indirect.scatter.add.bf16 [tilespmem:s26], [sflag:$0x9], $0x20, s12, s19, $0xb8;
	[tilespmem:$0x12840] =	vst v63  }
0x7c: {  	_ =	swait.ge [sflag:s1], $0xA00  }
0x7d: {  	[sflag:s1] =	ssyncset.done $0x0  }
0x7e: {  	s13 =	simm.s32 $0x1E0;
	[sflag:s1] =	ssyncadd.s32 $0xFFFFF600  }
0x7f: {  	[tilespmem:s21], [sflag:$0x2] =	stream.indirect.gather [hbm4b:s6+s19], $0x20, s13, s19, $0xb8;
	[tilespmem:$0x12840] =	vst v63  }
0x80: {  	_ =	swait.ge [sflag:s3], $0xA00  }
0x81: {  	[sflag:s3] =	ssyncset.done $0x0  }
0x82: {  	s14 =	simm.s32 $0x4F60;
	[sflag:s3] =	ssyncadd.s32 $0xFFFFF600  }
0x83: {  	[spmem:s2] =	stream.indirect.scatter.add.bf16 [tilespmem:s29], [sflag:$0xA], $0x20, s14, s19, $0xb8;
	[tilespmem:$0x12840] =	vst v63  }
0x84: {  	_ =	swait.ge [sflag:s4], $0xA00  }
0x85: {  	[sflag:s4] =	ssyncset.done $0x0  }
0x86: {  	s18 =	simm.s32 $0x230;
	[sflag:s4] =	ssyncadd.s32 $0xFFFFF600  }
0x87: {  	[tilespmem:s23], [sflag:$0x3] =	stream.indirect.gather [hbm4b:s6+s19], $0x20, s18, s19, $0xb8;
	[tilespmem:$0x12840] =	vst v63  }
.LBB2_4:
0x88: {  	_ =	swait.ge [sflag:s31], $0xA00  }
0x89: {  	s11 =	sshra.s32 s10, $0x2;
	[sflag:s31] =	ssyncset.done $0x0  }
0x8a: {  	s12 =	sadd.s32 $0x4FB0, s11;
	[sflag:s31] =	ssyncadd.s32 $0xFFFFF600  }
0x8b: {  	[spmem:s2] =	stream.indirect.scatter.add.bf16 [tilespmem:s20], [sflag:$0x6], $0x20, s12, s19, $0xb8;
	[tilespmem:$0x12840] =	vst v63  }
0x8c: {  	_ =	swait.ge [sflag:s5], $0xA00  }
0x8d: {  	[sflag:s5] =	ssyncset.done $0x0  }
0x8e: {  	s14 =	sadd.s32 $0x280, s11;
	[sflag:s5] =	ssyncadd.s32 $0xFFFFF600  }
0x8f: {  	[tilespmem:s26], [sflag:$0x4] =	stream.indirect.gather [hbm4b:s6+s19], $0x20, s14, s19, $0xb8;
	[tilespmem:$0x12840] =	vst v63  }
0x90: {  	_ =	swait.ge [sflag:s0], $0xA00  }
0x91: {  	[sflag:s0] =	ssyncset.done $0x0  }
0x92: {  	s18 =	sadd.s32 $0x5000, s11;
	[sflag:s0] =	ssyncadd.s32 $0xFFFFF600  }
0x93: {  	[spmem:s2] =	stream.indirect.scatter.add.bf16 [tilespmem:s21], [sflag:$0x7], $0x20, s18, s19, $0xb8;
	[tilespmem:$0x12840] =	vst v63  }
0x94: {  	_ =	swait.ge [sflag:s7], $0xA00  }
0x95: {  	[sflag:s7] =	ssyncset.done $0x0  }
0x96: {  	s13 =	sadd.s32 $0x2D0, s11;
	[sflag:s7] =	ssyncadd.s32 $0xFFFFF600  }
0x97: {  	[tilespmem:s29], [sflag:$0x5] =	stream.indirect.gather [hbm4b:s6+s19], $0x20, s13, s19, $0xb8;
	[tilespmem:$0x12840] =	vst v63  }
0x98: {  	_ =	swait.ge [sflag:s22], $0xA00  }
0x99: {  	[sflag:s22] =	ssyncset.done $0x0  }
0x9a: {  	s14 =	sadd.s32 $0x5050, s11;
	[sflag:s22] =	ssyncadd.s32 $0xFFFFF600  }
0x9b: {  	[spmem:s2] =	stream.indirect.scatter.add.bf16 [tilespmem:s23], [sflag:$0x8], $0x20, s14, s19, $0xb8;
	[tilespmem:$0x12840] =	vst v63  }
0x9c: {  	_ =	swait.ge [sflag:s28], $0xA00  }
0x9d: {  	p0 =	seq.s32 s10, $0x12C00;
	[sflag:s28] =	ssyncset.done $0x0  }
0x9e: {  	s12 =	simm.s32 @p0 $0x4;
	[sflag:s28] =	ssyncadd.s32 $0xFFFFF600  }
0x9f: {  	_ =	swait.ge @p0 [sflag:s12], $0xA00  }
0xa0: {  	[sflag:s12] =	ssyncset.done @p0 $0x0  }
0xa1: {  	[sflag:s12] =	ssyncadd.s32 @p0 $0xFFFFF600;
	s12 =	sshra.s32 @p0 s10, $0x2  }
0xa2: {  	s13 =	simm.s32 @p0 $0x50;
	s14 =	simm.s32 @p0 $0xC440;
	s12 =	sadd.s32 @p0 $0x50A0, s12  }
0xa3: {  	[spmem:s2] =	stream.indirect.scatter.add.bf16 @p0 [tilespmem:s14], [sflag:$0x9], $0x20, s12, s13, $0xb8;
	[tilespmem:$0x12840] =	vst v63  }
0xa4: {  	s12 =	simm.s32 @p0 $0x7  }
0xa5: {  	_ =	swait.ge @p0 [sflag:s12], $0xA00  }
0xa6: {  	[sflag:s12] =	ssyncset.done @p0 $0x0  }
0xa7: {  	[sflag:s12] =	ssyncadd.s32 @p0 $0xFFFFF600;
	s12 =	sshra.s32 @!p0 s10, $0x2  }
0xa8: {  	s18 =	simm.s32 @!p0 $0xA640;
	s14 =	simm.s32 @!p0 $0x50;
	s13 =	sadd.s32 @!p0 $0x320, s12  }
0xa9: {  	[tilespmem:s18], [sflag:$0x1] =	stream.indirect.gather @!p0 [hbm4b:s6+s14], $0x20, s13, s14, $0xb8;
	[tilespmem:$0x12840] =	vst v63  }
0xaa: {  	s13 =	simm.s32 @!p0 $0x4  }
0xab: {  	_ =	swait.ge @!p0 [sflag:s13], $0xA00  }
0xac: {  	[sflag:s13] =	ssyncset.done @!p0 $0x0  }
0xad: {  	s18 =	simm.s32 @!p0 $0xC440;
	[sflag:s13] =	ssyncadd.s32 @!p0 $0xFFFFF600;
	s13 =	sadd.s32 @!p0 $0x50A0, s12  }
0xae: {  	[spmem:s2] =	stream.indirect.scatter.add.bf16 @!p0 [tilespmem:s18], [sflag:$0x9], $0x20, s13, s14, $0xb8;
	[tilespmem:$0x12840] =	vst v63  }
0xaf: {  	s13 =	simm.s32 @!p0 $0x7  }
0xb0: {  	_ =	swait.ge @!p0 [sflag:s13], $0xA00  }
0xb1: {  	[sflag:s13] =	ssyncset.done @!p0 $0x0  }
0xb2: {  	s12 =	sadd.s32 @!p0 $0x370, s12;
	[sflag:s13] =	ssyncadd.s32 @!p0 $0xFFFFF600;
	s13 =	simm.s32 @!p0 $0xB040  }
0xb3: {  	[tilespmem:s13], [sflag:$0x2] =	stream.indirect.gather @!p0 [hbm4b:s6+s14], $0x20, s12, s14, $0xb8;
	[tilespmem:$0x12840] =	vst v63  }
0xb4: {  	_ =	swait.ge [sflag:s3], $0xA00  }
0xb5: {  	[sflag:s3] =	ssyncset.done $0x0  }
.Ltmp3:
0xb6: {  	s18 =	sadd.s32 $0x50F0, s11;
	[sflag:s3] =	ssyncadd.s32 $0xFFFFF600;
	(pc) =	sbr.rel @p0 .LBB2_6-.Ltmp3, $4  }
0xb7: {  	[spmem:s2] =	stream.indirect.scatter.add.bf16 [tilespmem:s29], [sflag:$0xA], $0x20, s18, s19, $0xb8;
	[tilespmem:$0x12840] =	vst v63  }
0xb8: {  	_ =	swait.ge [sflag:s4], $0xA00  }
0xb9: {  	[sflag:s4] =	ssyncset.done $0x0  }
0xba: {  	[sflag:s4] =	ssyncadd.s32 $0xFFFFF600  }
.Ltmp4:
0xbb: {  	(pc) =	sbr.rel .LBB2_4-.Ltmp4, $3  }
0xbc: {  	_ =	sdelay $0x1  }
0xbd: {  	s11 =	sadd.s32 $0x3C0, s11;
	s10 =	sadd.s32 $0x640, s10  }
0xbe: {  	[tilespmem:s23], [sflag:$0x3] =	stream.indirect.gather [hbm4b:s6+s19], $0x20, s11, s19, $0xb8;
	[tilespmem:$0x12840] =	vst v63  }
.LBB2_7:
0xbf: {  	_ =	sfence.sel $0x180000  }
0xc0: {  	[bflag:$0x0] =	sbarrier.arrive $0xFFFF  }
0xc1: {  	_ =	strace $0x90000050  }
0xc2: {  	s0 =	stileid.u32;
	[bflag:$0x2] =	sbarrier.arrive $0xFFFF  }
0xc3: {  	p0 =	sne.s32 s0, $0x0;
	s0 =	rddreg [dreg:$0x3]  }
0xc4: {  	s0 =	sadd.s32 @!p0 $0x100000, s0  }
0xc5: {  	[sflag:s0] =	ssyncadd.tile.s32 @!p0 $0x1;
	_ =	shalt  }
.Lfunc_end2:
_tile_overlayer_lowered:
.L_overlay_start_2:
0xc6: {  	(tag) =	ssettag $0x2  }
0xc7: {  	s0 =	rddreg [dreg:$0x0];
	s2 =	stileid.u32  }
0xc8: {  	s1 =	rddreg [dreg:$0x1];
	p0 =	sne.s32 s2, $0x0  }
0xc9: {  	s3 =	rddreg [dreg:$0x2];
	[bflag:$0x3] =	sbarrier.arrive $0xFFFF;
	s2 =	simm.s32 @!p0 $0x1C0B  }
0xca: {  	[timem:s3], [sflag:s2] =	dma.local @!p0 [hbm:s0], s1  }
0xcb: {  	s0 =	simm.s32 @!p0 $0xB  }
0xcc: {  	_ =	swait.ge @!p0 [sflag:s0], s1  }
0xcd: {  	s1 =	ssub.s32 @!p0 $0x0, s1;
	[sflag:s0] =	ssyncset.done @!p0 $0x0  }
0xce: {  	[sflag:s0] =	ssyncadd.s32 @!p0 s1  }
0xcf: {  	[bflag:$0x3] =	sbarrier.arrive $0xFFFF  }
0xd0: {  	_ =	shalt  }

// kernel: kernel.25.cloned.1.call-start
scs
__scs_entry_jumppad:
0x0: {  	(pc) =	sbr.rel $0x88, $3  }
0x1: {  	(tag) =	ssettag $0x0;
	lr =	simm.s32 $0x1  }
0x2: {  	[smem:$0x3F95] =	sst lr;
	_ =	strace $0xD0000000  }
0x3: {  	_ = 	snop  }
0x4: {  	_ = 	snop  }
0x5: {  	_ = 	snop  }
0x6: {  	_ = 	snop  }
0x7: {  	_ = 	snop  }
__scs_overlays_trampoline_lowered:
0x8: {  	[smem:$0x3FA4] =	sst s0  }
0x9: {  	[smem:$0x3FA5] =	sst s1  }
0xa: {  	[smem:$0x3FA6] =	sst s2  }
0xb: {  	[smem:$0x3FA7] =	sst s3  }
0xc: {  	[smem:$0x3FA8] =	sst s4  }
0xd: {  	[smem:$0x3FA9] =	sst s5  }
0xe: {  	[smem:$0x3FAA] =	sst s6  }
0xf: {  	[smem:$0x3FAB] =	sst s7  }
0x10: {  	[smem:$0x3FAC] =	sst s8  }
0x11: {  	[smem:$0x3FAD] =	sst s9;
	s0 =	simm.s32 @!p0 $0x0  }
0x12: {  	s1 =	sld [smem:$0x3F93];
	s0 =	simm.s32 @p0 $0x1  }
0x13: {  	[smem:$0x3FAE] =	sst s0;
	s0 =	simm.s32 @!p1 $0x0  }
0x14: {  	s2 =	sld [smem:$0x3F92];
	s0 =	simm.s32 @p1 $0x1  }
0x15: {  	[smem:$0x3FAF] =	sst s0;
	s0 =	simm.s32 @!p2 $0x0  }
0x16: {  	s3 =	sld [smem:$0x3FDB];
	s0 =	simm.s32 @p2 $0x1  }
0x17: {  	s4 =	simm.s32 $0x1BF5;
	[smem:$0x3FB1] =	sst s0  }
0x18: {  	s0 =	sld [smem:$0x3F94];
	_ =	swait.ge [sflag:s4], $0x0  }
0x19: {  	s7 =	sld [smem:$0x3F95]  }
0x1a: {  	s8 =	sadd.s32 $0xFFFFE003, lr  }
0x1b: {  	s9 =	sadd.s32 $0xFFFFFEF7, lr;
	s5 =	simm.s32 $0xFFFFFFFF;
	p2 =	slt.u32 s8, $0xFFFFF086  }
0x1c: {  	p1 =	slt.u32 s9, $0xF7A;
	s5 =	simm.s32 @!p2 $0x0  }
0x1d: {  	s5 =	simm.s32 @p1 $0x1;
	p0 =	seq.s32 s7, s2  }
0x1e: {  	s7 =	smul.u32 @!p0 $0xF7A, s2;
	p2 =	seq.s32 @!p0 s5, $0x0  }
0x1f: {  	s9 =	smul.u32 $0xF7A, s1;
	s8 =	simm.s32 @!p0 $0x1BF5;
	p2 =	por !p2, p0  }
0x20: {  	[sflag:s8] =	ssyncset.s32 @!p0 $0xFFFFF086;
	s6 =	sadd.s32 @!p0 s3, s7;
	s7 =	simm.s32 @!p0 $0x108  }
0x21: {  	s3 =	sadd.s32 s3, s9;
	s6 =	sadd.s32 @!p0 $0x88, s6;
	s7 =	simm.s32 @p2 $0x1082  }
0x22: {  	[simem:s7], [sflag:s8] =	dma.local @!p0 [hbm:s6], $0xF7A  }
0x23: {  	s9 =	sor.u32 $0xD0000000, s2;
	s6 =	simm.s32 $0x108;
	_ =	swait.ge @!p0 [sflag:s8], $0x0  }
0x24: {  	s3 =	sadd.s32 $0x88, s3;
	s6 =	simm.s32 @!p1 $0x1082;
	[sflag:s4] =	ssyncset.s32 $0xFFFFF086  }
0x25: {  	[simem:s6], [sflag:s4] =	dma.local [hbm:s3], $0xF7A  }
0x26: {  	[smem:$0x3F95] =	sst s1;
	(tag) =	ssettag s2;
	_ =	strace s9  }
0x27: {  	s1 =	sld [smem:$0x3FA5]  }
0x28: {  	s2 =	sld [smem:$0x3FA6]  }
0x29: {  	s4 =	sld [smem:$0x3FA8]  }
0x2a: {  	p0 =	seq.s32 s5, $0x0;
	s5 =	sld [smem:$0x3FA9]  }
0x2b: {  	s6 =	sld [smem:$0x3FAA]  }
0x2c: {  	s7 =	sld [smem:$0x3FAB]  }
0x2d: {  	s3 =	simm.s32 $0x108;
	s8 =	sld [smem:$0x3FAC]  }
0x2e: {  	s3 =	simm.s32 @!p0 $0x1082;
	s9 =	sld [smem:$0x3FAD]  }
0x2f: {  	lr =	sadd.s32 s0, s3;
	s0 =	sld [smem:$0x3FA4]  }
0x30: {  	s3 =	sld [smem:$0x3FA7]  }
0x31: {  	[smem:$0x3FB0] =	sst s10  }
0x32: {  	s10 =	sld [smem:$0x3FAE];
	_ =	sdelay $0x3  }
0x33: {  	p0 =	seq.s32 s10, $0x1;
	s10 =	sld [smem:$0x3FB0];
	_ =	sdelay $0x3  }
0x34: {  	[smem:$0x3FB0] =	sst s10  }
0x35: {  	s10 =	sld [smem:$0x3FAF];
	_ =	sdelay $0x3  }
0x36: {  	p1 =	seq.s32 s10, $0x1;
	s10 =	sld [smem:$0x3FB0];
	_ =	sdelay $0x3  }
0x37: {  	[smem:$0x3FB0] =	sst s10  }
0x38: {  	s10 =	sld [smem:$0x3FB1]  }
0x39: {  	_ = 	snop;
	(pc) =	sbr.ind lr, $3  }
0x3a: {  	_ = 	snop  }
0x3b: {  	_ = 	snop  }
0x3c: {  	p2 =	seq.s32 s10, $0x1;
	s10 =	sld [smem:$0x3FB0]  }
0x3d: {  	_ =	shalt  }
0x3e: {  	_ =	shalt  }
0x3f: {  	_ =	shalt  }
0x40: {  	_ =	shalt  }
0x41: {  	_ =	shalt  }
0x42: {  	_ =	shalt  }
0x43: {  	_ =	shalt  }
0x44: {  	_ =	shalt  }
0x45: {  	_ =	shalt  }
0x46: {  	_ =	shalt  }
0x47: {  	_ =	shalt  }
0x48: {  	_ =	shalt  }
0x49: {  	_ =	shalt  }
0x4a: {  	_ =	shalt  }
0x4b: {  	_ =	shalt  }
0x4c: {  	_ =	shalt  }
0x4d: {  	_ =	shalt  }
0x4e: {  	_ =	shalt  }
0x4f: {  	_ =	shalt  }
0x50: {  	_ =	shalt  }
0x51: {  	_ =	shalt  }
0x52: {  	_ =	shalt  }
0x53: {  	_ =	shalt  }
0x54: {  	_ =	shalt  }
0x55: {  	_ =	shalt  }
0x56: {  	_ =	shalt  }
0x57: {  	_ =	shalt  }
0x58: {  	_ =	shalt  }
0x59: {  	_ =	shalt  }
0x5a: {  	_ =	shalt  }
0x5b: {  	_ =	shalt  }
0x5c: {  	_ =	shalt  }
0x5d: {  	_ =	shalt  }
0x5e: {  	_ =	shalt  }
0x5f: {  	_ =	shalt  }
0x60: {  	_ =	shalt  }
0x61: {  	_ =	shalt  }
0x62: {  	_ =	shalt  }
0x63: {  	_ =	shalt  }
0x64: {  	_ =	shalt  }
0x65: {  	_ =	shalt  }
0x66: {  	_ =	shalt  }
0x67: {  	_ =	shalt  }
0x68: {  	_ =	shalt  }
0x69: {  	_ =	shalt  }
0x6a: {  	_ =	shalt  }
0x6b: {  	_ =	shalt  }
0x6c: {  	_ =	shalt  }
0x6d: {  	_ =	shalt  }
0x6e: {  	_ =	shalt  }
0x6f: {  	_ =	shalt  }
0x70: {  	_ =	shalt  }
0x71: {  	_ =	shalt  }
0x72: {  	_ =	shalt  }
0x73: {  	_ =	shalt  }
0x74: {  	_ =	shalt  }
0x75: {  	_ =	shalt  }
0x76: {  	_ =	shalt  }
0x77: {  	_ =	shalt  }
0x78: {  	_ =	shalt  }
0x79: {  	_ =	shalt  }
0x7a: {  	_ =	shalt  }
0x7b: {  	_ =	shalt  }
0x7c: {  	_ =	shalt  }
0x7d: {  	_ =	shalt  }
0x7e: {  	_ =	shalt  }
0x7f: {  	_ =	shalt  }
0x80: {  	_ =	shalt  }
0x81: {  	_ =	shalt  }
0x82: {  	_ =	shalt  }
0x83: {  	_ =	shalt  }
0x84: {  	_ =	shalt  }
0x85: {  	_ =	shalt  }
0x86: {  	_ =	shalt  }
0x87: {  	_ =	shalt  }
.Lfunc_end0:
.L_simem_size_0:
called_computation.4_lowered:
.L_overlay_start_0:
0x88: {  	s2 =	sld [smem:$0x3FD9]  }
0x89: {  	s3 =	sld [smem:$0x3FFE];
	_ =	sdelay $0x1  }
0x8a: {  	s1 =	srdreg.scid  }
0x8b: {  	s0 =	sand.u32 $0x1, s1  }
0x8c: {  	s17 =	sshll.u32 s0, $0xA;
	s2 =	sadd.s32 s3, s2  }
0x8d: {  	s2 =	sadd.s32 s2, s17  }
0x8e: {  	[smem:$0x3FBC] =	sst s2  }
0x8f: {  	_ = 	snop  }
0x90: {  	s2 =	sld [smem:$0x3FD0];
	(tm) =	ssettm $0x1  }
0x91: {  	s18 =	sld [smem:$0x3FFB];
	_ =	sdelay $0x3  }
0x92: {  	_ =	strace s18  }
0x93: {  	s3 =	sld [smem:$0x3FFC];
	_ =	sdelay $0x3  }
0x94: {  	_ =	strace s3  }
0x95: {  	s3 =	sld [smem:$0x3FFD];
	_ =	sdelay $0x3  }
0x96: {  	_ =	strace s3  }
0x97: {  	_ =	strace $0x8FFFFFFF  }
0x98: {  	s19 =	sld [smem:$0x3FDB];
	_ =	sdelay $0x1  }
0x99: {  	s4 =	simm.s32 $_scs_section_size  }
0x9a: {  	s5 =	simm.s32 $_size__tile_overlayer_lowered;
	s6 =	simm.s32 $_tile_overlayer_lowered  }
0x9b: {  	s22 =	simm.s32 $0x1BFF;
	s21 =	sshll.u32 s6, $0x1;
	s3 =	sadd.s32 s4, s19  }
0x9c: {  	s7 =	simm.s32 $0x0;
	s20 =	sshll.u32 s5, $0x1;
	s5 =	sadd.s32 s21, s3  }
0x9d: {  	[timem:s7], [sflag:s22] =	dma.local [hbm:s5], s20  }
0x9e: {  	_ =	swait.ge [sflag:s22], s20  }
0x9f: {  	s4 =	ssub.s32 $0x0, s20;
	[sflag:s22] =	ssyncset.done $0x0  }
0xa0: {  	[sflag:s22] =	ssyncadd.s32 s4;
	_ =	sdelay $0x1  }
0xa1: {  	s23 =	simm.s32 $0x1B8B  }
0xa2: {  	_ =	swait.ge [sflag:s23], $0x1  }
0xa3: {  	[sflag:s23] =	ssyncset.done $0x0  }
0xa4: {  	s25 =	simm.s32 $0x1B8E;
	s24 =	sld [smem:$0x3FFE];
	[sflag:s23] =	ssyncadd.s32 $0xFFFFFFFF  }
0xa5: {  	s26 =	simm.s32 $execute0_lowered;
	[smem:$0x3FD2] =	sst s25  }
0xa6: {  	s5 =	sshll.u32 s26, $0x1;
	_ =	strace $0x80000052;
	[dreg:$0x1] =	wrdreg $0xFFFFFFFF  }
0xa7: {  	s28 =	simm.s32 $_size_execute0_lowered;
	s3 =	sadd.s32 s3, s5;
	[dreg:$0x0] =	wrdreg $0x0  }
0xa8: {  	s5 =	sshll.u32 s28, $0x1;
	[dreg:$0x2] =	wrdreg s3  }
0xa9: {  	[dreg:$0x3] =	wrdreg s5  }
0xaa: {  	[dreg:$0x4] =	wrdreg $0xC0  }
0xab: {  	_ =	task [dreg:s7], $0x5FFFF  }
0xac: {  	[dreg:$0x1] =	wrdreg $0xFFFFFFFF  }
0xad: {  	[dreg:$0x0] =	wrdreg $0x60  }
0xae: {  	[dreg:$0x2] =	wrdreg s2  }
0xaf: {  	[dreg:$0x3] =	wrdreg s24  }
0xb0: {  	[dreg:$0x4] =	wrdreg $0xD8400  }
0xb1: {  	[dreg:$0x5] =	wrdreg $0x9  }
0xb2: {  	_ =	task.clear_ibuf [dreg:s7], $0x6FFFF;
	_ =	strace $0x90000052  }
0xb3: {  	s29 =	simm.s32 $0x9;
	_ =	strace $0x80000054  }
0xb4: {  	_ =	swait.ge [sflag:s29], $0x1  }
0xb5: {  	[sflag:s29] =	ssyncadd.s32 $0xFFFFFFFF  }
0xb6: {  	_ =	strace $0x90000054  }
0xb7: {  	_ =	sfence  }
0xb8: {  	s30 =	sld [smem:$0x0];
	_ =	sdelay $0x2  }
0xb9: {  	s31 =	sshll.u32 s1, $0xD;
	s1 =	sshrl.u32 s1, $0x2  }
0xba: {  	s3 =	sand.u32 $0x4000, s31;
	s1 =	sadd.s32 s1, s30  }
0xbb: {  	s0 =	sor.u32 s3, s0;
	s1 =	sshll.u32 s1, $0x11  }
0xbc: {  	s0 =	sor.u32 s1, s0  }
0xbd: {  	s0 =	sadd.s32 $0x8F2B, s0  }
0xbe: {  	[sflag:s0] =	ssyncadd.remote.s32 $0x1  }
0xbf: {  	_ =	sfence.sel $0xFFFF  }
0xc0: {  	[dreg:$0x0] =	wrdreg $0xFFFFFFFF;
	(pc) =	sbr.abs _section_cstart, $3  }
0xc1: {  	[dreg:$0x1] =	wrdreg $0xFFFFFFFF  }
0xc2: {  	_ =	task.clear_ibuf [dreg:s7], $0x2FFFF;
	_ =	strace $0x9FFFFFFF  }
0xc3: {  	(tm) =	ssettm $0x7FFFFFFF  }
tec
execute0_lowered:
.L_overlay_start_1:
0x0: {  	(tag) =	ssettag $0x1  }
0x1: {  	s0 =	rddreg [dreg:$0x0]  }
0x2: {  	s1 =	rddreg [dreg:$0x1]  }
0x3: {  	s3 =	srdreg.scid;
	s2 =	rddreg [dreg:$0x2]  }
0x4: {  	s9 =	stileid.u32;
	s6 =	simm.s32 $0x0;
	s29 =	simm.s32 $0xCE40  }
0x5: {  	s30 =	simm.s32 $0x9C40;
	s31 =	simm.s32 $0x1;
	s5 =	smul.u32 $0xA000, s9  }
0x6: {  	s28 =	simm.s32 $0x6;
	s3 =	sand.u32 $0x1, s3;
	s16 =	smul.u32 $0x9C4, s9  }
0x7: {  	[smem:$0x7FF] =	sst s6;
	s17 =	smul.u32 $0x14000, s9;
	s9 =	simm.s32 $0x0  }
0x8: {  	s4 =	smul.u32 $0xA0000, s3;
	_ =	strace $0x80000053;
	s3 =	ssub.s32 $0x2, s3  }
0x9: {  	s6 =	sadd.s32 s16, s1;
	s8 =	sshrl.u32 s3, $0x1;
	s19 =	sshrl.u32 s5, $0x1  }
0xa: {  	s20 =	sshrl.u32 s17, $0x2;
	s17 =	simm.s32 $0xB;
	s7 =	sadd.s32 s5, s4  }
0xb: {  	s3 =	ssub.s32 s3, s8;
	s18 =	sadd.s32 $0xD400, s6;
	s6 =	sadd.s32 $0x3600, s6  }
0xc: {  	s4 =	sshrl.u32 s4, $0x4;
	s8 =	sadd.s32 s20, s2;
	s20 =	simm.s32 $0xA640  }
0xd: {  	s5 =	simm.s32 $0x9;
	s7 =	sshrl.u32 s7, $0x4;
	[dreg:$0x4] =	wrdreg s18  }
0xe: {  	[dreg:$0x5] =	wrdreg s6;
	s6 =	sadd.s32 s0, s4;
	s0 =	sadd.s32 s19, s2  }
0xf: {  	s21 =	smax.u32 s3, $0x1;
	s22 =	sadd.s32 $0xA00, s8;
	s23 =	sadd.s32 $0x1400, s8  }
0x10: {  	s24 =	sadd.s32 $0x1E00, s8;
	s25 =	sadd.s32 $0x2800, s8;
	[dreg:$0x7] =	wrdreg s21  }
0x11: {  	s26 =	sadd.s32 $0x3200, s8;
	s15 =	sadd.s32 $0x3C00, s8;
	[dreg:$0x8] =	wrdreg s22  }
0x12: {  	s16 =	sadd.s32 $0x4600, s8;
	s19 =	simm.s32 $0x50;
	[dreg:$0x9] =	wrdreg s23  }
0x13: {  	s3 =	simm.s32 $0x5;
	s4 =	simm.s32 $0x8;
	[dreg:$0xa] =	wrdreg s24  }
.Ltmp0:
0x14: {  	s1 =	sadd.s32 s7, s1;
	[dreg:$0xb] =	wrdreg s25;
	(pc) =	sbr.rel .LBB2_1-.Ltmp0, $4  }
0x15: {  	[dreg:$0xc] =	wrdreg s26;
	s21 =	simm.s32 $0xB040;
	s23 =	simm.s32 $0xBA40  }
0x16: {  	s25 =	sshrl.u32 s0, $0x3;
	s26 =	simm.s32 $0xC440;
	s0 =	simm.s32 $0x2  }
0x17: {  	s22 =	simm.s32 $0x3;
	s24 =	simm.s32 $0x4;
	s1 =	sadd.s32 $0x17200, s1  }
0x18: {  	v0 =	vimm.bf16 $0.0e+00;
	s7 =	simm.s32 $0xA;
	[dreg:$0x6] =	wrdreg s1;
	s1 =	simm.s32 $0x7  }
.LBB2_6:
0x19: {  	_ =	swait.ge [sflag:s5], $0xA00  }
0x1a: {  	[sflag:s5] =	ssyncset.done $0x0  }
0x1b: {  	[sflag:s5] =	ssyncadd.s32 $0xFFFFF600  }
0x1c: {  	_ =	swait.ge [sflag:s7], $0xA00  }
0x1d: {  	[sflag:s7] =	ssyncset.done $0x0  }
0x1e: {  	s10 =	stileid.u32;
	[sflag:s7] =	ssyncadd.s32 $0xFFFFF600  }
0x1f: {  	s10 =	sshll.u32 s10, $0x6;
	[bflag:$0x0] =	sbarrier.arrive $0xFFFF  }
0x20: {  	s10 =	sor.u32 $0x1C0B, s10;
	s11 =	rddreg [dreg:$0x6]  }
0x21: {  	[hbm:s11], [sflag:s10] =	dma.local [spmem:s25], $0xA00  }
0x22: {  	_ =	swait.ge [sflag:s17], $0xA00  }
0x23: {  	s9 =	sadd.s32 $0x1, s9;
	s18 =	rddreg [dreg:$0x7]  }
0x24: {  	p0 =	sne.s32 s9, s18  }
.Ltmp1:
0x25: {  	_ = 	snop;
	(pc) =	sbr.rel @!p0 .LBB2_7-.Ltmp1, $3  }
0x26: {  	_ =	sdelay $0x1  }
0x27: {  	[sflag:s17] =	ssyncset.done $0x0  }
0x28: {  	[sflag:s17] =	ssyncadd.s32 $0xFFFFF600  }
.LBB2_1:
0x29: {  	s11 =	simm.s32 $0x0  }
0x2a: {  	s10 =	sand.u32 $0x3F80, s11;
	s11 =	sand.u32 $0x20, s11  }
0x2b: {  	s10 =	sshrl.u32 s10, $0x2;
	s11 =	sshrl.u32 s11, $0x1  }
0x2c: {  	s11 =	sor.u32 s11, s10  }
0x2d: {  	s10 =	simm.s32 $0x40;
	[tilespmem:s11+$0x9C40] =	vst v0;
	s11 =	simm.s32 $0x0  }
.LBB2_2:
0x2e: {  	p0 =	sne.s32 s10, $0x27C0  }
.Ltmp2:
0x2f: {  	s12 =	sand.u32 $0x3F80, s10;
	s11 =	sadd.s32 $0x20, s11;
	(pc) =	sbr.rel @p0 .LBB2_2-.Ltmp2, $4  }
0x30: {  	s10 =	sadd.s32 $0x40, s10;
	s13 =	sand.u32 $0x20, s11  }
0x31: {  	s12 =	sshrl.u32 s12, $0x2;
	s13 =	sshrl.u32 s13, $0x1  }
0x32: {  	s12 =	sor.u32 s13, s12  }
0x33: {  	[tilespmem:s12+$0x9C40] =	vst v0  }
0x34: {  	s10 =	simm.s32 $0x0;
	s11 =	rddreg [dreg:$0x4]  }
0x35: {  	[tilespmem:s10], [sflag:$0xB] =	stream.linear.gather [hbm4b:s11+s10], $0x4E20, $0x38;
	[tilespmem:$0x12840] =	vst v63  }
0x36: {  	_ =	swait.ge [sflag:s17], $0x4E20  }
0x37: {  	[sflag:s17] =	ssyncset.done $0x0  }
0x38: {  	s12 =	simm.s32 $0x4E20;
	s13 =	rddreg [dreg:$0x5];
	[sflag:s17] =	ssyncadd.s32 $0xFFFFB1E0  }
0x39: {  	[tilespmem:s12], [sflag:$0xB] =	stream.linear.gather [hbm4b:s13+s10], $0x4E20, $0x38;
	[tilespmem:$0x12840] =	vst v63  }
0x3a: {  	_ =	swait.ge [sflag:s17], $0x4E20  }
0x3b: {  	[sflag:s17] =	ssyncset.done $0x0  }
0x3c: {  	[sflag:s17] =	ssyncadd.s32 $0xFFFFB1E0  }
0x3d: {  	[tilespmem:s20], [sflag:$0x1] =	stream.indirect.gather [hbm4b:s6+s19], $0x20, s10, s19, $0xb8;
	[tilespmem:$0x12840] =	vst v63  }
0x3e: {  	_ = 	snop  }
0x3f: {  	[tilespmem:s21], [sflag:$0x2] =	stream.indirect.gather [hbm4b:s6+s19], $0x20, s19, s19, $0xb8;
	[tilespmem:$0x12840] =	vst v63  }
0x40: {  	s14 =	simm.s32 $0xA0  }
0x41: {  	[tilespmem:s23], [sflag:$0x3] =	stream.indirect.gather [hbm4b:s6+s19], $0x20, s14, s19, $0xb8;
	[tilespmem:$0x12840] =	vst v63  }
0x42: {  	s18 =	simm.s32 $0xF0  }
0x43: {  	[tilespmem:s26], [sflag:$0x4] =	stream.indirect.gather [hbm4b:s6+s19], $0x20, s18, s19, $0xb8;
	[tilespmem:$0x12840] =	vst v63  }
0x44: {  	s13 =	simm.s32 $0x140  }
0x45: {  	[tilespmem:s29], [sflag:$0x5] =	stream.indirect.gather [hbm4b:s6+s19], $0x20, s13, s19, $0xb8;
	[tilespmem:$0x12840] =	vst v63  }
0x46: {  	_ = 	snop  }
0x47: {  	[spmem:s8] =	stream.linear.scatter [tilespmem:s30], [sflag:$0xB], $0xA00, $0x38;
	[tilespmem:$0x12840] =	vst v63  }
0x48: {  	_ =	swait.ge [sflag:s17], $0xA00  }
0x49: {  	[sflag:s17] =	ssyncset.done $0x0  }
0x4a: {  	s14 =	rddreg [dreg:$0x8];
	[sflag:s17] =	ssyncadd.s32 $0xFFFFF600  }
0x4b: {  	[spmem:s14] =	stream.linear.scatter [tilespmem:s30], [sflag:$0xB], $0xA00, $0x38;
	[tilespmem:$0x12840] =	vst v63  }
0x4c: {  	_ =	swait.ge [sflag:s17], $0xA00  }
0x4d: {  	[sflag:s17] =	ssyncset.done $0x0  }
0x4e: {  	s18 =	rddreg [dreg:$0x9];
	[sflag:s17] =	ssyncadd.s32 $0xFFFFF600  }
0x4f: {  	[spmem:s18] =	stream.linear.scatter [tilespmem:s30], [sflag:$0xB], $0xA00, $0x38;
	[tilespmem:$0x12840] =	vst v63  }
0x50: {  	_ =	swait.ge [sflag:s17], $0xA00  }
0x51: {  	[sflag:s17] =	ssyncset.done $0x0  }
0x52: {  	s13 =	rddreg [dreg:$0xa];
	[sflag:s17] =	ssyncadd.s32 $0xFFFFF600  }
0x53: {  	[spmem:s13] =	stream.linear.scatter [tilespmem:s30], [sflag:$0xB], $0xA00, $0x38;
	[tilespmem:$0x12840] =	vst v63  }
0x54: {  	_ =	swait.ge [sflag:s17], $0xA00  }
0x55: {  	[sflag:s17] =	ssyncset.done $0x0  }
0x56: {  	s14 =	rddreg [dreg:$0xb];
	[sflag:s17] =	ssyncadd.s32 $0xFFFFF600  }
0x57: {  	[spmem:s14] =	stream.linear.scatter [tilespmem:s30], [sflag:$0xB], $0xA00, $0x38;
	[tilespmem:$0x12840] =	vst v63  }
0x58: {  	_ =	swait.ge [sflag:s17], $0xA00  }
0x59: {  	[sflag:s17] =	ssyncset.done $0x0  }
0x5a: {  	s18 =	rddreg [dreg:$0xc];
	[sflag:s17] =	ssyncadd.s32 $0xFFFFF600  }
0x5b: {  	[spmem:s18] =	stream.linear.scatter [tilespmem:s30], [sflag:$0xB], $0xA00, $0x38;
	[tilespmem:$0x12840] =	vst v63  }
0x5c: {  	_ =	swait.ge [sflag:s17], $0xA00  }
0x5d: {  	[sflag:s17] =	ssyncset.done $0x0  }
0x5e: {  	[sflag:s17] =	ssyncadd.s32 $0xFFFFF600  }
0x5f: {  	[spmem:s15] =	stream.linear.scatter [tilespmem:s30], [sflag:$0xB], $0xA00, $0x38;
	[tilespmem:$0x12840] =	vst v63  }
0x60: {  	_ =	swait.ge [sflag:s17], $0xA00  }
0x61: {  	[sflag:s17] =	ssyncset.done $0x0  }
0x62: {  	[sflag:s17] =	ssyncadd.s32 $0xFFFFF600  }
0x63: {  	[spmem:s16] =	stream.linear.scatter [tilespmem:s30], [sflag:$0xB], $0xA00, $0x38;
	[tilespmem:$0x12840] =	vst v63  }
0x64: {  	_ =	swait.ge [sflag:s17], $0xA00  }
0x65: {  	[sflag:s17] =	ssyncset.done $0x0  }
0x66: {  	[sflag:s17] =	ssyncadd.s32 $0xFFFFF600  }
0x67: {  	[bflag:$0x0] =	sbarrier.arrive $0xFFFF  }
0x68: {  	_ =	swait.ge [sflag:s31], $0xA00  }
0x69: {  	[sflag:s31] =	ssyncset.done $0x0  }
0x6a: {  	[sflag:s31] =	ssyncadd.s32 $0xFFFFF600  }
0x6b: {  	[spmem:s2] =	stream.indirect.scatter.add.bf16 [tilespmem:s20], [sflag:$0x6], $0x20, s12, s19, $0xb8;
	[tilespmem:$0x12840] =	vst v63  }
0x6c: {  	_ =	swait.ge [sflag:s0], $0xA00  }
0x6d: {  	[sflag:s0] =	ssyncset.done $0x0  }
0x6e: {  	s13 =	simm.s32 $0x4E70;
	[sflag:s0] =	ssyncadd.s32 $0xFFFFF600  }
0x6f: {  	[spmem:s2] =	stream.indirect.scatter.add.bf16 [tilespmem:s21], [sflag:$0x7], $0x20, s13, s19, $0xb8;
	[tilespmem:$0x12840] =	vst v63  }
0x70: {  	_ =	swait.ge [sflag:s22], $0xA00  }
0x71: {  	[sflag:s22] =	ssyncset.done $0x0  }
0x72: {  	s14 =	simm.s32 $0x4EC0;
	[sflag:s22] =	ssyncadd.s32 $0xFFFFF600  }
0x73: {  	[spmem:s2] =	stream.indirect.scatter.add.bf16 [tilespmem:s23], [sflag:$0x8], $0x20, s14, s19, $0xb8;
	[tilespmem:$0x12840] =	vst v63  }
0x74: {  	_ =	swait.ge [sflag:s28], $0xA00  }
0x75: {  	[sflag:s28] =	ssyncset.done $0x0  }
0x76: {  	s18 =	simm.s32 $0x190;
	[sflag:s28] =	ssyncadd.s32 $0xFFFFF600  }
0x77: {  	[tilespmem:s20], [sflag:$0x1] =	stream.indirect.gather [hbm4b:s6+s19], $0x20, s18, s19, $0xb8;
	[tilespmem:$0x12840] =	vst v63  }
0x78: {  	_ =	swait.ge [sflag:s24], $0xA00  }
0x79: {  	[sflag:s24] =	ssyncset.done $0x0  }
0x7a: {  	s12 =	simm.s32 $0x4F10;
	[sflag:s24] =	ssyncadd.s32 $0xFFFFF600  }
0x7b: {  	[spmem:s2] =	stream.indirect.scatter.add.bf16 [tilespmem:s26], [sflag:$0x9], $0x20, s12, s19, $0xb8;
	[tilespmem:$0x12840] =	vst v63  }
0x7c: {  	_ =	swait.ge [sflag:s1], $0xA00  }
0x7d: {  	[sflag:s1] =	ssyncset.done $0x0  }
0x7e: {  	s13 =	simm.s32 $0x1E0;
	[sflag:s1] =	ssyncadd.s32 $0xFFFFF600  }
0x7f: {  	[tilespmem:s21], [sflag:$0x2] =	stream.indirect.gather [hbm4b:s6+s19], $0x20, s13, s19, $0xb8;
	[tilespmem:$0x12840] =	vst v63  }
0x80: {  	_ =	swait.ge [sflag:s3], $0xA00  }
0x81: {  	[sflag:s3] =	ssyncset.done $0x0  }
0x82: {  	s14 =	simm.s32 $0x4F60;
	[sflag:s3] =	ssyncadd.s32 $0xFFFFF600  }
0x83: {  	[spmem:s2] =	stream.indirect.scatter.add.bf16 [tilespmem:s29], [sflag:$0xA], $0x20, s14, s19, $0xb8;
	[tilespmem:$0x12840] =	vst v63  }
0x84: {  	_ =	swait.ge [sflag:s4], $0xA00  }
0x85: {  	[sflag:s4] =	ssyncset.done $0x0  }
0x86: {  	s18 =	simm.s32 $0x230;
	[sflag:s4] =	ssyncadd.s32 $0xFFFFF600  }
0x87: {  	[tilespmem:s23], [sflag:$0x3] =	stream.indirect.gather [hbm4b:s6+s19], $0x20, s18, s19, $0xb8;
	[tilespmem:$0x12840] =	vst v63  }
.LBB2_4:
0x88: {  	_ =	swait.ge [sflag:s31], $0xA00  }
0x89: {  	s11 =	sshra.s32 s10, $0x2;
	[sflag:s31] =	ssyncset.done $0x0  }
0x8a: {  	s12 =	sadd.s32 $0x4FB0, s11;
	[sflag:s31] =	ssyncadd.s32 $0xFFFFF600  }
0x8b: {  	[spmem:s2] =	stream.indirect.scatter.add.bf16 [tilespmem:s20], [sflag:$0x6], $0x20, s12, s19, $0xb8;
	[tilespmem:$0x12840] =	vst v63  }
0x8c: {  	_ =	swait.ge [sflag:s5], $0xA00  }
0x8d: {  	[sflag:s5] =	ssyncset.done $0x0  }
0x8e: {  	s14 =	sadd.s32 $0x280, s11;
	[sflag:s5] =	ssyncadd.s32 $0xFFFFF600  }
0x8f: {  	[tilespmem:s26], [sflag:$0x4] =	stream.indirect.gather [hbm4b:s6+s19], $0x20, s14, s19, $0xb8;
	[tilespmem:$0x12840] =	vst v63  }
0x90: {  	_ =	swait.ge [sflag:s0], $0xA00  }
0x91: {  	[sflag:s0] =	ssyncset.done $0x0  }
0x92: {  	s18 =	sadd.s32 $0x5000, s11;
	[sflag:s0] =	ssyncadd.s32 $0xFFFFF600  }
0x93: {  	[spmem:s2] =	stream.indirect.scatter.add.bf16 [tilespmem:s21], [sflag:$0x7], $0x20, s18, s19, $0xb8;
	[tilespmem:$0x12840] =	vst v63  }
0x94: {  	_ =	swait.ge [sflag:s7], $0xA00  }
0x95: {  	[sflag:s7] =	ssyncset.done $0x0  }
0x96: {  	s13 =	sadd.s32 $0x2D0, s11;
	[sflag:s7] =	ssyncadd.s32 $0xFFFFF600  }
0x97: {  	[tilespmem:s29], [sflag:$0x5] =	stream.indirect.gather [hbm4b:s6+s19], $0x20, s13, s19, $0xb8;
	[tilespmem:$0x12840] =	vst v63  }
0x98: {  	_ =	swait.ge [sflag:s22], $0xA00  }
0x99: {  	[sflag:s22] =	ssyncset.done $0x0  }
0x9a: {  	s14 =	sadd.s32 $0x5050, s11;
	[sflag:s22] =	ssyncadd.s32 $0xFFFFF600  }
0x9b: {  	[spmem:s2] =	stream.indirect.scatter.add.bf16 [tilespmem:s23], [sflag:$0x8], $0x20, s14, s19, $0xb8;
	[tilespmem:$0x12840] =	vst v63  }
0x9c: {  	_ =	swait.ge [sflag:s28], $0xA00  }
0x9d: {  	p0 =	seq.s32 s10, $0x12C00;
	[sflag:s28] =	ssyncset.done $0x0  }
0x9e: {  	s12 =	simm.s32 @p0 $0x4;
	[sflag:s28] =	ssyncadd.s32 $0xFFFFF600  }
0x9f: {  	_ =	swait.ge @p0 [sflag:s12], $0xA00  }
0xa0: {  	[sflag:s12] =	ssyncset.done @p0 $0x0  }
0xa1: {  	[sflag:s12] =	ssyncadd.s32 @p0 $0xFFFFF600;
	s12 =	sshra.s32 @p0 s10, $0x2  }
0xa2: {  	s13 =	simm.s32 @p0 $0x50;
	s14 =	simm.s32 @p0 $0xC440;
	s12 =	sadd.s32 @p0 $0x50A0, s12  }
0xa3: {  	[spmem:s2] =	stream.indirect.scatter.add.bf16 @p0 [tilespmem:s14], [sflag:$0x9], $0x20, s12, s13, $0xb8;
	[tilespmem:$0x12840] =	vst v63  }
0xa4: {  	s12 =	simm.s32 @p0 $0x7  }
0xa5: {  	_ =	swait.ge @p0 [sflag:s12], $0xA00  }
0xa6: {  	[sflag:s12] =	ssyncset.done @p0 $0x0  }
0xa7: {  	[sflag:s12] =	ssyncadd.s32 @p0 $0xFFFFF600;
	s12 =	sshra.s32 @!p0 s10, $0x2  }
0xa8: {  	s18 =	simm.s32 @!p0 $0xA640;
	s14 =	simm.s32 @!p0 $0x50;
	s13 =	sadd.s32 @!p0 $0x320, s12  }
0xa9: {  	[tilespmem:s18], [sflag:$0x1] =	stream.indirect.gather @!p0 [hbm4b:s6+s14], $0x20, s13, s14, $0xb8;
	[tilespmem:$0x12840] =	vst v63  }
0xaa: {  	s13 =	simm.s32 @!p0 $0x4  }
0xab: {  	_ =	swait.ge @!p0 [sflag:s13], $0xA00  }
0xac: {  	[sflag:s13] =	ssyncset.done @!p0 $0x0  }
0xad: {  	s18 =	simm.s32 @!p0 $0xC440;
	[sflag:s13] =	ssyncadd.s32 @!p0 $0xFFFFF600;
	s13 =	sadd.s32 @!p0 $0x50A0, s12  }
0xae: {  	[spmem:s2] =	stream.indirect.scatter.add.bf16 @!p0 [tilespmem:s18], [sflag:$0x9], $0x20, s13, s14, $0xb8;
	[tilespmem:$0x12840] =	vst v63  }
0xaf: {  	s13 =	simm.s32 @!p0 $0x7  }
0xb0: {  	_ =	swait.ge @!p0 [sflag:s13], $0xA00  }
0xb1: {  	[sflag:s13] =	ssyncset.done @!p0 $0x0  }
0xb2: {  	s12 =	sadd.s32 @!p0 $0x370, s12;
	[sflag:s13] =	ssyncadd.s32 @!p0 $0xFFFFF600;
	s13 =	simm.s32 @!p0 $0xB040  }
0xb3: {  	[tilespmem:s13], [sflag:$0x2] =	stream.indirect.gather @!p0 [hbm4b:s6+s14], $0x20, s12, s14, $0xb8;
	[tilespmem:$0x12840] =	vst v63  }
0xb4: {  	_ =	swait.ge [sflag:s3], $0xA00  }
0xb5: {  	[sflag:s3] =	ssyncset.done $0x0  }
.Ltmp3:
0xb6: {  	s18 =	sadd.s32 $0x50F0, s11;
	[sflag:s3] =	ssyncadd.s32 $0xFFFFF600;
	(pc) =	sbr.rel @p0 .LBB2_6-.Ltmp3, $4  }
0xb7: {  	[spmem:s2] =	stream.indirect.scatter.add.bf16 [tilespmem:s29], [sflag:$0xA], $0x20, s18, s19, $0xb8;
	[tilespmem:$0x12840] =	vst v63  }
0xb8: {  	_ =	swait.ge [sflag:s4], $0xA00  }
0xb9: {  	[sflag:s4] =	ssyncset.done $0x0  }
0xba: {  	[sflag:s4] =	ssyncadd.s32 $0xFFFFF600  }
.Ltmp4:
0xbb: {  	(pc) =	sbr.rel .LBB2_4-.Ltmp4, $3  }
0xbc: {  	_ =	sdelay $0x1  }
0xbd: {  	s11 =	sadd.s32 $0x3C0, s11;
	s10 =	sadd.s32 $0x640, s10  }
0xbe: {  	[tilespmem:s23], [sflag:$0x3] =	stream.indirect.gather [hbm4b:s6+s19], $0x20, s11, s19, $0xb8;
	[tilespmem:$0x12840] =	vst v63  }
.LBB2_7:
0xbf: {  	_ =	sfence.sel $0x180000  }
0xc0: {  	[bflag:$0x0] =	sbarrier.arrive $0xFFFF  }
0xc1: {  	_ =	strace $0x90000053  }
0xc2: {  	s0 =	stileid.u32;
	[bflag:$0x2] =	sbarrier.arrive $0xFFFF  }
0xc3: {  	p0 =	sne.s32 s0, $0x0;
	s0 =	rddreg [dreg:$0x3]  }
0xc4: {  	s0 =	sadd.s32 @!p0 $0x100000, s0  }
0xc5: {  	[sflag:s0] =	ssyncadd.tile.s32 @!p0 $0x1;
	_ =	shalt  }
.Lfunc_end2:
_tile_overlayer_lowered:
.L_overlay_start_2:
0xc6: {  	(tag) =	ssettag $0x2  }
0xc7: {  	s0 =	rddreg [dreg:$0x0];
	s2 =	stileid.u32  }
0xc8: {  	s1 =	rddreg [dreg:$0x1];
	p0 =	sne.s32 s2, $0x0  }
0xc9: {  	s3 =	rddreg [dreg:$0x2];
	[bflag:$0x3] =	sbarrier.arrive $0xFFFF;
	s2 =	simm.s32 @!p0 $0x1C0B  }
0xca: {  	[timem:s3], [sflag:s2] =	dma.local @!p0 [hbm:s0], s1  }
0xcb: {  	s0 =	simm.s32 @!p0 $0xB  }
0xcc: {  	_ =	swait.ge @!p0 [sflag:s0], s1  }
0xcd: {  	s1 =	ssub.s32 @!p0 $0x0, s1;
	[sflag:s0] =	ssyncset.done @!p0 $0x0  }
0xce: {  	[sflag:s0] =	ssyncadd.s32 @!p0 s1  }
0xcf: {  	[bflag:$0x3] =	sbarrier.arrive $0xFFFF  }
0xd0: {  	_ =	shalt  }

// kernel: kernel.28.cloned.1.call-start
scs
__scs_entry_jumppad:
0x0: {  	(pc) =	sbr.rel $0x88, $3  }
0x1: {  	(tag) =	ssettag $0x0;
	lr =	simm.s32 $0x1  }
0x2: {  	[smem:$0x3F95] =	sst lr;
	_ =	strace $0xD0000000  }
0x3: {  	_ = 	snop  }
0x4: {  	_ = 	snop  }
0x5: {  	_ = 	snop  }
0x6: {  	_ = 	snop  }
0x7: {  	_ = 	snop  }
__scs_overlays_trampoline_lowered:
0x8: {  	[smem:$0x3FA4] =	sst s0  }
0x9: {  	[smem:$0x3FA5] =	sst s1  }
0xa: {  	[smem:$0x3FA6] =	sst s2  }
0xb: {  	[smem:$0x3FA7] =	sst s3  }
0xc: {  	[smem:$0x3FA8] =	sst s4  }
0xd: {  	[smem:$0x3FA9] =	sst s5  }
0xe: {  	[smem:$0x3FAA] =	sst s6  }
0xf: {  	[smem:$0x3FAB] =	sst s7  }
0x10: {  	[smem:$0x3FAC] =	sst s8  }
0x11: {  	[smem:$0x3FAD] =	sst s9;
	s0 =	simm.s32 @!p0 $0x0  }
0x12: {  	s1 =	sld [smem:$0x3F93];
	s0 =	simm.s32 @p0 $0x1  }
0x13: {  	[smem:$0x3FAE] =	sst s0;
	s0 =	simm.s32 @!p1 $0x0  }
0x14: {  	s2 =	sld [smem:$0x3F92];
	s0 =	simm.s32 @p1 $0x1  }
0x15: {  	[smem:$0x3FAF] =	sst s0;
	s0 =	simm.s32 @!p2 $0x0  }
0x16: {  	s3 =	sld [smem:$0x3FDB];
	s0 =	simm.s32 @p2 $0x1  }
0x17: {  	s4 =	simm.s32 $0x1BF5;
	[smem:$0x3FB1] =	sst s0  }
0x18: {  	s0 =	sld [smem:$0x3F94];
	_ =	swait.ge [sflag:s4], $0x0  }
0x19: {  	s7 =	sld [smem:$0x3F95]  }
0x1a: {  	s8 =	sadd.s32 $0xFFFFE003, lr  }
0x1b: {  	s9 =	sadd.s32 $0xFFFFFEF7, lr;
	s5 =	simm.s32 $0xFFFFFFFF;
	p2 =	slt.u32 s8, $0xFFFFF086  }
0x1c: {  	p1 =	slt.u32 s9, $0xF7A;
	s5 =	simm.s32 @!p2 $0x0  }
0x1d: {  	s5 =	simm.s32 @p1 $0x1;
	p0 =	seq.s32 s7, s2  }
0x1e: {  	s7 =	smul.u32 @!p0 $0xF7A, s2;
	p2 =	seq.s32 @!p0 s5, $0x0  }
0x1f: {  	s9 =	smul.u32 $0xF7A, s1;
	s8 =	simm.s32 @!p0 $0x1BF5;
	p2 =	por !p2, p0  }
0x20: {  	[sflag:s8] =	ssyncset.s32 @!p0 $0xFFFFF086;
	s6 =	sadd.s32 @!p0 s3, s7;
	s7 =	simm.s32 @!p0 $0x108  }
0x21: {  	s3 =	sadd.s32 s3, s9;
	s6 =	sadd.s32 @!p0 $0x88, s6;
	s7 =	simm.s32 @p2 $0x1082  }
0x22: {  	[simem:s7], [sflag:s8] =	dma.local @!p0 [hbm:s6], $0xF7A  }
0x23: {  	s9 =	sor.u32 $0xD0000000, s2;
	s6 =	simm.s32 $0x108;
	_ =	swait.ge @!p0 [sflag:s8], $0x0  }
0x24: {  	s3 =	sadd.s32 $0x88, s3;
	s6 =	simm.s32 @!p1 $0x1082;
	[sflag:s4] =	ssyncset.s32 $0xFFFFF086  }
0x25: {  	[simem:s6], [sflag:s4] =	dma.local [hbm:s3], $0xF7A  }
0x26: {  	[smem:$0x3F95] =	sst s1;
	(tag) =	ssettag s2;
	_ =	strace s9  }
0x27: {  	s1 =	sld [smem:$0x3FA5]  }
0x28: {  	s2 =	sld [smem:$0x3FA6]  }
0x29: {  	s4 =	sld [smem:$0x3FA8]  }
0x2a: {  	p0 =	seq.s32 s5, $0x0;
	s5 =	sld [smem:$0x3FA9]  }
0x2b: {  	s6 =	sld [smem:$0x3FAA]  }
0x2c: {  	s7 =	sld [smem:$0x3FAB]  }
0x2d: {  	s3 =	simm.s32 $0x108;
	s8 =	sld [smem:$0x3FAC]  }
0x2e: {  	s3 =	simm.s32 @!p0 $0x1082;
	s9 =	sld [smem:$0x3FAD]  }
0x2f: {  	lr =	sadd.s32 s0, s3;
	s0 =	sld [smem:$0x3FA4]  }
0x30: {  	s3 =	sld [smem:$0x3FA7]  }
0x31: {  	[smem:$0x3FB0] =	sst s10  }
0x32: {  	s10 =	sld [smem:$0x3FAE];
	_ =	sdelay $0x3  }
0x33: {  	p0 =	seq.s32 s10, $0x1;
	s10 =	sld [smem:$0x3FB0];
	_ =	sdelay $0x3  }
0x34: {  	[smem:$0x3FB0] =	sst s10  }
0x35: {  	s10 =	sld [smem:$0x3FAF];
	_ =	sdelay $0x3  }
0x36: {  	p1 =	seq.s32 s10, $0x1;
	s10 =	sld [smem:$0x3FB0];
	_ =	sdelay $0x3  }
0x37: {  	[smem:$0x3FB0] =	sst s10  }
0x38: {  	s10 =	sld [smem:$0x3FB1]  }
0x39: {  	_ = 	snop;
	(pc) =	sbr.ind lr, $3  }
0x3a: {  	_ = 	snop  }
0x3b: {  	_ = 	snop  }
0x3c: {  	p2 =	seq.s32 s10, $0x1;
	s10 =	sld [smem:$0x3FB0]  }
0x3d: {  	_ =	shalt  }
0x3e: {  	_ =	shalt  }
0x3f: {  	_ =	shalt  }
0x40: {  	_ =	shalt  }
0x41: {  	_ =	shalt  }
0x42: {  	_ =	shalt  }
0x43: {  	_ =	shalt  }
0x44: {  	_ =	shalt  }
0x45: {  	_ =	shalt  }
0x46: {  	_ =	shalt  }
0x47: {  	_ =	shalt  }
0x48: {  	_ =	shalt  }
0x49: {  	_ =	shalt  }
0x4a: {  	_ =	shalt  }
0x4b: {  	_ =	shalt  }
0x4c: {  	_ =	shalt  }
0x4d: {  	_ =	shalt  }
0x4e: {  	_ =	shalt  }
0x4f: {  	_ =	shalt  }
0x50: {  	_ =	shalt  }
0x51: {  	_ =	shalt  }
0x52: {  	_ =	shalt  }
0x53: {  	_ =	shalt  }
0x54: {  	_ =	shalt  }
0x55: {  	_ =	shalt  }
0x56: {  	_ =	shalt  }
0x57: {  	_ =	shalt  }
0x58: {  	_ =	shalt  }
0x59: {  	_ =	shalt  }
0x5a: {  	_ =	shalt  }
0x5b: {  	_ =	shalt  }
0x5c: {  	_ =	shalt  }
0x5d: {  	_ =	shalt  }
0x5e: {  	_ =	shalt  }
0x5f: {  	_ =	shalt  }
0x60: {  	_ =	shalt  }
0x61: {  	_ =	shalt  }
0x62: {  	_ =	shalt  }
0x63: {  	_ =	shalt  }
0x64: {  	_ =	shalt  }
0x65: {  	_ =	shalt  }
0x66: {  	_ =	shalt  }
0x67: {  	_ =	shalt  }
0x68: {  	_ =	shalt  }
0x69: {  	_ =	shalt  }
0x6a: {  	_ =	shalt  }
0x6b: {  	_ =	shalt  }
0x6c: {  	_ =	shalt  }
0x6d: {  	_ =	shalt  }
0x6e: {  	_ =	shalt  }
0x6f: {  	_ =	shalt  }
0x70: {  	_ =	shalt  }
0x71: {  	_ =	shalt  }
0x72: {  	_ =	shalt  }
0x73: {  	_ =	shalt  }
0x74: {  	_ =	shalt  }
0x75: {  	_ =	shalt  }
0x76: {  	_ =	shalt  }
0x77: {  	_ =	shalt  }
0x78: {  	_ =	shalt  }
0x79: {  	_ =	shalt  }
0x7a: {  	_ =	shalt  }
0x7b: {  	_ =	shalt  }
0x7c: {  	_ =	shalt  }
0x7d: {  	_ =	shalt  }
0x7e: {  	_ =	shalt  }
0x7f: {  	_ =	shalt  }
0x80: {  	_ =	shalt  }
0x81: {  	_ =	shalt  }
0x82: {  	_ =	shalt  }
0x83: {  	_ =	shalt  }
0x84: {  	_ =	shalt  }
0x85: {  	_ =	shalt  }
0x86: {  	_ =	shalt  }
0x87: {  	_ =	shalt  }
.Lfunc_end0:
.L_simem_size_0:
called_computation.5_lowered:
.L_overlay_start_0:
0x88: {  	s2 =	sld [smem:$0x3FD9]  }
0x89: {  	s3 =	sld [smem:$0x3FFE];
	_ =	sdelay $0x1  }
0x8a: {  	s1 =	srdreg.scid  }
0x8b: {  	s0 =	sand.u32 $0x1, s1  }
0x8c: {  	s17 =	sshll.u32 s0, $0xA;
	s2 =	sadd.s32 s3, s2  }
0x8d: {  	s2 =	sadd.s32 s2, s17  }
0x8e: {  	[smem:$0x3FBC] =	sst s2  }
0x8f: {  	_ = 	snop  }
0x90: {  	s2 =	sld [smem:$0x3FD0];
	(tm) =	ssettm $0x1  }
0x91: {  	s18 =	sld [smem:$0x3FFB];
	_ =	sdelay $0x3  }
0x92: {  	_ =	strace s18  }
0x93: {  	s3 =	sld [smem:$0x3FFC];
	_ =	sdelay $0x3  }
0x94: {  	_ =	strace s3  }
0x95: {  	s3 =	sld [smem:$0x3FFD];
	_ =	sdelay $0x3  }
0x96: {  	_ =	strace s3  }
0x97: {  	_ =	strace $0x8FFFFFFF  }
0x98: {  	s19 =	sld [smem:$0x3FDB];
	_ =	sdelay $0x1  }
0x99: {  	s4 =	simm.s32 $_scs_section_size  }
0x9a: {  	s5 =	simm.s32 $_size__tile_overlayer_lowered;
	s6 =	simm.s32 $_tile_overlayer_lowered  }
0x9b: {  	s22 =	simm.s32 $0x1BFF;
	s21 =	sshll.u32 s6, $0x1;
	s3 =	sadd.s32 s4, s19  }
0x9c: {  	s7 =	simm.s32 $0x0;
	s20 =	sshll.u32 s5, $0x1;
	s5 =	sadd.s32 s21, s3  }
0x9d: {  	[timem:s7], [sflag:s22] =	dma.local [hbm:s5], s20  }
0x9e: {  	_ =	swait.ge [sflag:s22], s20  }
0x9f: {  	s4 =	ssub.s32 $0x0, s20;
	[sflag:s22] =	ssyncset.done $0x0  }
0xa0: {  	[sflag:s22] =	ssyncadd.s32 s4;
	_ =	sdelay $0x1  }
0xa1: {  	s23 =	simm.s32 $0x1B8B  }
0xa2: {  	_ =	swait.ge [sflag:s23], $0x1  }
0xa3: {  	[sflag:s23] =	ssyncset.done $0x0  }
0xa4: {  	s25 =	simm.s32 $0x1B8E;
	s24 =	sld [smem:$0x3FFE];
	[sflag:s23] =	ssyncadd.s32 $0xFFFFFFFF  }
0xa5: {  	s26 =	simm.s32 $execute0_lowered;
	[smem:$0x3FD2] =	sst s25  }
0xa6: {  	s5 =	sshll.u32 s26, $0x1;
	_ =	strace $0x80000055;
	[dreg:$0x1] =	wrdreg $0xFFFFFFFF  }
0xa7: {  	s28 =	simm.s32 $_size_execute0_lowered;
	s3 =	sadd.s32 s3, s5;
	[dreg:$0x0] =	wrdreg $0x0  }
0xa8: {  	s5 =	sshll.u32 s28, $0x1;
	[dreg:$0x2] =	wrdreg s3  }
0xa9: {  	[dreg:$0x3] =	wrdreg s5  }
0xaa: {  	[dreg:$0x4] =	wrdreg $0xC0  }
0xab: {  	_ =	task [dreg:s7], $0x5FFFF  }
0xac: {  	[dreg:$0x1] =	wrdreg $0xFFFFFFFF  }
0xad: {  	[dreg:$0x0] =	wrdreg $0x60  }
0xae: {  	[dreg:$0x2] =	wrdreg s24  }
0xaf: {  	[dreg:$0x3] =	wrdreg s2  }
0xb0: {  	[dreg:$0x4] =	wrdreg $0x9  }
0xb1: {  	_ =	task.clear_ibuf [dreg:s7], $0x5FFFF;
	_ =	strace $0x90000055  }
0xb2: {  	s29 =	simm.s32 $0x9;
	_ =	strace $0x80000057  }
0xb3: {  	_ =	swait.ge [sflag:s29], $0x1  }
0xb4: {  	[sflag:s29] =	ssyncadd.s32 $0xFFFFFFFF  }
0xb5: {  	_ =	strace $0x90000057  }
0xb6: {  	_ =	sfence  }
0xb7: {  	s30 =	sld [smem:$0x0];
	_ =	sdelay $0x2  }
0xb8: {  	s31 =	sshll.u32 s1, $0xD;
	s1 =	sshrl.u32 s1, $0x2  }
0xb9: {  	s3 =	sand.u32 $0x4000, s31;
	s1 =	sadd.s32 s1, s30  }
0xba: {  	s0 =	sor.u32 s3, s0;
	s1 =	sshll.u32 s1, $0x11  }
0xbb: {  	s0 =	sor.u32 s1, s0  }
0xbc: {  	s0 =	sadd.s32 $0x8F2B, s0  }
0xbd: {  	[sflag:s0] =	ssyncadd.remote.s32 $0x1  }
0xbe: {  	_ =	sfence.sel $0xFFFF  }
0xbf: {  	[dreg:$0x0] =	wrdreg $0xFFFFFFFF;
	(pc) =	sbr.abs _section_cstart, $3  }
0xc0: {  	[dreg:$0x1] =	wrdreg $0xFFFFFFFF  }
0xc1: {  	_ =	task.clear_ibuf [dreg:s7], $0x2FFFF;
	_ =	strace $0x9FFFFFFF  }
0xc2: {  	(tm) =	ssettm $0x7FFFFFFF  }
0xc3: {  	_ =	shalt  }
tec
execute0_lowered:
.L_overlay_start_1:
0x0: {  	(tag) =	ssettag $0x1  }
0x1: {  	s0 =	rddreg [dreg:$0x0];
	s1 =	srdreg.scid  }
0x2: {  	s3 =	stileid.u32;
	s2 =	rddreg [dreg:$0x1];
	s16 =	simm.s32 $0x50  }
0x3: {  	s18 =	simm.s32 $0x1;
	s19 =	simm.s32 $0x6;
	s21 =	simm.s32 $0x2  }
0x4: {  	s22 =	simm.s32 $0x7;
	s28 =	simm.s32 $0x8;
	s30 =	simm.s32 $0xB  }
0x5: {  	s31 =	simm.s32 $0x4;
	s17 =	simm.s32 $0xC;
	s15 =	simm.s32 $0x5  }
0x6: {  	s13 =	simm.s32 $0xD;
	s1 =	sand.u32 $0x1, s1;
	s4 =	sshll.u32 s3, $0x1  }
0x7: {  	s3 =	simm.s32 $0x0;
	s5 =	sadd.s32 $0x17200, s0;
	s4 =	sor.u32 s1, s4  }
0x8: {  	[smem:$0x7FF] =	sst s3;
	s1 =	ssub.s32 $0x2, s1;
	s8 =	smul.u32 $0x2710, s4  }
0x9: {  	s6 =	sadd.s32 $0x1C200, s0;
	_ =	strace $0x80000056;
	s7 =	sshrl.u32 s1, $0x1  }
0xa: {  	s1 =	ssub.s32 s1, s7;
	s7 =	simm.s32 $0xA;
	s4 =	sshrl.u32 s8, $0x3  }
0xb: {  	s25 =	sadd.s32 $0x50, s8;
	s26 =	sadd.s32 $0xA0, s8;
	s11 =	sadd.s32 $0xF0, s8  }
.Ltmp0:
0xc: {  	s10 =	smov.u32 s8;
	[dreg:$0x5] =	wrdreg s25;
	(pc) =	sbr.rel .LBB2_1-.Ltmp0, $4  }
0xd: {  	s29 =	smax.u32 s1, $0x1;
	s0 =	sadd.s32 s4, s0;
	[dreg:$0x6] =	wrdreg s26  }
0xe: {  	s12 =	sadd.s32 $0x140, s8;
	[dreg:$0x7] =	wrdreg s29;
	s4 =	sadd.s32 $0xD400, s0  }
0xf: {  	s1 =	simm.s32 $0x9;
	s0 =	sadd.s32 $0x3600, s0;
	[dreg:$0x3] =	wrdreg s4  }
0x10: {  	s8 =	simm.s32 $0x0;
	s26 =	simm.s32 $0x3;
	[dreg:$0x4] =	wrdreg s0  }
.LBB2_14:
0x11: {  	s0 =	simm.s32 $0xE  }
0x12: {  	_ =	swait.ge [sflag:s0], $0x500  }
0x13: {  	[sflag:s0] =	ssyncset.done $0x0  }
0x14: {  	s4 =	simm.s32 $0xF;
	[sflag:s0] =	ssyncadd.s32 $0xFFFFFB00  }
0x15: {  	_ =	swait.ge [sflag:s4], $0x500  }
0x16: {  	s8 =	rddreg [dreg:$0x8]  }
0x17: {  	s29 =	rddreg [dreg:$0x7];
	s8 =	sadd.s32 $0x1, s8  }
0x18: {  	p0 =	sne.s32 s8, s29  }
.Ltmp1:
0x19: {  	_ = 	snop;
	(pc) =	sbr.rel @!p0 .LBB2_15-.Ltmp1, $3  }
0x1a: {  	_ =	sdelay $0x1  }
0x1b: {  	[sflag:s4] =	ssyncset.done $0x0  }
0x1c: {  	[sflag:s4] =	ssyncadd.s32 $0xFFFFFB00  }
.LBB2_1:
0x1d: {  	[dreg:$0x8] =	wrdreg s8  }
0x1e: {  	s0 =	rddreg [dreg:$0x3];
	s4 =	simm.s32 $0x10  }
0x1f: {  	[tilespmem:s3], [sflag:$0x10] =	stream.linear.gather [hbm4b:s0+s3], $0x2710, $0x38;
	[tilespmem:$0x9920] =	vst v63  }
0x20: {  	_ =	swait.ge [sflag:s4], $0x2710  }
0x21: {  	[sflag:s4] =	ssyncset.done $0x0  }
0x22: {  	s25 =	simm.s32 $0x2710;
	s24 =	rddreg [dreg:$0x4];
	[sflag:s4] =	ssyncadd.s32 $0xFFFFD8F0  }
0x23: {  	[tilespmem:s25], [sflag:$0x10] =	stream.linear.gather [hbm4b:s24+s3], $0x2710, $0x38;
	[tilespmem:$0x9920] =	vst v63  }
0x24: {  	_ =	swait.ge [sflag:s4], $0x2710  }
0x25: {  	[sflag:s4] =	ssyncset.done $0x0  }
0x26: {  	s29 =	simm.s32 $0x4E20;
	[sflag:s4] =	ssyncadd.s32 $0xFFFFD8F0  }
0x27: {  	[tilespmem:s29], [sflag:$0x1] =	stream.indirect.gather [hbm4b:s5+s16], $0x10, s3, s16, $0xb8;
	[tilespmem:$0x9920] =	vst v63  }
0x28: {  	s4 =	simm.s32 $0x6720  }
0x29: {  	[tilespmem:s4], [sflag:$0x6] =	stream.indirect.gather [hbm4b:s6+s16], $0x10, s25, s16, $0xb8;
	[tilespmem:$0x9920] =	vst v63  }
0x2a: {  	s9 =	simm.s32 $0x5320  }
0x2b: {  	[tilespmem:s9], [sflag:$0x2] =	stream.indirect.gather [hbm4b:s5+s16], $0x10, s16, s16, $0xb8;
	[tilespmem:$0x9920] =	vst v63  }
0x2c: {  	s14 =	simm.s32 $0x2760;
	s20 =	simm.s32 $0x6C20  }
0x2d: {  	[tilespmem:s20], [sflag:$0x7] =	stream.indirect.gather [hbm4b:s6+s16], $0x10, s14, s16, $0xb8;
	[tilespmem:$0x9920] =	vst v63  }
0x2e: {  	s23 =	simm.s32 $0xA0;
	s24 =	simm.s32 $0x5820  }
0x2f: {  	[tilespmem:s24], [sflag:$0x3] =	stream.indirect.gather [hbm4b:s5+s16], $0x10, s23, s16, $0xb8;
	[tilespmem:$0x9920] =	vst v63  }
0x30: {  	s29 =	simm.s32 $0x7120;
	s25 =	simm.s32 $0x27B0  }
0x31: {  	[tilespmem:s29], [sflag:$0x8] =	stream.indirect.gather [hbm4b:s6+s16], $0x10, s25, s16, $0xb8;
	[tilespmem:$0x9920] =	vst v63  }
0x32: {  	s8 =	simm.s32 $0xF0;
	s9 =	simm.s32 $0x5D20  }
0x33: {  	[tilespmem:s9], [sflag:$0x4] =	stream.indirect.gather [hbm4b:s5+s16], $0x10, s8, s16, $0xb8;
	[tilespmem:$0x9920] =	vst v63  }
0x34: {  	s14 =	simm.s32 $0x2800;
	s20 =	simm.s32 $0x7620  }
0x35: {  	[tilespmem:s20], [sflag:$0x9] =	stream.indirect.gather [hbm4b:s6+s16], $0x10, s14, s16, $0xb8;
	[tilespmem:$0x9920] =	vst v63  }
0x36: {  	s23 =	simm.s32 $0x140;
	s24 =	simm.s32 $0x6220  }
0x37: {  	[tilespmem:s24], [sflag:$0x5] =	stream.indirect.gather [hbm4b:s5+s16], $0x10, s23, s16, $0xb8;
	[tilespmem:$0x9920] =	vst v63  }
0x38: {  	s25 =	simm.s32 $0x2850;
	s29 =	simm.s32 $0x7B20;
	s14 =	simm.s32 $0x0  }
0x39: {  	[tilespmem:s29], [sflag:$0xA] =	stream.indirect.gather [hbm4b:s6+s16], $0x10, s25, s16, $0xb8;
	[tilespmem:$0x9920] =	vst v63  }
.LBB2_2:
0x3a: {  	_ =	swait.ge [sflag:s18], $0x500  }
0x3b: {  	[sflag:s18] =	ssyncset.done $0x0  }
0x3c: {  	[sflag:s18] =	ssyncadd.s32 $0xFFFFFB00  }
0x3d: {  	_ =	swait.ge [sflag:s19], $0x500  }
0x3e: {  	[sflag:s19] =	ssyncset.done $0x0  }
0x3f: {  	s23 =	simm.s32 $0x0;
	[sflag:s19] =	ssyncadd.s32 $0xFFFFFB00  }
0x40: {  	v0 =	vld [tilespmem:s23+$0x4E20]  }
0x41: {  	v1 =	vld [tilespmem:s23+$0x6720];
	_ =	sdelay $0x4  }
0x42: {  	s25 =	simm.s32 $0x10;
	v0 =	vadd.f32 v1, v0  }
0x43: {  	v2 =	vld [tilespmem:s25+$0x6720]  }
0x44: {  	v1 =	vld [tilespmem:s25+$0x4E20];
	v0 =	vsub.f32 $0.0e+00, v0;
	_ =	sdelay $0x1  }
0x45: {  	s20 =	simm.s32 $0x20;
	v0 =	vmul.f32 $1.442695020e+00, v0  }
0x46: {  	v3 =	vld [tilespmem:s20+$0x4E20]  }
0x47: {  	(erf) = vpow2.f32 v0;
	v0 =	vld [tilespmem:s20+$0x6720]  }
0x48: {  	v1 =	vadd.f32 v2, v1;
	_ =	sdelay $0x1  }
0x49: {  	v1 =	vsub.f32 $0.0e+00, v1;
	_ =	sdelay $0x1  }
0x4a: {  	s24 =	simm.s32 $0x30;
	v1 =	vmul.f32 $1.442695020e+00, v1;
	v0 =	vadd.f32 v0, v3  }
0x4b: {  	v2 =	vld [tilespmem:s24+$0x4E20]  }
0x4c: {  	(erf) = vpow2.f32 v1;
	v1 =	vld [tilespmem:s24+$0x6720];
	v0 =	vsub.f32 $0.0e+00, v0;
	_ =	sdelay $0x1  }
0x4d: {  	v3 =	vpop (erf);
	v0 =	vmul.f32 $1.442695020e+00, v0  }
0x4e: {  	s29 =	simm.s32 $0x40;
	v3 =	vadd.f32 $1.000000000e+00, v3  }
0x4f: {  	v4 =	vld [tilespmem:s29+$0x4E20];
	(erf) = vpow2.f32 v0  }
0x50: {  	v1 =	vadd.f32 v1, v2;
	v0 =	vld [tilespmem:s29+$0x6720];
	(erf) = vrcp.f32 v3;
	_ =	sdelay $0x1  }
0x51: {  	v1 =	vsub.f32 $0.0e+00, v1;
	_ =	sdelay $0x1  }
0x52: {  	v2 =	vpop (erf);
	v1 =	vmul.f32 $1.442695020e+00, v1  }
0x53: {  	s0 =	simm.s32 $0x50;
	v2 =	vadd.f32 $1.000000000e+00, v2;
	v0 =	vadd.f32 v0, v4  }
0x54: {  	(erf) = vpow2.f32 v1;
	v1 =	vld [tilespmem:s0+$0x6720]  }
0x55: {  	(erf) = vrcp.f32 v2;
	v3 =	vsub.f32 $0.0e+00, v0;
	v0 =	vld [tilespmem:s0+$0x4E20]  }
0x56: {  	v4 =	vpop (erf)  }
0x57: {  	s8 =	simm.s32 $0x180;
	v3 =	vmul.f32 $1.442695020e+00, v3;
	v2 =	vpop (erf)  }
.LBB2_3:
0x58: {  	s4 =	sshra.s32 s8, $0x2  }
0x59: {  	v4 =	vadd.f32 $1.000000000e+00, v4;
	[tilespmem:s23+$0x8020] =	vst v2;
	s23 =	smov.u32 s25;
	s25 =	smov.u32 s20;
	p0 =	sne.s32 s8, $0x13C0  }
.Ltmp2:
0x5a: {  	s20 =	smov.u32 s24;
	s24 =	smov.u32 s29;
	v2 =	vadd.f32 v1, v0;
	v0 =	vld [tilespmem:s4+$0x4E20];
	(erf) = vpow2.f32 v3;
	(pc) =	sbr.rel @p0 .LBB2_3-.Ltmp2, $4  }
0x5b: {  	s8 =	sadd.s32 $0x40, s8;
	s29 =	smov.u32 s0;
	v1 =	vld [tilespmem:s4+$0x6720];
	(erf) = vrcp.f32 v4  }
0x5c: {  	s0 =	smov.u32 s4;
	v5 =	vsub.f32 $0.0e+00, v2  }
0x5d: {  	v4 =	vpop (erf)  }
0x5e: {  	v3 =	vmul.f32 $1.442695020e+00, v5;
	v2 =	vpop (erf)  }
0x5f: {  	_ = 	snop  }
0x60: {  	v0 =	vadd.f32 v1, v0;
	_ =	sdelay $0x1  }
0x61: {  	v0 =	vsub.f32 $0.0e+00, v0  }
0x62: {  	v1 =	vadd.f32 $1.000000000e+00, v4  }
0x63: {  	(erf) = vpow2.f32 v3;
	v0 =	vmul.f32 $1.442695020e+00, v0  }
0x64: {  	(erf) = vrcp.f32 v1  }
0x65: {  	(erf) = vpow2.f32 v0;
	_ =	sdelay $0x4  }
0x66: {  	v0 =	vpop (erf)  }
0x67: {  	v1 =	vpop (erf)  }
0x68: {  	v3 =	vpop (erf)  }
0x69: {  	v0 =	vadd.f32 $1.000000000e+00, v0;
	v4 =	vpop (erf)  }
0x6a: {  	v3 =	vadd.f32 $1.000000000e+00, v3;
	v5 =	vpop (erf)  }
0x6b: {  	(erf) = vrcp.f32 v0;
	v0 =	vadd.f32 $1.000000000e+00, v5  }
0x6c: {  	(erf) = vrcp.f32 v3  }
0x6d: {  	(erf) = vrcp.f32 v0;
	_ =	sdelay $0x4  }
0x6e: {  	[tilespmem:s23+$0x8020] =	vst v2  }
0x6f: {  	s23 =	smul.u32 $0x190, s14;
	[tilespmem:s25+$0x8020] =	vst v1  }
0x70: {  	[tilespmem:s20+$0x8020] =	vst v4;
	v0 =	vpop (erf)  }
0x71: {  	s4 =	sadd.s32 s10, s23;
	[tilespmem:s24+$0x8020] =	vst v0;
	v0 =	vpop (erf)  }
0x72: {  	p0 =	seq.s32 s14, $0x0;
	s4 =	sshll.u32 s4, $0x1;
	[tilespmem:s29+$0x8020] =	vst v0;
	v0 =	vpop (erf)  }
0x73: {  	s25 =	simm.s32 $0x8020;
	s24 =	sadd.s32 s2, s4;
	[tilespmem:s0+$0x8020] =	vst v0;
	s0 =	simm.s32 @!p0 $0xE  }
0x74: {  	[hbm4b:s24+s3] =	stream.linear.scatter [tilespmem:s25], [sflag:$0xB], $0x500, $0x38;
	[tilespmem:$0x9920] =	vst v63  }
0x75: {  	_ =	swait.ge @!p0 [sflag:s0], $0x500  }
0x76: {  	s8 =	simm.s32 @!p0 $0x5D20;
	[sflag:s0] =	ssyncset.done @!p0 $0x0  }
0x77: {  	s4 =	simm.s32 @!p0 $0x50;
	[sflag:s0] =	ssyncadd.s32 @!p0 $0xFFFFFB00;
	s0 =	sadd.s32 @!p0 $0xF0, s23  }
0x78: {  	[tilespmem:s8], [sflag:$0x4] =	stream.indirect.gather @!p0 [hbm4b:s5+s4], $0x10, s0, s4, $0xb8;
	[tilespmem:$0x9920] =	vst v63  }
0x79: {  	s0 =	sadd.s32 @!p0 $0x2800, s23;
	s8 =	simm.s32 @!p0 $0x7620  }
0x7a: {  	[tilespmem:s8], [sflag:$0x9] =	stream.indirect.gather @!p0 [hbm4b:s6+s4], $0x10, s0, s4, $0xb8;
	[tilespmem:$0x9920] =	vst v63  }
0x7b: {  	_ =	swait.ge [sflag:s21], $0x500  }
0x7c: {  	[sflag:s21] =	ssyncset.done $0x0  }
0x7d: {  	[sflag:s21] =	ssyncadd.s32 $0xFFFFFB00  }
0x7e: {  	_ =	swait.ge [sflag:s22], $0x500  }
0x7f: {  	[sflag:s22] =	ssyncset.done $0x0  }
0x80: {  	s25 =	simm.s32 $0x0;
	[sflag:s22] =	ssyncadd.s32 $0xFFFFFB00  }
0x81: {  	v0 =	vld [tilespmem:s25+$0x5320]  }
0x82: {  	v1 =	vld [tilespmem:s25+$0x6C20];
	_ =	sdelay $0x4  }
0x83: {  	s20 =	simm.s32 $0x10;
	v0 =	vadd.f32 v1, v0  }
0x84: {  	v2 =	vld [tilespmem:s20+$0x6C20]  }
0x85: {  	v1 =	vld [tilespmem:s20+$0x5320];
	v0 =	vsub.f32 $0.0e+00, v0;
	_ =	sdelay $0x1  }
0x86: {  	s24 =	simm.s32 $0x20;
	v0 =	vmul.f32 $1.442695020e+00, v0  }
0x87: {  	v3 =	vld [tilespmem:s24+$0x5320]  }
0x88: {  	(erf) = vpow2.f32 v0;
	v0 =	vld [tilespmem:s24+$0x6C20]  }
0x89: {  	v1 =	vadd.f32 v2, v1;
	_ =	sdelay $0x1  }
0x8a: {  	v1 =	vsub.f32 $0.0e+00, v1;
	_ =	sdelay $0x1  }
0x8b: {  	s29 =	simm.s32 $0x30;
	v1 =	vmul.f32 $1.442695020e+00, v1;
	v0 =	vadd.f32 v0, v3  }
0x8c: {  	v2 =	vld [tilespmem:s29+$0x5320]  }
0x8d: {  	(erf) = vpow2.f32 v1;
	v1 =	vld [tilespmem:s29+$0x6C20];
	v0 =	vsub.f32 $0.0e+00, v0;
	_ =	sdelay $0x1  }
0x8e: {  	v3 =	vpop (erf);
	v0 =	vmul.f32 $1.442695020e+00, v0  }
0x8f: {  	s0 =	simm.s32 $0x40;
	v3 =	vadd.f32 $1.000000000e+00, v3  }
0x90: {  	v4 =	vld [tilespmem:s0+$0x5320];
	(erf) = vpow2.f32 v0  }
0x91: {  	v1 =	vadd.f32 v1, v2;
	v0 =	vld [tilespmem:s0+$0x6C20];
	(erf) = vrcp.f32 v3;
	_ =	sdelay $0x1  }
0x92: {  	v1 =	vsub.f32 $0.0e+00, v1;
	_ =	sdelay $0x1  }
0x93: {  	v2 =	vpop (erf);
	v1 =	vmul.f32 $1.442695020e+00, v1  }
0x94: {  	s8 =	simm.s32 $0x50;
	v2 =	vadd.f32 $1.000000000e+00, v2;
	v0 =	vadd.f32 v0, v4  }
0x95: {  	(erf) = vpow2.f32 v1;
	v1 =	vld [tilespmem:s8+$0x6C20]  }
0x96: {  	(erf) = vrcp.f32 v2;
	v3 =	vsub.f32 $0.0e+00, v0;
	v0 =	vld [tilespmem:s8+$0x5320]  }
0x97: {  	v4 =	vpop (erf)  }
0x98: {  	s4 =	simm.s32 $0x180;
	v3 =	vmul.f32 $1.442695020e+00, v3;
	v2 =	vpop (erf)  }
.LBB2_5:
0x99: {  	s9 =	sshra.s32 s4, $0x2  }
0x9a: {  	v4 =	vadd.f32 $1.000000000e+00, v4;
	[tilespmem:s25+$0x8520] =	vst v2;
	s25 =	smov.u32 s20;
	s20 =	smov.u32 s24;
	p1 =	sne.s32 s4, $0x13C0  }
.Ltmp3:
0x9b: {  	s24 =	smov.u32 s29;
	s29 =	smov.u32 s0;
	v2 =	vadd.f32 v1, v0;
	v0 =	vld [tilespmem:s9+$0x5320];
	(erf) = vpow2.f32 v3;
	(pc) =	sbr.rel @p1 .LBB2_5-.Ltmp3, $4  }
0x9c: {  	s4 =	sadd.s32 $0x40, s4;
	s0 =	smov.u32 s8;
	v1 =	vld [tilespmem:s9+$0x6C20];
	(erf) = vrcp.f32 v4  }
0x9d: {  	s8 =	smov.u32 s9;
	v5 =	vsub.f32 $0.0e+00, v2  }
0x9e: {  	v4 =	vpop (erf)  }
0x9f: {  	v3 =	vmul.f32 $1.442695020e+00, v5;
	v2 =	vpop (erf)  }
0xa0: {  	_ = 	snop  }
0xa1: {  	v0 =	vadd.f32 v1, v0;
	_ =	sdelay $0x1  }
0xa2: {  	v0 =	vsub.f32 $0.0e+00, v0  }
0xa3: {  	v1 =	vadd.f32 $1.000000000e+00, v4  }
0xa4: {  	(erf) = vpow2.f32 v3;
	v0 =	vmul.f32 $1.442695020e+00, v0  }
0xa5: {  	(erf) = vrcp.f32 v1  }
0xa6: {  	(erf) = vpow2.f32 v0;
	_ =	sdelay $0x4  }
0xa7: {  	v0 =	vpop (erf)  }
0xa8: {  	v1 =	vpop (erf)  }
0xa9: {  	v3 =	vpop (erf)  }
0xaa: {  	v0 =	vadd.f32 $1.000000000e+00, v0;
	v4 =	vpop (erf)  }
0xab: {  	v3 =	vadd.f32 $1.000000000e+00, v3;
	v5 =	vpop (erf)  }
0xac: {  	(erf) = vrcp.f32 v0;
	v0 =	vadd.f32 $1.000000000e+00, v5  }
0xad: {  	(erf) = vrcp.f32 v3  }
0xae: {  	(erf) = vrcp.f32 v0;
	_ =	sdelay $0x4  }
0xaf: {  	[tilespmem:s25+$0x8520] =	vst v2  }
0xb0: {  	s4 =	rddreg [dreg:$0x5];
	[tilespmem:s20+$0x8520] =	vst v1  }
0xb1: {  	s4 =	sadd.s32 s23, s4;
	[tilespmem:s24+$0x8520] =	vst v4;
	v0 =	vpop (erf)  }
0xb2: {  	s4 =	sshll.u32 s4, $0x1;
	[tilespmem:s29+$0x8520] =	vst v0;
	v0 =	vpop (erf)  }
0xb3: {  	s24 =	sand.u32 $0x1FFFFFE0, s4;
	[tilespmem:s0+$0x8520] =	vst v0;
	v0 =	vpop (erf)  }
0xb4: {  	s25 =	simm.s32 $0x8520;
	s0 =	sadd.s32 s2, s24;
	[tilespmem:s8+$0x8520] =	vst v0  }
0xb5: {  	[hbm4b:s0+s3] =	stream.linear.scatter [tilespmem:s25], [sflag:$0xC], $0x500, $0x38;
	[tilespmem:$0x9920] =	vst v63  }
0xb6: {  	s0 =	simm.s32 @!p0 $0xF  }
0xb7: {  	_ =	swait.ge @!p0 [sflag:s0], $0x500  }
0xb8: {  	s4 =	simm.s32 @!p0 $0x50;
	[sflag:s0] =	ssyncset.done @!p0 $0x0  }
0xb9: {  	s8 =	simm.s32 @!p0 $0x6220;
	[sflag:s0] =	ssyncadd.s32 @!p0 $0xFFFFFB00;
	s0 =	sadd.s32 @!p0 $0x140, s23  }
0xba: {  	[tilespmem:s8], [sflag:$0x5] =	stream.indirect.gather @!p0 [hbm4b:s5+s4], $0x10, s0, s4, $0xb8;
	[tilespmem:$0x9920] =	vst v63  }
0xbb: {  	s0 =	sadd.s32 @!p0 $0x2850, s23;
	s8 =	simm.s32 @!p0 $0x7B20  }
0xbc: {  	[tilespmem:s8], [sflag:$0xA] =	stream.indirect.gather @!p0 [hbm4b:s6+s4], $0x10, s0, s4, $0xb8;
	[tilespmem:$0x9920] =	vst v63  }
0xbd: {  	_ =	swait.ge [sflag:s26], $0x500  }
0xbe: {  	[sflag:s26] =	ssyncset.done $0x0  }
0xbf: {  	[sflag:s26] =	ssyncadd.s32 $0xFFFFFB00  }
0xc0: {  	_ =	swait.ge [sflag:s28], $0x500  }
0xc1: {  	[sflag:s28] =	ssyncset.done $0x0  }
0xc2: {  	s25 =	simm.s32 $0x0;
	[sflag:s28] =	ssyncadd.s32 $0xFFFFFB00  }
0xc3: {  	v0 =	vld [tilespmem:s25+$0x5820]  }
0xc4: {  	v1 =	vld [tilespmem:s25+$0x7120];
	_ =	sdelay $0x4  }
0xc5: {  	s20 =	simm.s32 $0x10;
	v0 =	vadd.f32 v1, v0  }
0xc6: {  	v2 =	vld [tilespmem:s20+$0x7120]  }
0xc7: {  	v1 =	vld [tilespmem:s20+$0x5820];
	v0 =	vsub.f32 $0.0e+00, v0;
	_ =	sdelay $0x1  }
0xc8: {  	s24 =	simm.s32 $0x20;
	v0 =	vmul.f32 $1.442695020e+00, v0  }
0xc9: {  	v3 =	vld [tilespmem:s24+$0x5820]  }
0xca: {  	(erf) = vpow2.f32 v0;
	v0 =	vld [tilespmem:s24+$0x7120]  }
0xcb: {  	v1 =	vadd.f32 v2, v1;
	_ =	sdelay $0x1  }
0xcc: {  	v1 =	vsub.f32 $0.0e+00, v1;
	_ =	sdelay $0x1  }
0xcd: {  	s29 =	simm.s32 $0x30;
	v1 =	vmul.f32 $1.442695020e+00, v1;
	v0 =	vadd.f32 v0, v3  }
0xce: {  	v2 =	vld [tilespmem:s29+$0x5820]  }
0xcf: {  	(erf) = vpow2.f32 v1;
	v1 =	vld [tilespmem:s29+$0x7120];
	v0 =	vsub.f32 $0.0e+00, v0;
	_ =	sdelay $0x1  }
0xd0: {  	v3 =	vpop (erf);
	v0 =	vmul.f32 $1.442695020e+00, v0  }
0xd1: {  	s0 =	simm.s32 $0x40;
	v3 =	vadd.f32 $1.000000000e+00, v3  }
0xd2: {  	v4 =	vld [tilespmem:s0+$0x5820];
	(erf) = vpow2.f32 v0  }
0xd3: {  	v1 =	vadd.f32 v1, v2;
	v0 =	vld [tilespmem:s0+$0x7120];
	(erf) = vrcp.f32 v3;
	_ =	sdelay $0x1  }
0xd4: {  	v1 =	vsub.f32 $0.0e+00, v1;
	_ =	sdelay $0x1  }
0xd5: {  	v2 =	vpop (erf);
	v1 =	vmul.f32 $1.442695020e+00, v1  }
0xd6: {  	s8 =	simm.s32 $0x50;
	v2 =	vadd.f32 $1.000000000e+00, v2;
	v0 =	vadd.f32 v0, v4  }
0xd7: {  	(erf) = vpow2.f32 v1;
	v1 =	vld [tilespmem:s8+$0x7120]  }
0xd8: {  	(erf) = vrcp.f32 v2;
	v3 =	vsub.f32 $0.0e+00, v0;
	v0 =	vld [tilespmem:s8+$0x5820]  }
0xd9: {  	v4 =	vpop (erf)  }
0xda: {  	s4 =	simm.s32 $0x180;
	v3 =	vmul.f32 $1.442695020e+00, v3;
	v2 =	vpop (erf)  }
.LBB2_7:
0xdb: {  	s9 =	sshra.s32 s4, $0x2  }
0xdc: {  	v4 =	vadd.f32 $1.000000000e+00, v4;
	[tilespmem:s25+$0x8A20] =	vst v2;
	s25 =	smov.u32 s20;
	s20 =	smov.u32 s24;
	p0 =	sne.s32 s4, $0x13C0  }
.Ltmp4:
0xdd: {  	s24 =	smov.u32 s29;
	s29 =	smov.u32 s0;
	v2 =	vadd.f32 v1, v0;
	v0 =	vld [tilespmem:s9+$0x5820];
	(erf) = vpow2.f32 v3;
	(pc) =	sbr.rel @p0 .LBB2_7-.Ltmp4, $4  }
0xde: {  	s4 =	sadd.s32 $0x40, s4;
	s0 =	smov.u32 s8;
	v1 =	vld [tilespmem:s9+$0x7120];
	(erf) = vrcp.f32 v4  }
0xdf: {  	s8 =	smov.u32 s9;
	v5 =	vsub.f32 $0.0e+00, v2  }
0xe0: {  	v4 =	vpop (erf)  }
0xe1: {  	v3 =	vmul.f32 $1.442695020e+00, v5;
	v2 =	vpop (erf)  }
0xe2: {  	_ = 	snop  }
0xe3: {  	v0 =	vadd.f32 v1, v0;
	_ =	sdelay $0x1  }
0xe4: {  	v0 =	vsub.f32 $0.0e+00, v0  }
0xe5: {  	v1 =	vadd.f32 $1.000000000e+00, v4  }
0xe6: {  	(erf) = vpow2.f32 v3;
	v0 =	vmul.f32 $1.442695020e+00, v0  }
0xe7: {  	(erf) = vrcp.f32 v1  }
0xe8: {  	(erf) = vpow2.f32 v0;
	_ =	sdelay $0x4  }
0xe9: {  	v0 =	vpop (erf)  }
0xea: {  	v1 =	vpop (erf)  }
0xeb: {  	v3 =	vpop (erf)  }
0xec: {  	v0 =	vadd.f32 $1.000000000e+00, v0;
	v4 =	vpop (erf)  }
0xed: {  	v3 =	vadd.f32 $1.000000000e+00, v3;
	v5 =	vpop (erf)  }
0xee: {  	(erf) = vrcp.f32 v0;
	v0 =	vadd.f32 $1.000000000e+00, v5  }
0xef: {  	(erf) = vrcp.f32 v3  }
0xf0: {  	(erf) = vrcp.f32 v0;
	_ =	sdelay $0x4  }
0xf1: {  	[tilespmem:s25+$0x8A20] =	vst v2  }
0xf2: {  	s4 =	rddreg [dreg:$0x6];
	[tilespmem:s20+$0x8A20] =	vst v1  }
0xf3: {  	s4 =	sadd.s32 s23, s4;
	[tilespmem:s24+$0x8A20] =	vst v4;
	v0 =	vpop (erf)  }
0xf4: {  	s4 =	sshll.u32 s4, $0x1;
	[tilespmem:s29+$0x8A20] =	vst v0;
	v0 =	vpop (erf)  }
0xf5: {  	s24 =	sand.u32 $0x1FFFFFE0, s4;
	[tilespmem:s0+$0x8A20] =	vst v0;
	v0 =	vpop (erf)  }
0xf6: {  	s25 =	simm.s32 $0x8A20;
	s0 =	sadd.s32 s2, s24;
	[tilespmem:s8+$0x8A20] =	vst v0  }
0xf7: {  	[hbm4b:s0+s3] =	stream.linear.scatter [tilespmem:s25], [sflag:$0xD], $0x500, $0x38;
	[tilespmem:$0x9920] =	vst v63  }
0xf8: {  	p0 =	seq.s32 s14, $0x18;
	_ =	swait.ge [sflag:s30], $0x500  }
0xf9: {  	s4 =	simm.s32 @!p0 $0x50;
	[sflag:s30] =	ssyncset.done $0x0  }
0xfa: {  	s8 =	simm.s32 @!p0 $0x4E20;
	s0 =	sadd.s32 @!p0 $0x190, s23;
	[sflag:s30] =	ssyncadd.s32 $0xFFFFFB00  }
0xfb: {  	[tilespmem:s8], [sflag:$0x1] =	stream.indirect.gather @!p0 [hbm4b:s5+s4], $0x10, s0, s4, $0xb8;
	[tilespmem:$0x9920] =	vst v63  }
0xfc: {  	s0 =	sadd.s32 @!p0 $0x28A0, s23;
	s8 =	simm.s32 @!p0 $0x6720  }
0xfd: {  	[tilespmem:s8], [sflag:$0x6] =	stream.indirect.gather @!p0 [hbm4b:s6+s4], $0x10, s0, s4, $0xb8;
	[tilespmem:$0x9920] =	vst v63  }
0xfe: {  	_ =	swait.ge [sflag:s31], $0x500  }
0xff: {  	[sflag:s31] =	ssyncset.done $0x0  }
0x100: {  	[sflag:s31] =	ssyncadd.s32 $0xFFFFFB00  }
0x101: {  	_ =	swait.ge [sflag:s1], $0x500  }
0x102: {  	[sflag:s1] =	ssyncset.done $0x0  }
0x103: {  	s25 =	simm.s32 $0x0;
	[sflag:s1] =	ssyncadd.s32 $0xFFFFFB00  }
0x104: {  	v0 =	vld [tilespmem:s25+$0x5D20]  }
0x105: {  	v1 =	vld [tilespmem:s25+$0x7620];
	_ =	sdelay $0x4  }
0x106: {  	s20 =	simm.s32 $0x10;
	v0 =	vadd.f32 v1, v0  }
0x107: {  	v2 =	vld [tilespmem:s20+$0x7620]  }
0x108: {  	v1 =	vld [tilespmem:s20+$0x5D20];
	v0 =	vsub.f32 $0.0e+00, v0;
	_ =	sdelay $0x1  }
0x109: {  	s24 =	simm.s32 $0x20;
	v0 =	vmul.f32 $1.442695020e+00, v0  }
0x10a: {  	v3 =	vld [tilespmem:s24+$0x5D20]  }
0x10b: {  	(erf) = vpow2.f32 v0;
	v0 =	vld [tilespmem:s24+$0x7620]  }
0x10c: {  	v1 =	vadd.f32 v2, v1;
	_ =	sdelay $0x1  }
0x10d: {  	v1 =	vsub.f32 $0.0e+00, v1;
	_ =	sdelay $0x1  }
0x10e: {  	s29 =	simm.s32 $0x30;
	v1 =	vmul.f32 $1.442695020e+00, v1;
	v0 =	vadd.f32 v0, v3  }
0x10f: {  	v2 =	vld [tilespmem:s29+$0x5D20]  }
0x110: {  	(erf) = vpow2.f32 v1;
	v1 =	vld [tilespmem:s29+$0x7620];
	v0 =	vsub.f32 $0.0e+00, v0;
	_ =	sdelay $0x1  }
0x111: {  	v3 =	vpop (erf);
	v0 =	vmul.f32 $1.442695020e+00, v0  }
0x112: {  	s0 =	simm.s32 $0x40;
	v3 =	vadd.f32 $1.000000000e+00, v3  }
0x113: {  	v4 =	vld [tilespmem:s0+$0x5D20];
	(erf) = vpow2.f32 v0  }
0x114: {  	v1 =	vadd.f32 v1, v2;
	v0 =	vld [tilespmem:s0+$0x7620];
	(erf) = vrcp.f32 v3;
	_ =	sdelay $0x1  }
0x115: {  	v1 =	vsub.f32 $0.0e+00, v1;
	_ =	sdelay $0x1  }
0x116: {  	v2 =	vpop (erf);
	v1 =	vmul.f32 $1.442695020e+00, v1  }
0x117: {  	s8 =	simm.s32 $0x50;
	v2 =	vadd.f32 $1.000000000e+00, v2;
	v0 =	vadd.f32 v0, v4  }
0x118: {  	(erf) = vpow2.f32 v1;
	v1 =	vld [tilespmem:s8+$0x7620]  }
0x119: {  	(erf) = vrcp.f32 v2;
	v3 =	vsub.f32 $0.0e+00, v0;
	v0 =	vld [tilespmem:s8+$0x5D20]  }
0x11a: {  	v4 =	vpop (erf)  }
0x11b: {  	s4 =	simm.s32 $0x180;
	v3 =	vmul.f32 $1.442695020e+00, v3;
	v2 =	vpop (erf)  }
.LBB2_9:
0x11c: {  	s9 =	sshra.s32 s4, $0x2  }
0x11d: {  	v4 =	vadd.f32 $1.000000000e+00, v4;
	[tilespmem:s25+$0x8F20] =	vst v2;
	s25 =	smov.u32 s20;
	s20 =	smov.u32 s24;
	p1 =	sne.s32 s4, $0x13C0  }
.Ltmp5:
0x11e: {  	s24 =	smov.u32 s29;
	s29 =	smov.u32 s0;
	v2 =	vadd.f32 v1, v0;
	v0 =	vld [tilespmem:s9+$0x5D20];
	(erf) = vpow2.f32 v3;
	(pc) =	sbr.rel @p1 .LBB2_9-.Ltmp5, $4  }
0x11f: {  	s4 =	sadd.s32 $0x40, s4;
	s0 =	smov.u32 s8;
	v1 =	vld [tilespmem:s9+$0x7620];
	(erf) = vrcp.f32 v4  }
0x120: {  	s8 =	smov.u32 s9;
	v5 =	vsub.f32 $0.0e+00, v2  }
0x121: {  	v4 =	vpop (erf)  }
0x122: {  	v3 =	vmul.f32 $1.442695020e+00, v5;
	v2 =	vpop (erf)  }
0x123: {  	_ = 	snop  }
0x124: {  	v0 =	vadd.f32 v1, v0;
	_ =	sdelay $0x1  }
0x125: {  	v0 =	vsub.f32 $0.0e+00, v0  }
0x126: {  	v1 =	vadd.f32 $1.000000000e+00, v4  }
0x127: {  	(erf) = vpow2.f32 v3;
	v0 =	vmul.f32 $1.442695020e+00, v0  }
0x128: {  	(erf) = vrcp.f32 v1  }
0x129: {  	(erf) = vpow2.f32 v0;
	_ =	sdelay $0x4  }
0x12a: {  	v0 =	vpop (erf)  }
0x12b: {  	v1 =	vpop (erf)  }
0x12c: {  	v3 =	vpop (erf)  }
0x12d: {  	v0 =	vadd.f32 $1.000000000e+00, v0;
	v4 =	vpop (erf)  }
0x12e: {  	v3 =	vadd.f32 $1.000000000e+00, v3;
	v5 =	vpop (erf)  }
0x12f: {  	(erf) = vrcp.f32 v0;
	v0 =	vadd.f32 $1.000000000e+00, v5  }
0x130: {  	(erf) = vrcp.f32 v3  }
0x131: {  	(erf) = vrcp.f32 v0;
	_ =	sdelay $0x4  }
0x132: {  	[tilespmem:s25+$0x8F20] =	vst v2  }
0x133: {  	[tilespmem:s20+$0x8F20] =	vst v1  }
0x134: {  	s4 =	sadd.s32 s23, s11;
	[tilespmem:s24+$0x8F20] =	vst v4;
	v0 =	vpop (erf)  }
0x135: {  	s4 =	sshll.u32 s4, $0x1;
	[tilespmem:s29+$0x8F20] =	vst v0;
	v0 =	vpop (erf)  }
0x136: {  	s24 =	sand.u32 $0x1FFFFFE0, s4;
	[tilespmem:s0+$0x8F20] =	vst v0;
	v0 =	vpop (erf)  }
0x137: {  	s25 =	simm.s32 $0x8F20;
	s0 =	sadd.s32 s2, s24;
	[tilespmem:s8+$0x8F20] =	vst v0  }
0x138: {  	[hbm4b:s0+s3] =	stream.linear.scatter [tilespmem:s25], [sflag:$0xE], $0x500, $0x38;
	[tilespmem:$0x9920] =	vst v63  }
0x139: {  	_ =	swait.ge [sflag:s17], $0x500  }
0x13a: {  	s4 =	simm.s32 @!p0 $0x50;
	[sflag:s17] =	ssyncset.done $0x0  }
0x13b: {  	s8 =	simm.s32 @!p0 $0x5320;
	s0 =	sadd.s32 @!p0 $0x1E0, s23;
	[sflag:s17] =	ssyncadd.s32 $0xFFFFFB00  }
0x13c: {  	[tilespmem:s8], [sflag:$0x2] =	stream.indirect.gather @!p0 [hbm4b:s5+s4], $0x10, s0, s4, $0xb8;
	[tilespmem:$0x9920] =	vst v63  }
0x13d: {  	s0 =	sadd.s32 @!p0 $0x28F0, s23;
	s8 =	simm.s32 @!p0 $0x6C20  }
0x13e: {  	[tilespmem:s8], [sflag:$0x7] =	stream.indirect.gather @!p0 [hbm4b:s6+s4], $0x10, s0, s4, $0xb8;
	[tilespmem:$0x9920] =	vst v63  }
0x13f: {  	_ =	swait.ge [sflag:s15], $0x500  }
0x140: {  	[sflag:s15] =	ssyncset.done $0x0  }
0x141: {  	[sflag:s15] =	ssyncadd.s32 $0xFFFFFB00  }
0x142: {  	_ =	swait.ge [sflag:s7], $0x500  }
0x143: {  	[sflag:s7] =	ssyncset.done $0x0  }
0x144: {  	s25 =	simm.s32 $0x0;
	[sflag:s7] =	ssyncadd.s32 $0xFFFFFB00  }
0x145: {  	v0 =	vld [tilespmem:s25+$0x6220]  }
0x146: {  	v1 =	vld [tilespmem:s25+$0x7B20];
	_ =	sdelay $0x4  }
0x147: {  	s20 =	simm.s32 $0x10;
	v0 =	vadd.f32 v1, v0  }
0x148: {  	v2 =	vld [tilespmem:s20+$0x7B20]  }
0x149: {  	v1 =	vld [tilespmem:s20+$0x6220];
	v0 =	vsub.f32 $0.0e+00, v0;
	_ =	sdelay $0x1  }
0x14a: {  	s24 =	simm.s32 $0x20;
	v0 =	vmul.f32 $1.442695020e+00, v0  }
0x14b: {  	v3 =	vld [tilespmem:s24+$0x6220]  }
0x14c: {  	(erf) = vpow2.f32 v0;
	v0 =	vld [tilespmem:s24+$0x7B20]  }
0x14d: {  	v1 =	vadd.f32 v2, v1;
	_ =	sdelay $0x1  }
0x14e: {  	v1 =	vsub.f32 $0.0e+00, v1;
	_ =	sdelay $0x1  }
0x14f: {  	s29 =	simm.s32 $0x30;
	v1 =	vmul.f32 $1.442695020e+00, v1;
	v0 =	vadd.f32 v0, v3  }
0x150: {  	v2 =	vld [tilespmem:s29+$0x6220]  }
0x151: {  	(erf) = vpow2.f32 v1;
	v1 =	vld [tilespmem:s29+$0x7B20];
	v0 =	vsub.f32 $0.0e+00, v0;
	_ =	sdelay $0x1  }
0x152: {  	v3 =	vpop (erf);
	v0 =	vmul.f32 $1.442695020e+00, v0  }
0x153: {  	s0 =	simm.s32 $0x40;
	v3 =	vadd.f32 $1.000000000e+00, v3  }
0x154: {  	v4 =	vld [tilespmem:s0+$0x6220];
	(erf) = vpow2.f32 v0  }
0x155: {  	v1 =	vadd.f32 v1, v2;
	v0 =	vld [tilespmem:s0+$0x7B20];
	(erf) = vrcp.f32 v3;
	_ =	sdelay $0x1  }
0x156: {  	v1 =	vsub.f32 $0.0e+00, v1;
	_ =	sdelay $0x1  }
0x157: {  	v2 =	vpop (erf);
	v1 =	vmul.f32 $1.442695020e+00, v1  }
0x158: {  	s8 =	simm.s32 $0x50;
	v2 =	vadd.f32 $1.000000000e+00, v2;
	v0 =	vadd.f32 v0, v4  }
0x159: {  	(erf) = vpow2.f32 v1;
	v1 =	vld [tilespmem:s8+$0x7B20]  }
0x15a: {  	(erf) = vrcp.f32 v2;
	v3 =	vsub.f32 $0.0e+00, v0;
	v0 =	vld [tilespmem:s8+$0x6220]  }
0x15b: {  	v4 =	vpop (erf)  }
0x15c: {  	s4 =	simm.s32 $0x180;
	v3 =	vmul.f32 $1.442695020e+00, v3;
	v2 =	vpop (erf)  }
.LBB2_11:
0x15d: {  	s9 =	sshra.s32 s4, $0x2  }
0x15e: {  	v4 =	vadd.f32 $1.000000000e+00, v4;
	[tilespmem:s25+$0x9420] =	vst v2;
	s25 =	smov.u32 s20;
	s20 =	smov.u32 s24;
	p1 =	sne.s32 s4, $0x13C0  }
.Ltmp6:
0x15f: {  	s24 =	smov.u32 s29;
	s29 =	smov.u32 s0;
	v2 =	vadd.f32 v1, v0;
	v0 =	vld [tilespmem:s9+$0x6220];
	(erf) = vpow2.f32 v3;
	(pc) =	sbr.rel @p1 .LBB2_11-.Ltmp6, $4  }
0x160: {  	s4 =	sadd.s32 $0x40, s4;
	s0 =	smov.u32 s8;
	v1 =	vld [tilespmem:s9+$0x7B20];
	(erf) = vrcp.f32 v4  }
0x161: {  	s8 =	smov.u32 s9;
	v5 =	vsub.f32 $0.0e+00, v2  }
0x162: {  	v4 =	vpop (erf)  }
0x163: {  	v3 =	vmul.f32 $1.442695020e+00, v5;
	v2 =	vpop (erf)  }
0x164: {  	_ = 	snop  }
0x165: {  	v0 =	vadd.f32 v1, v0;
	_ =	sdelay $0x1  }
0x166: {  	v0 =	vsub.f32 $0.0e+00, v0  }
0x167: {  	v56 =	vadd.f32 $1.000000000e+00, v4  }
0x168: {  	(erf) = vpow2.f32 v3;
	v0 =	vmul.f32 $1.442695020e+00, v0  }
0x169: {  	(erf) = vrcp.f32 v56  }
0x16a: {  	(erf) = vpow2.f32 v0;
	_ =	sdelay $0x4  }
0x16b: {  	v57 =	vpop (erf)  }
0x16c: {  	v58 =	vpop (erf)  }
0x16d: {  	v3 =	vpop (erf)  }
0x16e: {  	v0 =	vadd.f32 $1.000000000e+00, v57;
	v59 =	vpop (erf)  }
0x16f: {  	v3 =	vadd.f32 $1.000000000e+00, v3;
	v5 =	vpop (erf)  }
0x170: {  	(erf) = vrcp.f32 v0;
	v60 =	vadd.f32 $1.000000000e+00, v5  }
0x171: {  	(erf) = vrcp.f32 v3  }
0x172: {  	(erf) = vrcp.f32 v60;
	_ =	sdelay $0x4  }
0x173: {  	[tilespmem:s25+$0x9420] =	vst v2  }
0x174: {  	[tilespmem:s20+$0x9420] =	vst v58  }
0x175: {  	s4 =	sadd.s32 s23, s12;
	[tilespmem:s24+$0x9420] =	vst v59;
	v61 =	vpop (erf)  }
0x176: {  	s4 =	sshll.u32 s4, $0x1;
	[tilespmem:s29+$0x9420] =	vst v61;
	v62 =	vpop (erf)  }
0x177: {  	s25 =	sand.u32 $0x1FFFFFE0, s4;
	[tilespmem:s0+$0x9420] =	vst v62;
	v63 =	vpop (erf)  }
.Ltmp7:
0x178: {  	s29 =	simm.s32 $0x9420;
	s0 =	sadd.s32 s2, s25;
	[tilespmem:s8+$0x9420] =	vst v63;
	(pc) =	sbr.rel @p0 .LBB2_14-.Ltmp7, $4  }
0x179: {  	[hbm4b:s0+s3] =	stream.linear.scatter [tilespmem:s29], [sflag:$0xF], $0x500, $0x38;
	[tilespmem:$0x9920] =	vst v63  }
0x17a: {  	_ =	swait.ge [sflag:s13], $0x500  }
0x17b: {  	[sflag:s13] =	ssyncset.done $0x0  }
0x17c: {  	[sflag:s13] =	ssyncadd.s32 $0xFFFFFB00  }
.Ltmp8:
0x17d: {  	(pc) =	sbr.rel .LBB2_2-.Ltmp8, $4  }
0x17e: {  	s0 =	sadd.s32 $0x230, s23;
	s4 =	simm.s32 $0x5820  }
0x17f: {  	[tilespmem:s4], [sflag:$0x3] =	stream.indirect.gather [hbm4b:s5+s16], $0x10, s0, s16, $0xb8;
	[tilespmem:$0x9920] =	vst v63  }
0x180: {  	s25 =	sadd.s32 $0x2940, s23;
	s29 =	simm.s32 $0x7120;
	s14 =	sadd.s32 $0x1, s14  }
0x181: {  	[tilespmem:s29], [sflag:$0x8] =	stream.indirect.gather [hbm4b:s6+s16], $0x10, s25, s16, $0xb8;
	[tilespmem:$0x9920] =	vst v63  }
.LBB2_15:
0x182: {  	_ =	sfence.sel $0x180000  }
0x183: {  	[bflag:$0x0] =	sbarrier.arrive $0xFFFF  }
0x184: {  	_ =	strace $0x90000056  }
0x185: {  	s0 =	stileid.u32;
	[bflag:$0x2] =	sbarrier.arrive $0xFFFF  }
0x186: {  	p0 =	sne.s32 s0, $0x0;
	s0 =	rddreg [dreg:$0x2]  }
0x187: {  	s0 =	sadd.s32 @!p0 $0x100000, s0  }
0x188: {  	[sflag:s0] =	ssyncadd.tile.s32 @!p0 $0x1;
	_ =	shalt  }
.Lfunc_end2:
_tile_overlayer_lowered:
.L_overlay_start_2:
0x189: {  	(tag) =	ssettag $0x2  }
0x18a: {  	s0 =	rddreg [dreg:$0x0];
	s2 =	stileid.u32  }
0x18b: {  	s1 =	rddreg [dreg:$0x1];
	p0 =	sne.s32 s2, $0x0  }
0x18c: {  	s3 =	rddreg [dreg:$0x2];
	[bflag:$0x3] =	sbarrier.arrive $0xFFFF;
	s2 =	simm.s32 @!p0 $0x1C10  }
0x18d: {  	[timem:s3], [sflag:s2] =	dma.local @!p0 [hbm:s0], s1  }
0x18e: {  	s0 =	simm.s32 @!p0 $0x10  }
0x18f: {  	_ =	swait.ge @!p0 [sflag:s0], s1  }
0x190: {  	s1 =	ssub.s32 @!p0 $0x0, s1;
	[sflag:s0] =	ssyncset.done @!p0 $0x0  }
0x191: {  	[sflag:s0] =	ssyncadd.s32 @!p0 s1  }
0x192: {  	[bflag:$0x3] =	sbarrier.arrive $0xFFFF  }
0x193: {  	_ =	shalt  }

</sc_bundles>
